<compile_context>
chip_gen: v7x
topology: tpu7x:2x2x1
jax: 0.10.2.dev20260603
libtpu: 0.0.44.dev20260713+nightly
codegen_flags: <defaults>
</compile_context>

<pallas_src>
import functools

import jax
import jax.numpy as jnp
from jax import lax
from jax.experimental import pallas as pl
from jax.experimental.pallas import tpu as pltpu
from jax.experimental.pallas import tpu_sc as plsc

N = 10000
D = 128
E = 320000

NC = 2
NS = 16
NW = NC * NS
C = 128
NCHUNK = 80
EPT = NCHUNK * C
EP = NW * EPT
NP = 10240
RPT = NP // NS

_mesh = plsc.VectorSubcoreMesh(core_axis_name="c", subcore_axis_name="s")


def _zero_fill(buf, rows, width):
    z = jnp.zeros((16,), jnp.float32)

    @pl.loop(0, rows)
    def _(i):
        for j in range(width // 16):
            buf[i, pl.ds(j * 16, 16)] = z


def _fill_ones(buf, rows, width):
    o = jnp.ones((16,), jnp.float32)

    @pl.loop(0, rows)
    def _(i):
        for j in range(width // 16):
            buf[i, pl.ds(j * 16, 16)] = o


@functools.partial(
    pl.kernel,
    out_type=jax.ShapeDtypeStruct((NC, NP, D), jnp.float32),
    mesh=_mesh,
    scratch_types=[
        pltpu.VMEM((NCHUNK, C), jnp.int32),
        pltpu.VMEM((C, D), jnp.float32),
        pltpu.VMEM_SHARED((NP, D), jnp.float32),
    ],
)
def _deg_sc(idx_hbm, deg_hbm, ix_v, ones_v, acc):
    c = lax.axis_index("c")
    s = lax.axis_index("s")
    wid = c * NS + s

    pltpu.sync_copy(idx_hbm.at[wid], ix_v)

    _zero_fill(ones_v, C, D)
    for t in range(RPT // C):
        pltpu.sync_copy(ones_v, acc.at[pl.ds(s * RPT + t * C, C)])
    _fill_ones(ones_v, C, D)
    plsc.subcore_barrier()

    @pl.loop(0, NCHUNK)
    def _(k):
        pltpu.sync_copy(ones_v, acc.at[ix_v.at[k]], add=True)

    plsc.subcore_barrier()
    pltpu.sync_copy(acc.at[pl.ds(s * RPT, RPT)],
                    deg_hbm.at[c, pl.ds(s * RPT, RPT)])


IB = 40
NCHMAX = 120
NCHMIN = 40


@functools.partial(
    pl.kernel,
    out_type=jax.ShapeDtypeStruct((NC, NP, D), jnp.float32),
    mesh=_mesh,
    scratch_types=[
        pltpu.VMEM((IB, C), jnp.int32),
        pltpu.VMEM((IB, C), jnp.int32),
        pltpu.VMEM((C, D), jnp.float32),
        pltpu.VMEM((C, D), jnp.float32),
        pltpu.VMEM_SHARED((NP, D), jnp.float32),
        pltpu.SemaphoreType.DMA,
        pltpu.SemaphoreType.DMA,
    ],
)
def _spmm_sc(src_hbm, gidx_hbm, sidx_hbm, out_hbm, gi_v, si_v, buf0, buf1,
             acc, sem0, sem1):
    c = lax.axis_index("c")
    s = lax.axis_index("s")
    wid = c * NS + s

    _zero_fill(buf0, C, D)
    for t in range(RPT // C):
        pltpu.sync_copy(buf0, acc.at[pl.ds(s * RPT + t * C, C)])
    plsc.subcore_barrier()

    nblk = jnp.where(c == 0, NCHMAX // IB, NCHMIN // IB)

    @pl.loop(0, nblk)
    def _(b):
        pltpu.sync_copy(gidx_hbm.at[wid, pl.ds(b * IB, IB)], gi_v)
        pltpu.sync_copy(sidx_hbm.at[wid, pl.ds(b * IB, IB)], si_v)
        pltpu.async_copy(src_hbm.at[gi_v.at[0]], buf0, sem0)
        pltpu.async_copy(src_hbm.at[gi_v.at[1]], buf1, sem1)

        @pl.loop(0, IB, step=2)
        def _(k):
            pltpu.make_async_copy(src_hbm.at[gi_v.at[k]], buf0, sem0).wait()
            pltpu.sync_copy(buf0, acc.at[si_v.at[k]], add=True)

            @pl.when(k + 2 < IB)
            def _():
                pltpu.async_copy(src_hbm.at[gi_v.at[k + 2]], buf0, sem0)

            pltpu.make_async_copy(src_hbm.at[gi_v.at[k + 1]], buf1,
                                  sem1).wait()
            pltpu.sync_copy(buf1, acc.at[si_v.at[k + 1]], add=True)

            @pl.when(k + 3 < IB)
            def _():
                pltpu.async_copy(src_hbm.at[gi_v.at[k + 3]], buf1, sem1)

    plsc.subcore_barrier()
    pltpu.sync_copy(acc.at[pl.ds(s * RPT, RPT)],
                    out_hbm.at[c, pl.ds(s * RPT, RPT)])


_BLK = 1280
_GRID = NP // _BLK


def _prep_body(dop, dip, x, do16, di16, s1, s2):
    dgo = dop[0] + dop[1]
    dgi = dip[0] + dip[1]
    do = jnp.where(dgo > 0, lax.rsqrt(dgo), 0.0)
    di = jnp.where(dgi > 0, lax.rsqrt(dgi), 0.0)
    do16[...] = do[:, :16]
    di16[...] = di[:, :16]
    s1[...] = x[...] * di[:, :1]
    s2[...] = x[...] * do[:, :1]


def _tc_prep(dop, dip, xp):
    f32 = jnp.float32
    return pl.pallas_call(
        _prep_body,
        grid=(_GRID,),
        in_specs=[
            pl.BlockSpec((NC, _BLK, D), lambda i: (0, i, 0)),
            pl.BlockSpec((NC, _BLK, D), lambda i: (0, i, 0)),
            pl.BlockSpec((_BLK, D), lambda i: (i, 0)),
        ],
        out_specs=[
            pl.BlockSpec((_BLK, 16), lambda i: (i, 0)),
            pl.BlockSpec((_BLK, 16), lambda i: (i, 0)),
            pl.BlockSpec((_BLK, D), lambda i: (i, 0)),
            pl.BlockSpec((_BLK, D), lambda i: (i, 0)),
        ],
        out_shape=[
            jax.ShapeDtypeStruct((NP, 16), f32),
            jax.ShapeDtypeStruct((NP, 16), f32),
            jax.ShapeDtypeStruct((NP, D), f32),
            jax.ShapeDtypeStruct((NP, D), f32),
        ],
    )(dop, dip, xp)


def _mid_body(up, a16, b16, y, nxt):
    u = up[0] + up[1]
    yv = u * a16[:, :1]
    y[...] = yv
    nxt[...] = yv * b16[:, :1]


def _tc_mid(up, a16, b16):
    f32 = jnp.float32
    return pl.pallas_call(
        _mid_body,
        grid=(_GRID,),
        in_specs=[
            pl.BlockSpec((NC, _BLK, D), lambda i: (0, i, 0)),
            pl.BlockSpec((_BLK, 16), lambda i: (i, 0)),
            pl.BlockSpec((_BLK, 16), lambda i: (i, 0)),
        ],
        out_specs=[
            pl.BlockSpec((_BLK, D), lambda i: (i, 0)),
            pl.BlockSpec((_BLK, D), lambda i: (i, 0)),
        ],
        out_shape=[
            jax.ShapeDtypeStruct((NP, D), f32),
            jax.ShapeDtypeStruct((NP, D), f32),
        ],
    )(up, a16, b16)


def _final_body(x, y1, y2, v1p, v2p, di16, W_sd, b_sd, W_ds, b_ds,
                W_sd0, b_sd0, W_ds0, b_ds0, out):
    div = di16[:, :1]
    yt1 = (v1p[0] + v1p[1]) * div
    yt2 = (v2p[0] + v2p[1]) * div
    G0 = 0.5 * (W_sd0[...] + W_ds0[...])
    G1 = 0.5 * W_sd[0]
    H1 = 0.5 * W_ds[0]
    G2 = 0.25 * W_sd[1]
    H2 = 0.25 * W_ds[1]
    bt = (0.5 * (b_sd[0:1] + b_ds[0:1] + b_sd0[...] + b_ds0[...])
          + 0.25 * (b_sd[1:2] + b_ds[1:2]))
    f32 = jnp.float32
    acc = jnp.dot(x[...], G0, preferred_element_type=f32)
    acc += jnp.dot(y1[...], G1, preferred_element_type=f32)
    acc += jnp.dot(yt1, H1, preferred_element_type=f32)
    acc += jnp.dot(y2[...], G2, preferred_element_type=f32)
    acc += jnp.dot(yt2, H2, preferred_element_type=f32)
    out[...] = acc + bt


def _tc_final(xp, y1, y2, v1p, v2p, di16, W_sd, b_sd, W_ds, b_ds,
              W_sd0, b_sd0, W_ds0, b_ds0):
    wspec = pl.BlockSpec((2, D, D), lambda i: (0, 0, 0))
    bspec = pl.BlockSpec((2, D), lambda i: (0, 0))
    w0spec = pl.BlockSpec((D, D), lambda i: (0, 0))
    b0spec = pl.BlockSpec((1, D), lambda i: (0, 0))
    return pl.pallas_call(
        _final_body,
        grid=(_GRID,),
        in_specs=[
            pl.BlockSpec((_BLK, D), lambda i: (i, 0)),
            pl.BlockSpec((_BLK, D), lambda i: (i, 0)),
            pl.BlockSpec((_BLK, D), lambda i: (i, 0)),
            pl.BlockSpec((NC, _BLK, D), lambda i: (0, i, 0)),
            pl.BlockSpec((NC, _BLK, D), lambda i: (0, i, 0)),
            pl.BlockSpec((_BLK, 16), lambda i: (i, 0)),
            wspec, bspec, wspec, bspec,
            w0spec, b0spec, w0spec, b0spec,
        ],
        out_specs=pl.BlockSpec((_BLK, D), lambda i: (i, 0)),
        out_shape=jax.ShapeDtypeStruct((NP, D), jnp.float32),
    )(xp, y1, y2, v1p, v2p, di16, W_sd, b_sd, W_ds, b_ds,
      W_sd0, b_sd0, W_ds0, b_ds0)


def kernel(x, edge_index, W_sd, b_sd, W_ds, b_ds, W_sd0, b_sd0, W_ds0, b_ds0):
    row = edge_index[0].astype(jnp.int32)
    col = edge_index[1].astype(jnp.int32)
    pad = jnp.full((EP - E,), N, jnp.int32)
    rowflat = jnp.concatenate([row, pad]).reshape(EP // C, C)
    colflat = jnp.concatenate([col, pad]).reshape(EP // C, C)
    rowp = rowflat.reshape(NW, NCHUNK, C)
    colp = colflat.reshape(NW, NCHUNK, C)

    def _uneven(flat):
        n0 = NS * NCHMAX
        c0 = flat[:n0].reshape(NS, NCHMAX, C)
        c1 = flat[n0:].reshape(NS, NCHMIN, C)
        c1 = jnp.concatenate(
            [c1, jnp.full((NS, NCHMAX - NCHMIN, C), N, jnp.int32)], axis=1)
        return jnp.concatenate([c0, c1], axis=0)

    rowu = _uneven(rowflat)
    colu = _uneven(colflat)
    xp = jnp.pad(x, ((0, NP - N), (0, 0)))

    dop = _deg_sc(rowp)
    dip = _deg_sc(colp)
    do16, di16, s1, s2 = _tc_prep(dop, dip, xp)

    u1p = _spmm_sc(s1, colu, rowu)
    v1p = _spmm_sc(s2, rowu, colu)
    y1, s3 = _tc_mid(u1p, do16, di16)
    u2p = _spmm_sc(s3, colu, rowu)
    y2, s4 = _tc_mid(u2p, do16, do16)
    v2p = _spmm_sc(s4, rowu, colu)

    total = _tc_final(xp, y1, y2, v1p, v2p, di16, W_sd, b_sd, W_ds, b_ds,
                      W_sd0, b_sd0.reshape(1, D), W_ds0, b_ds0.reshape(1, D))
    return total[:N]

# --- scband reference (transcript-rebuilt; emitter-appended) ---
"""Pipeline reference for scband-faber-conv-28664611733983 (READ-ONLY COPY).

The authoritative reference and input builder live on the scoring server;
editing this copy changes nothing except your own understanding.
"""

import jax, jax.numpy as jnp
import numpy as np

N_NODES = 10000
D_IN = 128
D_OUT = 128
K_PLUS = 2
EXPONENT = 0.5
ALPHA = 0.5


def _norm_weights(row, col, n, exponent):
    # DirGNN-style directed normalization: D_out^{-exponent} A D_in^{-(1-exponent)}
    deg_out = jnp.zeros((n,), jnp.float32).at[row].add(1.0)
    deg_in = jnp.zeros((n,), jnp.float32).at[col].add(1.0)
    safe_out = jnp.where(deg_out > 0, deg_out, 1.0)
    safe_in = jnp.where(deg_in > 0, deg_in, 1.0)
    do = jnp.where(deg_out > 0, safe_out ** (-exponent), 0.0)
    di = jnp.where(deg_in > 0, safe_in ** (-(1.0 - exponent)), 0.0)
    return do[row] * di[col]


def _spmm(row, col, w, x, n):
    # (A @ x)[r] = sum_{e: row[e]==r} w[e] * x[col[e]]
    return jnp.zeros((n, x.shape[1]), x.dtype).at[row].add(w[:, None] * x[col])


def setup_inputs(seed: int = 0) -> dict:
    key = jax.random.key(seed)
    ks = jax.random.split(key, 12)
    x = jax.random.normal(ks[0], (N_NODES, D_IN), dtype=jnp.float32)
    edge_index = jax.random.randint(ks[1], (2, 320000), 0, N_NODES, dtype=jnp.int64)
    s = 1.0 / np.sqrt(D_IN)
    W_sd = jax.random.uniform(ks[2], (K_PLUS, D_IN, D_OUT), minval=-s, maxval=s, dtype=jnp.float32)
    b_sd = jax.random.uniform(ks[3], (K_PLUS, D_OUT), minval=-s, maxval=s, dtype=jnp.float32)
    W_ds = jax.random.uniform(ks[4], (K_PLUS, D_IN, D_OUT), minval=-s, maxval=s, dtype=jnp.float32)
    b_ds = jax.random.uniform(ks[5], (K_PLUS, D_OUT), minval=-s, maxval=s, dtype=jnp.float32)
    W_sd0 = jax.random.uniform(ks[6], (D_IN, D_OUT), minval=-s, maxval=s, dtype=jnp.float32)
    b_sd0 = jax.random.uniform(ks[7], (D_OUT,), minval=-s, maxval=s, dtype=jnp.float32)
    W_ds0 = jax.random.uniform(ks[8], (D_IN, D_OUT), minval=-s, maxval=s, dtype=jnp.float32)
    b_ds0 = jax.random.uniform(ks[9], (D_OUT,), minval=-s, maxval=s, dtype=jnp.float32)
    return {"x": x, "edge_index": edge_index, "W_sd": W_sd, "b_sd": b_sd, "W_ds": W_ds, "b_ds": b_ds, "W_sd0": W_sd0, "b_sd0": b_sd0, "W_ds0": W_ds0, "b_ds0": b_ds0}


def reference(x, edge_index, W_sd, b_sd, W_ds, b_ds, W_sd0, b_sd0, W_ds0, b_ds0):
    n = x.shape[0]
    row, col = edge_index[0], edge_index[1]
    w = _norm_weights(row, col, n, EXPONENT)
    w_t = _norm_weights(col, row, n, EXPONENT)
    y = _spmm(row, col, w, x, n)
    y_t = _spmm(col, row, w_t, x, n)
    sum_src_to_dst = y @ W_sd[0] + b_sd[0]
    sum_dst_to_src = y_t @ W_ds[0] + b_ds[0]
    # zero_order = True
    sum_src_to_dst = sum_src_to_dst + (x @ W_sd0 + b_sd0)
    sum_dst_to_src = sum_dst_to_src + (x @ W_ds0 + b_ds0)
    # k_plus > 1, weight_penalty == 'exp' (faithful to original: y_t uses updated y)
    for i in range(1, K_PLUS):
        y = _spmm(row, col, w, y, n)
        y_t = _spmm(col, row, w_t, y, n)
        sum_src_to_dst = sum_src_to_dst + (y @ W_sd[i] + b_sd[i]) / (2 ** i)
        sum_dst_to_src = sum_dst_to_src + (y_t @ W_ds[i] + b_ds[i]) / (2 ** i)
    total = ALPHA * sum_src_to_dst + (1.0 - ALPHA) * sum_dst_to_src
    return total

if __name__ == "__main__":
    import jax
    _d = setup_inputs()
    print(jax.jit(kernel)(*tuple(_d.values())))

</pallas_src>

<mosaic_0001>
#map = affine_map<(d0, d1) -> (0, 0)>
#map1 = affine_map<(d0, d1) -> (0, 0, 0)>
module attributes {stable_mosaic.version = 14 : i64} {
  func.func @_spmm_sc(%arg0: i32, %arg1: i32, %arg2: memref<10240x128xf32, #tpu.memory_space<hbm>>, %arg3: memref<32x120x128xi32, #tpu.memory_space<hbm>>, %arg4: memref<32x120x128xi32, #tpu.memory_space<hbm>>, %arg5: memref<2x10240x128xf32, #tpu.memory_space<hbm>>, %arg6: memref<40x128xi32, #tpu.memory_space<vmem>>, %arg7: memref<40x128xi32, #tpu.memory_space<vmem>>, %arg8: memref<128x128xf32, #tpu.memory_space<vmem>>, %arg9: memref<128x128xf32, #tpu.memory_space<vmem>>, %arg10: memref<10240x128xf32, #tpu.memory_space<vmem_shared>>, %arg11: memref<!tpu.dma_semaphore, #tpu.memory_space<semaphore_mem>>, %arg12: memref<!tpu.dma_semaphore, #tpu.memory_space<semaphore_mem>>) attributes {dimension_semantics = [#tpu.dimension_semantics<core_parallel>, #tpu.dimension_semantics<subcore_parallel>], iteration_bounds = array<i64: 2, 16>, scalar_prefetch = 0 : i64, scratch_operands = 7 : i64, tpu.core_type = #tpu.core_type<sc_vector_subcore>, window_params = [{transform_indices = #map}, {transform_indices = #map1}, {transform_indices = #map1}, {transform_indices = #map1}]} {
    %mul3A = arith.constant 16 : i32
    %mul3A_0 = arith.muli %arg0, %mul3A : i32
    %add3A = arith.addi %mul3A_0, %arg1 : i32
    %broadcast_in_dim3A = arith.constant 0.000000e+00 : f32
    %broadcast_in_dim3A_1 = vector.broadcast %broadcast_in_dim3A : f32 to vector<16xf32>
    %scan3A = arith.constant 0 : i32
    %scan3A_2 = arith.constant 128 : i32
    %scan3A_3 = arith.addi %scan3A, %scan3A_2 : i32
    %scan3A_4 = arith.constant 1 : i32
    scf.for %scan3A_49 = %scan3A to %scan3A_3 step %scan3A_4  : i32 {
      %mul3A_50 = arith.constant 1 : i32
      %mul3A_51 = arith.muli %scan3A_49, %mul3A_50 : i32
      %add3A_52 = arith.constant 0 : i32
      %add3A_53 = arith.addi %add3A_52, %mul3A_51 : i32
      %swap3A = arith.index_cast %add3A_53 : i32 to index
      %swap3A_54 = arith.constant 0 : index
      %swap3A_55 = tpu.vector_load %arg8[%swap3A, %swap3A_54] {strides = array<i32>} : memref<128x128xf32, #tpu.memory_space<vmem>>, vector<1x16xf32>,
      %swap3A_56 = vector.shape_cast %swap3A_55 : vector<1x16xf32> to vector<16xf32>
      %swap3A_57 = vector.shape_cast %broadcast_in_dim3A_1 : vector<16xf32> to vector<1x16xf32>
      tpu.vector_store %arg8[%swap3A, %swap3A_54], %swap3A_57 {strides = array<i32>} : memref<128x128xf32, #tpu.memory_space<vmem>>, vector<1x16xf32>,
      %swap3A_58 = arith.index_cast %add3A_53 : i32 to index
      %swap3A_59 = arith.constant 16 : index
      %swap3A_60 = tpu.vector_load %arg8[%swap3A_58, %swap3A_59] {strides = array<i32>} : memref<128x128xf32, #tpu.memory_space<vmem>>, vector<1x16xf32>,
      %swap3A_61 = vector.shape_cast %swap3A_60 : vector<1x16xf32> to vector<16xf32>
      %swap3A_62 = vector.shape_cast %broadcast_in_dim3A_1 : vector<16xf32> to vector<1x16xf32>
      tpu.vector_store %arg8[%swap3A_58, %swap3A_59], %swap3A_62 {strides = array<i32>} : memref<128x128xf32, #tpu.memory_space<vmem>>, vector<1x16xf32>,
      %swap3A_63 = arith.index_cast %add3A_53 : i32 to index
      %swap3A_64 = arith.constant 32 : index
      %swap3A_65 = tpu.vector_load %arg8[%swap3A_63, %swap3A_64] {strides = array<i32>} : memref<128x128xf32, #tpu.memory_space<vmem>>, vector<1x16xf32>,
      %swap3A_66 = vector.shape_cast %swap3A_65 : vector<1x16xf32> to vector<16xf32>
      %swap3A_67 = vector.shape_cast %broadcast_in_dim3A_1 : vector<16xf32> to vector<1x16xf32>
      tpu.vector_store %arg8[%swap3A_63, %swap3A_64], %swap3A_67 {strides = array<i32>} : memref<128x128xf32, #tpu.memory_space<vmem>>, vector<1x16xf32>,
      %swap3A_68 = arith.index_cast %add3A_53 : i32 to index
      %swap3A_69 = arith.constant 48 : index
      %swap3A_70 = tpu.vector_load %arg8[%swap3A_68, %swap3A_69] {strides = array<i32>} : memref<128x128xf32, #tpu.memory_space<vmem>>, vector<1x16xf32>,
      %swap3A_71 = vector.shape_cast %swap3A_70 : vector<1x16xf32> to vector<16xf32>
      %swap3A_72 = vector.shape_cast %broadcast_in_dim3A_1 : vector<16xf32> to vector<1x16xf32>
      tpu.vector_store %arg8[%swap3A_68, %swap3A_69], %swap3A_72 {strides = array<i32>} : memref<128x128xf32, #tpu.memory_space<vmem>>, vector<1x16xf32>,
      %swap3A_73 = arith.index_cast %add3A_53 : i32 to index
      %swap3A_74 = arith.constant 64 : index
      %swap3A_75 = tpu.vector_load %arg8[%swap3A_73, %swap3A_74] {strides = array<i32>} : memref<128x128xf32, #tpu.memory_space<vmem>>, vector<1x16xf32>,
      %swap3A_76 = vector.shape_cast %swap3A_75 : vector<1x16xf32> to vector<16xf32>
      %swap3A_77 = vector.shape_cast %broadcast_in_dim3A_1 : vector<16xf32> to vector<1x16xf32>
      tpu.vector_store %arg8[%swap3A_73, %swap3A_74], %swap3A_77 {strides = array<i32>} : memref<128x128xf32, #tpu.memory_space<vmem>>, vector<1x16xf32>,
      %swap3A_78 = arith.index_cast %add3A_53 : i32 to index
      %swap3A_79 = arith.constant 80 : index
      %swap3A_80 = tpu.vector_load %arg8[%swap3A_78, %swap3A_79] {strides = array<i32>} : memref<128x128xf32, #tpu.memory_space<vmem>>, vector<1x16xf32>,
      %swap3A_81 = vector.shape_cast %swap3A_80 : vector<1x16xf32> to vector<16xf32>
      %swap3A_82 = vector.shape_cast %broadcast_in_dim3A_1 : vector<16xf32> to vector<1x16xf32>
      tpu.vector_store %arg8[%swap3A_78, %swap3A_79], %swap3A_82 {strides = array<i32>} : memref<128x128xf32, #tpu.memory_space<vmem>>, vector<1x16xf32>,
      %swap3A_83 = arith.index_cast %add3A_53 : i32 to index
      %swap3A_84 = arith.constant 96 : index
      %swap3A_85 = tpu.vector_load %arg8[%swap3A_83, %swap3A_84] {strides = array<i32>} : memref<128x128xf32, #tpu.memory_space<vmem>>, vector<1x16xf32>,
      %swap3A_86 = vector.shape_cast %swap3A_85 : vector<1x16xf32> to vector<16xf32>
      %swap3A_87 = vector.shape_cast %broadcast_in_dim3A_1 : vector<16xf32> to vector<1x16xf32>
      tpu.vector_store %arg8[%swap3A_83, %swap3A_84], %swap3A_87 {strides = array<i32>} : memref<128x128xf32, #tpu.memory_space<vmem>>, vector<1x16xf32>,
      %swap3A_88 = arith.index_cast %add3A_53 : i32 to index
      %swap3A_89 = arith.constant 112 : index
      %swap3A_90 = tpu.vector_load %arg8[%swap3A_88, %swap3A_89] {strides = array<i32>} : memref<128x128xf32, #tpu.memory_space<vmem>>, vector<1x16xf32>,
      %swap3A_91 = vector.shape_cast %swap3A_90 : vector<1x16xf32> to vector<16xf32>
      %swap3A_92 = vector.shape_cast %broadcast_in_dim3A_1 : vector<16xf32> to vector<1x16xf32>
      tpu.vector_store %arg8[%swap3A_88, %swap3A_89], %swap3A_92 {strides = array<i32>} : memref<128x128xf32, #tpu.memory_space<vmem>>, vector<1x16xf32>,
    }
    %scan3A_5 = arith.constant 128 : i32
    %mul3A_6 = arith.constant 640 : i32
    %mul3A_7 = arith.muli %arg1, %mul3A_6 : i32
    %add3A_8 = arith.constant 0 : i32
    %add3A_9 = arith.addi %mul3A_7, %add3A_8 : i32
    "tpu.region"() ({
      %run_scoped3A = tpu.sem_alloc : memref<!tpu.dma_semaphore, #tpu.memory_space<semaphore_mem>>
      %dma_start3A = arith.constant 0 : i32
      %dma_start3A_49 = tpu.memref_slice %arg10[%add3A_9, %dma_start3A] : memref<10240x128xf32, #tpu.memory_space<vmem_shared>> -> memref<128x128xf32, #tpu.memory_space<vmem_shared>>
      %dma_start3A_50 = arith.constant 0 : i32
      %dma_start3A_51 = tpu.memref_slice %arg10[%add3A_9, %dma_start3A_50] : memref<10240x128xf32, #tpu.memory_space<vmem_shared>> -> memref<128x128xf32, #tpu.memory_space<vmem_shared>>
      tpu.enqueue_dma source(%arg8 : memref<128x128xf32, #tpu.memory_space<vmem>>) target(%dma_start3A_51 : memref<128x128xf32, #tpu.memory_space<vmem_shared>>) target_semaphore(%run_scoped3A : memref<!tpu.dma_semaphore, #tpu.memory_space<semaphore_mem>>)
      %dma_wait3A = arith.constant 0 : i32
      %dma_wait3A_52 = tpu.memref_slice %arg10[%add3A_9, %dma_wait3A] : memref<10240x128xf32, #tpu.memory_space<vmem_shared>> -> memref<128x128xf32, #tpu.memory_space<vmem_shared>>
      %dma_wait3A_53 = arith.constant 0 : i32
      %dma_wait3A_54 = tpu.memref_slice %arg10[%add3A_9, %dma_wait3A_53] : memref<10240x128xf32, #tpu.memory_space<vmem_shared>> -> memref<128x128xf32, #tpu.memory_space<vmem_shared>>
      tpu.wait_dma2 semaphore(%run_scoped3A : memref<!tpu.dma_semaphore, #tpu.memory_space<semaphore_mem>>) src(%arg8 : memref<128x128xf32, #tpu.memory_space<vmem>>) dst(%dma_wait3A_54 : memref<128x128xf32, #tpu.memory_space<vmem_shared>>)
      tpu.yield
    }) : () -> ()
    %mul3A_10 = arith.constant 640 : i32
    %mul3A_11 = arith.muli %arg1, %mul3A_10 : i32
    %add3A_12 = arith.constant 128 : i32
    %add3A_13 = arith.addi %mul3A_11, %add3A_12 : i32
    "tpu.region"() ({
      %run_scoped3A = tpu.sem_alloc : memref<!tpu.dma_semaphore, #tpu.memory_space<semaphore_mem>>
      %dma_start3A = arith.constant 0 : i32
      %dma_start3A_49 = tpu.memref_slice %arg10[%add3A_13, %dma_start3A] : memref<10240x128xf32, #tpu.memory_space<vmem_shared>> -> memref<128x128xf32, #tpu.memory_space<vmem_shared>>
      %dma_start3A_50 = arith.constant 0 : i32
      %dma_start3A_51 = tpu.memref_slice %arg10[%add3A_13, %dma_start3A_50] : memref<10240x128xf32, #tpu.memory_space<vmem_shared>> -> memref<128x128xf32, #tpu.memory_space<vmem_shared>>
      tpu.enqueue_dma source(%arg8 : memref<128x128xf32, #tpu.memory_space<vmem>>) target(%dma_start3A_51 : memref<128x128xf32, #tpu.memory_space<vmem_shared>>) target_semaphore(%run_scoped3A : memref<!tpu.dma_semaphore, #tpu.memory_space<semaphore_mem>>)
      %dma_wait3A = arith.constant 0 : i32
      %dma_wait3A_52 = tpu.memref_slice %arg10[%add3A_13, %dma_wait3A] : memref<10240x128xf32, #tpu.memory_space<vmem_shared>> -> memref<128x128xf32, #tpu.memory_space<vmem_shared>>
      %dma_wait3A_53 = arith.constant 0 : i32
      %dma_wait3A_54 = tpu.memref_slice %arg10[%add3A_13, %dma_wait3A_53] : memref<10240x128xf32, #tpu.memory_space<vmem_shared>> -> memref<128x128xf32, #tpu.memory_space<vmem_shared>>
      tpu.wait_dma2 semaphore(%run_scoped3A : memref<!tpu.dma_semaphore, #tpu.memory_space<semaphore_mem>>) src(%arg8 : memref<128x128xf32, #tpu.memory_space<vmem>>) dst(%dma_wait3A_54 : memref<128x128xf32, #tpu.memory_space<vmem_shared>>)
      tpu.yield
    }) : () -> ()
    %mul3A_14 = arith.constant 640 : i32
    %mul3A_15 = arith.muli %arg1, %mul3A_14 : i32
    %add3A_16 = arith.constant 256 : i32
    %add3A_17 = arith.addi %mul3A_15, %add3A_16 : i32
    "tpu.region"() ({
      %run_scoped3A = tpu.sem_alloc : memref<!tpu.dma_semaphore, #tpu.memory_space<semaphore_mem>>
      %dma_start3A = arith.constant 0 : i32
      %dma_start3A_49 = tpu.memref_slice %arg10[%add3A_17, %dma_start3A] : memref<10240x128xf32, #tpu.memory_space<vmem_shared>> -> memref<128x128xf32, #tpu.memory_space<vmem_shared>>
      %dma_start3A_50 = arith.constant 0 : i32
      %dma_start3A_51 = tpu.memref_slice %arg10[%add3A_17, %dma_start3A_50] : memref<10240x128xf32, #tpu.memory_space<vmem_shared>> -> memref<128x128xf32, #tpu.memory_space<vmem_shared>>
      tpu.enqueue_dma source(%arg8 : memref<128x128xf32, #tpu.memory_space<vmem>>) target(%dma_start3A_51 : memref<128x128xf32, #tpu.memory_space<vmem_shared>>) target_semaphore(%run_scoped3A : memref<!tpu.dma_semaphore, #tpu.memory_space<semaphore_mem>>)
      %dma_wait3A = arith.constant 0 : i32
      %dma_wait3A_52 = tpu.memref_slice %arg10[%add3A_17, %dma_wait3A] : memref<10240x128xf32, #tpu.memory_space<vmem_shared>> -> memref<128x128xf32, #tpu.memory_space<vmem_shared>>
      %dma_wait3A_53 = arith.constant 0 : i32
      %dma_wait3A_54 = tpu.memref_slice %arg10[%add3A_17, %dma_wait3A_53] : memref<10240x128xf32, #tpu.memory_space<vmem_shared>> -> memref<128x128xf32, #tpu.memory_space<vmem_shared>>
      tpu.wait_dma2 semaphore(%run_scoped3A : memref<!tpu.dma_semaphore, #tpu.memory_space<semaphore_mem>>) src(%arg8 : memref<128x128xf32, #tpu.memory_space<vmem>>) dst(%dma_wait3A_54 : memref<128x128xf32, #tpu.memory_space<vmem_shared>>)
      tpu.yield
    }) : () -> ()
    %mul3A_18 = arith.constant 640 : i32
    %mul3A_19 = arith.muli %arg1, %mul3A_18 : i32
    %add3A_20 = arith.constant 384 : i32
    %add3A_21 = arith.addi %mul3A_19, %add3A_20 : i32
    "tpu.region"() ({
      %run_scoped3A = tpu.sem_alloc : memref<!tpu.dma_semaphore, #tpu.memory_space<semaphore_mem>>
      %dma_start3A = arith.constant 0 : i32
      %dma_start3A_49 = tpu.memref_slice %arg10[%add3A_21, %dma_start3A] : memref<10240x128xf32, #tpu.memory_space<vmem_shared>> -> memref<128x128xf32, #tpu.memory_space<vmem_shared>>
      %dma_start3A_50 = arith.constant 0 : i32
      %dma_start3A_51 = tpu.memref_slice %arg10[%add3A_21, %dma_start3A_50] : memref<10240x128xf32, #tpu.memory_space<vmem_shared>> -> memref<128x128xf32, #tpu.memory_space<vmem_shared>>
      tpu.enqueue_dma source(%arg8 : memref<128x128xf32, #tpu.memory_space<vmem>>) target(%dma_start3A_51 : memref<128x128xf32, #tpu.memory_space<vmem_shared>>) target_semaphore(%run_scoped3A : memref<!tpu.dma_semaphore, #tpu.memory_space<semaphore_mem>>)
      %dma_wait3A = arith.constant 0 : i32
      %dma_wait3A_52 = tpu.memref_slice %arg10[%add3A_21, %dma_wait3A] : memref<10240x128xf32, #tpu.memory_space<vmem_shared>> -> memref<128x128xf32, #tpu.memory_space<vmem_shared>>
      %dma_wait3A_53 = arith.constant 0 : i32
      %dma_wait3A_54 = tpu.memref_slice %arg10[%add3A_21, %dma_wait3A_53] : memref<10240x128xf32, #tpu.memory_space<vmem_shared>> -> memref<128x128xf32, #tpu.memory_space<vmem_shared>>
      tpu.wait_dma2 semaphore(%run_scoped3A : memref<!tpu.dma_semaphore, #tpu.memory_space<semaphore_mem>>) src(%arg8 : memref<128x128xf32, #tpu.memory_space<vmem>>) dst(%dma_wait3A_54 : memref<128x128xf32, #tpu.memory_space<vmem_shared>>)
      tpu.yield
    }) : () -> ()
    %mul3A_22 = arith.constant 640 : i32
    %mul3A_23 = arith.muli %arg1, %mul3A_22 : i32
    %add3A_24 = arith.constant 512 : i32
    %add3A_25 = arith.addi %mul3A_23, %add3A_24 : i32
    "tpu.region"() ({
      %run_scoped3A = tpu.sem_alloc : memref<!tpu.dma_semaphore, #tpu.memory_space<semaphore_mem>>
      %dma_start3A = arith.constant 0 : i32
      %dma_start3A_49 = tpu.memref_slice %arg10[%add3A_25, %dma_start3A] : memref<10240x128xf32, #tpu.memory_space<vmem_shared>> -> memref<128x128xf32, #tpu.memory_space<vmem_shared>>
      %dma_start3A_50 = arith.constant 0 : i32
      %dma_start3A_51 = tpu.memref_slice %arg10[%add3A_25, %dma_start3A_50] : memref<10240x128xf32, #tpu.memory_space<vmem_shared>> -> memref<128x128xf32, #tpu.memory_space<vmem_shared>>
      tpu.enqueue_dma source(%arg8 : memref<128x128xf32, #tpu.memory_space<vmem>>) target(%dma_start3A_51 : memref<128x128xf32, #tpu.memory_space<vmem_shared>>) target_semaphore(%run_scoped3A : memref<!tpu.dma_semaphore, #tpu.memory_space<semaphore_mem>>)
      %dma_wait3A = arith.constant 0 : i32
      %dma_wait3A_52 = tpu.memref_slice %arg10[%add3A_25, %dma_wait3A] : memref<10240x128xf32, #tpu.memory_space<vmem_shared>> -> memref<128x128xf32, #tpu.memory_space<vmem_shared>>
      %dma_wait3A_53 = arith.constant 0 : i32
      %dma_wait3A_54 = tpu.memref_slice %arg10[%add3A_25, %dma_wait3A_53] : memref<10240x128xf32, #tpu.memory_space<vmem_shared>> -> memref<128x128xf32, #tpu.memory_space<vmem_shared>>
      tpu.wait_dma2 semaphore(%run_scoped3A : memref<!tpu.dma_semaphore, #tpu.memory_space<semaphore_mem>>) src(%arg8 : memref<128x128xf32, #tpu.memory_space<vmem>>) dst(%dma_wait3A_54 : memref<128x128xf32, #tpu.memory_space<vmem_shared>>)
      tpu.yield
    }) : () -> ()
    %barrier3A = arith.constant 0 : index
    tpu.barrier barrier_id(%barrier3A)
    %eq3A = arith.constant 0 : i32
    %eq3A_26 = arith.cmpi eq, %arg0, %eq3A : i32
    %jit3A = arith.constant 3 : i32
    %jit3A_27 = arith.constant 1 : i32
    %select_n3A = arith.select %eq3A_26, %jit3A, %jit3A_27 : i32
    %sub3A = arith.constant 0 : i32
    %sub3A_28 = arith.subi %select_n3A, %sub3A : i32
    %sub3A_29 = arith.constant 1 : i32
    %sub3A_30 = arith.constant 1 : i32
    %sub3A_31 = arith.subi %sub3A_29, %sub3A_30 : i32
    %add3A_32 = arith.addi %sub3A_28, %sub3A_31 : i32
    %div3A = arith.constant 1 : i32
    %div3A_33 = arith.divsi %add3A_32, %div3A : i32
    %while3A = arith.constant 1 : i32
    %while3A_34 = arith.constant 0 : i32
    %while3A_35 = arith.constant 0 : i32
    %while3A_36 = arith.subi %div3A_33, %while3A_35 : i32
    %while3A_37 = arith.addi %while3A_35, %while3A_36 : i32
    %while3A_38 = arith.constant 1 : i32
    %while3A_39 = arith.divsi %while3A_36, %while3A_38 : i32
    %while3A_40 = arith.muli %while3A_39, %while3A_38 : i32
    %while3A_41 = arith.addi %while3A_35, %while3A_40 : i32
    %while3A_42 = arith.constant 1 : i32
    scf.for %while3A_49 = %while3A_35 to %while3A_41 step %while3A_42  : i32 {
      %mul3A_50 = arith.muli %while3A_49, %while3A : i32
      %add3A_51 = arith.addi %while3A_34, %mul3A_50 : i32
      %mul3A_52 = arith.constant 40 : i32
      %mul3A_53 = arith.muli %add3A_51, %mul3A_52 : i32
      "tpu.region"() ({
        %run_scoped3A = tpu.sem_alloc : memref<!tpu.dma_semaphore, #tpu.memory_space<semaphore_mem>>
        %dma_start3A_74 = arith.constant 0 : i32
        %dma_start3A_75 = tpu.memref_slice %arg3[%add3A, %mul3A_53, %dma_start3A_74] : memref<32x120x128xi32, #tpu.memory_space<hbm>> -> memref<1x40x128xi32, #tpu.memory_space<hbm>>
        %dma_start3A_76 = tpu.memref_squeeze %dma_start3A_75 : memref<1x40x128xi32, #tpu.memory_space<hbm>> -> memref<40x128xi32, #tpu.memory_space<hbm>>
        %dma_start3A_77 = arith.constant 0 : i32
        %dma_start3A_78 = tpu.memref_slice %arg3[%add3A, %mul3A_53, %dma_start3A_77] : memref<32x120x128xi32, #tpu.memory_space<hbm>> -> memref<1x40x128xi32, #tpu.memory_space<hbm>>
        %dma_start3A_79 = tpu.memref_squeeze %dma_start3A_78 : memref<1x40x128xi32, #tpu.memory_space<hbm>> -> memref<40x128xi32, #tpu.memory_space<hbm>>
        tpu.enqueue_dma source(%dma_start3A_79 : memref<40x128xi32, #tpu.memory_space<hbm>>) target(%arg6 : memref<40x128xi32, #tpu.memory_space<vmem>>) target_semaphore(%run_scoped3A : memref<!tpu.dma_semaphore, #tpu.memory_space<semaphore_mem>>)
        %dma_wait3A = arith.constant 0 : i32
        %dma_wait3A_80 = tpu.memref_slice %arg3[%add3A, %mul3A_53, %dma_wait3A] : memref<32x120x128xi32, #tpu.memory_space<hbm>> -> memref<1x40x128xi32, #tpu.memory_space<hbm>>
        %dma_wait3A_81 = tpu.memref_squeeze %dma_wait3A_80 : memref<1x40x128xi32, #tpu.memory_space<hbm>> -> memref<40x128xi32, #tpu.memory_space<hbm>>
        %dma_wait3A_82 = arith.constant 0 : i32
        %dma_wait3A_83 = tpu.memref_slice %arg3[%add3A, %mul3A_53, %dma_wait3A_82] : memref<32x120x128xi32, #tpu.memory_space<hbm>> -> memref<1x40x128xi32, #tpu.memory_space<hbm>>
        %dma_wait3A_84 = tpu.memref_squeeze %dma_wait3A_83 : memref<1x40x128xi32, #tpu.memory_space<hbm>> -> memref<40x128xi32, #tpu.memory_space<hbm>>
        tpu.wait_dma2 semaphore(%run_scoped3A : memref<!tpu.dma_semaphore, #tpu.memory_space<semaphore_mem>>) src(%dma_wait3A_84 : memref<40x128xi32, #tpu.memory_space<hbm>>) dst(%arg6 : memref<40x128xi32, #tpu.memory_space<vmem>>)
        tpu.yield
      }) : () -> ()
      %mul3A_54 = arith.constant 40 : i32
      %mul3A_55 = arith.muli %add3A_51, %mul3A_54 : i32
      "tpu.region"() ({
        %run_scoped3A = tpu.sem_alloc : memref<!tpu.dma_semaphore, #tpu.memory_space<semaphore_mem>>
        %dma_start3A_74 = arith.constant 0 : i32
        %dma_start3A_75 = tpu.memref_slice %arg4[%add3A, %mul3A_55, %dma_start3A_74] : memref<32x120x128xi32, #tpu.memory_space<hbm>> -> memref<1x40x128xi32, #tpu.memory_space<hbm>>
        %dma_start3A_76 = tpu.memref_squeeze %dma_start3A_75 : memref<1x40x128xi32, #tpu.memory_space<hbm>> -> memref<40x128xi32, #tpu.memory_space<hbm>>
        %dma_start3A_77 = arith.constant 0 : i32
        %dma_start3A_78 = tpu.memref_slice %arg4[%add3A, %mul3A_55, %dma_start3A_77] : memref<32x120x128xi32, #tpu.memory_space<hbm>> -> memref<1x40x128xi32, #tpu.memory_space<hbm>>
        %dma_start3A_79 = tpu.memref_squeeze %dma_start3A_78 : memref<1x40x128xi32, #tpu.memory_space<hbm>> -> memref<40x128xi32, #tpu.memory_space<hbm>>
        tpu.enqueue_dma source(%dma_start3A_79 : memref<40x128xi32, #tpu.memory_space<hbm>>) target(%arg7 : memref<40x128xi32, #tpu.memory_space<vmem>>) target_semaphore(%run_scoped3A : memref<!tpu.dma_semaphore, #tpu.memory_space<semaphore_mem>>)
        %dma_wait3A = arith.constant 0 : i32
        %dma_wait3A_80 = tpu.memref_slice %arg4[%add3A, %mul3A_55, %dma_wait3A] : memref<32x120x128xi32, #tpu.memory_space<hbm>> -> memref<1x40x128xi32, #tpu.memory_space<hbm>>
        %dma_wait3A_81 = tpu.memref_squeeze %dma_wait3A_80 : memref<1x40x128xi32, #tpu.memory_space<hbm>> -> memref<40x128xi32, #tpu.memory_space<hbm>>
        %dma_wait3A_82 = arith.constant 0 : i32
        %dma_wait3A_83 = tpu.memref_slice %arg4[%add3A, %mul3A_55, %dma_wait3A_82] : memref<32x120x128xi32, #tpu.memory_space<hbm>> -> memref<1x40x128xi32, #tpu.memory_space<hbm>>
        %dma_wait3A_84 = tpu.memref_squeeze %dma_wait3A_83 : memref<1x40x128xi32, #tpu.memory_space<hbm>> -> memref<40x128xi32, #tpu.memory_space<hbm>>
        tpu.wait_dma2 semaphore(%run_scoped3A : memref<!tpu.dma_semaphore, #tpu.memory_space<semaphore_mem>>) src(%dma_wait3A_84 : memref<40x128xi32, #tpu.memory_space<hbm>>) dst(%arg7 : memref<40x128xi32, #tpu.memory_space<vmem>>)
        tpu.yield
      }) : () -> ()
      %dma_start3A = arith.constant 0 : i32
      %dma_start3A_56 = arith.constant 0 : i32
      %dma_start3A_57 = tpu.memref_slice %arg6[%dma_start3A, %dma_start3A_56] : memref<40x128xi32, #tpu.memory_space<vmem>> -> memref<1x128xi32, #tpu.memory_space<vmem>>
      %dma_start3A_58 = tpu.memref_squeeze %dma_start3A_57 : memref<1x128xi32, #tpu.memory_space<vmem>> -> memref<128xi32, #tpu.memory_space<vmem>>
      %dma_start3A_59 = arith.constant 0 : i32
      %dma_start3A_60 = arith.constant 0 : i32
      %dma_start3A_61 = tpu.memref_slice %arg2[%dma_start3A_59, %dma_start3A_60] : memref<10240x128xf32, #tpu.memory_space<hbm>> -> memref<10240x128xf32, #tpu.memory_space<hbm>>
      tpu.enqueue_indirect_dma source(%dma_start3A_61 : memref<10240x128xf32, #tpu.memory_space<hbm>>) target(%arg8 : memref<128x128xf32, #tpu.memory_space<vmem>>) offsets(%dma_start3A_58 : memref<128xi32, #tpu.memory_space<vmem>>) semaphore(%arg11 : memref<!tpu.dma_semaphore, #tpu.memory_space<semaphore_mem>>)
      %dma_start3A_62 = arith.constant 1 : i32
      %dma_start3A_63 = arith.constant 0 : i32
      %dma_start3A_64 = tpu.memref_slice %arg6[%dma_start3A_62, %dma_start3A_63] : memref<40x128xi32, #tpu.memory_space<vmem>> -> memref<1x128xi32, #tpu.memory_space<vmem>>
      %dma_start3A_65 = tpu.memref_squeeze %dma_start3A_64 : memref<1x128xi32, #tpu.memory_space<vmem>> -> memref<128xi32, #tpu.memory_space<vmem>>
      %dma_start3A_66 = arith.constant 0 : i32
      %dma_start3A_67 = arith.constant 0 : i32
      %dma_start3A_68 = tpu.memref_slice %arg2[%dma_start3A_66, %dma_start3A_67] : memref<10240x128xf32, #tpu.memory_space<hbm>> -> memref<10240x128xf32, #tpu.memory_space<hbm>>
      tpu.enqueue_indirect_dma source(%dma_start3A_68 : memref<10240x128xf32, #tpu.memory_space<hbm>>) target(%arg9 : memref<128x128xf32, #tpu.memory_space<vmem>>) offsets(%dma_start3A_65 : memref<128xi32, #tpu.memory_space<vmem>>) semaphore(%arg12 : memref<!tpu.dma_semaphore, #tpu.memory_space<semaphore_mem>>)
      %scan3A_69 = arith.constant 0 : i32
      %scan3A_70 = arith.constant 20 : i32
      %scan3A_71 = arith.addi %scan3A_69, %scan3A_70 : i32
      %scan3A_72 = arith.constant 1 : i32
      scf.for %scan3A_74 = %scan3A_69 to %scan3A_71 step %scan3A_72  : i32 {
        %mul3A_75 = arith.constant 2 : i32
        %mul3A_76 = arith.muli %scan3A_74, %mul3A_75 : i32
        %add3A_77 = arith.constant 0 : i32
        %add3A_78 = arith.addi %add3A_77, %mul3A_76 : i32
        %dma_wait3A = arith.constant 0 : i32
        %dma_wait3A_79 = tpu.memref_slice %arg6[%add3A_78, %dma_wait3A] : memref<40x128xi32, #tpu.memory_space<vmem>> -> memref<1x128xi32, #tpu.memory_space<vmem>>
        %dma_wait3A_80 = tpu.memref_squeeze %dma_wait3A_79 : memref<1x128xi32, #tpu.memory_space<vmem>> -> memref<128xi32, #tpu.memory_space<vmem>>
        %dma_wait3A_81 = arith.constant 0 : i32
        %dma_wait3A_82 = arith.constant 0 : i32
        %dma_wait3A_83 = tpu.memref_slice %arg2[%dma_wait3A_81, %dma_wait3A_82] : memref<10240x128xf32, #tpu.memory_space<hbm>> -> memref<10240x128xf32, #tpu.memory_space<hbm>>
        tpu.wait_indirect_dma semaphore(%arg11 : memref<!tpu.dma_semaphore, #tpu.memory_space<semaphore_mem>>) src(%dma_wait3A_83 : memref<10240x128xf32, #tpu.memory_space<hbm>>) dst(%arg8 : memref<128x128xf32, #tpu.memory_space<vmem>>)
        "tpu.region"() ({
          %run_scoped3A = tpu.sem_alloc : memref<!tpu.dma_semaphore, #tpu.memory_space<semaphore_mem>>
          %dma_start3A_105 = arith.constant 0 : i32
          %dma_start3A_106 = tpu.memref_slice %arg7[%add3A_78, %dma_start3A_105] : memref<40x128xi32, #tpu.memory_space<vmem>> -> memref<1x128xi32, #tpu.memory_space<vmem>>
          %dma_start3A_107 = tpu.memref_squeeze %dma_start3A_106 : memref<1x128xi32, #tpu.memory_space<vmem>> -> memref<128xi32, #tpu.memory_space<vmem>>
          %dma_start3A_108 = arith.constant 0 : i32
          %dma_start3A_109 = arith.constant 0 : i32
          %dma_start3A_110 = tpu.memref_slice %arg10[%dma_start3A_108, %dma_start3A_109] : memref<10240x128xf32, #tpu.memory_space<vmem_shared>> -> memref<10240x128xf32, #tpu.memory_space<vmem_shared>>
          tpu.enqueue_indirect_dma source(%arg8 : memref<128x128xf32, #tpu.memory_space<vmem>>) target(%dma_start3A_110 : memref<10240x128xf32, #tpu.memory_space<vmem_shared>>) offsets(%dma_start3A_107 : memref<128xi32, #tpu.memory_space<vmem>>) semaphore(%run_scoped3A : memref<!tpu.dma_semaphore, #tpu.memory_space<semaphore_mem>>) {add = true}
          %dma_wait3A_111 = arith.constant 0 : i32
          %dma_wait3A_112 = tpu.memref_slice %arg7[%add3A_78, %dma_wait3A_111] : memref<40x128xi32, #tpu.memory_space<vmem>> -> memref<1x128xi32, #tpu.memory_space<vmem>>
          %dma_wait3A_113 = tpu.memref_squeeze %dma_wait3A_112 : memref<1x128xi32, #tpu.memory_space<vmem>> -> memref<128xi32, #tpu.memory_space<vmem>>
          %dma_wait3A_114 = arith.constant 0 : i32
          %dma_wait3A_115 = arith.constant 0 : i32
          %dma_wait3A_116 = tpu.memref_slice %arg10[%dma_wait3A_114, %dma_wait3A_115] : memref<10240x128xf32, #tpu.memory_space<vmem_shared>> -> memref<10240x128xf32, #tpu.memory_space<vmem_shared>>
          tpu.wait_indirect_dma semaphore(%run_scoped3A : memref<!tpu.dma_semaphore, #tpu.memory_space<semaphore_mem>>) src(%arg8 : memref<128x128xf32, #tpu.memory_space<vmem>>) dst(%dma_wait3A_116 : memref<10240x128xf32, #tpu.memory_space<vmem_shared>>)
          tpu.yield
        }) : () -> ()
        %add3A_84 = arith.constant 2 : i32
        %add3A_85 = arith.addi %add3A_78, %add3A_84 : i32
        %lt3A = arith.constant 40 : i32
        %lt3A_86 = arith.cmpi slt, %add3A_85, %lt3A : i32
        %convert_element_type3A = arith.extui %lt3A_86 : i1 to i32
        %cond3A = arith.constant 0 : i32
        %cond3A_87 = arith.cmpi ne, %convert_element_type3A, %cond3A : i32
        scf.if %cond3A_87 {
          %add3A_105 = arith.constant 2 : i32
          %add3A_106 = arith.addi %add3A_78, %add3A_105 : i32
          %dma_start3A_107 = arith.constant 0 : i32
          %dma_start3A_108 = tpu.memref_slice %arg6[%add3A_106, %dma_start3A_107] : memref<40x128xi32, #tpu.memory_space<vmem>> -> memref<1x128xi32, #tpu.memory_space<vmem>>
          %dma_start3A_109 = tpu.memref_squeeze %dma_start3A_108 : memref<1x128xi32, #tpu.memory_space<vmem>> -> memref<128xi32, #tpu.memory_space<vmem>>
          %dma_start3A_110 = arith.constant 0 : i32
          %dma_start3A_111 = arith.constant 0 : i32
          %dma_start3A_112 = tpu.memref_slice %arg2[%dma_start3A_110, %dma_start3A_111] : memref<10240x128xf32, #tpu.memory_space<hbm>> -> memref<10240x128xf32, #tpu.memory_space<hbm>>
          tpu.enqueue_indirect_dma source(%dma_start3A_112 : memref<10240x128xf32, #tpu.memory_space<hbm>>) target(%arg8 : memref<128x128xf32, #tpu.memory_space<vmem>>) offsets(%dma_start3A_109 : memref<128xi32, #tpu.memory_space<vmem>>) semaphore(%arg11 : memref<!tpu.dma_semaphore, #tpu.memory_space<semaphore_mem>>)
        } else {
        }
        %add3A_88 = arith.constant 1 : i32
        %add3A_89 = arith.addi %add3A_78, %add3A_88 : i32
        %dma_wait3A_90 = arith.constant 0 : i32
        %dma_wait3A_91 = tpu.memref_slice %arg6[%add3A_89, %dma_wait3A_90] : memref<40x128xi32, #tpu.memory_space<vmem>> -> memref<1x128xi32, #tpu.memory_space<vmem>>
        %dma_wait3A_92 = tpu.memref_squeeze %dma_wait3A_91 : memref<1x128xi32, #tpu.memory_space<vmem>> -> memref<128xi32, #tpu.memory_space<vmem>>
        %dma_wait3A_93 = arith.constant 0 : i32
        %dma_wait3A_94 = arith.constant 0 : i32
        %dma_wait3A_95 = tpu.memref_slice %arg2[%dma_wait3A_93, %dma_wait3A_94] : memref<10240x128xf32, #tpu.memory_space<hbm>> -> memref<10240x128xf32, #tpu.memory_space<hbm>>
        tpu.wait_indirect_dma semaphore(%arg12 : memref<!tpu.dma_semaphore, #tpu.memory_space<semaphore_mem>>) src(%dma_wait3A_95 : memref<10240x128xf32, #tpu.memory_space<hbm>>) dst(%arg9 : memref<128x128xf32, #tpu.memory_space<vmem>>)
        %add3A_96 = arith.constant 1 : i32
        %add3A_97 = arith.addi %add3A_78, %add3A_96 : i32
        "tpu.region"() ({
          %run_scoped3A = tpu.sem_alloc : memref<!tpu.dma_semaphore, #tpu.memory_space<semaphore_mem>>
          %dma_start3A_105 = arith.constant 0 : i32
          %dma_start3A_106 = tpu.memref_slice %arg7[%add3A_97, %dma_start3A_105] : memref<40x128xi32, #tpu.memory_space<vmem>> -> memref<1x128xi32, #tpu.memory_space<vmem>>
          %dma_start3A_107 = tpu.memref_squeeze %dma_start3A_106 : memref<1x128xi32, #tpu.memory_space<vmem>> -> memref<128xi32, #tpu.memory_space<vmem>>
          %dma_start3A_108 = arith.constant 0 : i32
          %dma_start3A_109 = arith.constant 0 : i32
          %dma_start3A_110 = tpu.memref_slice %arg10[%dma_start3A_108, %dma_start3A_109] : memref<10240x128xf32, #tpu.memory_space<vmem_shared>> -> memref<10240x128xf32, #tpu.memory_space<vmem_shared>>
          tpu.enqueue_indirect_dma source(%arg9 : memref<128x128xf32, #tpu.memory_space<vmem>>) target(%dma_start3A_110 : memref<10240x128xf32, #tpu.memory_space<vmem_shared>>) offsets(%dma_start3A_107 : memref<128xi32, #tpu.memory_space<vmem>>) semaphore(%run_scoped3A : memref<!tpu.dma_semaphore, #tpu.memory_space<semaphore_mem>>) {add = true}
          %dma_wait3A_111 = arith.constant 0 : i32
          %dma_wait3A_112 = tpu.memref_slice %arg7[%add3A_97, %dma_wait3A_111] : memref<40x128xi32, #tpu.memory_space<vmem>> -> memref<1x128xi32, #tpu.memory_space<vmem>>
          %dma_wait3A_113 = tpu.memref_squeeze %dma_wait3A_112 : memref<1x128xi32, #tpu.memory_space<vmem>> -> memref<128xi32, #tpu.memory_space<vmem>>
          %dma_wait3A_114 = arith.constant 0 : i32
          %dma_wait3A_115 = arith.constant 0 : i32
          %dma_wait3A_116 = tpu.memref_slice %arg10[%dma_wait3A_114, %dma_wait3A_115] : memref<10240x128xf32, #tpu.memory_space<vmem_shared>> -> memref<10240x128xf32, #tpu.memory_space<vmem_shared>>
          tpu.wait_indirect_dma semaphore(%run_scoped3A : memref<!tpu.dma_semaphore, #tpu.memory_space<semaphore_mem>>) src(%arg9 : memref<128x128xf32, #tpu.memory_space<vmem>>) dst(%dma_wait3A_116 : memref<10240x128xf32, #tpu.memory_space<vmem_shared>>)
          tpu.yield
        }) : () -> ()
        %add3A_98 = arith.constant 3 : i32
        %add3A_99 = arith.addi %add3A_78, %add3A_98 : i32
        %lt3A_100 = arith.constant 40 : i32
        %lt3A_101 = arith.cmpi slt, %add3A_99, %lt3A_100 : i32
        %convert_element_type3A_102 = arith.extui %lt3A_101 : i1 to i32
        %cond3A_103 = arith.constant 0 : i32
        %cond3A_104 = arith.cmpi ne, %convert_element_type3A_102, %cond3A_103 : i32
        scf.if %cond3A_104 {
          %add3A_105 = arith.constant 3 : i32
          %add3A_106 = arith.addi %add3A_78, %add3A_105 : i32
          %dma_start3A_107 = arith.constant 0 : i32
          %dma_start3A_108 = tpu.memref_slice %arg6[%add3A_106, %dma_start3A_107] : memref<40x128xi32, #tpu.memory_space<vmem>> -> memref<1x128xi32, #tpu.memory_space<vmem>>
          %dma_start3A_109 = tpu.memref_squeeze %dma_start3A_108 : memref<1x128xi32, #tpu.memory_space<vmem>> -> memref<128xi32, #tpu.memory_space<vmem>>
          %dma_start3A_110 = arith.constant 0 : i32
          %dma_start3A_111 = arith.constant 0 : i32
          %dma_start3A_112 = tpu.memref_slice %arg2[%dma_start3A_110, %dma_start3A_111] : memref<10240x128xf32, #tpu.memory_space<hbm>> -> memref<10240x128xf32, #tpu.memory_space<hbm>>
          tpu.enqueue_indirect_dma source(%dma_start3A_112 : memref<10240x128xf32, #tpu.memory_space<hbm>>) target(%arg9 : memref<128x128xf32, #tpu.memory_space<vmem>>) offsets(%dma_start3A_109 : memref<128xi32, #tpu.memory_space<vmem>>) semaphore(%arg12 : memref<!tpu.dma_semaphore, #tpu.memory_space<semaphore_mem>>)
        } else {
        }
      }
      %scan3A_73 = arith.constant 20 : i32
    }
    %while3A_43 = arith.constant 1 : i32
    scf.for %while3A_49 = %while3A_41 to %while3A_37 step %while3A_43  : i32 {
      %mul3A_50 = arith.muli %while3A_49, %while3A : i32
      %add3A_51 = arith.addi %while3A_34, %mul3A_50 : i32
      %mul3A_52 = arith.constant 40 : i32
      %mul3A_53 = arith.muli %add3A_51, %mul3A_52 : i32
      "tpu.region"() ({
        %run_scoped3A = tpu.sem_alloc : memref<!tpu.dma_semaphore, #tpu.memory_space<semaphore_mem>>
        %dma_start3A_74 = arith.constant 0 : i32
        %dma_start3A_75 = tpu.memref_slice %arg3[%add3A, %mul3A_53, %dma_start3A_74] : memref<32x120x128xi32, #tpu.memory_space<hbm>> -> memref<1x40x128xi32, #tpu.memory_space<hbm>>
        %dma_start3A_76 = tpu.memref_squeeze %dma_start3A_75 : memref<1x40x128xi32, #tpu.memory_space<hbm>> -> memref<40x128xi32, #tpu.memory_space<hbm>>
        %dma_start3A_77 = arith.constant 0 : i32
        %dma_start3A_78 = tpu.memref_slice %arg3[%add3A, %mul3A_53, %dma_start3A_77] : memref<32x120x128xi32, #tpu.memory_space<hbm>> -> memref<1x40x128xi32, #tpu.memory_space<hbm>>
        %dma_start3A_79 = tpu.memref_squeeze %dma_start3A_78 : memref<1x40x128xi32, #tpu.memory_space<hbm>> -> memref<40x128xi32, #tpu.memory_space<hbm>>
        tpu.enqueue_dma source(%dma_start3A_79 : memref<40x128xi32, #tpu.memory_space<hbm>>) target(%arg6 : memref<40x128xi32, #tpu.memory_space<vmem>>) target_semaphore(%run_scoped3A : memref<!tpu.dma_semaphore, #tpu.memory_space<semaphore_mem>>)
        %dma_wait3A = arith.constant 0 : i32
        %dma_wait3A_80 = tpu.memref_slice %arg3[%add3A, %mul3A_53, %dma_wait3A] : memref<32x120x128xi32, #tpu.memory_space<hbm>> -> memref<1x40x128xi32, #tpu.memory_space<hbm>>
        %dma_wait3A_81 = tpu.memref_squeeze %dma_wait3A_80 : memref<1x40x128xi32, #tpu.memory_space<hbm>> -> memref<40x128xi32, #tpu.memory_space<hbm>>
        %dma_wait3A_82 = arith.constant 0 : i32
        %dma_wait3A_83 = tpu.memref_slice %arg3[%add3A, %mul3A_53, %dma_wait3A_82] : memref<32x120x128xi32, #tpu.memory_space<hbm>> -> memref<1x40x128xi32, #tpu.memory_space<hbm>>
        %dma_wait3A_84 = tpu.memref_squeeze %dma_wait3A_83 : memref<1x40x128xi32, #tpu.memory_space<hbm>> -> memref<40x128xi32, #tpu.memory_space<hbm>>
        tpu.wait_dma2 semaphore(%run_scoped3A : memref<!tpu.dma_semaphore, #tpu.memory_space<semaphore_mem>>) src(%dma_wait3A_84 : memref<40x128xi32, #tpu.memory_space<hbm>>) dst(%arg6 : memref<40x128xi32, #tpu.memory_space<vmem>>)
        tpu.yield
      }) : () -> ()
      %mul3A_54 = arith.constant 40 : i32
      %mul3A_55 = arith.muli %add3A_51, %mul3A_54 : i32
      "tpu.region"() ({
        %run_scoped3A = tpu.sem_alloc : memref<!tpu.dma_semaphore, #tpu.memory_space<semaphore_mem>>
        %dma_start3A_74 = arith.constant 0 : i32
        %dma_start3A_75 = tpu.memref_slice %arg4[%add3A, %mul3A_55, %dma_start3A_74] : memref<32x120x128xi32, #tpu.memory_space<hbm>> -> memref<1x40x128xi32, #tpu.memory_space<hbm>>
        %dma_start3A_76 = tpu.memref_squeeze %dma_start3A_75 : memref<1x40x128xi32, #tpu.memory_space<hbm>> -> memref<40x128xi32, #tpu.memory_space<hbm>>
        %dma_start3A_77 = arith.constant 0 : i32
        %dma_start3A_78 = tpu.memref_slice %arg4[%add3A, %mul3A_55, %dma_start3A_77] : memref<32x120x128xi32, #tpu.memory_space<hbm>> -> memref<1x40x128xi32, #tpu.memory_space<hbm>>
        %dma_start3A_79 = tpu.memref_squeeze %dma_start3A_78 : memref<1x40x128xi32, #tpu.memory_space<hbm>> -> memref<40x128xi32, #tpu.memory_space<hbm>>
        tpu.enqueue_dma source(%dma_start3A_79 : memref<40x128xi32, #tpu.memory_space<hbm>>) target(%arg7 : memref<40x128xi32, #tpu.memory_space<vmem>>) target_semaphore(%run_scoped3A : memref<!tpu.dma_semaphore, #tpu.memory_space<semaphore_mem>>)
        %dma_wait3A = arith.constant 0 : i32
        %dma_wait3A_80 = tpu.memref_slice %arg4[%add3A, %mul3A_55, %dma_wait3A] : memref<32x120x128xi32, #tpu.memory_space<hbm>> -> memref<1x40x128xi32, #tpu.memory_space<hbm>>
        %dma_wait3A_81 = tpu.memref_squeeze %dma_wait3A_80 : memref<1x40x128xi32, #tpu.memory_space<hbm>> -> memref<40x128xi32, #tpu.memory_space<hbm>>
        %dma_wait3A_82 = arith.constant 0 : i32
        %dma_wait3A_83 = tpu.memref_slice %arg4[%add3A, %mul3A_55, %dma_wait3A_82] : memref<32x120x128xi32, #tpu.memory_space<hbm>> -> memref<1x40x128xi32, #tpu.memory_space<hbm>>
        %dma_wait3A_84 = tpu.memref_squeeze %dma_wait3A_83 : memref<1x40x128xi32, #tpu.memory_space<hbm>> -> memref<40x128xi32, #tpu.memory_space<hbm>>
        tpu.wait_dma2 semaphore(%run_scoped3A : memref<!tpu.dma_semaphore, #tpu.memory_space<semaphore_mem>>) src(%dma_wait3A_84 : memref<40x128xi32, #tpu.memory_space<hbm>>) dst(%arg7 : memref<40x128xi32, #tpu.memory_space<vmem>>)
        tpu.yield
      }) : () -> ()
      %dma_start3A = arith.constant 0 : i32
      %dma_start3A_56 = arith.constant 0 : i32
      %dma_start3A_57 = tpu.memref_slice %arg6[%dma_start3A, %dma_start3A_56] : memref<40x128xi32, #tpu.memory_space<vmem>> -> memref<1x128xi32, #tpu.memory_space<vmem>>
      %dma_start3A_58 = tpu.memref_squeeze %dma_start3A_57 : memref<1x128xi32, #tpu.memory_space<vmem>> -> memref<128xi32, #tpu.memory_space<vmem>>
      %dma_start3A_59 = arith.constant 0 : i32
      %dma_start3A_60 = arith.constant 0 : i32
      %dma_start3A_61 = tpu.memref_slice %arg2[%dma_start3A_59, %dma_start3A_60] : memref<10240x128xf32, #tpu.memory_space<hbm>> -> memref<10240x128xf32, #tpu.memory_space<hbm>>
      tpu.enqueue_indirect_dma source(%dma_start3A_61 : memref<10240x128xf32, #tpu.memory_space<hbm>>) target(%arg8 : memref<128x128xf32, #tpu.memory_space<vmem>>) offsets(%dma_start3A_58 : memref<128xi32, #tpu.memory_space<vmem>>) semaphore(%arg11 : memref<!tpu.dma_semaphore, #tpu.memory_space<semaphore_mem>>)
      %dma_start3A_62 = arith.constant 1 : i32
      %dma_start3A_63 = arith.constant 0 : i32
      %dma_start3A_64 = tpu.memref_slice %arg6[%dma_start3A_62, %dma_start3A_63] : memref<40x128xi32, #tpu.memory_space<vmem>> -> memref<1x128xi32, #tpu.memory_space<vmem>>
      %dma_start3A_65 = tpu.memref_squeeze %dma_start3A_64 : memref<1x128xi32, #tpu.memory_space<vmem>> -> memref<128xi32, #tpu.memory_space<vmem>>
      %dma_start3A_66 = arith.constant 0 : i32
      %dma_start3A_67 = arith.constant 0 : i32
      %dma_start3A_68 = tpu.memref_slice %arg2[%dma_start3A_66, %dma_start3A_67] : memref<10240x128xf32, #tpu.memory_space<hbm>> -> memref<10240x128xf32, #tpu.memory_space<hbm>>
      tpu.enqueue_indirect_dma source(%dma_start3A_68 : memref<10240x128xf32, #tpu.memory_space<hbm>>) target(%arg9 : memref<128x128xf32, #tpu.memory_space<vmem>>) offsets(%dma_start3A_65 : memref<128xi32, #tpu.memory_space<vmem>>) semaphore(%arg12 : memref<!tpu.dma_semaphore, #tpu.memory_space<semaphore_mem>>)
      %scan3A_69 = arith.constant 0 : i32
      %scan3A_70 = arith.constant 20 : i32
      %scan3A_71 = arith.addi %scan3A_69, %scan3A_70 : i32
      %scan3A_72 = arith.constant 1 : i32
      scf.for %scan3A_74 = %scan3A_69 to %scan3A_71 step %scan3A_72  : i32 {
        %mul3A_75 = arith.constant 2 : i32
        %mul3A_76 = arith.muli %scan3A_74, %mul3A_75 : i32
        %add3A_77 = arith.constant 0 : i32
        %add3A_78 = arith.addi %add3A_77, %mul3A_76 : i32
        %dma_wait3A = arith.constant 0 : i32
        %dma_wait3A_79 = tpu.memref_slice %arg6[%add3A_78, %dma_wait3A] : memref<40x128xi32, #tpu.memory_space<vmem>> -> memref<1x128xi32, #tpu.memory_space<vmem>>
        %dma_wait3A_80 = tpu.memref_squeeze %dma_wait3A_79 : memref<1x128xi32, #tpu.memory_space<vmem>> -> memref<128xi32, #tpu.memory_space<vmem>>
        %dma_wait3A_81 = arith.constant 0 : i32
        %dma_wait3A_82 = arith.constant 0 : i32
        %dma_wait3A_83 = tpu.memref_slice %arg2[%dma_wait3A_81, %dma_wait3A_82] : memref<10240x128xf32, #tpu.memory_space<hbm>> -> memref<10240x128xf32, #tpu.memory_space<hbm>>
        tpu.wait_indirect_dma semaphore(%arg11 : memref<!tpu.dma_semaphore, #tpu.memory_space<semaphore_mem>>) src(%dma_wait3A_83 : memref<10240x128xf32, #tpu.memory_space<hbm>>) dst(%arg8 : memref<128x128xf32, #tpu.memory_space<vmem>>)
        "tpu.region"() ({
          %run_scoped3A = tpu.sem_alloc : memref<!tpu.dma_semaphore, #tpu.memory_space<semaphore_mem>>
          %dma_start3A_105 = arith.constant 0 : i32
          %dma_start3A_106 = tpu.memref_slice %arg7[%add3A_78, %dma_start3A_105] : memref<40x128xi32, #tpu.memory_space<vmem>> -> memref<1x128xi32, #tpu.memory_space<vmem>>
          %dma_start3A_107 = tpu.memref_squeeze %dma_start3A_106 : memref<1x128xi32, #tpu.memory_space<vmem>> -> memref<128xi32, #tpu.memory_space<vmem>>
          %dma_start3A_108 = arith.constant 0 : i32
          %dma_start3A_109 = arith.constant 0 : i32
          %dma_start3A_110 = tpu.memref_slice %arg10[%dma_start3A_108, %dma_start3A_109] : memref<10240x128xf32, #tpu.memory_space<vmem_shared>> -> memref<10240x128xf32, #tpu.memory_space<vmem_shared>>
          tpu.enqueue_indirect_dma source(%arg8 : memref<128x128xf32, #tpu.memory_space<vmem>>) target(%dma_start3A_110 : memref<10240x128xf32, #tpu.memory_space<vmem_shared>>) offsets(%dma_start3A_107 : memref<128xi32, #tpu.memory_space<vmem>>) semaphore(%run_scoped3A : memref<!tpu.dma_semaphore, #tpu.memory_space<semaphore_mem>>) {add = true}
          %dma_wait3A_111 = arith.constant 0 : i32
          %dma_wait3A_112 = tpu.memref_slice %arg7[%add3A_78, %dma_wait3A_111] : memref<40x128xi32, #tpu.memory_space<vmem>> -> memref<1x128xi32, #tpu.memory_space<vmem>>
          %dma_wait3A_113 = tpu.memref_squeeze %dma_wait3A_112 : memref<1x128xi32, #tpu.memory_space<vmem>> -> memref<128xi32, #tpu.memory_space<vmem>>
          %dma_wait3A_114 = arith.constant 0 : i32
          %dma_wait3A_115 = arith.constant 0 : i32
          %dma_wait3A_116 = tpu.memref_slice %arg10[%dma_wait3A_114, %dma_wait3A_115] : memref<10240x128xf32, #tpu.memory_space<vmem_shared>> -> memref<10240x128xf32, #tpu.memory_space<vmem_shared>>
          tpu.wait_indirect_dma semaphore(%run_scoped3A : memref<!tpu.dma_semaphore, #tpu.memory_space<semaphore_mem>>) src(%arg8 : memref<128x128xf32, #tpu.memory_space<vmem>>) dst(%dma_wait3A_116 : memref<10240x128xf32, #tpu.memory_space<vmem_shared>>)
          tpu.yield
        }) : () -> ()
        %add3A_84 = arith.constant 2 : i32
        %add3A_85 = arith.addi %add3A_78, %add3A_84 : i32
        %lt3A = arith.constant 40 : i32
        %lt3A_86 = arith.cmpi slt, %add3A_85, %lt3A : i32
        %convert_element_type3A = arith.extui %lt3A_86 : i1 to i32
        %cond3A = arith.constant 0 : i32
        %cond3A_87 = arith.cmpi ne, %convert_element_type3A, %cond3A : i32
        scf.if %cond3A_87 {
          %add3A_105 = arith.constant 2 : i32
          %add3A_106 = arith.addi %add3A_78, %add3A_105 : i32
          %dma_start3A_107 = arith.constant 0 : i32
          %dma_start3A_108 = tpu.memref_slice %arg6[%add3A_106, %dma_start3A_107] : memref<40x128xi32, #tpu.memory_space<vmem>> -> memref<1x128xi32, #tpu.memory_space<vmem>>
          %dma_start3A_109 = tpu.memref_squeeze %dma_start3A_108 : memref<1x128xi32, #tpu.memory_space<vmem>> -> memref<128xi32, #tpu.memory_space<vmem>>
          %dma_start3A_110 = arith.constant 0 : i32
          %dma_start3A_111 = arith.constant 0 : i32
          %dma_start3A_112 = tpu.memref_slice %arg2[%dma_start3A_110, %dma_start3A_111] : memref<10240x128xf32, #tpu.memory_space<hbm>> -> memref<10240x128xf32, #tpu.memory_space<hbm>>
          tpu.enqueue_indirect_dma source(%dma_start3A_112 : memref<10240x128xf32, #tpu.memory_space<hbm>>) target(%arg8 : memref<128x128xf32, #tpu.memory_space<vmem>>) offsets(%dma_start3A_109 : memref<128xi32, #tpu.memory_space<vmem>>) semaphore(%arg11 : memref<!tpu.dma_semaphore, #tpu.memory_space<semaphore_mem>>)
        } else {
        }
        %add3A_88 = arith.constant 1 : i32
        %add3A_89 = arith.addi %add3A_78, %add3A_88 : i32
        %dma_wait3A_90 = arith.constant 0 : i32
        %dma_wait3A_91 = tpu.memref_slice %arg6[%add3A_89, %dma_wait3A_90] : memref<40x128xi32, #tpu.memory_space<vmem>> -> memref<1x128xi32, #tpu.memory_space<vmem>>
        %dma_wait3A_92 = tpu.memref_squeeze %dma_wait3A_91 : memref<1x128xi32, #tpu.memory_space<vmem>> -> memref<128xi32, #tpu.memory_space<vmem>>
        %dma_wait3A_93 = arith.constant 0 : i32
        %dma_wait3A_94 = arith.constant 0 : i32
        %dma_wait3A_95 = tpu.memref_slice %arg2[%dma_wait3A_93, %dma_wait3A_94] : memref<10240x128xf32, #tpu.memory_space<hbm>> -> memref<10240x128xf32, #tpu.memory_space<hbm>>
        tpu.wait_indirect_dma semaphore(%arg12 : memref<!tpu.dma_semaphore, #tpu.memory_space<semaphore_mem>>) src(%dma_wait3A_95 : memref<10240x128xf32, #tpu.memory_space<hbm>>) dst(%arg9 : memref<128x128xf32, #tpu.memory_space<vmem>>)
        %add3A_96 = arith.constant 1 : i32
        %add3A_97 = arith.addi %add3A_78, %add3A_96 : i32
        "tpu.region"() ({
          %run_scoped3A = tpu.sem_alloc : memref<!tpu.dma_semaphore, #tpu.memory_space<semaphore_mem>>
          %dma_start3A_105 = arith.constant 0 : i32
          %dma_start3A_106 = tpu.memref_slice %arg7[%add3A_97, %dma_start3A_105] : memref<40x128xi32, #tpu.memory_space<vmem>> -> memref<1x128xi32, #tpu.memory_space<vmem>>
          %dma_start3A_107 = tpu.memref_squeeze %dma_start3A_106 : memref<1x128xi32, #tpu.memory_space<vmem>> -> memref<128xi32, #tpu.memory_space<vmem>>
          %dma_start3A_108 = arith.constant 0 : i32
          %dma_start3A_109 = arith.constant 0 : i32
          %dma_start3A_110 = tpu.memref_slice %arg10[%dma_start3A_108, %dma_start3A_109] : memref<10240x128xf32, #tpu.memory_space<vmem_shared>> -> memref<10240x128xf32, #tpu.memory_space<vmem_shared>>
          tpu.enqueue_indirect_dma source(%arg9 : memref<128x128xf32, #tpu.memory_space<vmem>>) target(%dma_start3A_110 : memref<10240x128xf32, #tpu.memory_space<vmem_shared>>) offsets(%dma_start3A_107 : memref<128xi32, #tpu.memory_space<vmem>>) semaphore(%run_scoped3A : memref<!tpu.dma_semaphore, #tpu.memory_space<semaphore_mem>>) {add = true}
          %dma_wait3A_111 = arith.constant 0 : i32
          %dma_wait3A_112 = tpu.memref_slice %arg7[%add3A_97, %dma_wait3A_111] : memref<40x128xi32, #tpu.memory_space<vmem>> -> memref<1x128xi32, #tpu.memory_space<vmem>>
          %dma_wait3A_113 = tpu.memref_squeeze %dma_wait3A_112 : memref<1x128xi32, #tpu.memory_space<vmem>> -> memref<128xi32, #tpu.memory_space<vmem>>
          %dma_wait3A_114 = arith.constant 0 : i32
          %dma_wait3A_115 = arith.constant 0 : i32
          %dma_wait3A_116 = tpu.memref_slice %arg10[%dma_wait3A_114, %dma_wait3A_115] : memref<10240x128xf32, #tpu.memory_space<vmem_shared>> -> memref<10240x128xf32, #tpu.memory_space<vmem_shared>>
          tpu.wait_indirect_dma semaphore(%run_scoped3A : memref<!tpu.dma_semaphore, #tpu.memory_space<semaphore_mem>>) src(%arg9 : memref<128x128xf32, #tpu.memory_space<vmem>>) dst(%dma_wait3A_116 : memref<10240x128xf32, #tpu.memory_space<vmem_shared>>)
          tpu.yield
        }) : () -> ()
        %add3A_98 = arith.constant 3 : i32
        %add3A_99 = arith.addi %add3A_78, %add3A_98 : i32
        %lt3A_100 = arith.constant 40 : i32
        %lt3A_101 = arith.cmpi slt, %add3A_99, %lt3A_100 : i32
        %convert_element_type3A_102 = arith.extui %lt3A_101 : i1 to i32
        %cond3A_103 = arith.constant 0 : i32
        %cond3A_104 = arith.cmpi ne, %convert_element_type3A_102, %cond3A_103 : i32
        scf.if %cond3A_104 {
          %add3A_105 = arith.constant 3 : i32
          %add3A_106 = arith.addi %add3A_78, %add3A_105 : i32
          %dma_start3A_107 = arith.constant 0 : i32
          %dma_start3A_108 = tpu.memref_slice %arg6[%add3A_106, %dma_start3A_107] : memref<40x128xi32, #tpu.memory_space<vmem>> -> memref<1x128xi32, #tpu.memory_space<vmem>>
          %dma_start3A_109 = tpu.memref_squeeze %dma_start3A_108 : memref<1x128xi32, #tpu.memory_space<vmem>> -> memref<128xi32, #tpu.memory_space<vmem>>
          %dma_start3A_110 = arith.constant 0 : i32
          %dma_start3A_111 = arith.constant 0 : i32
          %dma_start3A_112 = tpu.memref_slice %arg2[%dma_start3A_110, %dma_start3A_111] : memref<10240x128xf32, #tpu.memory_space<hbm>> -> memref<10240x128xf32, #tpu.memory_space<hbm>>
          tpu.enqueue_indirect_dma source(%dma_start3A_112 : memref<10240x128xf32, #tpu.memory_space<hbm>>) target(%arg9 : memref<128x128xf32, #tpu.memory_space<vmem>>) offsets(%dma_start3A_109 : memref<128xi32, #tpu.memory_space<vmem>>) semaphore(%arg12 : memref<!tpu.dma_semaphore, #tpu.memory_space<semaphore_mem>>)
        } else {
        }
      }
      %scan3A_73 = arith.constant 20 : i32
    }
    %barrier3A_44 = arith.constant 0 : index
    tpu.barrier barrier_id(%barrier3A_44)
    %mul3A_45 = arith.constant 640 : i32
    %mul3A_46 = arith.muli %arg1, %mul3A_45 : i32
    %mul3A_47 = arith.constant 640 : i32
    %mul3A_48 = arith.muli %arg1, %mul3A_47 : i32
    "tpu.region"() ({
      %run_scoped3A = tpu.sem_alloc : memref<!tpu.dma_semaphore, #tpu.memory_space<semaphore_mem>>
      %dma_start3A = arith.constant 0 : i32
      %dma_start3A_49 = tpu.memref_slice %arg5[%arg0, %mul3A_48, %dma_start3A] : memref<2x10240x128xf32, #tpu.memory_space<hbm>> -> memref<1x640x128xf32, #tpu.memory_space<hbm>>
      %dma_start3A_50 = tpu.memref_squeeze %dma_start3A_49 : memref<1x640x128xf32, #tpu.memory_space<hbm>> -> memref<640x128xf32, #tpu.memory_space<hbm>>
      %dma_start3A_51 = arith.constant 0 : i32
      %dma_start3A_52 = tpu.memref_slice %arg10[%mul3A_46, %dma_start3A_51] : memref<10240x128xf32, #tpu.memory_space<vmem_shared>> -> memref<640x128xf32, #tpu.memory_space<vmem_shared>>
      tpu.enqueue_dma source(%dma_start3A_52 : memref<640x128xf32, #tpu.memory_space<vmem_shared>>) target(%dma_start3A_50 : memref<640x128xf32, #tpu.memory_space<hbm>>) target_semaphore(%run_scoped3A : memref<!tpu.dma_semaphore, #tpu.memory_space<semaphore_mem>>)
      %dma_wait3A = arith.constant 0 : i32
      %dma_wait3A_53 = tpu.memref_slice %arg5[%arg0, %mul3A_48, %dma_wait3A] : memref<2x10240x128xf32, #tpu.memory_space<hbm>> -> memref<1x640x128xf32, #tpu.memory_space<hbm>>
      %dma_wait3A_54 = tpu.memref_squeeze %dma_wait3A_53 : memref<1x640x128xf32, #tpu.memory_space<hbm>> -> memref<640x128xf32, #tpu.memory_space<hbm>>
      %dma_wait3A_55 = arith.constant 0 : i32
      %dma_wait3A_56 = tpu.memref_slice %arg10[%mul3A_46, %dma_wait3A_55] : memref<10240x128xf32, #tpu.memory_space<vmem_shared>> -> memref<640x128xf32, #tpu.memory_space<vmem_shared>>
      tpu.wait_dma2 semaphore(%run_scoped3A : memref<!tpu.dma_semaphore, #tpu.memory_space<semaphore_mem>>) src(%dma_wait3A_56 : memref<640x128xf32, #tpu.memory_space<vmem_shared>>) dst(%dma_wait3A_54 : memref<640x128xf32, #tpu.memory_space<hbm>>)
      tpu.yield
    }) : () -> ()
    return
  }
}

#map = affine_map<(d0, d1) -> (0, 0, 0)>
module attributes {stable_mosaic.version = 14 : i64} {
  func.func @_deg_sc(%arg0: i32, %arg1: i32, %arg2: memref<32x80x128xi32, #tpu.memory_space<hbm>>, %arg3: memref<2x10240x128xf32, #tpu.memory_space<hbm>>, %arg4: memref<80x128xi32, #tpu.memory_space<vmem>>, %arg5: memref<128x128xf32, #tpu.memory_space<vmem>>, %arg6: memref<10240x128xf32, #tpu.memory_space<vmem_shared>>) attributes {dimension_semantics = [#tpu.dimension_semantics<core_parallel>, #tpu.dimension_semantics<subcore_parallel>], iteration_bounds = array<i64: 2, 16>, scalar_prefetch = 0 : i64, scratch_operands = 3 : i64, tpu.core_type = #tpu.core_type<sc_vector_subcore>, window_params = [{transform_indices = #map}, {transform_indices = #map}]} {
    %mul3A = arith.constant 16 : i32
    %mul3A_0 = arith.muli %arg0, %mul3A : i32
    %add3A = arith.addi %mul3A_0, %arg1 : i32
    "tpu.region"() ({
      %run_scoped3A = tpu.sem_alloc : memref<!tpu.dma_semaphore, #tpu.memory_space<semaphore_mem>>
      %dma_start3A = arith.constant 0 : i32
      %dma_start3A_43 = arith.constant 0 : i32
      %dma_start3A_44 = tpu.memref_slice %arg2[%add3A, %dma_start3A, %dma_start3A_43] : memref<32x80x128xi32, #tpu.memory_space<hbm>> -> memref<1x80x128xi32, #tpu.memory_space<hbm>>
      %dma_start3A_45 = tpu.memref_squeeze %dma_start3A_44 : memref<1x80x128xi32, #tpu.memory_space<hbm>> -> memref<80x128xi32, #tpu.memory_space<hbm>>
      %dma_start3A_46 = arith.constant 0 : i32
      %dma_start3A_47 = arith.constant 0 : i32
      %dma_start3A_48 = tpu.memref_slice %arg2[%add3A, %dma_start3A_46, %dma_start3A_47] : memref<32x80x128xi32, #tpu.memory_space<hbm>> -> memref<1x80x128xi32, #tpu.memory_space<hbm>>
      %dma_start3A_49 = tpu.memref_squeeze %dma_start3A_48 : memref<1x80x128xi32, #tpu.memory_space<hbm>> -> memref<80x128xi32, #tpu.memory_space<hbm>>
      tpu.enqueue_dma source(%dma_start3A_49 : memref<80x128xi32, #tpu.memory_space<hbm>>) target(%arg4 : memref<80x128xi32, #tpu.memory_space<vmem>>) target_semaphore(%run_scoped3A : memref<!tpu.dma_semaphore, #tpu.memory_space<semaphore_mem>>)
      %dma_wait3A = arith.constant 0 : i32
      %dma_wait3A_50 = arith.constant 0 : i32
      %dma_wait3A_51 = tpu.memref_slice %arg2[%add3A, %dma_wait3A, %dma_wait3A_50] : memref<32x80x128xi32, #tpu.memory_space<hbm>> -> memref<1x80x128xi32, #tpu.memory_space<hbm>>
      %dma_wait3A_52 = tpu.memref_squeeze %dma_wait3A_51 : memref<1x80x128xi32, #tpu.memory_space<hbm>> -> memref<80x128xi32, #tpu.memory_space<hbm>>
      %dma_wait3A_53 = arith.constant 0 : i32
      %dma_wait3A_54 = arith.constant 0 : i32
      %dma_wait3A_55 = tpu.memref_slice %arg2[%add3A, %dma_wait3A_53, %dma_wait3A_54] : memref<32x80x128xi32, #tpu.memory_space<hbm>> -> memref<1x80x128xi32, #tpu.memory_space<hbm>>
      %dma_wait3A_56 = tpu.memref_squeeze %dma_wait3A_55 : memref<1x80x128xi32, #tpu.memory_space<hbm>> -> memref<80x128xi32, #tpu.memory_space<hbm>>
      tpu.wait_dma2 semaphore(%run_scoped3A : memref<!tpu.dma_semaphore, #tpu.memory_space<semaphore_mem>>) src(%dma_wait3A_56 : memref<80x128xi32, #tpu.memory_space<hbm>>) dst(%arg4 : memref<80x128xi32, #tpu.memory_space<vmem>>)
      tpu.yield
    }) : () -> ()
    %broadcast_in_dim3A = arith.constant 0.000000e+00 : f32
    %broadcast_in_dim3A_1 = vector.broadcast %broadcast_in_dim3A : f32 to vector<16xf32>
    %scan3A = arith.constant 0 : i32
    %scan3A_2 = arith.constant 128 : i32
    %scan3A_3 = arith.addi %scan3A, %scan3A_2 : i32
    %scan3A_4 = arith.constant 1 : i32
    scf.for %scan3A_43 = %scan3A to %scan3A_3 step %scan3A_4  : i32 {
      %mul3A_44 = arith.constant 1 : i32
      %mul3A_45 = arith.muli %scan3A_43, %mul3A_44 : i32
      %add3A_46 = arith.constant 0 : i32
      %add3A_47 = arith.addi %add3A_46, %mul3A_45 : i32
      %swap3A = arith.index_cast %add3A_47 : i32 to index
      %swap3A_48 = arith.constant 0 : index
      %swap3A_49 = tpu.vector_load %arg5[%swap3A, %swap3A_48] {strides = array<i32>} : memref<128x128xf32, #tpu.memory_space<vmem>>, vector<1x16xf32>,
      %swap3A_50 = vector.shape_cast %swap3A_49 : vector<1x16xf32> to vector<16xf32>
      %swap3A_51 = vector.shape_cast %broadcast_in_dim3A_1 : vector<16xf32> to vector<1x16xf32>
      tpu.vector_store %arg5[%swap3A, %swap3A_48], %swap3A_51 {strides = array<i32>} : memref<128x128xf32, #tpu.memory_space<vmem>>, vector<1x16xf32>,
      %swap3A_52 = arith.index_cast %add3A_47 : i32 to index
      %swap3A_53 = arith.constant 16 : index
      %swap3A_54 = tpu.vector_load %arg5[%swap3A_52, %swap3A_53] {strides = array<i32>} : memref<128x128xf32, #tpu.memory_space<vmem>>, vector<1x16xf32>,
      %swap3A_55 = vector.shape_cast %swap3A_54 : vector<1x16xf32> to vector<16xf32>
      %swap3A_56 = vector.shape_cast %broadcast_in_dim3A_1 : vector<16xf32> to vector<1x16xf32>
      tpu.vector_store %arg5[%swap3A_52, %swap3A_53], %swap3A_56 {strides = array<i32>} : memref<128x128xf32, #tpu.memory_space<vmem>>, vector<1x16xf32>,
      %swap3A_57 = arith.index_cast %add3A_47 : i32 to index
      %swap3A_58 = arith.constant 32 : index
      %swap3A_59 = tpu.vector_load %arg5[%swap3A_57, %swap3A_58] {strides = array<i32>} : memref<128x128xf32, #tpu.memory_space<vmem>>, vector<1x16xf32>,
      %swap3A_60 = vector.shape_cast %swap3A_59 : vector<1x16xf32> to vector<16xf32>
      %swap3A_61 = vector.shape_cast %broadcast_in_dim3A_1 : vector<16xf32> to vector<1x16xf32>
      tpu.vector_store %arg5[%swap3A_57, %swap3A_58], %swap3A_61 {strides = array<i32>} : memref<128x128xf32, #tpu.memory_space<vmem>>, vector<1x16xf32>,
      %swap3A_62 = arith.index_cast %add3A_47 : i32 to index
      %swap3A_63 = arith.constant 48 : index
      %swap3A_64 = tpu.vector_load %arg5[%swap3A_62, %swap3A_63] {strides = array<i32>} : memref<128x128xf32, #tpu.memory_space<vmem>>, vector<1x16xf32>,
      %swap3A_65 = vector.shape_cast %swap3A_64 : vector<1x16xf32> to vector<16xf32>
      %swap3A_66 = vector.shape_cast %broadcast_in_dim3A_1 : vector<16xf32> to vector<1x16xf32>
      tpu.vector_store %arg5[%swap3A_62, %swap3A_63], %swap3A_66 {strides = array<i32>} : memref<128x128xf32, #tpu.memory_space<vmem>>, vector<1x16xf32>,
      %swap3A_67 = arith.index_cast %add3A_47 : i32 to index
      %swap3A_68 = arith.constant 64 : index
      %swap3A_69 = tpu.vector_load %arg5[%swap3A_67, %swap3A_68] {strides = array<i32>} : memref<128x128xf32, #tpu.memory_space<vmem>>, vector<1x16xf32>,
      %swap3A_70 = vector.shape_cast %swap3A_69 : vector<1x16xf32> to vector<16xf32>
      %swap3A_71 = vector.shape_cast %broadcast_in_dim3A_1 : vector<16xf32> to vector<1x16xf32>
      tpu.vector_store %arg5[%swap3A_67, %swap3A_68], %swap3A_71 {strides = array<i32>} : memref<128x128xf32, #tpu.memory_space<vmem>>, vector<1x16xf32>,
      %swap3A_72 = arith.index_cast %add3A_47 : i32 to index
      %swap3A_73 = arith.constant 80 : index
      %swap3A_74 = tpu.vector_load %arg5[%swap3A_72, %swap3A_73] {strides = array<i32>} : memref<128x128xf32, #tpu.memory_space<vmem>>, vector<1x16xf32>,
      %swap3A_75 = vector.shape_cast %swap3A_74 : vector<1x16xf32> to vector<16xf32>
      %swap3A_76 = vector.shape_cast %broadcast_in_dim3A_1 : vector<16xf32> to vector<1x16xf32>
      tpu.vector_store %arg5[%swap3A_72, %swap3A_73], %swap3A_76 {strides = array<i32>} : memref<128x128xf32, #tpu.memory_space<vmem>>, vector<1x16xf32>,
      %swap3A_77 = arith.index_cast %add3A_47 : i32 to index
      %swap3A_78 = arith.constant 96 : index
      %swap3A_79 = tpu.vector_load %arg5[%swap3A_77, %swap3A_78] {strides = array<i32>} : memref<128x128xf32, #tpu.memory_space<vmem>>, vector<1x16xf32>,
      %swap3A_80 = vector.shape_cast %swap3A_79 : vector<1x16xf32> to vector<16xf32>
      %swap3A_81 = vector.shape_cast %broadcast_in_dim3A_1 : vector<16xf32> to vector<1x16xf32>
      tpu.vector_store %arg5[%swap3A_77, %swap3A_78], %swap3A_81 {strides = array<i32>} : memref<128x128xf32, #tpu.memory_space<vmem>>, vector<1x16xf32>,
      %swap3A_82 = arith.index_cast %add3A_47 : i32 to index
      %swap3A_83 = arith.constant 112 : index
      %swap3A_84 = tpu.vector_load %arg5[%swap3A_82, %swap3A_83] {strides = array<i32>} : memref<128x128xf32, #tpu.memory_space<vmem>>, vector<1x16xf32>,
      %swap3A_85 = vector.shape_cast %swap3A_84 : vector<1x16xf32> to vector<16xf32>
      %swap3A_86 = vector.shape_cast %broadcast_in_dim3A_1 : vector<16xf32> to vector<1x16xf32>
      tpu.vector_store %arg5[%swap3A_82, %swap3A_83], %swap3A_86 {strides = array<i32>} : memref<128x128xf32, #tpu.memory_space<vmem>>, vector<1x16xf32>,
    }
    %scan3A_5 = arith.constant 128 : i32
    %mul3A_6 = arith.constant 640 : i32
    %mul3A_7 = arith.muli %arg1, %mul3A_6 : i32
    %add3A_8 = arith.constant 0 : i32
    %add3A_9 = arith.addi %mul3A_7, %add3A_8 : i32
    "tpu.region"() ({
      %run_scoped3A = tpu.sem_alloc : memref<!tpu.dma_semaphore, #tpu.memory_space<semaphore_mem>>
      %dma_start3A = arith.constant 0 : i32
      %dma_start3A_43 = tpu.memref_slice %arg6[%add3A_9, %dma_start3A] : memref<10240x128xf32, #tpu.memory_space<vmem_shared>> -> memref<128x128xf32, #tpu.memory_space<vmem_shared>>
      %dma_start3A_44 = arith.constant 0 : i32
      %dma_start3A_45 = tpu.memref_slice %arg6[%add3A_9, %dma_start3A_44] : memref<10240x128xf32, #tpu.memory_space<vmem_shared>> -> memref<128x128xf32, #tpu.memory_space<vmem_shared>>
      tpu.enqueue_dma source(%arg5 : memref<128x128xf32, #tpu.memory_space<vmem>>) target(%dma_start3A_45 : memref<128x128xf32, #tpu.memory_space<vmem_shared>>) target_semaphore(%run_scoped3A : memref<!tpu.dma_semaphore, #tpu.memory_space<semaphore_mem>>)
      %dma_wait3A = arith.constant 0 : i32
      %dma_wait3A_46 = tpu.memref_slice %arg6[%add3A_9, %dma_wait3A] : memref<10240x128xf32, #tpu.memory_space<vmem_shared>> -> memref<128x128xf32, #tpu.memory_space<vmem_shared>>
      %dma_wait3A_47 = arith.constant 0 : i32
      %dma_wait3A_48 = tpu.memref_slice %arg6[%add3A_9, %dma_wait3A_47] : memref<10240x128xf32, #tpu.memory_space<vmem_shared>> -> memref<128x128xf32, #tpu.memory_space<vmem_shared>>
      tpu.wait_dma2 semaphore(%run_scoped3A : memref<!tpu.dma_semaphore, #tpu.memory_space<semaphore_mem>>) src(%arg5 : memref<128x128xf32, #tpu.memory_space<vmem>>) dst(%dma_wait3A_48 : memref<128x128xf32, #tpu.memory_space<vmem_shared>>)
      tpu.yield
    }) : () -> ()
    %mul3A_10 = arith.constant 640 : i32
    %mul3A_11 = arith.muli %arg1, %mul3A_10 : i32
    %add3A_12 = arith.constant 128 : i32
    %add3A_13 = arith.addi %mul3A_11, %add3A_12 : i32
    "tpu.region"() ({
      %run_scoped3A = tpu.sem_alloc : memref<!tpu.dma_semaphore, #tpu.memory_space<semaphore_mem>>
      %dma_start3A = arith.constant 0 : i32
      %dma_start3A_43 = tpu.memref_slice %arg6[%add3A_13, %dma_start3A] : memref<10240x128xf32, #tpu.memory_space<vmem_shared>> -> memref<128x128xf32, #tpu.memory_space<vmem_shared>>
      %dma_start3A_44 = arith.constant 0 : i32
      %dma_start3A_45 = tpu.memref_slice %arg6[%add3A_13, %dma_start3A_44] : memref<10240x128xf32, #tpu.memory_space<vmem_shared>> -> memref<128x128xf32, #tpu.memory_space<vmem_shared>>
      tpu.enqueue_dma source(%arg5 : memref<128x128xf32, #tpu.memory_space<vmem>>) target(%dma_start3A_45 : memref<128x128xf32, #tpu.memory_space<vmem_shared>>) target_semaphore(%run_scoped3A : memref<!tpu.dma_semaphore, #tpu.memory_space<semaphore_mem>>)
      %dma_wait3A = arith.constant 0 : i32
      %dma_wait3A_46 = tpu.memref_slice %arg6[%add3A_13, %dma_wait3A] : memref<10240x128xf32, #tpu.memory_space<vmem_shared>> -> memref<128x128xf32, #tpu.memory_space<vmem_shared>>
      %dma_wait3A_47 = arith.constant 0 : i32
      %dma_wait3A_48 = tpu.memref_slice %arg6[%add3A_13, %dma_wait3A_47] : memref<10240x128xf32, #tpu.memory_space<vmem_shared>> -> memref<128x128xf32, #tpu.memory_space<vmem_shared>>
      tpu.wait_dma2 semaphore(%run_scoped3A : memref<!tpu.dma_semaphore, #tpu.memory_space<semaphore_mem>>) src(%arg5 : memref<128x128xf32, #tpu.memory_space<vmem>>) dst(%dma_wait3A_48 : memref<128x128xf32, #tpu.memory_space<vmem_shared>>)
      tpu.yield
    }) : () -> ()
    %mul3A_14 = arith.constant 640 : i32
    %mul3A_15 = arith.muli %arg1, %mul3A_14 : i32
    %add3A_16 = arith.constant 256 : i32
    %add3A_17 = arith.addi %mul3A_15, %add3A_16 : i32
    "tpu.region"() ({
      %run_scoped3A = tpu.sem_alloc : memref<!tpu.dma_semaphore, #tpu.memory_space<semaphore_mem>>
      %dma_start3A = arith.constant 0 : i32
      %dma_start3A_43 = tpu.memref_slice %arg6[%add3A_17, %dma_start3A] : memref<10240x128xf32, #tpu.memory_space<vmem_shared>> -> memref<128x128xf32, #tpu.memory_space<vmem_shared>>
      %dma_start3A_44 = arith.constant 0 : i32
      %dma_start3A_45 = tpu.memref_slice %arg6[%add3A_17, %dma_start3A_44] : memref<10240x128xf32, #tpu.memory_space<vmem_shared>> -> memref<128x128xf32, #tpu.memory_space<vmem_shared>>
      tpu.enqueue_dma source(%arg5 : memref<128x128xf32, #tpu.memory_space<vmem>>) target(%dma_start3A_45 : memref<128x128xf32, #tpu.memory_space<vmem_shared>>) target_semaphore(%run_scoped3A : memref<!tpu.dma_semaphore, #tpu.memory_space<semaphore_mem>>)
      %dma_wait3A = arith.constant 0 : i32
      %dma_wait3A_46 = tpu.memref_slice %arg6[%add3A_17, %dma_wait3A] : memref<10240x128xf32, #tpu.memory_space<vmem_shared>> -> memref<128x128xf32, #tpu.memory_space<vmem_shared>>
      %dma_wait3A_47 = arith.constant 0 : i32
      %dma_wait3A_48 = tpu.memref_slice %arg6[%add3A_17, %dma_wait3A_47] : memref<10240x128xf32, #tpu.memory_space<vmem_shared>> -> memref<128x128xf32, #tpu.memory_space<vmem_shared>>
      tpu.wait_dma2 semaphore(%run_scoped3A : memref<!tpu.dma_semaphore, #tpu.memory_space<semaphore_mem>>) src(%arg5 : memref<128x128xf32, #tpu.memory_space<vmem>>) dst(%dma_wait3A_48 : memref<128x128xf32, #tpu.memory_space<vmem_shared>>)
      tpu.yield
    }) : () -> ()
    %mul3A_18 = arith.constant 640 : i32
    %mul3A_19 = arith.muli %arg1, %mul3A_18 : i32
    %add3A_20 = arith.constant 384 : i32
    %add3A_21 = arith.addi %mul3A_19, %add3A_20 : i32
    "tpu.region"() ({
      %run_scoped3A = tpu.sem_alloc : memref<!tpu.dma_semaphore, #tpu.memory_space<semaphore_mem>>
      %dma_start3A = arith.constant 0 : i32
      %dma_start3A_43 = tpu.memref_slice %arg6[%add3A_21, %dma_start3A] : memref<10240x128xf32, #tpu.memory_space<vmem_shared>> -> memref<128x128xf32, #tpu.memory_space<vmem_shared>>
      %dma_start3A_44 = arith.constant 0 : i32
      %dma_start3A_45 = tpu.memref_slice %arg6[%add3A_21, %dma_start3A_44] : memref<10240x128xf32, #tpu.memory_space<vmem_shared>> -> memref<128x128xf32, #tpu.memory_space<vmem_shared>>
      tpu.enqueue_dma source(%arg5 : memref<128x128xf32, #tpu.memory_space<vmem>>) target(%dma_start3A_45 : memref<128x128xf32, #tpu.memory_space<vmem_shared>>) target_semaphore(%run_scoped3A : memref<!tpu.dma_semaphore, #tpu.memory_space<semaphore_mem>>)
      %dma_wait3A = arith.constant 0 : i32
      %dma_wait3A_46 = tpu.memref_slice %arg6[%add3A_21, %dma_wait3A] : memref<10240x128xf32, #tpu.memory_space<vmem_shared>> -> memref<128x128xf32, #tpu.memory_space<vmem_shared>>
      %dma_wait3A_47 = arith.constant 0 : i32
      %dma_wait3A_48 = tpu.memref_slice %arg6[%add3A_21, %dma_wait3A_47] : memref<10240x128xf32, #tpu.memory_space<vmem_shared>> -> memref<128x128xf32, #tpu.memory_space<vmem_shared>>
      tpu.wait_dma2 semaphore(%run_scoped3A : memref<!tpu.dma_semaphore, #tpu.memory_space<semaphore_mem>>) src(%arg5 : memref<128x128xf32, #tpu.memory_space<vmem>>) dst(%dma_wait3A_48 : memref<128x128xf32, #tpu.memory_space<vmem_shared>>)
      tpu.yield
    }) : () -> ()
    %mul3A_22 = arith.constant 640 : i32
    %mul3A_23 = arith.muli %arg1, %mul3A_22 : i32
    %add3A_24 = arith.constant 512 : i32
    %add3A_25 = arith.addi %mul3A_23, %add3A_24 : i32
    "tpu.region"() ({
      %run_scoped3A = tpu.sem_alloc : memref<!tpu.dma_semaphore, #tpu.memory_space<semaphore_mem>>
      %dma_start3A = arith.constant 0 : i32
      %dma_start3A_43 = tpu.memref_slice %arg6[%add3A_25, %dma_start3A] : memref<10240x128xf32, #tpu.memory_space<vmem_shared>> -> memref<128x128xf32, #tpu.memory_space<vmem_shared>>
      %dma_start3A_44 = arith.constant 0 : i32
      %dma_start3A_45 = tpu.memref_slice %arg6[%add3A_25, %dma_start3A_44] : memref<10240x128xf32, #tpu.memory_space<vmem_shared>> -> memref<128x128xf32, #tpu.memory_space<vmem_shared>>
      tpu.enqueue_dma source(%arg5 : memref<128x128xf32, #tpu.memory_space<vmem>>) target(%dma_start3A_45 : memref<128x128xf32, #tpu.memory_space<vmem_shared>>) target_semaphore(%run_scoped3A : memref<!tpu.dma_semaphore, #tpu.memory_space<semaphore_mem>>)
      %dma_wait3A = arith.constant 0 : i32
      %dma_wait3A_46 = tpu.memref_slice %arg6[%add3A_25, %dma_wait3A] : memref<10240x128xf32, #tpu.memory_space<vmem_shared>> -> memref<128x128xf32, #tpu.memory_space<vmem_shared>>
      %dma_wait3A_47 = arith.constant 0 : i32
      %dma_wait3A_48 = tpu.memref_slice %arg6[%add3A_25, %dma_wait3A_47] : memref<10240x128xf32, #tpu.memory_space<vmem_shared>> -> memref<128x128xf32, #tpu.memory_space<vmem_shared>>
      tpu.wait_dma2 semaphore(%run_scoped3A : memref<!tpu.dma_semaphore, #tpu.memory_space<semaphore_mem>>) src(%arg5 : memref<128x128xf32, #tpu.memory_space<vmem>>) dst(%dma_wait3A_48 : memref<128x128xf32, #tpu.memory_space<vmem_shared>>)
      tpu.yield
    }) : () -> ()
    %broadcast_in_dim3A_26 = arith.constant 1.000000e+00 : f32
    %broadcast_in_dim3A_27 = vector.broadcast %broadcast_in_dim3A_26 : f32 to vector<16xf32>
    %scan3A_28 = arith.constant 0 : i32
    %scan3A_29 = arith.constant 128 : i32
    %scan3A_30 = arith.addi %scan3A_28, %scan3A_29 : i32
    %scan3A_31 = arith.constant 1 : i32
    scf.for %scan3A_43 = %scan3A_28 to %scan3A_30 step %scan3A_31  : i32 {
      %mul3A_44 = arith.constant 1 : i32
      %mul3A_45 = arith.muli %scan3A_43, %mul3A_44 : i32
      %add3A_46 = arith.constant 0 : i32
      %add3A_47 = arith.addi %add3A_46, %mul3A_45 : i32
      %swap3A = arith.index_cast %add3A_47 : i32 to index
      %swap3A_48 = arith.constant 0 : index
      %swap3A_49 = tpu.vector_load %arg5[%swap3A, %swap3A_48] {strides = array<i32>} : memref<128x128xf32, #tpu.memory_space<vmem>>, vector<1x16xf32>,
      %swap3A_50 = vector.shape_cast %swap3A_49 : vector<1x16xf32> to vector<16xf32>
      %swap3A_51 = vector.shape_cast %broadcast_in_dim3A_27 : vector<16xf32> to vector<1x16xf32>
      tpu.vector_store %arg5[%swap3A, %swap3A_48], %swap3A_51 {strides = array<i32>} : memref<128x128xf32, #tpu.memory_space<vmem>>, vector<1x16xf32>,
      %swap3A_52 = arith.index_cast %add3A_47 : i32 to index
      %swap3A_53 = arith.constant 16 : index
      %swap3A_54 = tpu.vector_load %arg5[%swap3A_52, %swap3A_53] {strides = array<i32>} : memref<128x128xf32, #tpu.memory_space<vmem>>, vector<1x16xf32>,
      %swap3A_55 = vector.shape_cast %swap3A_54 : vector<1x16xf32> to vector<16xf32>
      %swap3A_56 = vector.shape_cast %broadcast_in_dim3A_27 : vector<16xf32> to vector<1x16xf32>
      tpu.vector_store %arg5[%swap3A_52, %swap3A_53], %swap3A_56 {strides = array<i32>} : memref<128x128xf32, #tpu.memory_space<vmem>>, vector<1x16xf32>,
      %swap3A_57 = arith.index_cast %add3A_47 : i32 to index
      %swap3A_58 = arith.constant 32 : index
      %swap3A_59 = tpu.vector_load %arg5[%swap3A_57, %swap3A_58] {strides = array<i32>} : memref<128x128xf32, #tpu.memory_space<vmem>>, vector<1x16xf32>,
      %swap3A_60 = vector.shape_cast %swap3A_59 : vector<1x16xf32> to vector<16xf32>
      %swap3A_61 = vector.shape_cast %broadcast_in_dim3A_27 : vector<16xf32> to vector<1x16xf32>
      tpu.vector_store %arg5[%swap3A_57, %swap3A_58], %swap3A_61 {strides = array<i32>} : memref<128x128xf32, #tpu.memory_space<vmem>>, vector<1x16xf32>,
      %swap3A_62 = arith.index_cast %add3A_47 : i32 to index
      %swap3A_63 = arith.constant 48 : index
      %swap3A_64 = tpu.vector_load %arg5[%swap3A_62, %swap3A_63] {strides = array<i32>} : memref<128x128xf32, #tpu.memory_space<vmem>>, vector<1x16xf32>,
      %swap3A_65 = vector.shape_cast %swap3A_64 : vector<1x16xf32> to vector<16xf32>
      %swap3A_66 = vector.shape_cast %broadcast_in_dim3A_27 : vector<16xf32> to vector<1x16xf32>
      tpu.vector_store %arg5[%swap3A_62, %swap3A_63], %swap3A_66 {strides = array<i32>} : memref<128x128xf32, #tpu.memory_space<vmem>>, vector<1x16xf32>,
      %swap3A_67 = arith.index_cast %add3A_47 : i32 to index
      %swap3A_68 = arith.constant 64 : index
      %swap3A_69 = tpu.vector_load %arg5[%swap3A_67, %swap3A_68] {strides = array<i32>} : memref<128x128xf32, #tpu.memory_space<vmem>>, vector<1x16xf32>,
      %swap3A_70 = vector.shape_cast %swap3A_69 : vector<1x16xf32> to vector<16xf32>
      %swap3A_71 = vector.shape_cast %broadcast_in_dim3A_27 : vector<16xf32> to vector<1x16xf32>
      tpu.vector_store %arg5[%swap3A_67, %swap3A_68], %swap3A_71 {strides = array<i32>} : memref<128x128xf32, #tpu.memory_space<vmem>>, vector<1x16xf32>,
      %swap3A_72 = arith.index_cast %add3A_47 : i32 to index
      %swap3A_73 = arith.constant 80 : index
      %swap3A_74 = tpu.vector_load %arg5[%swap3A_72, %swap3A_73] {strides = array<i32>} : memref<128x128xf32, #tpu.memory_space<vmem>>, vector<1x16xf32>,
      %swap3A_75 = vector.shape_cast %swap3A_74 : vector<1x16xf32> to vector<16xf32>
      %swap3A_76 = vector.shape_cast %broadcast_in_dim3A_27 : vector<16xf32> to vector<1x16xf32>
      tpu.vector_store %arg5[%swap3A_72, %swap3A_73], %swap3A_76 {strides = array<i32>} : memref<128x128xf32, #tpu.memory_space<vmem>>, vector<1x16xf32>,
      %swap3A_77 = arith.index_cast %add3A_47 : i32 to index
      %swap3A_78 = arith.constant 96 : index
      %swap3A_79 = tpu.vector_load %arg5[%swap3A_77, %swap3A_78] {strides = array<i32>} : memref<128x128xf32, #tpu.memory_space<vmem>>, vector<1x16xf32>,
      %swap3A_80 = vector.shape_cast %swap3A_79 : vector<1x16xf32> to vector<16xf32>
      %swap3A_81 = vector.shape_cast %broadcast_in_dim3A_27 : vector<16xf32> to vector<1x16xf32>
      tpu.vector_store %arg5[%swap3A_77, %swap3A_78], %swap3A_81 {strides = array<i32>} : memref<128x128xf32, #tpu.memory_space<vmem>>, vector<1x16xf32>,
      %swap3A_82 = arith.index_cast %add3A_47 : i32 to index
      %swap3A_83 = arith.constant 112 : index
      %swap3A_84 = tpu.vector_load %arg5[%swap3A_82, %swap3A_83] {strides = array<i32>} : memref<128x128xf32, #tpu.memory_space<vmem>>, vector<1x16xf32>,
      %swap3A_85 = vector.shape_cast %swap3A_84 : vector<1x16xf32> to vector<16xf32>
      %swap3A_86 = vector.shape_cast %broadcast_in_dim3A_27 : vector<16xf32> to vector<1x16xf32>
      tpu.vector_store %arg5[%swap3A_82, %swap3A_83], %swap3A_86 {strides = array<i32>} : memref<128x128xf32, #tpu.memory_space<vmem>>, vector<1x16xf32>,
    }
    %scan3A_32 = arith.constant 128 : i32
    %barrier3A = arith.constant 0 : index
    tpu.barrier barrier_id(%barrier3A)
    %scan3A_33 = arith.constant 0 : i32
    %scan3A_34 = arith.constant 80 : i32
    %scan3A_35 = arith.addi %scan3A_33, %scan3A_34 : i32
    %scan3A_36 = arith.constant 1 : i32
    scf.for %scan3A_43 = %scan3A_33 to %scan3A_35 step %scan3A_36  : i32 {
      %mul3A_44 = arith.constant 1 : i32
      %mul3A_45 = arith.muli %scan3A_43, %mul3A_44 : i32
      %add3A_46 = arith.constant 0 : i32
      %add3A_47 = arith.addi %add3A_46, %mul3A_45 : i32
      "tpu.region"() ({
        %run_scoped3A = tpu.sem_alloc : memref<!tpu.dma_semaphore, #tpu.memory_space<semaphore_mem>>
        %dma_start3A = arith.constant 0 : i32
        %dma_start3A_48 = tpu.memref_slice %arg4[%add3A_47, %dma_start3A] : memref<80x128xi32, #tpu.memory_space<vmem>> -> memref<1x128xi32, #tpu.memory_space<vmem>>
        %dma_start3A_49 = tpu.memref_squeeze %dma_start3A_48 : memref<1x128xi32, #tpu.memory_space<vmem>> -> memref<128xi32, #tpu.memory_space<vmem>>
        %dma_start3A_50 = arith.constant 0 : i32
        %dma_start3A_51 = arith.constant 0 : i32
        %dma_start3A_52 = tpu.memref_slice %arg6[%dma_start3A_50, %dma_start3A_51] : memref<10240x128xf32, #tpu.memory_space<vmem_shared>> -> memref<10240x128xf32, #tpu.memory_space<vmem_shared>>
        tpu.enqueue_indirect_dma source(%arg5 : memref<128x128xf32, #tpu.memory_space<vmem>>) target(%dma_start3A_52 : memref<10240x128xf32, #tpu.memory_space<vmem_shared>>) offsets(%dma_start3A_49 : memref<128xi32, #tpu.memory_space<vmem>>) semaphore(%run_scoped3A : memref<!tpu.dma_semaphore, #tpu.memory_space<semaphore_mem>>) {add = true}
        %dma_wait3A = arith.constant 0 : i32
        %dma_wait3A_53 = tpu.memref_slice %arg4[%add3A_47, %dma_wait3A] : memref<80x128xi32, #tpu.memory_space<vmem>> -> memref<1x128xi32, #tpu.memory_space<vmem>>
        %dma_wait3A_54 = tpu.memref_squeeze %dma_wait3A_53 : memref<1x128xi32, #tpu.memory_space<vmem>> -> memref<128xi32, #tpu.memory_space<vmem>>
        %dma_wait3A_55 = arith.constant 0 : i32
        %dma_wait3A_56 = arith.constant 0 : i32
        %dma_wait3A_57 = tpu.memref_slice %arg6[%dma_wait3A_55, %dma_wait3A_56] : memref<10240x128xf32, #tpu.memory_space<vmem_shared>> -> memref<10240x128xf32, #tpu.memory_space<vmem_shared>>
        tpu.wait_indirect_dma semaphore(%run_scoped3A : memref<!tpu.dma_semaphore, #tpu.memory_space<semaphore_mem>>) src(%arg5 : memref<128x128xf32, #tpu.memory_space<vmem>>) dst(%dma_wait3A_57 : memref<10240x128xf32, #tpu.memory_space<vmem_shared>>)
        tpu.yield
      }) : () -> ()
    }
    %scan3A_37 = arith.constant 80 : i32
    %barrier3A_38 = arith.constant 0 : index
    tpu.barrier barrier_id(%barrier3A_38)
    %mul3A_39 = arith.constant 640 : i32
    %mul3A_40 = arith.muli %arg1, %mul3A_39 : i32
    %mul3A_41 = arith.constant 640 : i32
    %mul3A_42 = arith.muli %arg1, %mul3A_41 : i32
    "tpu.region"() ({
      %run_scoped3A = tpu.sem_alloc : memref<!tpu.dma_semaphore, #tpu.memory_space<semaphore_mem>>
      %dma_start3A = arith.constant 0 : i32
      %dma_start3A_43 = tpu.memref_slice %arg3[%arg0, %mul3A_42, %dma_start3A] : memref<2x10240x128xf32, #tpu.memory_space<hbm>> -> memref<1x640x128xf32, #tpu.memory_space<hbm>>
      %dma_start3A_44 = tpu.memref_squeeze %dma_start3A_43 : memref<1x640x128xf32, #tpu.memory_space<hbm>> -> memref<640x128xf32, #tpu.memory_space<hbm>>
      %dma_start3A_45 = arith.constant 0 : i32
      %dma_start3A_46 = tpu.memref_slice %arg6[%mul3A_40, %dma_start3A_45] : memref<10240x128xf32, #tpu.memory_space<vmem_shared>> -> memref<640x128xf32, #tpu.memory_space<vmem_shared>>
      tpu.enqueue_dma source(%dma_start3A_46 : memref<640x128xf32, #tpu.memory_space<vmem_shared>>) target(%dma_start3A_44 : memref<640x128xf32, #tpu.memory_space<hbm>>) target_semaphore(%run_scoped3A : memref<!tpu.dma_semaphore, #tpu.memory_space<semaphore_mem>>)
      %dma_wait3A = arith.constant 0 : i32
      %dma_wait3A_47 = tpu.memref_slice %arg3[%arg0, %mul3A_42, %dma_wait3A] : memref<2x10240x128xf32, #tpu.memory_space<hbm>> -> memref<1x640x128xf32, #tpu.memory_space<hbm>>
      %dma_wait3A_48 = tpu.memref_squeeze %dma_wait3A_47 : memref<1x640x128xf32, #tpu.memory_space<hbm>> -> memref<640x128xf32, #tpu.memory_space<hbm>>
      %dma_wait3A_49 = arith.constant 0 : i32
      %dma_wait3A_50 = tpu.memref_slice %arg6[%mul3A_40, %dma_wait3A_49] : memref<10240x128xf32, #tpu.memory_space<vmem_shared>> -> memref<640x128xf32, #tpu.memory_space<vmem_shared>>
      tpu.wait_dma2 semaphore(%run_scoped3A : memref<!tpu.dma_semaphore, #tpu.memory_space<semaphore_mem>>) src(%dma_wait3A_50 : memref<640x128xf32, #tpu.memory_space<vmem_shared>>) dst(%dma_wait3A_48 : memref<640x128xf32, #tpu.memory_space<hbm>>)
      tpu.yield
    }) : () -> ()
    return
  }
}

#map = affine_map<(d0, d1) -> (0, 0)>
#map1 = affine_map<(d0, d1) -> (0, 0, 0)>
module attributes {stable_mosaic.version = 14 : i64} {
  func.func @_spmm_sc(%arg0: i32, %arg1: i32, %arg2: memref<10240x128xf32, #tpu.memory_space<hbm>>, %arg3: memref<32x120x128xi32, #tpu.memory_space<hbm>>, %arg4: memref<32x120x128xi32, #tpu.memory_space<hbm>>, %arg5: memref<2x10240x128xf32, #tpu.memory_space<hbm>>, %arg6: memref<40x128xi32, #tpu.memory_space<vmem>>, %arg7: memref<40x128xi32, #tpu.memory_space<vmem>>, %arg8: memref<128x128xf32, #tpu.memory_space<vmem>>, %arg9: memref<128x128xf32, #tpu.memory_space<vmem>>, %arg10: memref<10240x128xf32, #tpu.memory_space<vmem_shared>>, %arg11: memref<!tpu.dma_semaphore, #tpu.memory_space<semaphore_mem>>, %arg12: memref<!tpu.dma_semaphore, #tpu.memory_space<semaphore_mem>>) attributes {dimension_semantics = [#tpu.dimension_semantics<core_parallel>, #tpu.dimension_semantics<subcore_parallel>], iteration_bounds = array<i64: 2, 16>, scalar_prefetch = 0 : i64, scratch_operands = 7 : i64, tpu.core_type = #tpu.core_type<sc_vector_subcore>, window_params = [{transform_indices = #map}, {transform_indices = #map1}, {transform_indices = #map1}, {transform_indices = #map1}]} {
    %mul3A = arith.constant 16 : i32
    %mul3A_0 = arith.muli %arg0, %mul3A : i32
    %add3A = arith.addi %mul3A_0, %arg1 : i32
    %broadcast_in_dim3A = arith.constant 0.000000e+00 : f32
    %broadcast_in_dim3A_1 = vector.broadcast %broadcast_in_dim3A : f32 to vector<16xf32>
    %scan3A = arith.constant 0 : i32
    %scan3A_2 = arith.constant 128 : i32
    %scan3A_3 = arith.addi %scan3A, %scan3A_2 : i32
    %scan3A_4 = arith.constant 1 : i32
    scf.for %scan3A_49 = %scan3A to %scan3A_3 step %scan3A_4  : i32 {
      %mul3A_50 = arith.constant 1 : i32
      %mul3A_51 = arith.muli %scan3A_49, %mul3A_50 : i32
      %add3A_52 = arith.constant 0 : i32
      %add3A_53 = arith.addi %add3A_52, %mul3A_51 : i32
      %swap3A = arith.index_cast %add3A_53 : i32 to index
      %swap3A_54 = arith.constant 0 : index
      %swap3A_55 = tpu.vector_load %arg8[%swap3A, %swap3A_54] {strides = array<i32>} : memref<128x128xf32, #tpu.memory_space<vmem>>, vector<1x16xf32>,
      %swap3A_56 = vector.shape_cast %swap3A_55 : vector<1x16xf32> to vector<16xf32>
      %swap3A_57 = vector.shape_cast %broadcast_in_dim3A_1 : vector<16xf32> to vector<1x16xf32>
      tpu.vector_store %arg8[%swap3A, %swap3A_54], %swap3A_57 {strides = array<i32>} : memref<128x128xf32, #tpu.memory_space<vmem>>, vector<1x16xf32>,
      %swap3A_58 = arith.index_cast %add3A_53 : i32 to index
      %swap3A_59 = arith.constant 16 : index
      %swap3A_60 = tpu.vector_load %arg8[%swap3A_58, %swap3A_59] {strides = array<i32>} : memref<128x128xf32, #tpu.memory_space<vmem>>, vector<1x16xf32>,
      %swap3A_61 = vector.shape_cast %swap3A_60 : vector<1x16xf32> to vector<16xf32>
      %swap3A_62 = vector.shape_cast %broadcast_in_dim3A_1 : vector<16xf32> to vector<1x16xf32>
      tpu.vector_store %arg8[%swap3A_58, %swap3A_59], %swap3A_62 {strides = array<i32>} : memref<128x128xf32, #tpu.memory_space<vmem>>, vector<1x16xf32>,
      %swap3A_63 = arith.index_cast %add3A_53 : i32 to index
      %swap3A_64 = arith.constant 32 : index
      %swap3A_65 = tpu.vector_load %arg8[%swap3A_63, %swap3A_64] {strides = array<i32>} : memref<128x128xf32, #tpu.memory_space<vmem>>, vector<1x16xf32>,
      %swap3A_66 = vector.shape_cast %swap3A_65 : vector<1x16xf32> to vector<16xf32>
      %swap3A_67 = vector.shape_cast %broadcast_in_dim3A_1 : vector<16xf32> to vector<1x16xf32>
      tpu.vector_store %arg8[%swap3A_63, %swap3A_64], %swap3A_67 {strides = array<i32>} : memref<128x128xf32, #tpu.memory_space<vmem>>, vector<1x16xf32>,
      %swap3A_68 = arith.index_cast %add3A_53 : i32 to index
      %swap3A_69 = arith.constant 48 : index
      %swap3A_70 = tpu.vector_load %arg8[%swap3A_68, %swap3A_69] {strides = array<i32>} : memref<128x128xf32, #tpu.memory_space<vmem>>, vector<1x16xf32>,
      %swap3A_71 = vector.shape_cast %swap3A_70 : vector<1x16xf32> to vector<16xf32>
      %swap3A_72 = vector.shape_cast %broadcast_in_dim3A_1 : vector<16xf32> to vector<1x16xf32>
      tpu.vector_store %arg8[%swap3A_68, %swap3A_69], %swap3A_72 {strides = array<i32>} : memref<128x128xf32, #tpu.memory_space<vmem>>, vector<1x16xf32>,
      %swap3A_73 = arith.index_cast %add3A_53 : i32 to index
      %swap3A_74 = arith.constant 64 : index
      %swap3A_75 = tpu.vector_load %arg8[%swap3A_73, %swap3A_74] {strides = array<i32>} : memref<128x128xf32, #tpu.memory_space<vmem>>, vector<1x16xf32>,
      %swap3A_76 = vector.shape_cast %swap3A_75 : vector<1x16xf32> to vector<16xf32>
      %swap3A_77 = vector.shape_cast %broadcast_in_dim3A_1 : vector<16xf32> to vector<1x16xf32>
      tpu.vector_store %arg8[%swap3A_73, %swap3A_74], %swap3A_77 {strides = array<i32>} : memref<128x128xf32, #tpu.memory_space<vmem>>, vector<1x16xf32>,
      %swap3A_78 = arith.index_cast %add3A_53 : i32 to index
      %swap3A_79 = arith.constant 80 : index
      %swap3A_80 = tpu.vector_load %arg8[%swap3A_78, %swap3A_79] {strides = array<i32>} : memref<128x128xf32, #tpu.memory_space<vmem>>, vector<1x16xf32>,
      %swap3A_81 = vector.shape_cast %swap3A_80 : vector<1x16xf32> to vector<16xf32>
      %swap3A_82 = vector.shape_cast %broadcast_in_dim3A_1 : vector<16xf32> to vector<1x16xf32>
      tpu.vector_store %arg8[%swap3A_78, %swap3A_79], %swap3A_82 {strides = array<i32>} : memref<128x128xf32, #tpu.memory_space<vmem>>, vector<1x16xf32>,
      %swap3A_83 = arith.index_cast %add3A_53 : i32 to index
      %swap3A_84 = arith.constant 96 : index
      %swap3A_85 = tpu.vector_load %arg8[%swap3A_83, %swap3A_84] {strides = array<i32>} : memref<128x128xf32, #tpu.memory_space<vmem>>, vector<1x16xf32>,
      %swap3A_86 = vector.shape_cast %swap3A_85 : vector<1x16xf32> to vector<16xf32>
      %swap3A_87 = vector.shape_cast %broadcast_in_dim3A_1 : vector<16xf32> to vector<1x16xf32>
      tpu.vector_store %arg8[%swap3A_83, %swap3A_84], %swap3A_87 {strides = array<i32>} : memref<128x128xf32, #tpu.memory_space<vmem>>, vector<1x16xf32>,
      %swap3A_88 = arith.index_cast %add3A_53 : i32 to index
      %swap3A_89 = arith.constant 112 : index
      %swap3A_90 = tpu.vector_load %arg8[%swap3A_88, %swap3A_89] {strides = array<i32>} : memref<128x128xf32, #tpu.memory_space<vmem>>, vector<1x16xf32>,
      %swap3A_91 = vector.shape_cast %swap3A_90 : vector<1x16xf32> to vector<16xf32>
      %swap3A_92 = vector.shape_cast %broadcast_in_dim3A_1 : vector<16xf32> to vector<1x16xf32>
      tpu.vector_store %arg8[%swap3A_88, %swap3A_89], %swap3A_92 {strides = array<i32>} : memref<128x128xf32, #tpu.memory_space<vmem>>, vector<1x16xf32>,
    }
    %scan3A_5 = arith.constant 128 : i32
    %mul3A_6 = arith.constant 640 : i32
    %mul3A_7 = arith.muli %arg1, %mul3A_6 : i32
    %add3A_8 = arith.constant 0 : i32
    %add3A_9 = arith.addi %mul3A_7, %add3A_8 : i32
    "tpu.region"() ({
      %run_scoped3A = tpu.sem_alloc : memref<!tpu.dma_semaphore, #tpu.memory_space<semaphore_mem>>
      %dma_start3A = arith.constant 0 : i32
      %dma_start3A_49 = tpu.memref_slice %arg10[%add3A_9, %dma_start3A] : memref<10240x128xf32, #tpu.memory_space<vmem_shared>> -> memref<128x128xf32, #tpu.memory_space<vmem_shared>>
      %dma_start3A_50 = arith.constant 0 : i32
      %dma_start3A_51 = tpu.memref_slice %arg10[%add3A_9, %dma_start3A_50] : memref<10240x128xf32, #tpu.memory_space<vmem_shared>> -> memref<128x128xf32, #tpu.memory_space<vmem_shared>>
      tpu.enqueue_dma source(%arg8 : memref<128x128xf32, #tpu.memory_space<vmem>>) target(%dma_start3A_51 : memref<128x128xf32, #tpu.memory_space<vmem_shared>>) target_semaphore(%run_scoped3A : memref<!tpu.dma_semaphore, #tpu.memory_space<semaphore_mem>>)
      %dma_wait3A = arith.constant 0 : i32
      %dma_wait3A_52 = tpu.memref_slice %arg10[%add3A_9, %dma_wait3A] : memref<10240x128xf32, #tpu.memory_space<vmem_shared>> -> memref<128x128xf32, #tpu.memory_space<vmem_shared>>
      %dma_wait3A_53 = arith.constant 0 : i32
      %dma_wait3A_54 = tpu.memref_slice %arg10[%add3A_9, %dma_wait3A_53] : memref<10240x128xf32, #tpu.memory_space<vmem_shared>> -> memref<128x128xf32, #tpu.memory_space<vmem_shared>>
      tpu.wait_dma2 semaphore(%run_scoped3A : memref<!tpu.dma_semaphore, #tpu.memory_space<semaphore_mem>>) src(%arg8 : memref<128x128xf32, #tpu.memory_space<vmem>>) dst(%dma_wait3A_54 : memref<128x128xf32, #tpu.memory_space<vmem_shared>>)
      tpu.yield
    }) : () -> ()
    %mul3A_10 = arith.constant 640 : i32
    %mul3A_11 = arith.muli %arg1, %mul3A_10 : i32
    %add3A_12 = arith.constant 128 : i32
    %add3A_13 = arith.addi %mul3A_11, %add3A_12 : i32
    "tpu.region"() ({
      %run_scoped3A = tpu.sem_alloc : memref<!tpu.dma_semaphore, #tpu.memory_space<semaphore_mem>>
      %dma_start3A = arith.constant 0 : i32
      %dma_start3A_49 = tpu.memref_slice %arg10[%add3A_13, %dma_start3A] : memref<10240x128xf32, #tpu.memory_space<vmem_shared>> -> memref<128x128xf32, #tpu.memory_space<vmem_shared>>
      %dma_start3A_50 = arith.constant 0 : i32
      %dma_start3A_51 = tpu.memref_slice %arg10[%add3A_13, %dma_start3A_50] : memref<10240x128xf32, #tpu.memory_space<vmem_shared>> -> memref<128x128xf32, #tpu.memory_space<vmem_shared>>
      tpu.enqueue_dma source(%arg8 : memref<128x128xf32, #tpu.memory_space<vmem>>) target(%dma_start3A_51 : memref<128x128xf32, #tpu.memory_space<vmem_shared>>) target_semaphore(%run_scoped3A : memref<!tpu.dma_semaphore, #tpu.memory_space<semaphore_mem>>)
      %dma_wait3A = arith.constant 0 : i32
      %dma_wait3A_52 = tpu.memref_slice %arg10[%add3A_13, %dma_wait3A] : memref<10240x128xf32, #tpu.memory_space<vmem_shared>> -> memref<128x128xf32, #tpu.memory_space<vmem_shared>>
      %dma_wait3A_53 = arith.constant 0 : i32
      %dma_wait3A_54 = tpu.memref_slice %arg10[%add3A_13, %dma_wait3A_53] : memref<10240x128xf32, #tpu.memory_space<vmem_shared>> -> memref<128x128xf32, #tpu.memory_space<vmem_shared>>
      tpu.wait_dma2 semaphore(%run_scoped3A : memref<!tpu.dma_semaphore, #tpu.memory_space<semaphore_mem>>) src(%arg8 : memref<128x128xf32, #tpu.memory_space<vmem>>) dst(%dma_wait3A_54 : memref<128x128xf32, #tpu.memory_space<vmem_shared>>)
      tpu.yield
    }) : () -> ()
    %mul3A_14 = arith.constant 640 : i32
    %mul3A_15 = arith.muli %arg1, %mul3A_14 : i32
    %add3A_16 = arith.constant 256 : i32
    %add3A_17 = arith.addi %mul3A_15, %add3A_16 : i32
    "tpu.region"() ({
      %run_scoped3A = tpu.sem_alloc : memref<!tpu.dma_semaphore, #tpu.memory_space<semaphore_mem>>
      %dma_start3A = arith.constant 0 : i32
      %dma_start3A_49 = tpu.memref_slice %arg10[%add3A_17, %dma_start3A] : memref<10240x128xf32, #tpu.memory_space<vmem_shared>> -> memref<128x128xf32, #tpu.memory_space<vmem_shared>>
      %dma_start3A_50 = arith.constant 0 : i32
      %dma_start3A_51 = tpu.memref_slice %arg10[%add3A_17, %dma_start3A_50] : memref<10240x128xf32, #tpu.memory_space<vmem_shared>> -> memref<128x128xf32, #tpu.memory_space<vmem_shared>>
      tpu.enqueue_dma source(%arg8 : memref<128x128xf32, #tpu.memory_space<vmem>>) target(%dma_start3A_51 : memref<128x128xf32, #tpu.memory_space<vmem_shared>>) target_semaphore(%run_scoped3A : memref<!tpu.dma_semaphore, #tpu.memory_space<semaphore_mem>>)
      %dma_wait3A = arith.constant 0 : i32
      %dma_wait3A_52 = tpu.memref_slice %arg10[%add3A_17, %dma_wait3A] : memref<10240x128xf32, #tpu.memory_space<vmem_shared>> -> memref<128x128xf32, #tpu.memory_space<vmem_shared>>
      %dma_wait3A_53 = arith.constant 0 : i32
      %dma_wait3A_54 = tpu.memref_slice %arg10[%add3A_17, %dma_wait3A_53] : memref<10240x128xf32, #tpu.memory_space<vmem_shared>> -> memref<128x128xf32, #tpu.memory_space<vmem_shared>>
      tpu.wait_dma2 semaphore(%run_scoped3A : memref<!tpu.dma_semaphore, #tpu.memory_space<semaphore_mem>>) src(%arg8 : memref<128x128xf32, #tpu.memory_space<vmem>>) dst(%dma_wait3A_54 : memref<128x128xf32, #tpu.memory_space<vmem_shared>>)
      tpu.yield
    }) : () -> ()
    %mul3A_18 = arith.constant 640 : i32
    %mul3A_19 = arith.muli %arg1, %mul3A_18 : i32
    %add3A_20 = arith.constant 384 : i32
    %add3A_21 = arith.addi %mul3A_19, %add3A_20 : i32
    "tpu.region"() ({
      %run_scoped3A = tpu.sem_alloc : memref<!tpu.dma_semaphore, #tpu.memory_space<semaphore_mem>>
      %dma_start3A = arith.constant 0 : i32
      %dma_start3A_49 = tpu.memref_slice %arg10[%add3A_21, %dma_start3A] : memref<10240x128xf32, #tpu.memory_space<vmem_shared>> -> memref<128x128xf32, #tpu.memory_space<vmem_shared>>
      %dma_start3A_50 = arith.constant 0 : i32
      %dma_start3A_51 = tpu.memref_slice %arg10[%add3A_21, %dma_start3A_50] : memref<10240x128xf32, #tpu.memory_space<vmem_shared>> -> memref<128x128xf32, #tpu.memory_space<vmem_shared>>
      tpu.enqueue_dma source(%arg8 : memref<128x128xf32, #tpu.memory_space<vmem>>) target(%dma_start3A_51 : memref<128x128xf32, #tpu.memory_space<vmem_shared>>) target_semaphore(%run_scoped3A : memref<!tpu.dma_semaphore, #tpu.memory_space<semaphore_mem>>)
      %dma_wait3A = arith.constant 0 : i32
      %dma_wait3A_52 = tpu.memref_slice %arg10[%add3A_21, %dma_wait3A] : memref<10240x128xf32, #tpu.memory_space<vmem_shared>> -> memref<128x128xf32, #tpu.memory_space<vmem_shared>>
      %dma_wait3A_53 = arith.constant 0 : i32
      %dma_wait3A_54 = tpu.memref_slice %arg10[%add3A_21, %dma_wait3A_53] : memref<10240x128xf32, #tpu.memory_space<vmem_shared>> -> memref<128x128xf32, #tpu.memory_space<vmem_shared>>
      tpu.wait_dma2 semaphore(%run_scoped3A : memref<!tpu.dma_semaphore, #tpu.memory_space<semaphore_mem>>) src(%arg8 : memref<128x128xf32, #tpu.memory_space<vmem>>) dst(%dma_wait3A_54 : memref<128x128xf32, #tpu.memory_space<vmem_shared>>)
      tpu.yield
    }) : () -> ()
    %mul3A_22 = arith.constant 640 : i32
    %mul3A_23 = arith.muli %arg1, %mul3A_22 : i32
    %add3A_24 = arith.constant 512 : i32
    %add3A_25 = arith.addi %mul3A_23, %add3A_24 : i32
    "tpu.region"() ({
      %run_scoped3A = tpu.sem_alloc : memref<!tpu.dma_semaphore, #tpu.memory_space<semaphore_mem>>
      %dma_start3A = arith.constant 0 : i32
      %dma_start3A_49 = tpu.memref_slice %arg10[%add3A_25, %dma_start3A] : memref<10240x128xf32, #tpu.memory_space<vmem_shared>> -> memref<128x128xf32, #tpu.memory_space<vmem_shared>>
      %dma_start3A_50 = arith.constant 0 : i32
      %dma_start3A_51 = tpu.memref_slice %arg10[%add3A_25, %dma_start3A_50] : memref<10240x128xf32, #tpu.memory_space<vmem_shared>> -> memref<128x128xf32, #tpu.memory_space<vmem_shared>>
      tpu.enqueue_dma source(%arg8 : memref<128x128xf32, #tpu.memory_space<vmem>>) target(%dma_start3A_51 : memref<128x128xf32, #tpu.memory_space<vmem_shared>>) target_semaphore(%run_scoped3A : memref<!tpu.dma_semaphore, #tpu.memory_space<semaphore_mem>>)
      %dma_wait3A = arith.constant 0 : i32
      %dma_wait3A_52 = tpu.memref_slice %arg10[%add3A_25, %dma_wait3A] : memref<10240x128xf32, #tpu.memory_space<vmem_shared>> -> memref<128x128xf32, #tpu.memory_space<vmem_shared>>
      %dma_wait3A_53 = arith.constant 0 : i32
      %dma_wait3A_54 = tpu.memref_slice %arg10[%add3A_25, %dma_wait3A_53] : memref<10240x128xf32, #tpu.memory_space<vmem_shared>> -> memref<128x128xf32, #tpu.memory_space<vmem_shared>>
      tpu.wait_dma2 semaphore(%run_scoped3A : memref<!tpu.dma_semaphore, #tpu.memory_space<semaphore_mem>>) src(%arg8 : memref<128x128xf32, #tpu.memory_space<vmem>>) dst(%dma_wait3A_54 : memref<128x128xf32, #tpu.memory_space<vmem_shared>>)
      tpu.yield
    }) : () -> ()
    %barrier3A = arith.constant 0 : index
    tpu.barrier barrier_id(%barrier3A)
    %eq3A = arith.constant 0 : i32
    %eq3A_26 = arith.cmpi eq, %arg0, %eq3A : i32
    %jit3A = arith.constant 3 : i32
    %jit3A_27 = arith.constant 1 : i32
    %select_n3A = arith.select %eq3A_26, %jit3A, %jit3A_27 : i32
    %sub3A = arith.constant 0 : i32
    %sub3A_28 = arith.subi %select_n3A, %sub3A : i32
    %sub3A_29 = arith.constant 1 : i32
    %sub3A_30 = arith.constant 1 : i32
    %sub3A_31 = arith.subi %sub3A_29, %sub3A_30 : i32
    %add3A_32 = arith.addi %sub3A_28, %sub3A_31 : i32
    %div3A = arith.constant 1 : i32
    %div3A_33 = arith.divsi %add3A_32, %div3A : i32
    %while3A = arith.constant 1 : i32
    %while3A_34 = arith.constant 0 : i32
    %while3A_35 = arith.constant 0 : i32
    %while3A_36 = arith.subi %div3A_33, %while3A_35 : i32
    %while3A_37 = arith.addi %while3A_35, %while3A_36 : i32
    %while3A_38 = arith.constant 1 : i32
    %while3A_39 = arith.divsi %while3A_36, %while3A_38 : i32
    %while3A_40 = arith.muli %while3A_39, %while3A_38 : i32
    %while3A_41 = arith.addi %while3A_35, %while3A_40 : i32
    %while3A_42 = arith.constant 1 : i32
    scf.for %while3A_49 = %while3A_35 to %while3A_41 step %while3A_42  : i32 {
      %mul3A_50 = arith.muli %while3A_49, %while3A : i32
      %add3A_51 = arith.addi %while3A_34, %mul3A_50 : i32
      %mul3A_52 = arith.constant 40 : i32
      %mul3A_53 = arith.muli %add3A_51, %mul3A_52 : i32
      "tpu.region"() ({
        %run_scoped3A = tpu.sem_alloc : memref<!tpu.dma_semaphore, #tpu.memory_space<semaphore_mem>>
        %dma_start3A_74 = arith.constant 0 : i32
        %dma_start3A_75 = tpu.memref_slice %arg3[%add3A, %mul3A_53, %dma_start3A_74] : memref<32x120x128xi32, #tpu.memory_space<hbm>> -> memref<1x40x128xi32, #tpu.memory_space<hbm>>
        %dma_start3A_76 = tpu.memref_squeeze %dma_start3A_75 : memref<1x40x128xi32, #tpu.memory_space<hbm>> -> memref<40x128xi32, #tpu.memory_space<hbm>>
        %dma_start3A_77 = arith.constant 0 : i32
        %dma_start3A_78 = tpu.memref_slice %arg3[%add3A, %mul3A_53, %dma_start3A_77] : memref<32x120x128xi32, #tpu.memory_space<hbm>> -> memref<1x40x128xi32, #tpu.memory_space<hbm>>
        %dma_start3A_79 = tpu.memref_squeeze %dma_start3A_78 : memref<1x40x128xi32, #tpu.memory_space<hbm>> -> memref<40x128xi32, #tpu.memory_space<hbm>>
        tpu.enqueue_dma source(%dma_start3A_79 : memref<40x128xi32, #tpu.memory_space<hbm>>) target(%arg6 : memref<40x128xi32, #tpu.memory_space<vmem>>) target_semaphore(%run_scoped3A : memref<!tpu.dma_semaphore, #tpu.memory_space<semaphore_mem>>)
        %dma_wait3A = arith.constant 0 : i32
        %dma_wait3A_80 = tpu.memref_slice %arg3[%add3A, %mul3A_53, %dma_wait3A] : memref<32x120x128xi32, #tpu.memory_space<hbm>> -> memref<1x40x128xi32, #tpu.memory_space<hbm>>
        %dma_wait3A_81 = tpu.memref_squeeze %dma_wait3A_80 : memref<1x40x128xi32, #tpu.memory_space<hbm>> -> memref<40x128xi32, #tpu.memory_space<hbm>>
        %dma_wait3A_82 = arith.constant 0 : i32
        %dma_wait3A_83 = tpu.memref_slice %arg3[%add3A, %mul3A_53, %dma_wait3A_82] : memref<32x120x128xi32, #tpu.memory_space<hbm>> -> memref<1x40x128xi32, #tpu.memory_space<hbm>>
        %dma_wait3A_84 = tpu.memref_squeeze %dma_wait3A_83 : memref<1x40x128xi32, #tpu.memory_space<hbm>> -> memref<40x128xi32, #tpu.memory_space<hbm>>
        tpu.wait_dma2 semaphore(%run_scoped3A : memref<!tpu.dma_semaphore, #tpu.memory_space<semaphore_mem>>) src(%dma_wait3A_84 : memref<40x128xi32, #tpu.memory_space<hbm>>) dst(%arg6 : memref<40x128xi32, #tpu.memory_space<vmem>>)
        tpu.yield
      }) : () -> ()
      %mul3A_54 = arith.constant 40 : i32
      %mul3A_55 = arith.muli %add3A_51, %mul3A_54 : i32
      "tpu.region"() ({
        %run_scoped3A = tpu.sem_alloc : memref<!tpu.dma_semaphore, #tpu.memory_space<semaphore_mem>>
        %dma_start3A_74 = arith.constant 0 : i32
        %dma_start3A_75 = tpu.memref_slice %arg4[%add3A, %mul3A_55, %dma_start3A_74] : memref<32x120x128xi32, #tpu.memory_space<hbm>> -> memref<1x40x128xi32, #tpu.memory_space<hbm>>
        %dma_start3A_76 = tpu.memref_squeeze %dma_start3A_75 : memref<1x40x128xi32, #tpu.memory_space<hbm>> -> memref<40x128xi32, #tpu.memory_space<hbm>>
        %dma_start3A_77 = arith.constant 0 : i32
        %dma_start3A_78 = tpu.memref_slice %arg4[%add3A, %mul3A_55, %dma_start3A_77] : memref<32x120x128xi32, #tpu.memory_space<hbm>> -> memref<1x40x128xi32, #tpu.memory_space<hbm>>
        %dma_start3A_79 = tpu.memref_squeeze %dma_start3A_78 : memref<1x40x128xi32, #tpu.memory_space<hbm>> -> memref<40x128xi32, #tpu.memory_space<hbm>>
        tpu.enqueue_dma source(%dma_start3A_79 : memref<40x128xi32, #tpu.memory_space<hbm>>) target(%arg7 : memref<40x128xi32, #tpu.memory_space<vmem>>) target_semaphore(%run_scoped3A : memref<!tpu.dma_semaphore, #tpu.memory_space<semaphore_mem>>)
        %dma_wait3A = arith.constant 0 : i32
        %dma_wait3A_80 = tpu.memref_slice %arg4[%add3A, %mul3A_55, %dma_wait3A] : memref<32x120x128xi32, #tpu.memory_space<hbm>> -> memref<1x40x128xi32, #tpu.memory_space<hbm>>
        %dma_wait3A_81 = tpu.memref_squeeze %dma_wait3A_80 : memref<1x40x128xi32, #tpu.memory_space<hbm>> -> memref<40x128xi32, #tpu.memory_space<hbm>>
        %dma_wait3A_82 = arith.constant 0 : i32
        %dma_wait3A_83 = tpu.memref_slice %arg4[%add3A, %mul3A_55, %dma_wait3A_82] : memref<32x120x128xi32, #tpu.memory_space<hbm>> -> memref<1x40x128xi32, #tpu.memory_space<hbm>>
        %dma_wait3A_84 = tpu.memref_squeeze %dma_wait3A_83 : memref<1x40x128xi32, #tpu.memory_space<hbm>> -> memref<40x128xi32, #tpu.memory_space<hbm>>
        tpu.wait_dma2 semaphore(%run_scoped3A : memref<!tpu.dma_semaphore, #tpu.memory_space<semaphore_mem>>) src(%dma_wait3A_84 : memref<40x128xi32, #tpu.memory_space<hbm>>) dst(%arg7 : memref<40x128xi32, #tpu.memory_space<vmem>>)
        tpu.yield
      }) : () -> ()
      %dma_start3A = arith.constant 0 : i32
      %dma_start3A_56 = arith.constant 0 : i32
      %dma_start3A_57 = tpu.memref_slice %arg6[%dma_start3A, %dma_start3A_56] : memref<40x128xi32, #tpu.memory_space<vmem>> -> memref<1x128xi32, #tpu.memory_space<vmem>>
      %dma_start3A_58 = tpu.memref_squeeze %dma_start3A_57 : memref<1x128xi32, #tpu.memory_space<vmem>> -> memref<128xi32, #tpu.memory_space<vmem>>
      %dma_start3A_59 = arith.constant 0 : i32
      %dma_start3A_60 = arith.constant 0 : i32
      %dma_start3A_61 = tpu.memref_slice %arg2[%dma_start3A_59, %dma_start3A_60] : memref<10240x128xf32, #tpu.memory_space<hbm>> -> memref<10240x128xf32, #tpu.memory_space<hbm>>
      tpu.enqueue_indirect_dma source(%dma_start3A_61 : memref<10240x128xf32, #tpu.memory_space<hbm>>) target(%arg8 : memref<128x128xf32, #tpu.memory_space<vmem>>) offsets(%dma_start3A_58 : memref<128xi32, #tpu.memory_space<vmem>>) semaphore(%arg11 : memref<!tpu.dma_semaphore, #tpu.memory_space<semaphore_mem>>)
      %dma_start3A_62 = arith.constant 1 : i32
      %dma_start3A_63 = arith.constant 0 : i32
      %dma_start3A_64 = tpu.memref_slice %arg6[%dma_start3A_62, %dma_start3A_63] : memref<40x128xi32, #tpu.memory_space<vmem>> -> memref<1x128xi32, #tpu.memory_space<vmem>>
      %dma_start3A_65 = tpu.memref_squeeze %dma_start3A_64 : memref<1x128xi32, #tpu.memory_space<vmem>> -> memref<128xi32, #tpu.memory_space<vmem>>
      %dma_start3A_66 = arith.constant 0 : i32
      %dma_start3A_67 = arith.constant 0 : i32
      %dma_start3A_68 = tpu.memref_slice %arg2[%dma_start3A_66, %dma_start3A_67] : memref<10240x128xf32, #tpu.memory_space<hbm>> -> memref<10240x128xf32, #tpu.memory_space<hbm>>
      tpu.enqueue_indirect_dma source(%dma_start3A_68 : memref<10240x128xf32, #tpu.memory_space<hbm>>) target(%arg9 : memref<128x128xf32, #tpu.memory_space<vmem>>) offsets(%dma_start3A_65 : memref<128xi32, #tpu.memory_space<vmem>>) semaphore(%arg12 : memref<!tpu.dma_semaphore, #tpu.memory_space<semaphore_mem>>)
      %scan3A_69 = arith.constant 0 : i32
      %scan3A_70 = arith.constant 20 : i32
      %scan3A_71 = arith.addi %scan3A_69, %scan3A_70 : i32
      %scan3A_72 = arith.constant 1 : i32
      scf.for %scan3A_74 = %scan3A_69 to %scan3A_71 step %scan3A_72  : i32 {
        %mul3A_75 = arith.constant 2 : i32
        %mul3A_76 = arith.muli %scan3A_74, %mul3A_75 : i32
        %add3A_77 = arith.constant 0 : i32
        %add3A_78 = arith.addi %add3A_77, %mul3A_76 : i32
        %dma_wait3A = arith.constant 0 : i32
        %dma_wait3A_79 = tpu.memref_slice %arg6[%add3A_78, %dma_wait3A] : memref<40x128xi32, #tpu.memory_space<vmem>> -> memref<1x128xi32, #tpu.memory_space<vmem>>
        %dma_wait3A_80 = tpu.memref_squeeze %dma_wait3A_79 : memref<1x128xi32, #tpu.memory_space<vmem>> -> memref<128xi32, #tpu.memory_space<vmem>>
        %dma_wait3A_81 = arith.constant 0 : i32
        %dma_wait3A_82 = arith.constant 0 : i32
        %dma_wait3A_83 = tpu.memref_slice %arg2[%dma_wait3A_81, %dma_wait3A_82] : memref<10240x128xf32, #tpu.memory_space<hbm>> -> memref<10240x128xf32, #tpu.memory_space<hbm>>
        tpu.wait_indirect_dma semaphore(%arg11 : memref<!tpu.dma_semaphore, #tpu.memory_space<semaphore_mem>>) src(%dma_wait3A_83 : memref<10240x128xf32, #tpu.memory_space<hbm>>) dst(%arg8 : memref<128x128xf32, #tpu.memory_space<vmem>>)
        "tpu.region"() ({
          %run_scoped3A = tpu.sem_alloc : memref<!tpu.dma_semaphore, #tpu.memory_space<semaphore_mem>>
          %dma_start3A_105 = arith.constant 0 : i32
          %dma_start3A_106 = tpu.memref_slice %arg7[%add3A_78, %dma_start3A_105] : memref<40x128xi32, #tpu.memory_space<vmem>> -> memref<1x128xi32, #tpu.memory_space<vmem>>
          %dma_start3A_107 = tpu.memref_squeeze %dma_start3A_106 : memref<1x128xi32, #tpu.memory_space<vmem>> -> memref<128xi32, #tpu.memory_space<vmem>>
          %dma_start3A_108 = arith.constant 0 : i32
          %dma_start3A_109 = arith.constant 0 : i32
          %dma_start3A_110 = tpu.memref_slice %arg10[%dma_start3A_108, %dma_start3A_109] : memref<10240x128xf32, #tpu.memory_space<vmem_shared>> -> memref<10240x128xf32, #tpu.memory_space<vmem_shared>>
          tpu.enqueue_indirect_dma source(%arg8 : memref<128x128xf32, #tpu.memory_space<vmem>>) target(%dma_start3A_110 : memref<10240x128xf32, #tpu.memory_space<vmem_shared>>) offsets(%dma_start3A_107 : memref<128xi32, #tpu.memory_space<vmem>>) semaphore(%run_scoped3A : memref<!tpu.dma_semaphore, #tpu.memory_space<semaphore_mem>>) {add = true}
          %dma_wait3A_111 = arith.constant 0 : i32
          %dma_wait3A_112 = tpu.memref_slice %arg7[%add3A_78, %dma_wait3A_111] : memref<40x128xi32, #tpu.memory_space<vmem>> -> memref<1x128xi32, #tpu.memory_space<vmem>>
          %dma_wait3A_113 = tpu.memref_squeeze %dma_wait3A_112 : memref<1x128xi32, #tpu.memory_space<vmem>> -> memref<128xi32, #tpu.memory_space<vmem>>
          %dma_wait3A_114 = arith.constant 0 : i32
          %dma_wait3A_115 = arith.constant 0 : i32
          %dma_wait3A_116 = tpu.memref_slice %arg10[%dma_wait3A_114, %dma_wait3A_115] : memref<10240x128xf32, #tpu.memory_space<vmem_shared>> -> memref<10240x128xf32, #tpu.memory_space<vmem_shared>>
          tpu.wait_indirect_dma semaphore(%run_scoped3A : memref<!tpu.dma_semaphore, #tpu.memory_space<semaphore_mem>>) src(%arg8 : memref<128x128xf32, #tpu.memory_space<vmem>>) dst(%dma_wait3A_116 : memref<10240x128xf32, #tpu.memory_space<vmem_shared>>)
          tpu.yield
        }) : () -> ()
        %add3A_84 = arith.constant 2 : i32
        %add3A_85 = arith.addi %add3A_78, %add3A_84 : i32
        %lt3A = arith.constant 40 : i32
        %lt3A_86 = arith.cmpi slt, %add3A_85, %lt3A : i32
        %convert_element_type3A = arith.extui %lt3A_86 : i1 to i32
        %cond3A = arith.constant 0 : i32
        %cond3A_87 = arith.cmpi ne, %convert_element_type3A, %cond3A : i32
        scf.if %cond3A_87 {
          %add3A_105 = arith.constant 2 : i32
          %add3A_106 = arith.addi %add3A_78, %add3A_105 : i32
          %dma_start3A_107 = arith.constant 0 : i32
          %dma_start3A_108 = tpu.memref_slice %arg6[%add3A_106, %dma_start3A_107] : memref<40x128xi32, #tpu.memory_space<vmem>> -> memref<1x128xi32, #tpu.memory_space<vmem>>
          %dma_start3A_109 = tpu.memref_squeeze %dma_start3A_108 : memref<1x128xi32, #tpu.memory_space<vmem>> -> memref<128xi32, #tpu.memory_space<vmem>>
          %dma_start3A_110 = arith.constant 0 : i32
          %dma_start3A_111 = arith.constant 0 : i32
          %dma_start3A_112 = tpu.memref_slice %arg2[%dma_start3A_110, %dma_start3A_111] : memref<10240x128xf32, #tpu.memory_space<hbm>> -> memref<10240x128xf32, #tpu.memory_space<hbm>>
          tpu.enqueue_indirect_dma source(%dma_start3A_112 : memref<10240x128xf32, #tpu.memory_space<hbm>>) target(%arg8 : memref<128x128xf32, #tpu.memory_space<vmem>>) offsets(%dma_start3A_109 : memref<128xi32, #tpu.memory_space<vmem>>) semaphore(%arg11 : memref<!tpu.dma_semaphore, #tpu.memory_space<semaphore_mem>>)
        } else {
        }
        %add3A_88 = arith.constant 1 : i32
        %add3A_89 = arith.addi %add3A_78, %add3A_88 : i32
        %dma_wait3A_90 = arith.constant 0 : i32
        %dma_wait3A_91 = tpu.memref_slice %arg6[%add3A_89, %dma_wait3A_90] : memref<40x128xi32, #tpu.memory_space<vmem>> -> memref<1x128xi32, #tpu.memory_space<vmem>>
        %dma_wait3A_92 = tpu.memref_squeeze %dma_wait3A_91 : memref<1x128xi32, #tpu.memory_space<vmem>> -> memref<128xi32, #tpu.memory_space<vmem>>
        %dma_wait3A_93 = arith.constant 0 : i32
        %dma_wait3A_94 = arith.constant 0 : i32
        %dma_wait3A_95 = tpu.memref_slice %arg2[%dma_wait3A_93, %dma_wait3A_94] : memref<10240x128xf32, #tpu.memory_space<hbm>> -> memref<10240x128xf32, #tpu.memory_space<hbm>>
        tpu.wait_indirect_dma semaphore(%arg12 : memref<!tpu.dma_semaphore, #tpu.memory_space<semaphore_mem>>) src(%dma_wait3A_95 : memref<10240x128xf32, #tpu.memory_space<hbm>>) dst(%arg9 : memref<128x128xf32, #tpu.memory_space<vmem>>)
        %add3A_96 = arith.constant 1 : i32
        %add3A_97 = arith.addi %add3A_78, %add3A_96 : i32
        "tpu.region"() ({
          %run_scoped3A = tpu.sem_alloc : memref<!tpu.dma_semaphore, #tpu.memory_space<semaphore_mem>>
          %dma_start3A_105 = arith.constant 0 : i32
          %dma_start3A_106 = tpu.memref_slice %arg7[%add3A_97, %dma_start3A_105] : memref<40x128xi32, #tpu.memory_space<vmem>> -> memref<1x128xi32, #tpu.memory_space<vmem>>
          %dma_start3A_107 = tpu.memref_squeeze %dma_start3A_106 : memref<1x128xi32, #tpu.memory_space<vmem>> -> memref<128xi32, #tpu.memory_space<vmem>>
          %dma_start3A_108 = arith.constant 0 : i32
          %dma_start3A_109 = arith.constant 0 : i32
          %dma_start3A_110 = tpu.memref_slice %arg10[%dma_start3A_108, %dma_start3A_109] : memref<10240x128xf32, #tpu.memory_space<vmem_shared>> -> memref<10240x128xf32, #tpu.memory_space<vmem_shared>>
          tpu.enqueue_indirect_dma source(%arg9 : memref<128x128xf32, #tpu.memory_space<vmem>>) target(%dma_start3A_110 : memref<10240x128xf32, #tpu.memory_space<vmem_shared>>) offsets(%dma_start3A_107 : memref<128xi32, #tpu.memory_space<vmem>>) semaphore(%run_scoped3A : memref<!tpu.dma_semaphore, #tpu.memory_space<semaphore_mem>>) {add = true}
          %dma_wait3A_111 = arith.constant 0 : i32
          %dma_wait3A_112 = tpu.memref_slice %arg7[%add3A_97, %dma_wait3A_111] : memref<40x128xi32, #tpu.memory_space<vmem>> -> memref<1x128xi32, #tpu.memory_space<vmem>>
          %dma_wait3A_113 = tpu.memref_squeeze %dma_wait3A_112 : memref<1x128xi32, #tpu.memory_space<vmem>> -> memref<128xi32, #tpu.memory_space<vmem>>
          %dma_wait3A_114 = arith.constant 0 : i32
          %dma_wait3A_115 = arith.constant 0 : i32
          %dma_wait3A_116 = tpu.memref_slice %arg10[%dma_wait3A_114, %dma_wait3A_115] : memref<10240x128xf32, #tpu.memory_space<vmem_shared>> -> memref<10240x128xf32, #tpu.memory_space<vmem_shared>>
          tpu.wait_indirect_dma semaphore(%run_scoped3A : memref<!tpu.dma_semaphore, #tpu.memory_space<semaphore_mem>>) src(%arg9 : memref<128x128xf32, #tpu.memory_space<vmem>>) dst(%dma_wait3A_116 : memref<10240x128xf32, #tpu.memory_space<vmem_shared>>)
          tpu.yield
        }) : () -> ()
        %add3A_98 = arith.constant 3 : i32
        %add3A_99 = arith.addi %add3A_78, %add3A_98 : i32
        %lt3A_100 = arith.constant 40 : i32
        %lt3A_101 = arith.cmpi slt, %add3A_99, %lt3A_100 : i32
        %convert_element_type3A_102 = arith.extui %lt3A_101 : i1 to i32
        %cond3A_103 = arith.constant 0 : i32
        %cond3A_104 = arith.cmpi ne, %convert_element_type3A_102, %cond3A_103 : i32
        scf.if %cond3A_104 {
          %add3A_105 = arith.constant 3 : i32
          %add3A_106 = arith.addi %add3A_78, %add3A_105 : i32
          %dma_start3A_107 = arith.constant 0 : i32
          %dma_start3A_108 = tpu.memref_slice %arg6[%add3A_106, %dma_start3A_107] : memref<40x128xi32, #tpu.memory_space<vmem>> -> memref<1x128xi32, #tpu.memory_space<vmem>>
          %dma_start3A_109 = tpu.memref_squeeze %dma_start3A_108 : memref<1x128xi32, #tpu.memory_space<vmem>> -> memref<128xi32, #tpu.memory_space<vmem>>
          %dma_start3A_110 = arith.constant 0 : i32
          %dma_start3A_111 = arith.constant 0 : i32
          %dma_start3A_112 = tpu.memref_slice %arg2[%dma_start3A_110, %dma_start3A_111] : memref<10240x128xf32, #tpu.memory_space<hbm>> -> memref<10240x128xf32, #tpu.memory_space<hbm>>
          tpu.enqueue_indirect_dma source(%dma_start3A_112 : memref<10240x128xf32, #tpu.memory_space<hbm>>) target(%arg9 : memref<128x128xf32, #tpu.memory_space<vmem>>) offsets(%dma_start3A_109 : memref<128xi32, #tpu.memory_space<vmem>>) semaphore(%arg12 : memref<!tpu.dma_semaphore, #tpu.memory_space<semaphore_mem>>)
        } else {
        }
      }
      %scan3A_73 = arith.constant 20 : i32
    }
    %while3A_43 = arith.constant 1 : i32
    scf.for %while3A_49 = %while3A_41 to %while3A_37 step %while3A_43  : i32 {
      %mul3A_50 = arith.muli %while3A_49, %while3A : i32
      %add3A_51 = arith.addi %while3A_34, %mul3A_50 : i32
      %mul3A_52 = arith.constant 40 : i32
      %mul3A_53 = arith.muli %add3A_51, %mul3A_52 : i32
      "tpu.region"() ({
        %run_scoped3A = tpu.sem_alloc : memref<!tpu.dma_semaphore, #tpu.memory_space<semaphore_mem>>
        %dma_start3A_74 = arith.constant 0 : i32
        %dma_start3A_75 = tpu.memref_slice %arg3[%add3A, %mul3A_53, %dma_start3A_74] : memref<32x120x128xi32, #tpu.memory_space<hbm>> -> memref<1x40x128xi32, #tpu.memory_space<hbm>>
        %dma_start3A_76 = tpu.memref_squeeze %dma_start3A_75 : memref<1x40x128xi32, #tpu.memory_space<hbm>> -> memref<40x128xi32, #tpu.memory_space<hbm>>
        %dma_start3A_77 = arith.constant 0 : i32
        %dma_start3A_78 = tpu.memref_slice %arg3[%add3A, %mul3A_53, %dma_start3A_77] : memref<32x120x128xi32, #tpu.memory_space<hbm>> -> memref<1x40x128xi32, #tpu.memory_space<hbm>>
        %dma_start3A_79 = tpu.memref_squeeze %dma_start3A_78 : memref<1x40x128xi32, #tpu.memory_space<hbm>> -> memref<40x128xi32, #tpu.memory_space<hbm>>
        tpu.enqueue_dma source(%dma_start3A_79 : memref<40x128xi32, #tpu.memory_space<hbm>>) target(%arg6 : memref<40x128xi32, #tpu.memory_space<vmem>>) target_semaphore(%run_scoped3A : memref<!tpu.dma_semaphore, #tpu.memory_space<semaphore_mem>>)
        %dma_wait3A = arith.constant 0 : i32
        %dma_wait3A_80 = tpu.memref_slice %arg3[%add3A, %mul3A_53, %dma_wait3A] : memref<32x120x128xi32, #tpu.memory_space<hbm>> -> memref<1x40x128xi32, #tpu.memory_space<hbm>>
        %dma_wait3A_81 = tpu.memref_squeeze %dma_wait3A_80 : memref<1x40x128xi32, #tpu.memory_space<hbm>> -> memref<40x128xi32, #tpu.memory_space<hbm>>
        %dma_wait3A_82 = arith.constant 0 : i32
        %dma_wait3A_83 = tpu.memref_slice %arg3[%add3A, %mul3A_53, %dma_wait3A_82] : memref<32x120x128xi32, #tpu.memory_space<hbm>> -> memref<1x40x128xi32, #tpu.memory_space<hbm>>
        %dma_wait3A_84 = tpu.memref_squeeze %dma_wait3A_83 : memref<1x40x128xi32, #tpu.memory_space<hbm>> -> memref<40x128xi32, #tpu.memory_space<hbm>>
        tpu.wait_dma2 semaphore(%run_scoped3A : memref<!tpu.dma_semaphore, #tpu.memory_space<semaphore_mem>>) src(%dma_wait3A_84 : memref<40x128xi32, #tpu.memory_space<hbm>>) dst(%arg6 : memref<40x128xi32, #tpu.memory_space<vmem>>)
        tpu.yield
      }) : () -> ()
      %mul3A_54 = arith.constant 40 : i32
      %mul3A_55 = arith.muli %add3A_51, %mul3A_54 : i32
      "tpu.region"() ({
        %run_scoped3A = tpu.sem_alloc : memref<!tpu.dma_semaphore, #tpu.memory_space<semaphore_mem>>
        %dma_start3A_74 = arith.constant 0 : i32
        %dma_start3A_75 = tpu.memref_slice %arg4[%add3A, %mul3A_55, %dma_start3A_74] : memref<32x120x128xi32, #tpu.memory_space<hbm>> -> memref<1x40x128xi32, #tpu.memory_space<hbm>>
        %dma_start3A_76 = tpu.memref_squeeze %dma_start3A_75 : memref<1x40x128xi32, #tpu.memory_space<hbm>> -> memref<40x128xi32, #tpu.memory_space<hbm>>
        %dma_start3A_77 = arith.constant 0 : i32
        %dma_start3A_78 = tpu.memref_slice %arg4[%add3A, %mul3A_55, %dma_start3A_77] : memref<32x120x128xi32, #tpu.memory_space<hbm>> -> memref<1x40x128xi32, #tpu.memory_space<hbm>>
        %dma_start3A_79 = tpu.memref_squeeze %dma_start3A_78 : memref<1x40x128xi32, #tpu.memory_space<hbm>> -> memref<40x128xi32, #tpu.memory_space<hbm>>
        tpu.enqueue_dma source(%dma_start3A_79 : memref<40x128xi32, #tpu.memory_space<hbm>>) target(%arg7 : memref<40x128xi32, #tpu.memory_space<vmem>>) target_semaphore(%run_scoped3A : memref<!tpu.dma_semaphore, #tpu.memory_space<semaphore_mem>>)
        %dma_wait3A = arith.constant 0 : i32
        %dma_wait3A_80 = tpu.memref_slice %arg4[%add3A, %mul3A_55, %dma_wait3A] : memref<32x120x128xi32, #tpu.memory_space<hbm>> -> memref<1x40x128xi32, #tpu.memory_space<hbm>>
        %dma_wait3A_81 = tpu.memref_squeeze %dma_wait3A_80 : memref<1x40x128xi32, #tpu.memory_space<hbm>> -> memref<40x128xi32, #tpu.memory_space<hbm>>
        %dma_wait3A_82 = arith.constant 0 : i32
        %dma_wait3A_83 = tpu.memref_slice %arg4[%add3A, %mul3A_55, %dma_wait3A_82] : memref<32x120x128xi32, #tpu.memory_space<hbm>> -> memref<1x40x128xi32, #tpu.memory_space<hbm>>
        %dma_wait3A_84 = tpu.memref_squeeze %dma_wait3A_83 : memref<1x40x128xi32, #tpu.memory_space<hbm>> -> memref<40x128xi32, #tpu.memory_space<hbm>>
        tpu.wait_dma2 semaphore(%run_scoped3A : memref<!tpu.dma_semaphore, #tpu.memory_space<semaphore_mem>>) src(%dma_wait3A_84 : memref<40x128xi32, #tpu.memory_space<hbm>>) dst(%arg7 : memref<40x128xi32, #tpu.memory_space<vmem>>)
        tpu.yield
      }) : () -> ()
      %dma_start3A = arith.constant 0 : i32
      %dma_start3A_56 = arith.constant 0 : i32
      %dma_start3A_57 = tpu.memref_slice %arg6[%dma_start3A, %dma_start3A_56] : memref<40x128xi32, #tpu.memory_space<vmem>> -> memref<1x128xi32, #tpu.memory_space<vmem>>
      %dma_start3A_58 = tpu.memref_squeeze %dma_start3A_57 : memref<1x128xi32, #tpu.memory_space<vmem>> -> memref<128xi32, #tpu.memory_space<vmem>>
      %dma_start3A_59 = arith.constant 0 : i32
      %dma_start3A_60 = arith.constant 0 : i32
      %dma_start3A_61 = tpu.memref_slice %arg2[%dma_start3A_59, %dma_start3A_60] : memref<10240x128xf32, #tpu.memory_space<hbm>> -> memref<10240x128xf32, #tpu.memory_space<hbm>>
      tpu.enqueue_indirect_dma source(%dma_start3A_61 : memref<10240x128xf32, #tpu.memory_space<hbm>>) target(%arg8 : memref<128x128xf32, #tpu.memory_space<vmem>>) offsets(%dma_start3A_58 : memref<128xi32, #tpu.memory_space<vmem>>) semaphore(%arg11 : memref<!tpu.dma_semaphore, #tpu.memory_space<semaphore_mem>>)
      %dma_start3A_62 = arith.constant 1 : i32
      %dma_start3A_63 = arith.constant 0 : i32
      %dma_start3A_64 = tpu.memref_slice %arg6[%dma_start3A_62, %dma_start3A_63] : memref<40x128xi32, #tpu.memory_space<vmem>> -> memref<1x128xi32, #tpu.memory_space<vmem>>
      %dma_start3A_65 = tpu.memref_squeeze %dma_start3A_64 : memref<1x128xi32, #tpu.memory_space<vmem>> -> memref<128xi32, #tpu.memory_space<vmem>>
      %dma_start3A_66 = arith.constant 0 : i32
      %dma_start3A_67 = arith.constant 0 : i32
      %dma_start3A_68 = tpu.memref_slice %arg2[%dma_start3A_66, %dma_start3A_67] : memref<10240x128xf32, #tpu.memory_space<hbm>> -> memref<10240x128xf32, #tpu.memory_space<hbm>>
      tpu.enqueue_indirect_dma source(%dma_start3A_68 : memref<10240x128xf32, #tpu.memory_space<hbm>>) target(%arg9 : memref<128x128xf32, #tpu.memory_space<vmem>>) offsets(%dma_start3A_65 : memref<128xi32, #tpu.memory_space<vmem>>) semaphore(%arg12 : memref<!tpu.dma_semaphore, #tpu.memory_space<semaphore_mem>>)
      %scan3A_69 = arith.constant 0 : i32
      %scan3A_70 = arith.constant 20 : i32
      %scan3A_71 = arith.addi %scan3A_69, %scan3A_70 : i32
      %scan3A_72 = arith.constant 1 : i32
      scf.for %scan3A_74 = %scan3A_69 to %scan3A_71 step %scan3A_72  : i32 {
        %mul3A_75 = arith.constant 2 : i32
        %mul3A_76 = arith.muli %scan3A_74, %mul3A_75 : i32
        %add3A_77 = arith.constant 0 : i32
        %add3A_78 = arith.addi %add3A_77, %mul3A_76 : i32
        %dma_wait3A = arith.constant 0 : i32
        %dma_wait3A_79 = tpu.memref_slice %arg6[%add3A_78, %dma_wait3A] : memref<40x128xi32, #tpu.memory_space<vmem>> -> memref<1x128xi32, #tpu.memory_space<vmem>>
        %dma_wait3A_80 = tpu.memref_squeeze %dma_wait3A_79 : memref<1x128xi32, #tpu.memory_space<vmem>> -> memref<128xi32, #tpu.memory_space<vmem>>
        %dma_wait3A_81 = arith.constant 0 : i32
        %dma_wait3A_82 = arith.constant 0 : i32
        %dma_wait3A_83 = tpu.memref_slice %arg2[%dma_wait3A_81, %dma_wait3A_82] : memref<10240x128xf32, #tpu.memory_space<hbm>> -> memref<10240x128xf32, #tpu.memory_space<hbm>>
        tpu.wait_indirect_dma semaphore(%arg11 : memref<!tpu.dma_semaphore, #tpu.memory_space<semaphore_mem>>) src(%dma_wait3A_83 : memref<10240x128xf32, #tpu.memory_space<hbm>>) dst(%arg8 : memref<128x128xf32, #tpu.memory_space<vmem>>)
        "tpu.region"() ({
          %run_scoped3A = tpu.sem_alloc : memref<!tpu.dma_semaphore, #tpu.memory_space<semaphore_mem>>
          %dma_start3A_105 = arith.constant 0 : i32
          %dma_start3A_106 = tpu.memref_slice %arg7[%add3A_78, %dma_start3A_105] : memref<40x128xi32, #tpu.memory_space<vmem>> -> memref<1x128xi32, #tpu.memory_space<vmem>>
          %dma_start3A_107 = tpu.memref_squeeze %dma_start3A_106 : memref<1x128xi32, #tpu.memory_space<vmem>> -> memref<128xi32, #tpu.memory_space<vmem>>
          %dma_start3A_108 = arith.constant 0 : i32
          %dma_start3A_109 = arith.constant 0 : i32
          %dma_start3A_110 = tpu.memref_slice %arg10[%dma_start3A_108, %dma_start3A_109] : memref<10240x128xf32, #tpu.memory_space<vmem_shared>> -> memref<10240x128xf32, #tpu.memory_space<vmem_shared>>
          tpu.enqueue_indirect_dma source(%arg8 : memref<128x128xf32, #tpu.memory_space<vmem>>) target(%dma_start3A_110 : memref<10240x128xf32, #tpu.memory_space<vmem_shared>>) offsets(%dma_start3A_107 : memref<128xi32, #tpu.memory_space<vmem>>) semaphore(%run_scoped3A : memref<!tpu.dma_semaphore, #tpu.memory_space<semaphore_mem>>) {add = true}
          %dma_wait3A_111 = arith.constant 0 : i32
          %dma_wait3A_112 = tpu.memref_slice %arg7[%add3A_78, %dma_wait3A_111] : memref<40x128xi32, #tpu.memory_space<vmem>> -> memref<1x128xi32, #tpu.memory_space<vmem>>
          %dma_wait3A_113 = tpu.memref_squeeze %dma_wait3A_112 : memref<1x128xi32, #tpu.memory_space<vmem>> -> memref<128xi32, #tpu.memory_space<vmem>>
          %dma_wait3A_114 = arith.constant 0 : i32
          %dma_wait3A_115 = arith.constant 0 : i32
          %dma_wait3A_116 = tpu.memref_slice %arg10[%dma_wait3A_114, %dma_wait3A_115] : memref<10240x128xf32, #tpu.memory_space<vmem_shared>> -> memref<10240x128xf32, #tpu.memory_space<vmem_shared>>
          tpu.wait_indirect_dma semaphore(%run_scoped3A : memref<!tpu.dma_semaphore, #tpu.memory_space<semaphore_mem>>) src(%arg8 : memref<128x128xf32, #tpu.memory_space<vmem>>) dst(%dma_wait3A_116 : memref<10240x128xf32, #tpu.memory_space<vmem_shared>>)
          tpu.yield
        }) : () -> ()
        %add3A_84 = arith.constant 2 : i32
        %add3A_85 = arith.addi %add3A_78, %add3A_84 : i32
        %lt3A = arith.constant 40 : i32
        %lt3A_86 = arith.cmpi slt, %add3A_85, %lt3A : i32
        %convert_element_type3A = arith.extui %lt3A_86 : i1 to i32
        %cond3A = arith.constant 0 : i32
        %cond3A_87 = arith.cmpi ne, %convert_element_type3A, %cond3A : i32
        scf.if %cond3A_87 {
          %add3A_105 = arith.constant 2 : i32
          %add3A_106 = arith.addi %add3A_78, %add3A_105 : i32
          %dma_start3A_107 = arith.constant 0 : i32
          %dma_start3A_108 = tpu.memref_slice %arg6[%add3A_106, %dma_start3A_107] : memref<40x128xi32, #tpu.memory_space<vmem>> -> memref<1x128xi32, #tpu.memory_space<vmem>>
          %dma_start3A_109 = tpu.memref_squeeze %dma_start3A_108 : memref<1x128xi32, #tpu.memory_space<vmem>> -> memref<128xi32, #tpu.memory_space<vmem>>
          %dma_start3A_110 = arith.constant 0 : i32
          %dma_start3A_111 = arith.constant 0 : i32
          %dma_start3A_112 = tpu.memref_slice %arg2[%dma_start3A_110, %dma_start3A_111] : memref<10240x128xf32, #tpu.memory_space<hbm>> -> memref<10240x128xf32, #tpu.memory_space<hbm>>
          tpu.enqueue_indirect_dma source(%dma_start3A_112 : memref<10240x128xf32, #tpu.memory_space<hbm>>) target(%arg8 : memref<128x128xf32, #tpu.memory_space<vmem>>) offsets(%dma_start3A_109 : memref<128xi32, #tpu.memory_space<vmem>>) semaphore(%arg11 : memref<!tpu.dma_semaphore, #tpu.memory_space<semaphore_mem>>)
        } else {
        }
        %add3A_88 = arith.constant 1 : i32
        %add3A_89 = arith.addi %add3A_78, %add3A_88 : i32
        %dma_wait3A_90 = arith.constant 0 : i32
        %dma_wait3A_91 = tpu.memref_slice %arg6[%add3A_89, %dma_wait3A_90] : memref<40x128xi32, #tpu.memory_space<vmem>> -> memref<1x128xi32, #tpu.memory_space<vmem>>
        %dma_wait3A_92 = tpu.memref_squeeze %dma_wait3A_91 : memref<1x128xi32, #tpu.memory_space<vmem>> -> memref<128xi32, #tpu.memory_space<vmem>>
        %dma_wait3A_93 = arith.constant 0 : i32
        %dma_wait3A_94 = arith.constant 0 : i32
        %dma_wait3A_95 = tpu.memref_slice %arg2[%dma_wait3A_93, %dma_wait3A_94] : memref<10240x128xf32, #tpu.memory_space<hbm>> -> memref<10240x128xf32, #tpu.memory_space<hbm>>
        tpu.wait_indirect_dma semaphore(%arg12 : memref<!tpu.dma_semaphore, #tpu.memory_space<semaphore_mem>>) src(%dma_wait3A_95 : memref<10240x128xf32, #tpu.memory_space<hbm>>) dst(%arg9 : memref<128x128xf32, #tpu.memory_space<vmem>>)
        %add3A_96 = arith.constant 1 : i32
        %add3A_97 = arith.addi %add3A_78, %add3A_96 : i32
        "tpu.region"() ({
          %run_scoped3A = tpu.sem_alloc : memref<!tpu.dma_semaphore, #tpu.memory_space<semaphore_mem>>
          %dma_start3A_105 = arith.constant 0 : i32
          %dma_start3A_106 = tpu.memref_slice %arg7[%add3A_97, %dma_start3A_105] : memref<40x128xi32, #tpu.memory_space<vmem>> -> memref<1x128xi32, #tpu.memory_space<vmem>>
          %dma_start3A_107 = tpu.memref_squeeze %dma_start3A_106 : memref<1x128xi32, #tpu.memory_space<vmem>> -> memref<128xi32, #tpu.memory_space<vmem>>
          %dma_start3A_108 = arith.constant 0 : i32
          %dma_start3A_109 = arith.constant 0 : i32
          %dma_start3A_110 = tpu.memref_slice %arg10[%dma_start3A_108, %dma_start3A_109] : memref<10240x128xf32, #tpu.memory_space<vmem_shared>> -> memref<10240x128xf32, #tpu.memory_space<vmem_shared>>
          tpu.enqueue_indirect_dma source(%arg9 : memref<128x128xf32, #tpu.memory_space<vmem>>) target(%dma_start3A_110 : memref<10240x128xf32, #tpu.memory_space<vmem_shared>>) offsets(%dma_start3A_107 : memref<128xi32, #tpu.memory_space<vmem>>) semaphore(%run_scoped3A : memref<!tpu.dma_semaphore, #tpu.memory_space<semaphore_mem>>) {add = true}
          %dma_wait3A_111 = arith.constant 0 : i32
          %dma_wait3A_112 = tpu.memref_slice %arg7[%add3A_97, %dma_wait3A_111] : memref<40x128xi32, #tpu.memory_space<vmem>> -> memref<1x128xi32, #tpu.memory_space<vmem>>
          %dma_wait3A_113 = tpu.memref_squeeze %dma_wait3A_112 : memref<1x128xi32, #tpu.memory_space<vmem>> -> memref<128xi32, #tpu.memory_space<vmem>>
          %dma_wait3A_114 = arith.constant 0 : i32
          %dma_wait3A_115 = arith.constant 0 : i32
          %dma_wait3A_116 = tpu.memref_slice %arg10[%dma_wait3A_114, %dma_wait3A_115] : memref<10240x128xf32, #tpu.memory_space<vmem_shared>> -> memref<10240x128xf32, #tpu.memory_space<vmem_shared>>
          tpu.wait_indirect_dma semaphore(%run_scoped3A : memref<!tpu.dma_semaphore, #tpu.memory_space<semaphore_mem>>) src(%arg9 : memref<128x128xf32, #tpu.memory_space<vmem>>) dst(%dma_wait3A_116 : memref<10240x128xf32, #tpu.memory_space<vmem_shared>>)
          tpu.yield
        }) : () -> ()
        %add3A_98 = arith.constant 3 : i32
        %add3A_99 = arith.addi %add3A_78, %add3A_98 : i32
        %lt3A_100 = arith.constant 40 : i32
        %lt3A_101 = arith.cmpi slt, %add3A_99, %lt3A_100 : i32
        %convert_element_type3A_102 = arith.extui %lt3A_101 : i1 to i32
        %cond3A_103 = arith.constant 0 : i32
        %cond3A_104 = arith.cmpi ne, %convert_element_type3A_102, %cond3A_103 : i32
        scf.if %cond3A_104 {
          %add3A_105 = arith.constant 3 : i32
          %add3A_106 = arith.addi %add3A_78, %add3A_105 : i32
          %dma_start3A_107 = arith.constant 0 : i32
          %dma_start3A_108 = tpu.memref_slice %arg6[%add3A_106, %dma_start3A_107] : memref<40x128xi32, #tpu.memory_space<vmem>> -> memref<1x128xi32, #tpu.memory_space<vmem>>
          %dma_start3A_109 = tpu.memref_squeeze %dma_start3A_108 : memref<1x128xi32, #tpu.memory_space<vmem>> -> memref<128xi32, #tpu.memory_space<vmem>>
          %dma_start3A_110 = arith.constant 0 : i32
          %dma_start3A_111 = arith.constant 0 : i32
          %dma_start3A_112 = tpu.memref_slice %arg2[%dma_start3A_110, %dma_start3A_111] : memref<10240x128xf32, #tpu.memory_space<hbm>> -> memref<10240x128xf32, #tpu.memory_space<hbm>>
          tpu.enqueue_indirect_dma source(%dma_start3A_112 : memref<10240x128xf32, #tpu.memory_space<hbm>>) target(%arg9 : memref<128x128xf32, #tpu.memory_space<vmem>>) offsets(%dma_start3A_109 : memref<128xi32, #tpu.memory_space<vmem>>) semaphore(%arg12 : memref<!tpu.dma_semaphore, #tpu.memory_space<semaphore_mem>>)
        } else {
        }
      }
      %scan3A_73 = arith.constant 20 : i32
    }
    %barrier3A_44 = arith.constant 0 : index
    tpu.barrier barrier_id(%barrier3A_44)
    %mul3A_45 = arith.constant 640 : i32
    %mul3A_46 = arith.muli %arg1, %mul3A_45 : i32
    %mul3A_47 = arith.constant 640 : i32
    %mul3A_48 = arith.muli %arg1, %mul3A_47 : i32
    "tpu.region"() ({
      %run_scoped3A = tpu.sem_alloc : memref<!tpu.dma_semaphore, #tpu.memory_space<semaphore_mem>>
      %dma_start3A = arith.constant 0 : i32
      %dma_start3A_49 = tpu.memref_slice %arg5[%arg0, %mul3A_48, %dma_start3A] : memref<2x10240x128xf32, #tpu.memory_space<hbm>> -> memref<1x640x128xf32, #tpu.memory_space<hbm>>
      %dma_start3A_50 = tpu.memref_squeeze %dma_start3A_49 : memref<1x640x128xf32, #tpu.memory_space<hbm>> -> memref<640x128xf32, #tpu.memory_space<hbm>>
      %dma_start3A_51 = arith.constant 0 : i32
      %dma_start3A_52 = tpu.memref_slice %arg10[%mul3A_46, %dma_start3A_51] : memref<10240x128xf32, #tpu.memory_space<vmem_shared>> -> memref<640x128xf32, #tpu.memory_space<vmem_shared>>
      tpu.enqueue_dma source(%dma_start3A_52 : memref<640x128xf32, #tpu.memory_space<vmem_shared>>) target(%dma_start3A_50 : memref<640x128xf32, #tpu.memory_space<hbm>>) target_semaphore(%run_scoped3A : memref<!tpu.dma_semaphore, #tpu.memory_space<semaphore_mem>>)
      %dma_wait3A = arith.constant 0 : i32
      %dma_wait3A_53 = tpu.memref_slice %arg5[%arg0, %mul3A_48, %dma_wait3A] : memref<2x10240x128xf32, #tpu.memory_space<hbm>> -> memref<1x640x128xf32, #tpu.memory_space<hbm>>
      %dma_wait3A_54 = tpu.memref_squeeze %dma_wait3A_53 : memref<1x640x128xf32, #tpu.memory_space<hbm>> -> memref<640x128xf32, #tpu.memory_space<hbm>>
      %dma_wait3A_55 = arith.constant 0 : i32
      %dma_wait3A_56 = tpu.memref_slice %arg10[%mul3A_46, %dma_wait3A_55] : memref<10240x128xf32, #tpu.memory_space<vmem_shared>> -> memref<640x128xf32, #tpu.memory_space<vmem_shared>>
      tpu.wait_dma2 semaphore(%run_scoped3A : memref<!tpu.dma_semaphore, #tpu.memory_space<semaphore_mem>>) src(%dma_wait3A_56 : memref<640x128xf32, #tpu.memory_space<vmem_shared>>) dst(%dma_wait3A_54 : memref<640x128xf32, #tpu.memory_space<hbm>>)
      tpu.yield
    }) : () -> ()
    return
  }
}

#map = affine_map<(d0, d1) -> (0, 0, 0)>
module attributes {stable_mosaic.version = 14 : i64} {
  func.func @_deg_sc(%arg0: i32, %arg1: i32, %arg2: memref<32x80x128xi32, #tpu.memory_space<hbm>>, %arg3: memref<2x10240x128xf32, #tpu.memory_space<hbm>>, %arg4: memref<80x128xi32, #tpu.memory_space<vmem>>, %arg5: memref<128x128xf32, #tpu.memory_space<vmem>>, %arg6: memref<10240x128xf32, #tpu.memory_space<vmem_shared>>) attributes {dimension_semantics = [#tpu.dimension_semantics<core_parallel>, #tpu.dimension_semantics<subcore_parallel>], iteration_bounds = array<i64: 2, 16>, scalar_prefetch = 0 : i64, scratch_operands = 3 : i64, tpu.core_type = #tpu.core_type<sc_vector_subcore>, window_params = [{transform_indices = #map}, {transform_indices = #map}]} {
    %mul3A = arith.constant 16 : i32
    %mul3A_0 = arith.muli %arg0, %mul3A : i32
    %add3A = arith.addi %mul3A_0, %arg1 : i32
    "tpu.region"() ({
      %run_scoped3A = tpu.sem_alloc : memref<!tpu.dma_semaphore, #tpu.memory_space<semaphore_mem>>
      %dma_start3A = arith.constant 0 : i32
      %dma_start3A_43 = arith.constant 0 : i32
      %dma_start3A_44 = tpu.memref_slice %arg2[%add3A, %dma_start3A, %dma_start3A_43] : memref<32x80x128xi32, #tpu.memory_space<hbm>> -> memref<1x80x128xi32, #tpu.memory_space<hbm>>
      %dma_start3A_45 = tpu.memref_squeeze %dma_start3A_44 : memref<1x80x128xi32, #tpu.memory_space<hbm>> -> memref<80x128xi32, #tpu.memory_space<hbm>>
      %dma_start3A_46 = arith.constant 0 : i32
      %dma_start3A_47 = arith.constant 0 : i32
      %dma_start3A_48 = tpu.memref_slice %arg2[%add3A, %dma_start3A_46, %dma_start3A_47] : memref<32x80x128xi32, #tpu.memory_space<hbm>> -> memref<1x80x128xi32, #tpu.memory_space<hbm>>
      %dma_start3A_49 = tpu.memref_squeeze %dma_start3A_48 : memref<1x80x128xi32, #tpu.memory_space<hbm>> -> memref<80x128xi32, #tpu.memory_space<hbm>>
      tpu.enqueue_dma source(%dma_start3A_49 : memref<80x128xi32, #tpu.memory_space<hbm>>) target(%arg4 : memref<80x128xi32, #tpu.memory_space<vmem>>) target_semaphore(%run_scoped3A : memref<!tpu.dma_semaphore, #tpu.memory_space<semaphore_mem>>)
      %dma_wait3A = arith.constant 0 : i32
      %dma_wait3A_50 = arith.constant 0 : i32
      %dma_wait3A_51 = tpu.memref_slice %arg2[%add3A, %dma_wait3A, %dma_wait3A_50] : memref<32x80x128xi32, #tpu.memory_space<hbm>> -> memref<1x80x128xi32, #tpu.memory_space<hbm>>
      %dma_wait3A_52 = tpu.memref_squeeze %dma_wait3A_51 : memref<1x80x128xi32, #tpu.memory_space<hbm>> -> memref<80x128xi32, #tpu.memory_space<hbm>>
      %dma_wait3A_53 = arith.constant 0 : i32
      %dma_wait3A_54 = arith.constant 0 : i32
      %dma_wait3A_55 = tpu.memref_slice %arg2[%add3A, %dma_wait3A_53, %dma_wait3A_54] : memref<32x80x128xi32, #tpu.memory_space<hbm>> -> memref<1x80x128xi32, #tpu.memory_space<hbm>>
      %dma_wait3A_56 = tpu.memref_squeeze %dma_wait3A_55 : memref<1x80x128xi32, #tpu.memory_space<hbm>> -> memref<80x128xi32, #tpu.memory_space<hbm>>
      tpu.wait_dma2 semaphore(%run_scoped3A : memref<!tpu.dma_semaphore, #tpu.memory_space<semaphore_mem>>) src(%dma_wait3A_56 : memref<80x128xi32, #tpu.memory_space<hbm>>) dst(%arg4 : memref<80x128xi32, #tpu.memory_space<vmem>>)
      tpu.yield
    }) : () -> ()
    %broadcast_in_dim3A = arith.constant 0.000000e+00 : f32
    %broadcast_in_dim3A_1 = vector.broadcast %broadcast_in_dim3A : f32 to vector<16xf32>
    %scan3A = arith.constant 0 : i32
    %scan3A_2 = arith.constant 128 : i32
    %scan3A_3 = arith.addi %scan3A, %scan3A_2 : i32
    %scan3A_4 = arith.constant 1 : i32
    scf.for %scan3A_43 = %scan3A to %scan3A_3 step %scan3A_4  : i32 {
      %mul3A_44 = arith.constant 1 : i32
      %mul3A_45 = arith.muli %scan3A_43, %mul3A_44 : i32
      %add3A_46 = arith.constant 0 : i32
      %add3A_47 = arith.addi %add3A_46, %mul3A_45 : i32
      %swap3A = arith.index_cast %add3A_47 : i32 to index
      %swap3A_48 = arith.constant 0 : index
      %swap3A_49 = tpu.vector_load %arg5[%swap3A, %swap3A_48] {strides = array<i32>} : memref<128x128xf32, #tpu.memory_space<vmem>>, vector<1x16xf32>,
      %swap3A_50 = vector.shape_cast %swap3A_49 : vector<1x16xf32> to vector<16xf32>
      %swap3A_51 = vector.shape_cast %broadcast_in_dim3A_1 : vector<16xf32> to vector<1x16xf32>
      tpu.vector_store %arg5[%swap3A, %swap3A_48], %swap3A_51 {strides = array<i32>} : memref<128x128xf32, #tpu.memory_space<vmem>>, vector<1x16xf32>,
      %swap3A_52 = arith.index_cast %add3A_47 : i32 to index
      %swap3A_53 = arith.constant 16 : index
      %swap3A_54 = tpu.vector_load %arg5[%swap3A_52, %swap3A_53] {strides = array<i32>} : memref<128x128xf32, #tpu.memory_space<vmem>>, vector<1x16xf32>,
      %swap3A_55 = vector.shape_cast %swap3A_54 : vector<1x16xf32> to vector<16xf32>
      %swap3A_56 = vector.shape_cast %broadcast_in_dim3A_1 : vector<16xf32> to vector<1x16xf32>
      tpu.vector_store %arg5[%swap3A_52, %swap3A_53], %swap3A_56 {strides = array<i32>} : memref<128x128xf32, #tpu.memory_space<vmem>>, vector<1x16xf32>,
      %swap3A_57 = arith.index_cast %add3A_47 : i32 to index
      %swap3A_58 = arith.constant 32 : index
      %swap3A_59 = tpu.vector_load %arg5[%swap3A_57, %swap3A_58] {strides = array<i32>} : memref<128x128xf32, #tpu.memory_space<vmem>>, vector<1x16xf32>,
      %swap3A_60 = vector.shape_cast %swap3A_59 : vector<1x16xf32> to vector<16xf32>
      %swap3A_61 = vector.shape_cast %broadcast_in_dim3A_1 : vector<16xf32> to vector<1x16xf32>
      tpu.vector_store %arg5[%swap3A_57, %swap3A_58], %swap3A_61 {strides = array<i32>} : memref<128x128xf32, #tpu.memory_space<vmem>>, vector<1x16xf32>,
      %swap3A_62 = arith.index_cast %add3A_47 : i32 to index
      %swap3A_63 = arith.constant 48 : index
      %swap3A_64 = tpu.vector_load %arg5[%swap3A_62, %swap3A_63] {strides = array<i32>} : memref<128x128xf32, #tpu.memory_space<vmem>>, vector<1x16xf32>,
      %swap3A_65 = vector.shape_cast %swap3A_64 : vector<1x16xf32> to vector<16xf32>
      %swap3A_66 = vector.shape_cast %broadcast_in_dim3A_1 : vector<16xf32> to vector<1x16xf32>
      tpu.vector_store %arg5[%swap3A_62, %swap3A_63], %swap3A_66 {strides = array<i32>} : memref<128x128xf32, #tpu.memory_space<vmem>>, vector<1x16xf32>,
      %swap3A_67 = arith.index_cast %add3A_47 : i32 to index
      %swap3A_68 = arith.constant 64 : index
      %swap3A_69 = tpu.vector_load %arg5[%swap3A_67, %swap3A_68] {strides = array<i32>} : memref<128x128xf32, #tpu.memory_space<vmem>>, vector<1x16xf32>,
      %swap3A_70 = vector.shape_cast %swap3A_69 : vector<1x16xf32> to vector<16xf32>
      %swap3A_71 = vector.shape_cast %broadcast_in_dim3A_1 : vector<16xf32> to vector<1x16xf32>
      tpu.vector_store %arg5[%swap3A_67, %swap3A_68], %swap3A_71 {strides = array<i32>} : memref<128x128xf32, #tpu.memory_space<vmem>>, vector<1x16xf32>,
      %swap3A_72 = arith.index_cast %add3A_47 : i32 to index
      %swap3A_73 = arith.constant 80 : index
      %swap3A_74 = tpu.vector_load %arg5[%swap3A_72, %swap3A_73] {strides = array<i32>} : memref<128x128xf32, #tpu.memory_space<vmem>>, vector<1x16xf32>,
      %swap3A_75 = vector.shape_cast %swap3A_74 : vector<1x16xf32> to vector<16xf32>
      %swap3A_76 = vector.shape_cast %broadcast_in_dim3A_1 : vector<16xf32> to vector<1x16xf32>
      tpu.vector_store %arg5[%swap3A_72, %swap3A_73], %swap3A_76 {strides = array<i32>} : memref<128x128xf32, #tpu.memory_space<vmem>>, vector<1x16xf32>,
      %swap3A_77 = arith.index_cast %add3A_47 : i32 to index
      %swap3A_78 = arith.constant 96 : index
      %swap3A_79 = tpu.vector_load %arg5[%swap3A_77, %swap3A_78] {strides = array<i32>} : memref<128x128xf32, #tpu.memory_space<vmem>>, vector<1x16xf32>,
      %swap3A_80 = vector.shape_cast %swap3A_79 : vector<1x16xf32> to vector<16xf32>
      %swap3A_81 = vector.shape_cast %broadcast_in_dim3A_1 : vector<16xf32> to vector<1x16xf32>
      tpu.vector_store %arg5[%swap3A_77, %swap3A_78], %swap3A_81 {strides = array<i32>} : memref<128x128xf32, #tpu.memory_space<vmem>>, vector<1x16xf32>,
      %swap3A_82 = arith.index_cast %add3A_47 : i32 to index
      %swap3A_83 = arith.constant 112 : index
      %swap3A_84 = tpu.vector_load %arg5[%swap3A_82, %swap3A_83] {strides = array<i32>} : memref<128x128xf32, #tpu.memory_space<vmem>>, vector<1x16xf32>,
      %swap3A_85 = vector.shape_cast %swap3A_84 : vector<1x16xf32> to vector<16xf32>
      %swap3A_86 = vector.shape_cast %broadcast_in_dim3A_1 : vector<16xf32> to vector<1x16xf32>
      tpu.vector_store %arg5[%swap3A_82, %swap3A_83], %swap3A_86 {strides = array<i32>} : memref<128x128xf32, #tpu.memory_space<vmem>>, vector<1x16xf32>,
    }
    %scan3A_5 = arith.constant 128 : i32
    %mul3A_6 = arith.constant 640 : i32
    %mul3A_7 = arith.muli %arg1, %mul3A_6 : i32
    %add3A_8 = arith.constant 0 : i32
    %add3A_9 = arith.addi %mul3A_7, %add3A_8 : i32
    "tpu.region"() ({
      %run_scoped3A = tpu.sem_alloc : memref<!tpu.dma_semaphore, #tpu.memory_space<semaphore_mem>>
      %dma_start3A = arith.constant 0 : i32
      %dma_start3A_43 = tpu.memref_slice %arg6[%add3A_9, %dma_start3A] : memref<10240x128xf32, #tpu.memory_space<vmem_shared>> -> memref<128x128xf32, #tpu.memory_space<vmem_shared>>
      %dma_start3A_44 = arith.constant 0 : i32
      %dma_start3A_45 = tpu.memref_slice %arg6[%add3A_9, %dma_start3A_44] : memref<10240x128xf32, #tpu.memory_space<vmem_shared>> -> memref<128x128xf32, #tpu.memory_space<vmem_shared>>
      tpu.enqueue_dma source(%arg5 : memref<128x128xf32, #tpu.memory_space<vmem>>) target(%dma_start3A_45 : memref<128x128xf32, #tpu.memory_space<vmem_shared>>) target_semaphore(%run_scoped3A : memref<!tpu.dma_semaphore, #tpu.memory_space<semaphore_mem>>)
      %dma_wait3A = arith.constant 0 : i32
      %dma_wait3A_46 = tpu.memref_slice %arg6[%add3A_9, %dma_wait3A] : memref<10240x128xf32, #tpu.memory_space<vmem_shared>> -> memref<128x128xf32, #tpu.memory_space<vmem_shared>>
      %dma_wait3A_47 = arith.constant 0 : i32
      %dma_wait3A_48 = tpu.memref_slice %arg6[%add3A_9, %dma_wait3A_47] : memref<10240x128xf32, #tpu.memory_space<vmem_shared>> -> memref<128x128xf32, #tpu.memory_space<vmem_shared>>
      tpu.wait_dma2 semaphore(%run_scoped3A : memref<!tpu.dma_semaphore, #tpu.memory_space<semaphore_mem>>) src(%arg5 : memref<128x128xf32, #tpu.memory_space<vmem>>) dst(%dma_wait3A_48 : memref<128x128xf32, #tpu.memory_space<vmem_shared>>)
      tpu.yield
    }) : () -> ()
    %mul3A_10 = arith.constant 640 : i32
    %mul3A_11 = arith.muli %arg1, %mul3A_10 : i32
    %add3A_12 = arith.constant 128 : i32
    %add3A_13 = arith.addi %mul3A_11, %add3A_12 : i32
    "tpu.region"() ({
      %run_scoped3A = tpu.sem_alloc : memref<!tpu.dma_semaphore, #tpu.memory_space<semaphore_mem>>
      %dma_start3A = arith.constant 0 : i32
      %dma_start3A_43 = tpu.memref_slice %arg6[%add3A_13, %dma_start3A] : memref<10240x128xf32, #tpu.memory_space<vmem_shared>> -> memref<128x128xf32, #tpu.memory_space<vmem_shared>>
      %dma_start3A_44 = arith.constant 0 : i32
      %dma_start3A_45 = tpu.memref_slice %arg6[%add3A_13, %dma_start3A_44] : memref<10240x128xf32, #tpu.memory_space<vmem_shared>> -> memref<128x128xf32, #tpu.memory_space<vmem_shared>>
      tpu.enqueue_dma source(%arg5 : memref<128x128xf32, #tpu.memory_space<vmem>>) target(%dma_start3A_45 : memref<128x128xf32, #tpu.memory_space<vmem_shared>>) target_semaphore(%run_scoped3A : memref<!tpu.dma_semaphore, #tpu.memory_space<semaphore_mem>>)
      %dma_wait3A = arith.constant 0 : i32
      %dma_wait3A_46 = tpu.memref_slice %arg6[%add3A_13, %dma_wait3A] : memref<10240x128xf32, #tpu.memory_space<vmem_shared>> -> memref<128x128xf32, #tpu.memory_space<vmem_shared>>
      %dma_wait3A_47 = arith.constant 0 : i32
      %dma_wait3A_48 = tpu.memref_slice %arg6[%add3A_13, %dma_wait3A_47] : memref<10240x128xf32, #tpu.memory_space<vmem_shared>> -> memref<128x128xf32, #tpu.memory_space<vmem_shared>>
      tpu.wait_dma2 semaphore(%run_scoped3A : memref<!tpu.dma_semaphore, #tpu.memory_space<semaphore_mem>>) src(%arg5 : memref<128x128xf32, #tpu.memory_space<vmem>>) dst(%dma_wait3A_48 : memref<128x128xf32, #tpu.memory_space<vmem_shared>>)
      tpu.yield
    }) : () -> ()
    %mul3A_14 = arith.constant 640 : i32
    %mul3A_15 = arith.muli %arg1, %mul3A_14 : i32
    %add3A_16 = arith.constant 256 : i32
    %add3A_17 = arith.addi %mul3A_15, %add3A_16 : i32
    "tpu.region"() ({
      %run_scoped3A = tpu.sem_alloc : memref<!tpu.dma_semaphore, #tpu.memory_space<semaphore_mem>>
      %dma_start3A = arith.constant 0 : i32
      %dma_start3A_43 = tpu.memref_slice %arg6[%add3A_17, %dma_start3A] : memref<10240x128xf32, #tpu.memory_space<vmem_shared>> -> memref<128x128xf32, #tpu.memory_space<vmem_shared>>
      %dma_start3A_44 = arith.constant 0 : i32
      %dma_start3A_45 = tpu.memref_slice %arg6[%add3A_17, %dma_start3A_44] : memref<10240x128xf32, #tpu.memory_space<vmem_shared>> -> memref<128x128xf32, #tpu.memory_space<vmem_shared>>
      tpu.enqueue_dma source(%arg5 : memref<128x128xf32, #tpu.memory_space<vmem>>) target(%dma_start3A_45 : memref<128x128xf32, #tpu.memory_space<vmem_shared>>) target_semaphore(%run_scoped3A : memref<!tpu.dma_semaphore, #tpu.memory_space<semaphore_mem>>)
      %dma_wait3A = arith.constant 0 : i32
      %dma_wait3A_46 = tpu.memref_slice %arg6[%add3A_17, %dma_wait3A] : memref<10240x128xf32, #tpu.memory_space<vmem_shared>> -> memref<128x128xf32, #tpu.memory_space<vmem_shared>>
      %dma_wait3A_47 = arith.constant 0 : i32
      %dma_wait3A_48 = tpu.memref_slice %arg6[%add3A_17, %dma_wait3A_47] : memref<10240x128xf32, #tpu.memory_space<vmem_shared>> -> memref<128x128xf32, #tpu.memory_space<vmem_shared>>
      tpu.wait_dma2 semaphore(%run_scoped3A : memref<!tpu.dma_semaphore, #tpu.memory_space<semaphore_mem>>) src(%arg5 : memref<128x128xf32, #tpu.memory_space<vmem>>) dst(%dma_wait3A_48 : memref<128x128xf32, #tpu.memory_space<vmem_shared>>)
      tpu.yield
    }) : () -> ()
    %mul3A_18 = arith.constant 640 : i32
    %mul3A_19 = arith.muli %arg1, %mul3A_18 : i32
    %add3A_20 = arith.constant 384 : i32
    %add3A_21 = arith.addi %mul3A_19, %add3A_20 : i32
    "tpu.region"() ({
      %run_scoped3A = tpu.sem_alloc : memref<!tpu.dma_semaphore, #tpu.memory_space<semaphore_mem>>
      %dma_start3A = arith.constant 0 : i32
      %dma_start3A_43 = tpu.memref_slice %arg6[%add3A_21, %dma_start3A] : memref<10240x128xf32, #tpu.memory_space<vmem_shared>> -> memref<128x128xf32, #tpu.memory_space<vmem_shared>>
      %dma_start3A_44 = arith.constant 0 : i32
      %dma_start3A_45 = tpu.memref_slice %arg6[%add3A_21, %dma_start3A_44] : memref<10240x128xf32, #tpu.memory_space<vmem_shared>> -> memref<128x128xf32, #tpu.memory_space<vmem_shared>>
      tpu.enqueue_dma source(%arg5 : memref<128x128xf32, #tpu.memory_space<vmem>>) target(%dma_start3A_45 : memref<128x128xf32, #tpu.memory_space<vmem_shared>>) target_semaphore(%run_scoped3A : memref<!tpu.dma_semaphore, #tpu.memory_space<semaphore_mem>>)
      %dma_wait3A = arith.constant 0 : i32
      %dma_wait3A_46 = tpu.memref_slice %arg6[%add3A_21, %dma_wait3A] : memref<10240x128xf32, #tpu.memory_space<vmem_shared>> -> memref<128x128xf32, #tpu.memory_space<vmem_shared>>
      %dma_wait3A_47 = arith.constant 0 : i32
      %dma_wait3A_48 = tpu.memref_slice %arg6[%add3A_21, %dma_wait3A_47] : memref<10240x128xf32, #tpu.memory_space<vmem_shared>> -> memref<128x128xf32, #tpu.memory_space<vmem_shared>>
      tpu.wait_dma2 semaphore(%run_scoped3A : memref<!tpu.dma_semaphore, #tpu.memory_space<semaphore_mem>>) src(%arg5 : memref<128x128xf32, #tpu.memory_space<vmem>>) dst(%dma_wait3A_48 : memref<128x128xf32, #tpu.memory_space<vmem_shared>>)
      tpu.yield
    }) : () -> ()
    %mul3A_22 = arith.constant 640 : i32
    %mul3A_23 = arith.muli %arg1, %mul3A_22 : i32
    %add3A_24 = arith.constant 512 : i32
    %add3A_25 = arith.addi %mul3A_23, %add3A_24 : i32
    "tpu.region"() ({
      %run_scoped3A = tpu.sem_alloc : memref<!tpu.dma_semaphore, #tpu.memory_space<semaphore_mem>>
      %dma_start3A = arith.constant 0 : i32
      %dma_start3A_43 = tpu.memref_slice %arg6[%add3A_25, %dma_start3A] : memref<10240x128xf32, #tpu.memory_space<vmem_shared>> -> memref<128x128xf32, #tpu.memory_space<vmem_shared>>
      %dma_start3A_44 = arith.constant 0 : i32
      %dma_start3A_45 = tpu.memref_slice %arg6[%add3A_25, %dma_start3A_44] : memref<10240x128xf32, #tpu.memory_space<vmem_shared>> -> memref<128x128xf32, #tpu.memory_space<vmem_shared>>
      tpu.enqueue_dma source(%arg5 : memref<128x128xf32, #tpu.memory_space<vmem>>) target(%dma_start3A_45 : memref<128x128xf32, #tpu.memory_space<vmem_shared>>) target_semaphore(%run_scoped3A : memref<!tpu.dma_semaphore, #tpu.memory_space<semaphore_mem>>)
      %dma_wait3A = arith.constant 0 : i32
      %dma_wait3A_46 = tpu.memref_slice %arg6[%add3A_25, %dma_wait3A] : memref<10240x128xf32, #tpu.memory_space<vmem_shared>> -> memref<128x128xf32, #tpu.memory_space<vmem_shared>>
      %dma_wait3A_47 = arith.constant 0 : i32
      %dma_wait3A_48 = tpu.memref_slice %arg6[%add3A_25, %dma_wait3A_47] : memref<10240x128xf32, #tpu.memory_space<vmem_shared>> -> memref<128x128xf32, #tpu.memory_space<vmem_shared>>
      tpu.wait_dma2 semaphore(%run_scoped3A : memref<!tpu.dma_semaphore, #tpu.memory_space<semaphore_mem>>) src(%arg5 : memref<128x128xf32, #tpu.memory_space<vmem>>) dst(%dma_wait3A_48 : memref<128x128xf32, #tpu.memory_space<vmem_shared>>)
      tpu.yield
    }) : () -> ()
    %broadcast_in_dim3A_26 = arith.constant 1.000000e+00 : f32
    %broadcast_in_dim3A_27 = vector.broadcast %broadcast_in_dim3A_26 : f32 to vector<16xf32>
    %scan3A_28 = arith.constant 0 : i32
    %scan3A_29 = arith.constant 128 : i32
    %scan3A_30 = arith.addi %scan3A_28, %scan3A_29 : i32
    %scan3A_31 = arith.constant 1 : i32
    scf.for %scan3A_43 = %scan3A_28 to %scan3A_30 step %scan3A_31  : i32 {
      %mul3A_44 = arith.constant 1 : i32
      %mul3A_45 = arith.muli %scan3A_43, %mul3A_44 : i32
      %add3A_46 = arith.constant 0 : i32
      %add3A_47 = arith.addi %add3A_46, %mul3A_45 : i32
      %swap3A = arith.index_cast %add3A_47 : i32 to index
      %swap3A_48 = arith.constant 0 : index
      %swap3A_49 = tpu.vector_load %arg5[%swap3A, %swap3A_48] {strides = array<i32>} : memref<128x128xf32, #tpu.memory_space<vmem>>, vector<1x16xf32>,
      %swap3A_50 = vector.shape_cast %swap3A_49 : vector<1x16xf32> to vector<16xf32>
      %swap3A_51 = vector.shape_cast %broadcast_in_dim3A_27 : vector<16xf32> to vector<1x16xf32>
      tpu.vector_store %arg5[%swap3A, %swap3A_48], %swap3A_51 {strides = array<i32>} : memref<128x128xf32, #tpu.memory_space<vmem>>, vector<1x16xf32>,
      %swap3A_52 = arith.index_cast %add3A_47 : i32 to index
      %swap3A_53 = arith.constant 16 : index
      %swap3A_54 = tpu.vector_load %arg5[%swap3A_52, %swap3A_53] {strides = array<i32>} : memref<128x128xf32, #tpu.memory_space<vmem>>, vector<1x16xf32>,
      %swap3A_55 = vector.shape_cast %swap3A_54 : vector<1x16xf32> to vector<16xf32>
      %swap3A_56 = vector.shape_cast %broadcast_in_dim3A_27 : vector<16xf32> to vector<1x16xf32>
      tpu.vector_store %arg5[%swap3A_52, %swap3A_53], %swap3A_56 {strides = array<i32>} : memref<128x128xf32, #tpu.memory_space<vmem>>, vector<1x16xf32>,
      %swap3A_57 = arith.index_cast %add3A_47 : i32 to index
      %swap3A_58 = arith.constant 32 : index
      %swap3A_59 = tpu.vector_load %arg5[%swap3A_57, %swap3A_58] {strides = array<i32>} : memref<128x128xf32, #tpu.memory_space<vmem>>, vector<1x16xf32>,
      %swap3A_60 = vector.shape_cast %swap3A_59 : vector<1x16xf32> to vector<16xf32>
      %swap3A_61 = vector.shape_cast %broadcast_in_dim3A_27 : vector<16xf32> to vector<1x16xf32>
      tpu.vector_store %arg5[%swap3A_57, %swap3A_58], %swap3A_61 {strides = array<i32>} : memref<128x128xf32, #tpu.memory_space<vmem>>, vector<1x16xf32>,
      %swap3A_62 = arith.index_cast %add3A_47 : i32 to index
      %swap3A_63 = arith.constant 48 : index
      %swap3A_64 = tpu.vector_load %arg5[%swap3A_62, %swap3A_63] {strides = array<i32>} : memref<128x128xf32, #tpu.memory_space<vmem>>, vector<1x16xf32>,
      %swap3A_65 = vector.shape_cast %swap3A_64 : vector<1x16xf32> to vector<16xf32>
      %swap3A_66 = vector.shape_cast %broadcast_in_dim3A_27 : vector<16xf32> to vector<1x16xf32>
      tpu.vector_store %arg5[%swap3A_62, %swap3A_63], %swap3A_66 {strides = array<i32>} : memref<128x128xf32, #tpu.memory_space<vmem>>, vector<1x16xf32>,
      %swap3A_67 = arith.index_cast %add3A_47 : i32 to index
      %swap3A_68 = arith.constant 64 : index
      %swap3A_69 = tpu.vector_load %arg5[%swap3A_67, %swap3A_68] {strides = array<i32>} : memref<128x128xf32, #tpu.memory_space<vmem>>, vector<1x16xf32>,
      %swap3A_70 = vector.shape_cast %swap3A_69 : vector<1x16xf32> to vector<16xf32>
      %swap3A_71 = vector.shape_cast %broadcast_in_dim3A_27 : vector<16xf32> to vector<1x16xf32>
      tpu.vector_store %arg5[%swap3A_67, %swap3A_68], %swap3A_71 {strides = array<i32>} : memref<128x128xf32, #tpu.memory_space<vmem>>, vector<1x16xf32>,
      %swap3A_72 = arith.index_cast %add3A_47 : i32 to index
      %swap3A_73 = arith.constant 80 : index
      %swap3A_74 = tpu.vector_load %arg5[%swap3A_72, %swap3A_73] {strides = array<i32>} : memref<128x128xf32, #tpu.memory_space<vmem>>, vector<1x16xf32>,
      %swap3A_75 = vector.shape_cast %swap3A_74 : vector<1x16xf32> to vector<16xf32>
      %swap3A_76 = vector.shape_cast %broadcast_in_dim3A_27 : vector<16xf32> to vector<1x16xf32>
      tpu.vector_store %arg5[%swap3A_72, %swap3A_73], %swap3A_76 {strides = array<i32>} : memref<128x128xf32, #tpu.memory_space<vmem>>, vector<1x16xf32>,
      %swap3A_77 = arith.index_cast %add3A_47 : i32 to index
      %swap3A_78 = arith.constant 96 : index
      %swap3A_79 = tpu.vector_load %arg5[%swap3A_77, %swap3A_78] {strides = array<i32>} : memref<128x128xf32, #tpu.memory_space<vmem>>, vector<1x16xf32>,
      %swap3A_80 = vector.shape_cast %swap3A_79 : vector<1x16xf32> to vector<16xf32>
      %swap3A_81 = vector.shape_cast %broadcast_in_dim3A_27 : vector<16xf32> to vector<1x16xf32>
      tpu.vector_store %arg5[%swap3A_77, %swap3A_78], %swap3A_81 {strides = array<i32>} : memref<128x128xf32, #tpu.memory_space<vmem>>, vector<1x16xf32>,
      %swap3A_82 = arith.index_cast %add3A_47 : i32 to index
      %swap3A_83 = arith.constant 112 : index
      %swap3A_84 = tpu.vector_load %arg5[%swap3A_82, %swap3A_83] {strides = array<i32>} : memref<128x128xf32, #tpu.memory_space<vmem>>, vector<1x16xf32>,
      %swap3A_85 = vector.shape_cast %swap3A_84 : vector<1x16xf32> to vector<16xf32>
      %swap3A_86 = vector.shape_cast %broadcast_in_dim3A_27 : vector<16xf32> to vector<1x16xf32>
      tpu.vector_store %arg5[%swap3A_82, %swap3A_83], %swap3A_86 {strides = array<i32>} : memref<128x128xf32, #tpu.memory_space<vmem>>, vector<1x16xf32>,
    }
    %scan3A_32 = arith.constant 128 : i32
    %barrier3A = arith.constant 0 : index
    tpu.barrier barrier_id(%barrier3A)
    %scan3A_33 = arith.constant 0 : i32
    %scan3A_34 = arith.constant 80 : i32
    %scan3A_35 = arith.addi %scan3A_33, %scan3A_34 : i32
    %scan3A_36 = arith.constant 1 : i32
    scf.for %scan3A_43 = %scan3A_33 to %scan3A_35 step %scan3A_36  : i32 {
      %mul3A_44 = arith.constant 1 : i32
      %mul3A_45 = arith.muli %scan3A_43, %mul3A_44 : i32
      %add3A_46 = arith.constant 0 : i32
      %add3A_47 = arith.addi %add3A_46, %mul3A_45 : i32
      "tpu.region"() ({
        %run_scoped3A = tpu.sem_alloc : memref<!tpu.dma_semaphore, #tpu.memory_space<semaphore_mem>>
        %dma_start3A = arith.constant 0 : i32
        %dma_start3A_48 = tpu.memref_slice %arg4[%add3A_47, %dma_start3A] : memref<80x128xi32, #tpu.memory_space<vmem>> -> memref<1x128xi32, #tpu.memory_space<vmem>>
        %dma_start3A_49 = tpu.memref_squeeze %dma_start3A_48 : memref<1x128xi32, #tpu.memory_space<vmem>> -> memref<128xi32, #tpu.memory_space<vmem>>
        %dma_start3A_50 = arith.constant 0 : i32
        %dma_start3A_51 = arith.constant 0 : i32
        %dma_start3A_52 = tpu.memref_slice %arg6[%dma_start3A_50, %dma_start3A_51] : memref<10240x128xf32, #tpu.memory_space<vmem_shared>> -> memref<10240x128xf32, #tpu.memory_space<vmem_shared>>
        tpu.enqueue_indirect_dma source(%arg5 : memref<128x128xf32, #tpu.memory_space<vmem>>) target(%dma_start3A_52 : memref<10240x128xf32, #tpu.memory_space<vmem_shared>>) offsets(%dma_start3A_49 : memref<128xi32, #tpu.memory_space<vmem>>) semaphore(%run_scoped3A : memref<!tpu.dma_semaphore, #tpu.memory_space<semaphore_mem>>) {add = true}
        %dma_wait3A = arith.constant 0 : i32
        %dma_wait3A_53 = tpu.memref_slice %arg4[%add3A_47, %dma_wait3A] : memref<80x128xi32, #tpu.memory_space<vmem>> -> memref<1x128xi32, #tpu.memory_space<vmem>>
        %dma_wait3A_54 = tpu.memref_squeeze %dma_wait3A_53 : memref<1x128xi32, #tpu.memory_space<vmem>> -> memref<128xi32, #tpu.memory_space<vmem>>
        %dma_wait3A_55 = arith.constant 0 : i32
        %dma_wait3A_56 = arith.constant 0 : i32
        %dma_wait3A_57 = tpu.memref_slice %arg6[%dma_wait3A_55, %dma_wait3A_56] : memref<10240x128xf32, #tpu.memory_space<vmem_shared>> -> memref<10240x128xf32, #tpu.memory_space<vmem_shared>>
        tpu.wait_indirect_dma semaphore(%run_scoped3A : memref<!tpu.dma_semaphore, #tpu.memory_space<semaphore_mem>>) src(%arg5 : memref<128x128xf32, #tpu.memory_space<vmem>>) dst(%dma_wait3A_57 : memref<10240x128xf32, #tpu.memory_space<vmem_shared>>)
        tpu.yield
      }) : () -> ()
    }
    %scan3A_37 = arith.constant 80 : i32
    %barrier3A_38 = arith.constant 0 : index
    tpu.barrier barrier_id(%barrier3A_38)
    %mul3A_39 = arith.constant 640 : i32
    %mul3A_40 = arith.muli %arg1, %mul3A_39 : i32
    %mul3A_41 = arith.constant 640 : i32
    %mul3A_42 = arith.muli %arg1, %mul3A_41 : i32
    "tpu.region"() ({
      %run_scoped3A = tpu.sem_alloc : memref<!tpu.dma_semaphore, #tpu.memory_space<semaphore_mem>>
      %dma_start3A = arith.constant 0 : i32
      %dma_start3A_43 = tpu.memref_slice %arg3[%arg0, %mul3A_42, %dma_start3A] : memref<2x10240x128xf32, #tpu.memory_space<hbm>> -> memref<1x640x128xf32, #tpu.memory_space<hbm>>
      %dma_start3A_44 = tpu.memref_squeeze %dma_start3A_43 : memref<1x640x128xf32, #tpu.memory_space<hbm>> -> memref<640x128xf32, #tpu.memory_space<hbm>>
      %dma_start3A_45 = arith.constant 0 : i32
      %dma_start3A_46 = tpu.memref_slice %arg6[%mul3A_40, %dma_start3A_45] : memref<10240x128xf32, #tpu.memory_space<vmem_shared>> -> memref<640x128xf32, #tpu.memory_space<vmem_shared>>
      tpu.enqueue_dma source(%dma_start3A_46 : memref<640x128xf32, #tpu.memory_space<vmem_shared>>) target(%dma_start3A_44 : memref<640x128xf32, #tpu.memory_space<hbm>>) target_semaphore(%run_scoped3A : memref<!tpu.dma_semaphore, #tpu.memory_space<semaphore_mem>>)
      %dma_wait3A = arith.constant 0 : i32
      %dma_wait3A_47 = tpu.memref_slice %arg3[%arg0, %mul3A_42, %dma_wait3A] : memref<2x10240x128xf32, #tpu.memory_space<hbm>> -> memref<1x640x128xf32, #tpu.memory_space<hbm>>
      %dma_wait3A_48 = tpu.memref_squeeze %dma_wait3A_47 : memref<1x640x128xf32, #tpu.memory_space<hbm>> -> memref<640x128xf32, #tpu.memory_space<hbm>>
      %dma_wait3A_49 = arith.constant 0 : i32
      %dma_wait3A_50 = tpu.memref_slice %arg6[%mul3A_40, %dma_wait3A_49] : memref<10240x128xf32, #tpu.memory_space<vmem_shared>> -> memref<640x128xf32, #tpu.memory_space<vmem_shared>>
      tpu.wait_dma2 semaphore(%run_scoped3A : memref<!tpu.dma_semaphore, #tpu.memory_space<semaphore_mem>>) src(%dma_wait3A_50 : memref<640x128xf32, #tpu.memory_space<vmem_shared>>) dst(%dma_wait3A_48 : memref<640x128xf32, #tpu.memory_space<hbm>>)
      tpu.yield
    }) : () -> ()
    return
  }
}

#map = affine_map<(d0, d1) -> (0, 0)>
#map1 = affine_map<(d0, d1) -> (0, 0, 0)>
module attributes {stable_mosaic.version = 14 : i64} {
  func.func @_spmm_sc(%arg0: i32, %arg1: i32, %arg2: memref<10240x128xf32, #tpu.memory_space<hbm>>, %arg3: memref<32x120x128xi32, #tpu.memory_space<hbm>>, %arg4: memref<32x120x128xi32, #tpu.memory_space<hbm>>, %arg5: memref<2x10240x128xf32, #tpu.memory_space<hbm>>, %arg6: memref<40x128xi32, #tpu.memory_space<vmem>>, %arg7: memref<40x128xi32, #tpu.memory_space<vmem>>, %arg8: memref<128x128xf32, #tpu.memory_space<vmem>>, %arg9: memref<128x128xf32, #tpu.memory_space<vmem>>, %arg10: memref<10240x128xf32, #tpu.memory_space<vmem_shared>>, %arg11: memref<!tpu.dma_semaphore, #tpu.memory_space<semaphore_mem>>, %arg12: memref<!tpu.dma_semaphore, #tpu.memory_space<semaphore_mem>>) attributes {dimension_semantics = [#tpu.dimension_semantics<core_parallel>, #tpu.dimension_semantics<subcore_parallel>], iteration_bounds = array<i64: 2, 16>, scalar_prefetch = 0 : i64, scratch_operands = 7 : i64, tpu.core_type = #tpu.core_type<sc_vector_subcore>, window_params = [{transform_indices = #map}, {transform_indices = #map1}, {transform_indices = #map1}, {transform_indices = #map1}]} {
    %mul3A = arith.constant 16 : i32
    %mul3A_0 = arith.muli %arg0, %mul3A : i32
    %add3A = arith.addi %mul3A_0, %arg1 : i32
    %broadcast_in_dim3A = arith.constant 0.000000e+00 : f32
    %broadcast_in_dim3A_1 = vector.broadcast %broadcast_in_dim3A : f32 to vector<16xf32>
    %scan3A = arith.constant 0 : i32
    %scan3A_2 = arith.constant 128 : i32
    %scan3A_3 = arith.addi %scan3A, %scan3A_2 : i32
    %scan3A_4 = arith.constant 1 : i32
    scf.for %scan3A_49 = %scan3A to %scan3A_3 step %scan3A_4  : i32 {
      %mul3A_50 = arith.constant 1 : i32
      %mul3A_51 = arith.muli %scan3A_49, %mul3A_50 : i32
      %add3A_52 = arith.constant 0 : i32
      %add3A_53 = arith.addi %add3A_52, %mul3A_51 : i32
      %swap3A = arith.index_cast %add3A_53 : i32 to index
      %swap3A_54 = arith.constant 0 : index
      %swap3A_55 = tpu.vector_load %arg8[%swap3A, %swap3A_54] {strides = array<i32>} : memref<128x128xf32, #tpu.memory_space<vmem>>, vector<1x16xf32>,
      %swap3A_56 = vector.shape_cast %swap3A_55 : vector<1x16xf32> to vector<16xf32>
      %swap3A_57 = vector.shape_cast %broadcast_in_dim3A_1 : vector<16xf32> to vector<1x16xf32>
      tpu.vector_store %arg8[%swap3A, %swap3A_54], %swap3A_57 {strides = array<i32>} : memref<128x128xf32, #tpu.memory_space<vmem>>, vector<1x16xf32>,
      %swap3A_58 = arith.index_cast %add3A_53 : i32 to index
      %swap3A_59 = arith.constant 16 : index
      %swap3A_60 = tpu.vector_load %arg8[%swap3A_58, %swap3A_59] {strides = array<i32>} : memref<128x128xf32, #tpu.memory_space<vmem>>, vector<1x16xf32>,
      %swap3A_61 = vector.shape_cast %swap3A_60 : vector<1x16xf32> to vector<16xf32>
      %swap3A_62 = vector.shape_cast %broadcast_in_dim3A_1 : vector<16xf32> to vector<1x16xf32>
      tpu.vector_store %arg8[%swap3A_58, %swap3A_59], %swap3A_62 {strides = array<i32>} : memref<128x128xf32, #tpu.memory_space<vmem>>, vector<1x16xf32>,
      %swap3A_63 = arith.index_cast %add3A_53 : i32 to index
      %swap3A_64 = arith.constant 32 : index
      %swap3A_65 = tpu.vector_load %arg8[%swap3A_63, %swap3A_64] {strides = array<i32>} : memref<128x128xf32, #tpu.memory_space<vmem>>, vector<1x16xf32>,
      %swap3A_66 = vector.shape_cast %swap3A_65 : vector<1x16xf32> to vector<16xf32>
      %swap3A_67 = vector.shape_cast %broadcast_in_dim3A_1 : vector<16xf32> to vector<1x16xf32>
      tpu.vector_store %arg8[%swap3A_63, %swap3A_64], %swap3A_67 {strides = array<i32>} : memref<128x128xf32, #tpu.memory_space<vmem>>, vector<1x16xf32>,
      %swap3A_68 = arith.index_cast %add3A_53 : i32 to index
      %swap3A_69 = arith.constant 48 : index
      %swap3A_70 = tpu.vector_load %arg8[%swap3A_68, %swap3A_69] {strides = array<i32>} : memref<128x128xf32, #tpu.memory_space<vmem>>, vector<1x16xf32>,
      %swap3A_71 = vector.shape_cast %swap3A_70 : vector<1x16xf32> to vector<16xf32>
      %swap3A_72 = vector.shape_cast %broadcast_in_dim3A_1 : vector<16xf32> to vector<1x16xf32>
      tpu.vector_store %arg8[%swap3A_68, %swap3A_69], %swap3A_72 {strides = array<i32>} : memref<128x128xf32, #tpu.memory_space<vmem>>, vector<1x16xf32>,
      %swap3A_73 = arith.index_cast %add3A_53 : i32 to index
      %swap3A_74 = arith.constant 64 : index
      %swap3A_75 = tpu.vector_load %arg8[%swap3A_73, %swap3A_74] {strides = array<i32>} : memref<128x128xf32, #tpu.memory_space<vmem>>, vector<1x16xf32>,
      %swap3A_76 = vector.shape_cast %swap3A_75 : vector<1x16xf32> to vector<16xf32>
      %swap3A_77 = vector.shape_cast %broadcast_in_dim3A_1 : vector<16xf32> to vector<1x16xf32>
      tpu.vector_store %arg8[%swap3A_73, %swap3A_74], %swap3A_77 {strides = array<i32>} : memref<128x128xf32, #tpu.memory_space<vmem>>, vector<1x16xf32>,
      %swap3A_78 = arith.index_cast %add3A_53 : i32 to index
      %swap3A_79 = arith.constant 80 : index
      %swap3A_80 = tpu.vector_load %arg8[%swap3A_78, %swap3A_79] {strides = array<i32>} : memref<128x128xf32, #tpu.memory_space<vmem>>, vector<1x16xf32>,
      %swap3A_81 = vector.shape_cast %swap3A_80 : vector<1x16xf32> to vector<16xf32>
      %swap3A_82 = vector.shape_cast %broadcast_in_dim3A_1 : vector<16xf32> to vector<1x16xf32>
      tpu.vector_store %arg8[%swap3A_78, %swap3A_79], %swap3A_82 {strides = array<i32>} : memref<128x128xf32, #tpu.memory_space<vmem>>, vector<1x16xf32>,
      %swap3A_83 = arith.index_cast %add3A_53 : i32 to index
      %swap3A_84 = arith.constant 96 : index
      %swap3A_85 = tpu.vector_load %arg8[%swap3A_83, %swap3A_84] {strides = array<i32>} : memref<128x128xf32, #tpu.memory_space<vmem>>, vector<1x16xf32>,
      %swap3A_86 = vector.shape_cast %swap3A_85 : vector<1x16xf32> to vector<16xf32>
      %swap3A_87 = vector.shape_cast %broadcast_in_dim3A_1 : vector<16xf32> to vector<1x16xf32>
      tpu.vector_store %arg8[%swap3A_83, %swap3A_84], %swap3A_87 {strides = array<i32>} : memref<128x128xf32, #tpu.memory_space<vmem>>, vector<1x16xf32>,
      %swap3A_88 = arith.index_cast %add3A_53 : i32 to index
      %swap3A_89 = arith.constant 112 : index
      %swap3A_90 = tpu.vector_load %arg8[%swap3A_88, %swap3A_89] {strides = array<i32>} : memref<128x128xf32, #tpu.memory_space<vmem>>, vector<1x16xf32>,
      %swap3A_91 = vector.shape_cast %swap3A_90 : vector<1x16xf32> to vector<16xf32>
      %swap3A_92 = vector.shape_cast %broadcast_in_dim3A_1 : vector<16xf32> to vector<1x16xf32>
      tpu.vector_store %arg8[%swap3A_88, %swap3A_89], %swap3A_92 {strides = array<i32>} : memref<128x128xf32, #tpu.memory_space<vmem>>, vector<1x16xf32>,
    }
    %scan3A_5 = arith.constant 128 : i32
    %mul3A_6 = arith.constant 640 : i32
    %mul3A_7 = arith.muli %arg1, %mul3A_6 : i32
    %add3A_8 = arith.constant 0 : i32
    %add3A_9 = arith.addi %mul3A_7, %add3A_8 : i32
    "tpu.region"() ({
      %run_scoped3A = tpu.sem_alloc : memref<!tpu.dma_semaphore, #tpu.memory_space<semaphore_mem>>
      %dma_start3A = arith.constant 0 : i32
      %dma_start3A_49 = tpu.memref_slice %arg10[%add3A_9, %dma_start3A] : memref<10240x128xf32, #tpu.memory_space<vmem_shared>> -> memref<128x128xf32, #tpu.memory_space<vmem_shared>>
      %dma_start3A_50 = arith.constant 0 : i32
      %dma_start3A_51 = tpu.memref_slice %arg10[%add3A_9, %dma_start3A_50] : memref<10240x128xf32, #tpu.memory_space<vmem_shared>> -> memref<128x128xf32, #tpu.memory_space<vmem_shared>>
      tpu.enqueue_dma source(%arg8 : memref<128x128xf32, #tpu.memory_space<vmem>>) target(%dma_start3A_51 : memref<128x128xf32, #tpu.memory_space<vmem_shared>>) target_semaphore(%run_scoped3A : memref<!tpu.dma_semaphore, #tpu.memory_space<semaphore_mem>>)
      %dma_wait3A = arith.constant 0 : i32
      %dma_wait3A_52 = tpu.memref_slice %arg10[%add3A_9, %dma_wait3A] : memref<10240x128xf32, #tpu.memory_space<vmem_shared>> -> memref<128x128xf32, #tpu.memory_space<vmem_shared>>
      %dma_wait3A_53 = arith.constant 0 : i32
      %dma_wait3A_54 = tpu.memref_slice %arg10[%add3A_9, %dma_wait3A_53] : memref<10240x128xf32, #tpu.memory_space<vmem_shared>> -> memref<128x128xf32, #tpu.memory_space<vmem_shared>>
      tpu.wait_dma2 semaphore(%run_scoped3A : memref<!tpu.dma_semaphore, #tpu.memory_space<semaphore_mem>>) src(%arg8 : memref<128x128xf32, #tpu.memory_space<vmem>>) dst(%dma_wait3A_54 : memref<128x128xf32, #tpu.memory_space<vmem_shared>>)
      tpu.yield
    }) : () -> ()
    %mul3A_10 = arith.constant 640 : i32
    %mul3A_11 = arith.muli %arg1, %mul3A_10 : i32
    %add3A_12 = arith.constant 128 : i32
    %add3A_13 = arith.addi %mul3A_11, %add3A_12 : i32
    "tpu.region"() ({
      %run_scoped3A = tpu.sem_alloc : memref<!tpu.dma_semaphore, #tpu.memory_space<semaphore_mem>>
      %dma_start3A = arith.constant 0 : i32
      %dma_start3A_49 = tpu.memref_slice %arg10[%add3A_13, %dma_start3A] : memref<10240x128xf32, #tpu.memory_space<vmem_shared>> -> memref<128x128xf32, #tpu.memory_space<vmem_shared>>
      %dma_start3A_50 = arith.constant 0 : i32
      %dma_start3A_51 = tpu.memref_slice %arg10[%add3A_13, %dma_start3A_50] : memref<10240x128xf32, #tpu.memory_space<vmem_shared>> -> memref<128x128xf32, #tpu.memory_space<vmem_shared>>
      tpu.enqueue_dma source(%arg8 : memref<128x128xf32, #tpu.memory_space<vmem>>) target(%dma_start3A_51 : memref<128x128xf32, #tpu.memory_space<vmem_shared>>) target_semaphore(%run_scoped3A : memref<!tpu.dma_semaphore, #tpu.memory_space<semaphore_mem>>)
      %dma_wait3A = arith.constant 0 : i32
      %dma_wait3A_52 = tpu.memref_slice %arg10[%add3A_13, %dma_wait3A] : memref<10240x128xf32, #tpu.memory_space<vmem_shared>> -> memref<128x128xf32, #tpu.memory_space<vmem_shared>>
      %dma_wait3A_53 = arith.constant 0 : i32
      %dma_wait3A_54 = tpu.memref_slice %arg10[%add3A_13, %dma_wait3A_53] : memref<10240x128xf32, #tpu.memory_space<vmem_shared>> -> memref<128x128xf32, #tpu.memory_space<vmem_shared>>
      tpu.wait_dma2 semaphore(%run_scoped3A : memref<!tpu.dma_semaphore, #tpu.memory_space<semaphore_mem>>) src(%arg8 : memref<128x128xf32, #tpu.memory_space<vmem>>) dst(%dma_wait3A_54 : memref<128x128xf32, #tpu.memory_space<vmem_shared>>)
      tpu.yield
    }) : () -> ()
    %mul3A_14 = arith.constant 640 : i32
    %mul3A_15 = arith.muli %arg1, %mul3A_14 : i32
    %add3A_16 = arith.constant 256 : i32
    %add3A_17 = arith.addi %mul3A_15, %add3A_16 : i32
    "tpu.region"() ({
      %run_scoped3A = tpu.sem_alloc : memref<!tpu.dma_semaphore, #tpu.memory_space<semaphore_mem>>
      %dma_start3A = arith.constant 0 : i32
      %dma_start3A_49 = tpu.memref_slice %arg10[%add3A_17, %dma_start3A] : memref<10240x128xf32, #tpu.memory_space<vmem_shared>> -> memref<128x128xf32, #tpu.memory_space<vmem_shared>>
      %dma_start3A_50 = arith.constant 0 : i32
      %dma_start3A_51 = tpu.memref_slice %arg10[%add3A_17, %dma_start3A_50] : memref<10240x128xf32, #tpu.memory_space<vmem_shared>> -> memref<128x128xf32, #tpu.memory_space<vmem_shared>>
      tpu.enqueue_dma source(%arg8 : memref<128x128xf32, #tpu.memory_space<vmem>>) target(%dma_start3A_51 : memref<128x128xf32, #tpu.memory_space<vmem_shared>>) target_semaphore(%run_scoped3A : memref<!tpu.dma_semaphore, #tpu.memory_space<semaphore_mem>>)
      %dma_wait3A = arith.constant 0 : i32
      %dma_wait3A_52 = tpu.memref_slice %arg10[%add3A_17, %dma_wait3A] : memref<10240x128xf32, #tpu.memory_space<vmem_shared>> -> memref<128x128xf32, #tpu.memory_space<vmem_shared>>
      %dma_wait3A_53 = arith.constant 0 : i32
      %dma_wait3A_54 = tpu.memref_slice %arg10[%add3A_17, %dma_wait3A_53] : memref<10240x128xf32, #tpu.memory_space<vmem_shared>> -> memref<128x128xf32, #tpu.memory_space<vmem_shared>>
      tpu.wait_dma2 semaphore(%run_scoped3A : memref<!tpu.dma_semaphore, #tpu.memory_space<semaphore_mem>>) src(%arg8 : memref<128x128xf32, #tpu.memory_space<vmem>>) dst(%dma_wait3A_54 : memref<128x128xf32, #tpu.memory_space<vmem_shared>>)
      tpu.yield
    }) : () -> ()
    %mul3A_18 = arith.constant 640 : i32
    %mul3A_19 = arith.muli %arg1, %mul3A_18 : i32
    %add3A_20 = arith.constant 384 : i32
    %add3A_21 = arith.addi %mul3A_19, %add3A_20 : i32
    "tpu.region"() ({
      %run_scoped3A = tpu.sem_alloc : memref<!tpu.dma_semaphore, #tpu.memory_space<semaphore_mem>>
      %dma_start3A = arith.constant 0 : i32
      %dma_start3A_49 = tpu.memref_slice %arg10[%add3A_21, %dma_start3A] : memref<10240x128xf32, #tpu.memory_space<vmem_shared>> -> memref<128x128xf32, #tpu.memory_space<vmem_shared>>
      %dma_start3A_50 = arith.constant 0 : i32
      %dma_start3A_51 = tpu.memref_slice %arg10[%add3A_21, %dma_start3A_50] : memref<10240x128xf32, #tpu.memory_space<vmem_shared>> -> memref<128x128xf32, #tpu.memory_space<vmem_shared>>
      tpu.enqueue_dma source(%arg8 : memref<128x128xf32, #tpu.memory_space<vmem>>) target(%dma_start3A_51 : memref<128x128xf32, #tpu.memory_space<vmem_shared>>) target_semaphore(%run_scoped3A : memref<!tpu.dma_semaphore, #tpu.memory_space<semaphore_mem>>)
      %dma_wait3A = arith.constant 0 : i32
      %dma_wait3A_52 = tpu.memref_slice %arg10[%add3A_21, %dma_wait3A] : memref<10240x128xf32, #tpu.memory_space<vmem_shared>> -> memref<128x128xf32, #tpu.memory_space<vmem_shared>>
      %dma_wait3A_53 = arith.constant 0 : i32
      %dma_wait3A_54 = tpu.memref_slice %arg10[%add3A_21, %dma_wait3A_53] : memref<10240x128xf32, #tpu.memory_space<vmem_shared>> -> memref<128x128xf32, #tpu.memory_space<vmem_shared>>
      tpu.wait_dma2 semaphore(%run_scoped3A : memref<!tpu.dma_semaphore, #tpu.memory_space<semaphore_mem>>) src(%arg8 : memref<128x128xf32, #tpu.memory_space<vmem>>) dst(%dma_wait3A_54 : memref<128x128xf32, #tpu.memory_space<vmem_shared>>)
      tpu.yield
    }) : () -> ()
    %mul3A_22 = arith.constant 640 : i32
    %mul3A_23 = arith.muli %arg1, %mul3A_22 : i32
    %add3A_24 = arith.constant 512 : i32
    %add3A_25 = arith.addi %mul3A_23, %add3A_24 : i32
    "tpu.region"() ({
      %run_scoped3A = tpu.sem_alloc : memref<!tpu.dma_semaphore, #tpu.memory_space<semaphore_mem>>
      %dma_start3A = arith.constant 0 : i32
      %dma_start3A_49 = tpu.memref_slice %arg10[%add3A_25, %dma_start3A] : memref<10240x128xf32, #tpu.memory_space<vmem_shared>> -> memref<128x128xf32, #tpu.memory_space<vmem_shared>>
      %dma_start3A_50 = arith.constant 0 : i32
      %dma_start3A_51 = tpu.memref_slice %arg10[%add3A_25, %dma_start3A_50] : memref<10240x128xf32, #tpu.memory_space<vmem_shared>> -> memref<128x128xf32, #tpu.memory_space<vmem_shared>>
      tpu.enqueue_dma source(%arg8 : memref<128x128xf32, #tpu.memory_space<vmem>>) target(%dma_start3A_51 : memref<128x128xf32, #tpu.memory_space<vmem_shared>>) target_semaphore(%run_scoped3A : memref<!tpu.dma_semaphore, #tpu.memory_space<semaphore_mem>>)
      %dma_wait3A = arith.constant 0 : i32
      %dma_wait3A_52 = tpu.memref_slice %arg10[%add3A_25, %dma_wait3A] : memref<10240x128xf32, #tpu.memory_space<vmem_shared>> -> memref<128x128xf32, #tpu.memory_space<vmem_shared>>
      %dma_wait3A_53 = arith.constant 0 : i32
      %dma_wait3A_54 = tpu.memref_slice %arg10[%add3A_25, %dma_wait3A_53] : memref<10240x128xf32, #tpu.memory_space<vmem_shared>> -> memref<128x128xf32, #tpu.memory_space<vmem_shared>>
      tpu.wait_dma2 semaphore(%run_scoped3A : memref<!tpu.dma_semaphore, #tpu.memory_space<semaphore_mem>>) src(%arg8 : memref<128x128xf32, #tpu.memory_space<vmem>>) dst(%dma_wait3A_54 : memref<128x128xf32, #tpu.memory_space<vmem_shared>>)
      tpu.yield
    }) : () -> ()
    %barrier3A = arith.constant 0 : index
    tpu.barrier barrier_id(%barrier3A)
    %eq3A = arith.constant 0 : i32
    %eq3A_26 = arith.cmpi eq, %arg0, %eq3A : i32
    %jit3A = arith.constant 3 : i32
    %jit3A_27 = arith.constant 1 : i32
    %select_n3A = arith.select %eq3A_26, %jit3A, %jit3A_27 : i32
    %sub3A = arith.constant 0 : i32
    %sub3A_28 = arith.subi %select_n3A, %sub3A : i32
    %sub3A_29 = arith.constant 1 : i32
    %sub3A_30 = arith.constant 1 : i32
    %sub3A_31 = arith.subi %sub3A_29, %sub3A_30 : i32
    %add3A_32 = arith.addi %sub3A_28, %sub3A_31 : i32
    %div3A = arith.constant 1 : i32
    %div3A_33 = arith.divsi %add3A_32, %div3A : i32
    %while3A = arith.constant 1 : i32
    %while3A_34 = arith.constant 0 : i32
    %while3A_35 = arith.constant 0 : i32
    %while3A_36 = arith.subi %div3A_33, %while3A_35 : i32
    %while3A_37 = arith.addi %while3A_35, %while3A_36 : i32
    %while3A_38 = arith.constant 1 : i32
    %while3A_39 = arith.divsi %while3A_36, %while3A_38 : i32
    %while3A_40 = arith.muli %while3A_39, %while3A_38 : i32
    %while3A_41 = arith.addi %while3A_35, %while3A_40 : i32
    %while3A_42 = arith.constant 1 : i32
    scf.for %while3A_49 = %while3A_35 to %while3A_41 step %while3A_42  : i32 {
      %mul3A_50 = arith.muli %while3A_49, %while3A : i32
      %add3A_51 = arith.addi %while3A_34, %mul3A_50 : i32
      %mul3A_52 = arith.constant 40 : i32
      %mul3A_53 = arith.muli %add3A_51, %mul3A_52 : i32
      "tpu.region"() ({
        %run_scoped3A = tpu.sem_alloc : memref<!tpu.dma_semaphore, #tpu.memory_space<semaphore_mem>>
        %dma_start3A_74 = arith.constant 0 : i32
        %dma_start3A_75 = tpu.memref_slice %arg3[%add3A, %mul3A_53, %dma_start3A_74] : memref<32x120x128xi32, #tpu.memory_space<hbm>> -> memref<1x40x128xi32, #tpu.memory_space<hbm>>
        %dma_start3A_76 = tpu.memref_squeeze %dma_start3A_75 : memref<1x40x128xi32, #tpu.memory_space<hbm>> -> memref<40x128xi32, #tpu.memory_space<hbm>>
        %dma_start3A_77 = arith.constant 0 : i32
        %dma_start3A_78 = tpu.memref_slice %arg3[%add3A, %mul3A_53, %dma_start3A_77] : memref<32x120x128xi32, #tpu.memory_space<hbm>> -> memref<1x40x128xi32, #tpu.memory_space<hbm>>
        %dma_start3A_79 = tpu.memref_squeeze %dma_start3A_78 : memref<1x40x128xi32, #tpu.memory_space<hbm>> -> memref<40x128xi32, #tpu.memory_space<hbm>>
        tpu.enqueue_dma source(%dma_start3A_79 : memref<40x128xi32, #tpu.memory_space<hbm>>) target(%arg6 : memref<40x128xi32, #tpu.memory_space<vmem>>) target_semaphore(%run_scoped3A : memref<!tpu.dma_semaphore, #tpu.memory_space<semaphore_mem>>)
        %dma_wait3A = arith.constant 0 : i32
        %dma_wait3A_80 = tpu.memref_slice %arg3[%add3A, %mul3A_53, %dma_wait3A] : memref<32x120x128xi32, #tpu.memory_space<hbm>> -> memref<1x40x128xi32, #tpu.memory_space<hbm>>
        %dma_wait3A_81 = tpu.memref_squeeze %dma_wait3A_80 : memref<1x40x128xi32, #tpu.memory_space<hbm>> -> memref<40x128xi32, #tpu.memory_space<hbm>>
        %dma_wait3A_82 = arith.constant 0 : i32
        %dma_wait3A_83 = tpu.memref_slice %arg3[%add3A, %mul3A_53, %dma_wait3A_82] : memref<32x120x128xi32, #tpu.memory_space<hbm>> -> memref<1x40x128xi32, #tpu.memory_space<hbm>>
        %dma_wait3A_84 = tpu.memref_squeeze %dma_wait3A_83 : memref<1x40x128xi32, #tpu.memory_space<hbm>> -> memref<40x128xi32, #tpu.memory_space<hbm>>
        tpu.wait_dma2 semaphore(%run_scoped3A : memref<!tpu.dma_semaphore, #tpu.memory_space<semaphore_mem>>) src(%dma_wait3A_84 : memref<40x128xi32, #tpu.memory_space<hbm>>) dst(%arg6 : memref<40x128xi32, #tpu.memory_space<vmem>>)
        tpu.yield
      }) : () -> ()
      %mul3A_54 = arith.constant 40 : i32
      %mul3A_55 = arith.muli %add3A_51, %mul3A_54 : i32
      "tpu.region"() ({
        %run_scoped3A = tpu.sem_alloc : memref<!tpu.dma_semaphore, #tpu.memory_space<semaphore_mem>>
        %dma_start3A_74 = arith.constant 0 : i32
        %dma_start3A_75 = tpu.memref_slice %arg4[%add3A, %mul3A_55, %dma_start3A_74] : memref<32x120x128xi32, #tpu.memory_space<hbm>> -> memref<1x40x128xi32, #tpu.memory_space<hbm>>
        %dma_start3A_76 = tpu.memref_squeeze %dma_start3A_75 : memref<1x40x128xi32, #tpu.memory_space<hbm>> -> memref<40x128xi32, #tpu.memory_space<hbm>>
        %dma_start3A_77 = arith.constant 0 : i32
        %dma_start3A_78 = tpu.memref_slice %arg4[%add3A, %mul3A_55, %dma_start3A_77] : memref<32x120x128xi32, #tpu.memory_space<hbm>> -> memref<1x40x128xi32, #tpu.memory_space<hbm>>
        %dma_start3A_79 = tpu.memref_squeeze %dma_start3A_78 : memref<1x40x128xi32, #tpu.memory_space<hbm>> -> memref<40x128xi32, #tpu.memory_space<hbm>>
        tpu.enqueue_dma source(%dma_start3A_79 : memref<40x128xi32, #tpu.memory_space<hbm>>) target(%arg7 : memref<40x128xi32, #tpu.memory_space<vmem>>) target_semaphore(%run_scoped3A : memref<!tpu.dma_semaphore, #tpu.memory_space<semaphore_mem>>)
        %dma_wait3A = arith.constant 0 : i32
        %dma_wait3A_80 = tpu.memref_slice %arg4[%add3A, %mul3A_55, %dma_wait3A] : memref<32x120x128xi32, #tpu.memory_space<hbm>> -> memref<1x40x128xi32, #tpu.memory_space<hbm>>
        %dma_wait3A_81 = tpu.memref_squeeze %dma_wait3A_80 : memref<1x40x128xi32, #tpu.memory_space<hbm>> -> memref<40x128xi32, #tpu.memory_space<hbm>>
        %dma_wait3A_82 = arith.constant 0 : i32
        %dma_wait3A_83 = tpu.memref_slice %arg4[%add3A, %mul3A_55, %dma_wait3A_82] : memref<32x120x128xi32, #tpu.memory_space<hbm>> -> memref<1x40x128xi32, #tpu.memory_space<hbm>>
        %dma_wait3A_84 = tpu.memref_squeeze %dma_wait3A_83 : memref<1x40x128xi32, #tpu.memory_space<hbm>> -> memref<40x128xi32, #tpu.memory_space<hbm>>
        tpu.wait_dma2 semaphore(%run_scoped3A : memref<!tpu.dma_semaphore, #tpu.memory_space<semaphore_mem>>) src(%dma_wait3A_84 : memref<40x128xi32, #tpu.memory_space<hbm>>) dst(%arg7 : memref<40x128xi32, #tpu.memory_space<vmem>>)
        tpu.yield
      }) : () -> ()
      %dma_start3A = arith.constant 0 : i32
      %dma_start3A_56 = arith.constant 0 : i32
      %dma_start3A_57 = tpu.memref_slice %arg6[%dma_start3A, %dma_start3A_56] : memref<40x128xi32, #tpu.memory_space<vmem>> -> memref<1x128xi32, #tpu.memory_space<vmem>>
      %dma_start3A_58 = tpu.memref_squeeze %dma_start3A_57 : memref<1x128xi32, #tpu.memory_space<vmem>> -> memref<128xi32, #tpu.memory_space<vmem>>
      %dma_start3A_59 = arith.constant 0 : i32
      %dma_start3A_60 = arith.constant 0 : i32
      %dma_start3A_61 = tpu.memref_slice %arg2[%dma_start3A_59, %dma_start3A_60] : memref<10240x128xf32, #tpu.memory_space<hbm>> -> memref<10240x128xf32, #tpu.memory_space<hbm>>
      tpu.enqueue_indirect_dma source(%dma_start3A_61 : memref<10240x128xf32, #tpu.memory_space<hbm>>) target(%arg8 : memref<128x128xf32, #tpu.memory_space<vmem>>) offsets(%dma_start3A_58 : memref<128xi32, #tpu.memory_space<vmem>>) semaphore(%arg11 : memref<!tpu.dma_semaphore, #tpu.memory_space<semaphore_mem>>)
      %dma_start3A_62 = arith.constant 1 : i32
      %dma_start3A_63 = arith.constant 0 : i32
      %dma_start3A_64 = tpu.memref_slice %arg6[%dma_start3A_62, %dma_start3A_63] : memref<40x128xi32, #tpu.memory_space<vmem>> -> memref<1x128xi32, #tpu.memory_space<vmem>>
      %dma_start3A_65 = tpu.memref_squeeze %dma_start3A_64 : memref<1x128xi32, #tpu.memory_space<vmem>> -> memref<128xi32, #tpu.memory_space<vmem>>
      %dma_start3A_66 = arith.constant 0 : i32
      %dma_start3A_67 = arith.constant 0 : i32
      %dma_start3A_68 = tpu.memref_slice %arg2[%dma_start3A_66, %dma_start3A_67] : memref<10240x128xf32, #tpu.memory_space<hbm>> -> memref<10240x128xf32, #tpu.memory_space<hbm>>
      tpu.enqueue_indirect_dma source(%dma_start3A_68 : memref<10240x128xf32, #tpu.memory_space<hbm>>) target(%arg9 : memref<128x128xf32, #tpu.memory_space<vmem>>) offsets(%dma_start3A_65 : memref<128xi32, #tpu.memory_space<vmem>>) semaphore(%arg12 : memref<!tpu.dma_semaphore, #tpu.memory_space<semaphore_mem>>)
      %scan3A_69 = arith.constant 0 : i32
      %scan3A_70 = arith.constant 20 : i32
      %scan3A_71 = arith.addi %scan3A_69, %scan3A_70 : i32
      %scan3A_72 = arith.constant 1 : i32
      scf.for %scan3A_74 = %scan3A_69 to %scan3A_71 step %scan3A_72  : i32 {
        %mul3A_75 = arith.constant 2 : i32
        %mul3A_76 = arith.muli %scan3A_74, %mul3A_75 : i32
        %add3A_77 = arith.constant 0 : i32
        %add3A_78 = arith.addi %add3A_77, %mul3A_76 : i32
        %dma_wait3A = arith.constant 0 : i32
        %dma_wait3A_79 = tpu.memref_slice %arg6[%add3A_78, %dma_wait3A] : memref<40x128xi32, #tpu.memory_space<vmem>> -> memref<1x128xi32, #tpu.memory_space<vmem>>
        %dma_wait3A_80 = tpu.memref_squeeze %dma_wait3A_79 : memref<1x128xi32, #tpu.memory_space<vmem>> -> memref<128xi32, #tpu.memory_space<vmem>>
        %dma_wait3A_81 = arith.constant 0 : i32
        %dma_wait3A_82 = arith.constant 0 : i32
        %dma_wait3A_83 = tpu.memref_slice %arg2[%dma_wait3A_81, %dma_wait3A_82] : memref<10240x128xf32, #tpu.memory_space<hbm>> -> memref<10240x128xf32, #tpu.memory_space<hbm>>
        tpu.wait_indirect_dma semaphore(%arg11 : memref<!tpu.dma_semaphore, #tpu.memory_space<semaphore_mem>>) src(%dma_wait3A_83 : memref<10240x128xf32, #tpu.memory_space<hbm>>) dst(%arg8 : memref<128x128xf32, #tpu.memory_space<vmem>>)
        "tpu.region"() ({
          %run_scoped3A = tpu.sem_alloc : memref<!tpu.dma_semaphore, #tpu.memory_space<semaphore_mem>>
          %dma_start3A_105 = arith.constant 0 : i32
          %dma_start3A_106 = tpu.memref_slice %arg7[%add3A_78, %dma_start3A_105] : memref<40x128xi32, #tpu.memory_space<vmem>> -> memref<1x128xi32, #tpu.memory_space<vmem>>
          %dma_start3A_107 = tpu.memref_squeeze %dma_start3A_106 : memref<1x128xi32, #tpu.memory_space<vmem>> -> memref<128xi32, #tpu.memory_space<vmem>>
          %dma_start3A_108 = arith.constant 0 : i32
          %dma_start3A_109 = arith.constant 0 : i32
          %dma_start3A_110 = tpu.memref_slice %arg10[%dma_start3A_108, %dma_start3A_109] : memref<10240x128xf32, #tpu.memory_space<vmem_shared>> -> memref<10240x128xf32, #tpu.memory_space<vmem_shared>>
          tpu.enqueue_indirect_dma source(%arg8 : memref<128x128xf32, #tpu.memory_space<vmem>>) target(%dma_start3A_110 : memref<10240x128xf32, #tpu.memory_space<vmem_shared>>) offsets(%dma_start3A_107 : memref<128xi32, #tpu.memory_space<vmem>>) semaphore(%run_scoped3A : memref<!tpu.dma_semaphore, #tpu.memory_space<semaphore_mem>>) {add = true}
          %dma_wait3A_111 = arith.constant 0 : i32
          %dma_wait3A_112 = tpu.memref_slice %arg7[%add3A_78, %dma_wait3A_111] : memref<40x128xi32, #tpu.memory_space<vmem>> -> memref<1x128xi32, #tpu.memory_space<vmem>>
          %dma_wait3A_113 = tpu.memref_squeeze %dma_wait3A_112 : memref<1x128xi32, #tpu.memory_space<vmem>> -> memref<128xi32, #tpu.memory_space<vmem>>
          %dma_wait3A_114 = arith.constant 0 : i32
          %dma_wait3A_115 = arith.constant 0 : i32
          %dma_wait3A_116 = tpu.memref_slice %arg10[%dma_wait3A_114, %dma_wait3A_115] : memref<10240x128xf32, #tpu.memory_space<vmem_shared>> -> memref<10240x128xf32, #tpu.memory_space<vmem_shared>>
          tpu.wait_indirect_dma semaphore(%run_scoped3A : memref<!tpu.dma_semaphore, #tpu.memory_space<semaphore_mem>>) src(%arg8 : memref<128x128xf32, #tpu.memory_space<vmem>>) dst(%dma_wait3A_116 : memref<10240x128xf32, #tpu.memory_space<vmem_shared>>)
          tpu.yield
        }) : () -> ()
        %add3A_84 = arith.constant 2 : i32
        %add3A_85 = arith.addi %add3A_78, %add3A_84 : i32
        %lt3A = arith.constant 40 : i32
        %lt3A_86 = arith.cmpi slt, %add3A_85, %lt3A : i32
        %convert_element_type3A = arith.extui %lt3A_86 : i1 to i32
        %cond3A = arith.constant 0 : i32
        %cond3A_87 = arith.cmpi ne, %convert_element_type3A, %cond3A : i32
        scf.if %cond3A_87 {
          %add3A_105 = arith.constant 2 : i32
          %add3A_106 = arith.addi %add3A_78, %add3A_105 : i32
          %dma_start3A_107 = arith.constant 0 : i32
          %dma_start3A_108 = tpu.memref_slice %arg6[%add3A_106, %dma_start3A_107] : memref<40x128xi32, #tpu.memory_space<vmem>> -> memref<1x128xi32, #tpu.memory_space<vmem>>
          %dma_start3A_109 = tpu.memref_squeeze %dma_start3A_108 : memref<1x128xi32, #tpu.memory_space<vmem>> -> memref<128xi32, #tpu.memory_space<vmem>>
          %dma_start3A_110 = arith.constant 0 : i32
          %dma_start3A_111 = arith.constant 0 : i32
          %dma_start3A_112 = tpu.memref_slice %arg2[%dma_start3A_110, %dma_start3A_111] : memref<10240x128xf32, #tpu.memory_space<hbm>> -> memref<10240x128xf32, #tpu.memory_space<hbm>>
          tpu.enqueue_indirect_dma source(%dma_start3A_112 : memref<10240x128xf32, #tpu.memory_space<hbm>>) target(%arg8 : memref<128x128xf32, #tpu.memory_space<vmem>>) offsets(%dma_start3A_109 : memref<128xi32, #tpu.memory_space<vmem>>) semaphore(%arg11 : memref<!tpu.dma_semaphore, #tpu.memory_space<semaphore_mem>>)
        } else {
        }
        %add3A_88 = arith.constant 1 : i32
        %add3A_89 = arith.addi %add3A_78, %add3A_88 : i32
        %dma_wait3A_90 = arith.constant 0 : i32
        %dma_wait3A_91 = tpu.memref_slice %arg6[%add3A_89, %dma_wait3A_90] : memref<40x128xi32, #tpu.memory_space<vmem>> -> memref<1x128xi32, #tpu.memory_space<vmem>>
        %dma_wait3A_92 = tpu.memref_squeeze %dma_wait3A_91 : memref<1x128xi32, #tpu.memory_space<vmem>> -> memref<128xi32, #tpu.memory_space<vmem>>
        %dma_wait3A_93 = arith.constant 0 : i32
        %dma_wait3A_94 = arith.constant 0 : i32
        %dma_wait3A_95 = tpu.memref_slice %arg2[%dma_wait3A_93, %dma_wait3A_94] : memref<10240x128xf32, #tpu.memory_space<hbm>> -> memref<10240x128xf32, #tpu.memory_space<hbm>>
        tpu.wait_indirect_dma semaphore(%arg12 : memref<!tpu.dma_semaphore, #tpu.memory_space<semaphore_mem>>) src(%dma_wait3A_95 : memref<10240x128xf32, #tpu.memory_space<hbm>>) dst(%arg9 : memref<128x128xf32, #tpu.memory_space<vmem>>)
        %add3A_96 = arith.constant 1 : i32
        %add3A_97 = arith.addi %add3A_78, %add3A_96 : i32
        "tpu.region"() ({
          %run_scoped3A = tpu.sem_alloc : memref<!tpu.dma_semaphore, #tpu.memory_space<semaphore_mem>>
          %dma_start3A_105 = arith.constant 0 : i32
          %dma_start3A_106 = tpu.memref_slice %arg7[%add3A_97, %dma_start3A_105] : memref<40x128xi32, #tpu.memory_space<vmem>> -> memref<1x128xi32, #tpu.memory_space<vmem>>
          %dma_start3A_107 = tpu.memref_squeeze %dma_start3A_106 : memref<1x128xi32, #tpu.memory_space<vmem>> -> memref<128xi32, #tpu.memory_space<vmem>>
          %dma_start3A_108 = arith.constant 0 : i32
          %dma_start3A_109 = arith.constant 0 : i32
          %dma_start3A_110 = tpu.memref_slice %arg10[%dma_start3A_108, %dma_start3A_109] : memref<10240x128xf32, #tpu.memory_space<vmem_shared>> -> memref<10240x128xf32, #tpu.memory_space<vmem_shared>>
          tpu.enqueue_indirect_dma source(%arg9 : memref<128x128xf32, #tpu.memory_space<vmem>>) target(%dma_start3A_110 : memref<10240x128xf32, #tpu.memory_space<vmem_shared>>) offsets(%dma_start3A_107 : memref<128xi32, #tpu.memory_space<vmem>>) semaphore(%run_scoped3A : memref<!tpu.dma_semaphore, #tpu.memory_space<semaphore_mem>>) {add = true}
          %dma_wait3A_111 = arith.constant 0 : i32
          %dma_wait3A_112 = tpu.memref_slice %arg7[%add3A_97, %dma_wait3A_111] : memref<40x128xi32, #tpu.memory_space<vmem>> -> memref<1x128xi32, #tpu.memory_space<vmem>>
          %dma_wait3A_113 = tpu.memref_squeeze %dma_wait3A_112 : memref<1x128xi32, #tpu.memory_space<vmem>> -> memref<128xi32, #tpu.memory_space<vmem>>
          %dma_wait3A_114 = arith.constant 0 : i32
          %dma_wait3A_115 = arith.constant 0 : i32
          %dma_wait3A_116 = tpu.memref_slice %arg10[%dma_wait3A_114, %dma_wait3A_115] : memref<10240x128xf32, #tpu.memory_space<vmem_shared>> -> memref<10240x128xf32, #tpu.memory_space<vmem_shared>>
          tpu.wait_indirect_dma semaphore(%run_scoped3A : memref<!tpu.dma_semaphore, #tpu.memory_space<semaphore_mem>>) src(%arg9 : memref<128x128xf32, #tpu.memory_space<vmem>>) dst(%dma_wait3A_116 : memref<10240x128xf32, #tpu.memory_space<vmem_shared>>)
          tpu.yield
        }) : () -> ()
        %add3A_98 = arith.constant 3 : i32
        %add3A_99 = arith.addi %add3A_78, %add3A_98 : i32
        %lt3A_100 = arith.constant 40 : i32
        %lt3A_101 = arith.cmpi slt, %add3A_99, %lt3A_100 : i32
        %convert_element_type3A_102 = arith.extui %lt3A_101 : i1 to i32
        %cond3A_103 = arith.constant 0 : i32
        %cond3A_104 = arith.cmpi ne, %convert_element_type3A_102, %cond3A_103 : i32
        scf.if %cond3A_104 {
          %add3A_105 = arith.constant 3 : i32
          %add3A_106 = arith.addi %add3A_78, %add3A_105 : i32
          %dma_start3A_107 = arith.constant 0 : i32
          %dma_start3A_108 = tpu.memref_slice %arg6[%add3A_106, %dma_start3A_107] : memref<40x128xi32, #tpu.memory_space<vmem>> -> memref<1x128xi32, #tpu.memory_space<vmem>>
          %dma_start3A_109 = tpu.memref_squeeze %dma_start3A_108 : memref<1x128xi32, #tpu.memory_space<vmem>> -> memref<128xi32, #tpu.memory_space<vmem>>
          %dma_start3A_110 = arith.constant 0 : i32
          %dma_start3A_111 = arith.constant 0 : i32
          %dma_start3A_112 = tpu.memref_slice %arg2[%dma_start3A_110, %dma_start3A_111] : memref<10240x128xf32, #tpu.memory_space<hbm>> -> memref<10240x128xf32, #tpu.memory_space<hbm>>
          tpu.enqueue_indirect_dma source(%dma_start3A_112 : memref<10240x128xf32, #tpu.memory_space<hbm>>) target(%arg9 : memref<128x128xf32, #tpu.memory_space<vmem>>) offsets(%dma_start3A_109 : memref<128xi32, #tpu.memory_space<vmem>>) semaphore(%arg12 : memref<!tpu.dma_semaphore, #tpu.memory_space<semaphore_mem>>)
        } else {
        }
      }
      %scan3A_73 = arith.constant 20 : i32
    }
    %while3A_43 = arith.constant 1 : i32
    scf.for %while3A_49 = %while3A_41 to %while3A_37 step %while3A_43  : i32 {
      %mul3A_50 = arith.muli %while3A_49, %while3A : i32
      %add3A_51 = arith.addi %while3A_34, %mul3A_50 : i32
      %mul3A_52 = arith.constant 40 : i32
      %mul3A_53 = arith.muli %add3A_51, %mul3A_52 : i32
      "tpu.region"() ({
        %run_scoped3A = tpu.sem_alloc : memref<!tpu.dma_semaphore, #tpu.memory_space<semaphore_mem>>
        %dma_start3A_74 = arith.constant 0 : i32
        %dma_start3A_75 = tpu.memref_slice %arg3[%add3A, %mul3A_53, %dma_start3A_74] : memref<32x120x128xi32, #tpu.memory_space<hbm>> -> memref<1x40x128xi32, #tpu.memory_space<hbm>>
        %dma_start3A_76 = tpu.memref_squeeze %dma_start3A_75 : memref<1x40x128xi32, #tpu.memory_space<hbm>> -> memref<40x128xi32, #tpu.memory_space<hbm>>
        %dma_start3A_77 = arith.constant 0 : i32
        %dma_start3A_78 = tpu.memref_slice %arg3[%add3A, %mul3A_53, %dma_start3A_77] : memref<32x120x128xi32, #tpu.memory_space<hbm>> -> memref<1x40x128xi32, #tpu.memory_space<hbm>>
        %dma_start3A_79 = tpu.memref_squeeze %dma_start3A_78 : memref<1x40x128xi32, #tpu.memory_space<hbm>> -> memref<40x128xi32, #tpu.memory_space<hbm>>
        tpu.enqueue_dma source(%dma_start3A_79 : memref<40x128xi32, #tpu.memory_space<hbm>>) target(%arg6 : memref<40x128xi32, #tpu.memory_space<vmem>>) target_semaphore(%run_scoped3A : memref<!tpu.dma_semaphore, #tpu.memory_space<semaphore_mem>>)
        %dma_wait3A = arith.constant 0 : i32
        %dma_wait3A_80 = tpu.memref_slice %arg3[%add3A, %mul3A_53, %dma_wait3A] : memref<32x120x128xi32, #tpu.memory_space<hbm>> -> memref<1x40x128xi32, #tpu.memory_space<hbm>>
        %dma_wait3A_81 = tpu.memref_squeeze %dma_wait3A_80 : memref<1x40x128xi32, #tpu.memory_space<hbm>> -> memref<40x128xi32, #tpu.memory_space<hbm>>
        %dma_wait3A_82 = arith.constant 0 : i32
        %dma_wait3A_83 = tpu.memref_slice %arg3[%add3A, %mul3A_53, %dma_wait3A_82] : memref<32x120x128xi32, #tpu.memory_space<hbm>> -> memref<1x40x128xi32, #tpu.memory_space<hbm>>
        %dma_wait3A_84 = tpu.memref_squeeze %dma_wait3A_83 : memref<1x40x128xi32, #tpu.memory_space<hbm>> -> memref<40x128xi32, #tpu.memory_space<hbm>>
        tpu.wait_dma2 semaphore(%run_scoped3A : memref<!tpu.dma_semaphore, #tpu.memory_space<semaphore_mem>>) src(%dma_wait3A_84 : memref<40x128xi32, #tpu.memory_space<hbm>>) dst(%arg6 : memref<40x128xi32, #tpu.memory_space<vmem>>)
        tpu.yield
      }) : () -> ()
      %mul3A_54 = arith.constant 40 : i32
      %mul3A_55 = arith.muli %add3A_51, %mul3A_54 : i32
      "tpu.region"() ({
        %run_scoped3A = tpu.sem_alloc : memref<!tpu.dma_semaphore, #tpu.memory_space<semaphore_mem>>
        %dma_start3A_74 = arith.constant 0 : i32
        %dma_start3A_75 = tpu.memref_slice %arg4[%add3A, %mul3A_55, %dma_start3A_74] : memref<32x120x128xi32, #tpu.memory_space<hbm>> -> memref<1x40x128xi32, #tpu.memory_space<hbm>>
        %dma_start3A_76 = tpu.memref_squeeze %dma_start3A_75 : memref<1x40x128xi32, #tpu.memory_space<hbm>> -> memref<40x128xi32, #tpu.memory_space<hbm>>
        %dma_start3A_77 = arith.constant 0 : i32
        %dma_start3A_78 = tpu.memref_slice %arg4[%add3A, %mul3A_55, %dma_start3A_77] : memref<32x120x128xi32, #tpu.memory_space<hbm>> -> memref<1x40x128xi32, #tpu.memory_space<hbm>>
        %dma_start3A_79 = tpu.memref_squeeze %dma_start3A_78 : memref<1x40x128xi32, #tpu.memory_space<hbm>> -> memref<40x128xi32, #tpu.memory_space<hbm>>
        tpu.enqueue_dma source(%dma_start3A_79 : memref<40x128xi32, #tpu.memory_space<hbm>>) target(%arg7 : memref<40x128xi32, #tpu.memory_space<vmem>>) target_semaphore(%run_scoped3A : memref<!tpu.dma_semaphore, #tpu.memory_space<semaphore_mem>>)
        %dma_wait3A = arith.constant 0 : i32
        %dma_wait3A_80 = tpu.memref_slice %arg4[%add3A, %mul3A_55, %dma_wait3A] : memref<32x120x128xi32, #tpu.memory_space<hbm>> -> memref<1x40x128xi32, #tpu.memory_space<hbm>>
        %dma_wait3A_81 = tpu.memref_squeeze %dma_wait3A_80 : memref<1x40x128xi32, #tpu.memory_space<hbm>> -> memref<40x128xi32, #tpu.memory_space<hbm>>
        %dma_wait3A_82 = arith.constant 0 : i32
        %dma_wait3A_83 = tpu.memref_slice %arg4[%add3A, %mul3A_55, %dma_wait3A_82] : memref<32x120x128xi32, #tpu.memory_space<hbm>> -> memref<1x40x128xi32, #tpu.memory_space<hbm>>
        %dma_wait3A_84 = tpu.memref_squeeze %dma_wait3A_83 : memref<1x40x128xi32, #tpu.memory_space<hbm>> -> memref<40x128xi32, #tpu.memory_space<hbm>>
        tpu.wait_dma2 semaphore(%run_scoped3A : memref<!tpu.dma_semaphore, #tpu.memory_space<semaphore_mem>>) src(%dma_wait3A_84 : memref<40x128xi32, #tpu.memory_space<hbm>>) dst(%arg7 : memref<40x128xi32, #tpu.memory_space<vmem>>)
        tpu.yield
      }) : () -> ()
      %dma_start3A = arith.constant 0 : i32
      %dma_start3A_56 = arith.constant 0 : i32
      %dma_start3A_57 = tpu.memref_slice %arg6[%dma_start3A, %dma_start3A_56] : memref<40x128xi32, #tpu.memory_space<vmem>> -> memref<1x128xi32, #tpu.memory_space<vmem>>
      %dma_start3A_58 = tpu.memref_squeeze %dma_start3A_57 : memref<1x128xi32, #tpu.memory_space<vmem>> -> memref<128xi32, #tpu.memory_space<vmem>>
      %dma_start3A_59 = arith.constant 0 : i32
      %dma_start3A_60 = arith.constant 0 : i32
      %dma_start3A_61 = tpu.memref_slice %arg2[%dma_start3A_59, %dma_start3A_60] : memref<10240x128xf32, #tpu.memory_space<hbm>> -> memref<10240x128xf32, #tpu.memory_space<hbm>>
      tpu.enqueue_indirect_dma source(%dma_start3A_61 : memref<10240x128xf32, #tpu.memory_space<hbm>>) target(%arg8 : memref<128x128xf32, #tpu.memory_space<vmem>>) offsets(%dma_start3A_58 : memref<128xi32, #tpu.memory_space<vmem>>) semaphore(%arg11 : memref<!tpu.dma_semaphore, #tpu.memory_space<semaphore_mem>>)
      %dma_start3A_62 = arith.constant 1 : i32
      %dma_start3A_63 = arith.constant 0 : i32
      %dma_start3A_64 = tpu.memref_slice %arg6[%dma_start3A_62, %dma_start3A_63] : memref<40x128xi32, #tpu.memory_space<vmem>> -> memref<1x128xi32, #tpu.memory_space<vmem>>
      %dma_start3A_65 = tpu.memref_squeeze %dma_start3A_64 : memref<1x128xi32, #tpu.memory_space<vmem>> -> memref<128xi32, #tpu.memory_space<vmem>>
      %dma_start3A_66 = arith.constant 0 : i32
      %dma_start3A_67 = arith.constant 0 : i32
      %dma_start3A_68 = tpu.memref_slice %arg2[%dma_start3A_66, %dma_start3A_67] : memref<10240x128xf32, #tpu.memory_space<hbm>> -> memref<10240x128xf32, #tpu.memory_space<hbm>>
      tpu.enqueue_indirect_dma source(%dma_start3A_68 : memref<10240x128xf32, #tpu.memory_space<hbm>>) target(%arg9 : memref<128x128xf32, #tpu.memory_space<vmem>>) offsets(%dma_start3A_65 : memref<128xi32, #tpu.memory_space<vmem>>) semaphore(%arg12 : memref<!tpu.dma_semaphore, #tpu.memory_space<semaphore_mem>>)
      %scan3A_69 = arith.constant 0 : i32
      %scan3A_70 = arith.constant 20 : i32
      %scan3A_71 = arith.addi %scan3A_69, %scan3A_70 : i32
      %scan3A_72 = arith.constant 1 : i32
      scf.for %scan3A_74 = %scan3A_69 to %scan3A_71 step %scan3A_72  : i32 {
        %mul3A_75 = arith.constant 2 : i32
        %mul3A_76 = arith.muli %scan3A_74, %mul3A_75 : i32
        %add3A_77 = arith.constant 0 : i32
        %add3A_78 = arith.addi %add3A_77, %mul3A_76 : i32
        %dma_wait3A = arith.constant 0 : i32
        %dma_wait3A_79 = tpu.memref_slice %arg6[%add3A_78, %dma_wait3A] : memref<40x128xi32, #tpu.memory_space<vmem>> -> memref<1x128xi32, #tpu.memory_space<vmem>>
        %dma_wait3A_80 = tpu.memref_squeeze %dma_wait3A_79 : memref<1x128xi32, #tpu.memory_space<vmem>> -> memref<128xi32, #tpu.memory_space<vmem>>
        %dma_wait3A_81 = arith.constant 0 : i32
        %dma_wait3A_82 = arith.constant 0 : i32
        %dma_wait3A_83 = tpu.memref_slice %arg2[%dma_wait3A_81, %dma_wait3A_82] : memref<10240x128xf32, #tpu.memory_space<hbm>> -> memref<10240x128xf32, #tpu.memory_space<hbm>>
        tpu.wait_indirect_dma semaphore(%arg11 : memref<!tpu.dma_semaphore, #tpu.memory_space<semaphore_mem>>) src(%dma_wait3A_83 : memref<10240x128xf32, #tpu.memory_space<hbm>>) dst(%arg8 : memref<128x128xf32, #tpu.memory_space<vmem>>)
        "tpu.region"() ({
          %run_scoped3A = tpu.sem_alloc : memref<!tpu.dma_semaphore, #tpu.memory_space<semaphore_mem>>
          %dma_start3A_105 = arith.constant 0 : i32
          %dma_start3A_106 = tpu.memref_slice %arg7[%add3A_78, %dma_start3A_105] : memref<40x128xi32, #tpu.memory_space<vmem>> -> memref<1x128xi32, #tpu.memory_space<vmem>>
          %dma_start3A_107 = tpu.memref_squeeze %dma_start3A_106 : memref<1x128xi32, #tpu.memory_space<vmem>> -> memref<128xi32, #tpu.memory_space<vmem>>
          %dma_start3A_108 = arith.constant 0 : i32
          %dma_start3A_109 = arith.constant 0 : i32
          %dma_start3A_110 = tpu.memref_slice %arg10[%dma_start3A_108, %dma_start3A_109] : memref<10240x128xf32, #tpu.memory_space<vmem_shared>> -> memref<10240x128xf32, #tpu.memory_space<vmem_shared>>
          tpu.enqueue_indirect_dma source(%arg8 : memref<128x128xf32, #tpu.memory_space<vmem>>) target(%dma_start3A_110 : memref<10240x128xf32, #tpu.memory_space<vmem_shared>>) offsets(%dma_start3A_107 : memref<128xi32, #tpu.memory_space<vmem>>) semaphore(%run_scoped3A : memref<!tpu.dma_semaphore, #tpu.memory_space<semaphore_mem>>) {add = true}
          %dma_wait3A_111 = arith.constant 0 : i32
          %dma_wait3A_112 = tpu.memref_slice %arg7[%add3A_78, %dma_wait3A_111] : memref<40x128xi32, #tpu.memory_space<vmem>> -> memref<1x128xi32, #tpu.memory_space<vmem>>
          %dma_wait3A_113 = tpu.memref_squeeze %dma_wait3A_112 : memref<1x128xi32, #tpu.memory_space<vmem>> -> memref<128xi32, #tpu.memory_space<vmem>>
          %dma_wait3A_114 = arith.constant 0 : i32
          %dma_wait3A_115 = arith.constant 0 : i32
          %dma_wait3A_116 = tpu.memref_slice %arg10[%dma_wait3A_114, %dma_wait3A_115] : memref<10240x128xf32, #tpu.memory_space<vmem_shared>> -> memref<10240x128xf32, #tpu.memory_space<vmem_shared>>
          tpu.wait_indirect_dma semaphore(%run_scoped3A : memref<!tpu.dma_semaphore, #tpu.memory_space<semaphore_mem>>) src(%arg8 : memref<128x128xf32, #tpu.memory_space<vmem>>) dst(%dma_wait3A_116 : memref<10240x128xf32, #tpu.memory_space<vmem_shared>>)
          tpu.yield
        }) : () -> ()
        %add3A_84 = arith.constant 2 : i32
        %add3A_85 = arith.addi %add3A_78, %add3A_84 : i32
        %lt3A = arith.constant 40 : i32
        %lt3A_86 = arith.cmpi slt, %add3A_85, %lt3A : i32
        %convert_element_type3A = arith.extui %lt3A_86 : i1 to i32
        %cond3A = arith.constant 0 : i32
        %cond3A_87 = arith.cmpi ne, %convert_element_type3A, %cond3A : i32
        scf.if %cond3A_87 {
          %add3A_105 = arith.constant 2 : i32
          %add3A_106 = arith.addi %add3A_78, %add3A_105 : i32
          %dma_start3A_107 = arith.constant 0 : i32
          %dma_start3A_108 = tpu.memref_slice %arg6[%add3A_106, %dma_start3A_107] : memref<40x128xi32, #tpu.memory_space<vmem>> -> memref<1x128xi32, #tpu.memory_space<vmem>>
          %dma_start3A_109 = tpu.memref_squeeze %dma_start3A_108 : memref<1x128xi32, #tpu.memory_space<vmem>> -> memref<128xi32, #tpu.memory_space<vmem>>
          %dma_start3A_110 = arith.constant 0 : i32
          %dma_start3A_111 = arith.constant 0 : i32
          %dma_start3A_112 = tpu.memref_slice %arg2[%dma_start3A_110, %dma_start3A_111] : memref<10240x128xf32, #tpu.memory_space<hbm>> -> memref<10240x128xf32, #tpu.memory_space<hbm>>
          tpu.enqueue_indirect_dma source(%dma_start3A_112 : memref<10240x128xf32, #tpu.memory_space<hbm>>) target(%arg8 : memref<128x128xf32, #tpu.memory_space<vmem>>) offsets(%dma_start3A_109 : memref<128xi32, #tpu.memory_space<vmem>>) semaphore(%arg11 : memref<!tpu.dma_semaphore, #tpu.memory_space<semaphore_mem>>)
        } else {
        }
        %add3A_88 = arith.constant 1 : i32
        %add3A_89 = arith.addi %add3A_78, %add3A_88 : i32
        %dma_wait3A_90 = arith.constant 0 : i32
        %dma_wait3A_91 = tpu.memref_slice %arg6[%add3A_89, %dma_wait3A_90] : memref<40x128xi32, #tpu.memory_space<vmem>> -> memref<1x128xi32, #tpu.memory_space<vmem>>
        %dma_wait3A_92 = tpu.memref_squeeze %dma_wait3A_91 : memref<1x128xi32, #tpu.memory_space<vmem>> -> memref<128xi32, #tpu.memory_space<vmem>>
        %dma_wait3A_93 = arith.constant 0 : i32
        %dma_wait3A_94 = arith.constant 0 : i32
        %dma_wait3A_95 = tpu.memref_slice %arg2[%dma_wait3A_93, %dma_wait3A_94] : memref<10240x128xf32, #tpu.memory_space<hbm>> -> memref<10240x128xf32, #tpu.memory_space<hbm>>
        tpu.wait_indirect_dma semaphore(%arg12 : memref<!tpu.dma_semaphore, #tpu.memory_space<semaphore_mem>>) src(%dma_wait3A_95 : memref<10240x128xf32, #tpu.memory_space<hbm>>) dst(%arg9 : memref<128x128xf32, #tpu.memory_space<vmem>>)
        %add3A_96 = arith.constant 1 : i32
        %add3A_97 = arith.addi %add3A_78, %add3A_96 : i32
        "tpu.region"() ({
          %run_scoped3A = tpu.sem_alloc : memref<!tpu.dma_semaphore, #tpu.memory_space<semaphore_mem>>
          %dma_start3A_105 = arith.constant 0 : i32
          %dma_start3A_106 = tpu.memref_slice %arg7[%add3A_97, %dma_start3A_105] : memref<40x128xi32, #tpu.memory_space<vmem>> -> memref<1x128xi32, #tpu.memory_space<vmem>>
          %dma_start3A_107 = tpu.memref_squeeze %dma_start3A_106 : memref<1x128xi32, #tpu.memory_space<vmem>> -> memref<128xi32, #tpu.memory_space<vmem>>
          %dma_start3A_108 = arith.constant 0 : i32
          %dma_start3A_109 = arith.constant 0 : i32
          %dma_start3A_110 = tpu.memref_slice %arg10[%dma_start3A_108, %dma_start3A_109] : memref<10240x128xf32, #tpu.memory_space<vmem_shared>> -> memref<10240x128xf32, #tpu.memory_space<vmem_shared>>
          tpu.enqueue_indirect_dma source(%arg9 : memref<128x128xf32, #tpu.memory_space<vmem>>) target(%dma_start3A_110 : memref<10240x128xf32, #tpu.memory_space<vmem_shared>>) offsets(%dma_start3A_107 : memref<128xi32, #tpu.memory_space<vmem>>) semaphore(%run_scoped3A : memref<!tpu.dma_semaphore, #tpu.memory_space<semaphore_mem>>) {add = true}
          %dma_wait3A_111 = arith.constant 0 : i32
          %dma_wait3A_112 = tpu.memref_slice %arg7[%add3A_97, %dma_wait3A_111] : memref<40x128xi32, #tpu.memory_space<vmem>> -> memref<1x128xi32, #tpu.memory_space<vmem>>
          %dma_wait3A_113 = tpu.memref_squeeze %dma_wait3A_112 : memref<1x128xi32, #tpu.memory_space<vmem>> -> memref<128xi32, #tpu.memory_space<vmem>>
          %dma_wait3A_114 = arith.constant 0 : i32
          %dma_wait3A_115 = arith.constant 0 : i32
          %dma_wait3A_116 = tpu.memref_slice %arg10[%dma_wait3A_114, %dma_wait3A_115] : memref<10240x128xf32, #tpu.memory_space<vmem_shared>> -> memref<10240x128xf32, #tpu.memory_space<vmem_shared>>
          tpu.wait_indirect_dma semaphore(%run_scoped3A : memref<!tpu.dma_semaphore, #tpu.memory_space<semaphore_mem>>) src(%arg9 : memref<128x128xf32, #tpu.memory_space<vmem>>) dst(%dma_wait3A_116 : memref<10240x128xf32, #tpu.memory_space<vmem_shared>>)
          tpu.yield
        }) : () -> ()
        %add3A_98 = arith.constant 3 : i32
        %add3A_99 = arith.addi %add3A_78, %add3A_98 : i32
        %lt3A_100 = arith.constant 40 : i32
        %lt3A_101 = arith.cmpi slt, %add3A_99, %lt3A_100 : i32
        %convert_element_type3A_102 = arith.extui %lt3A_101 : i1 to i32
        %cond3A_103 = arith.constant 0 : i32
        %cond3A_104 = arith.cmpi ne, %convert_element_type3A_102, %cond3A_103 : i32
        scf.if %cond3A_104 {
          %add3A_105 = arith.constant 3 : i32
          %add3A_106 = arith.addi %add3A_78, %add3A_105 : i32
          %dma_start3A_107 = arith.constant 0 : i32
          %dma_start3A_108 = tpu.memref_slice %arg6[%add3A_106, %dma_start3A_107] : memref<40x128xi32, #tpu.memory_space<vmem>> -> memref<1x128xi32, #tpu.memory_space<vmem>>
          %dma_start3A_109 = tpu.memref_squeeze %dma_start3A_108 : memref<1x128xi32, #tpu.memory_space<vmem>> -> memref<128xi32, #tpu.memory_space<vmem>>
          %dma_start3A_110 = arith.constant 0 : i32
          %dma_start3A_111 = arith.constant 0 : i32
          %dma_start3A_112 = tpu.memref_slice %arg2[%dma_start3A_110, %dma_start3A_111] : memref<10240x128xf32, #tpu.memory_space<hbm>> -> memref<10240x128xf32, #tpu.memory_space<hbm>>
          tpu.enqueue_indirect_dma source(%dma_start3A_112 : memref<10240x128xf32, #tpu.memory_space<hbm>>) target(%arg9 : memref<128x128xf32, #tpu.memory_space<vmem>>) offsets(%dma_start3A_109 : memref<128xi32, #tpu.memory_space<vmem>>) semaphore(%arg12 : memref<!tpu.dma_semaphore, #tpu.memory_space<semaphore_mem>>)
        } else {
        }
      }
      %scan3A_73 = arith.constant 20 : i32
    }
    %barrier3A_44 = arith.constant 0 : index
    tpu.barrier barrier_id(%barrier3A_44)
    %mul3A_45 = arith.constant 640 : i32
    %mul3A_46 = arith.muli %arg1, %mul3A_45 : i32
    %mul3A_47 = arith.constant 640 : i32
    %mul3A_48 = arith.muli %arg1, %mul3A_47 : i32
    "tpu.region"() ({
      %run_scoped3A = tpu.sem_alloc : memref<!tpu.dma_semaphore, #tpu.memory_space<semaphore_mem>>
      %dma_start3A = arith.constant 0 : i32
      %dma_start3A_49 = tpu.memref_slice %arg5[%arg0, %mul3A_48, %dma_start3A] : memref<2x10240x128xf32, #tpu.memory_space<hbm>> -> memref<1x640x128xf32, #tpu.memory_space<hbm>>
      %dma_start3A_50 = tpu.memref_squeeze %dma_start3A_49 : memref<1x640x128xf32, #tpu.memory_space<hbm>> -> memref<640x128xf32, #tpu.memory_space<hbm>>
      %dma_start3A_51 = arith.constant 0 : i32
      %dma_start3A_52 = tpu.memref_slice %arg10[%mul3A_46, %dma_start3A_51] : memref<10240x128xf32, #tpu.memory_space<vmem_shared>> -> memref<640x128xf32, #tpu.memory_space<vmem_shared>>
      tpu.enqueue_dma source(%dma_start3A_52 : memref<640x128xf32, #tpu.memory_space<vmem_shared>>) target(%dma_start3A_50 : memref<640x128xf32, #tpu.memory_space<hbm>>) target_semaphore(%run_scoped3A : memref<!tpu.dma_semaphore, #tpu.memory_space<semaphore_mem>>)
      %dma_wait3A = arith.constant 0 : i32
      %dma_wait3A_53 = tpu.memref_slice %arg5[%arg0, %mul3A_48, %dma_wait3A] : memref<2x10240x128xf32, #tpu.memory_space<hbm>> -> memref<1x640x128xf32, #tpu.memory_space<hbm>>
      %dma_wait3A_54 = tpu.memref_squeeze %dma_wait3A_53 : memref<1x640x128xf32, #tpu.memory_space<hbm>> -> memref<640x128xf32, #tpu.memory_space<hbm>>
      %dma_wait3A_55 = arith.constant 0 : i32
      %dma_wait3A_56 = tpu.memref_slice %arg10[%mul3A_46, %dma_wait3A_55] : memref<10240x128xf32, #tpu.memory_space<vmem_shared>> -> memref<640x128xf32, #tpu.memory_space<vmem_shared>>
      tpu.wait_dma2 semaphore(%run_scoped3A : memref<!tpu.dma_semaphore, #tpu.memory_space<semaphore_mem>>) src(%dma_wait3A_56 : memref<640x128xf32, #tpu.memory_space<vmem_shared>>) dst(%dma_wait3A_54 : memref<640x128xf32, #tpu.memory_space<hbm>>)
      tpu.yield
    }) : () -> ()
    return
  }
}

#map = affine_map<(d0, d1) -> (0, 0)>
#map1 = affine_map<(d0, d1) -> (0, 0, 0)>
module attributes {stable_mosaic.version = 14 : i64} {
  func.func @_spmm_sc(%arg0: i32, %arg1: i32, %arg2: memref<10240x128xf32, #tpu.memory_space<hbm>>, %arg3: memref<32x120x128xi32, #tpu.memory_space<hbm>>, %arg4: memref<32x120x128xi32, #tpu.memory_space<hbm>>, %arg5: memref<2x10240x128xf32, #tpu.memory_space<hbm>>, %arg6: memref<40x128xi32, #tpu.memory_space<vmem>>, %arg7: memref<40x128xi32, #tpu.memory_space<vmem>>, %arg8: memref<128x128xf32, #tpu.memory_space<vmem>>, %arg9: memref<128x128xf32, #tpu.memory_space<vmem>>, %arg10: memref<10240x128xf32, #tpu.memory_space<vmem_shared>>, %arg11: memref<!tpu.dma_semaphore, #tpu.memory_space<semaphore_mem>>, %arg12: memref<!tpu.dma_semaphore, #tpu.memory_space<semaphore_mem>>) attributes {dimension_semantics = [#tpu.dimension_semantics<core_parallel>, #tpu.dimension_semantics<subcore_parallel>], iteration_bounds = array<i64: 2, 16>, scalar_prefetch = 0 : i64, scratch_operands = 7 : i64, tpu.core_type = #tpu.core_type<sc_vector_subcore>, window_params = [{transform_indices = #map}, {transform_indices = #map1}, {transform_indices = #map1}, {transform_indices = #map1}]} {
    %mul3A = arith.constant 16 : i32
    %mul3A_0 = arith.muli %arg0, %mul3A : i32
    %add3A = arith.addi %mul3A_0, %arg1 : i32
    %broadcast_in_dim3A = arith.constant 0.000000e+00 : f32
    %broadcast_in_dim3A_1 = vector.broadcast %broadcast_in_dim3A : f32 to vector<16xf32>
    %scan3A = arith.constant 0 : i32
    %scan3A_2 = arith.constant 128 : i32
    %scan3A_3 = arith.addi %scan3A, %scan3A_2 : i32
    %scan3A_4 = arith.constant 1 : i32
    scf.for %scan3A_49 = %scan3A to %scan3A_3 step %scan3A_4  : i32 {
      %mul3A_50 = arith.constant 1 : i32
      %mul3A_51 = arith.muli %scan3A_49, %mul3A_50 : i32
      %add3A_52 = arith.constant 0 : i32
      %add3A_53 = arith.addi %add3A_52, %mul3A_51 : i32
      %swap3A = arith.index_cast %add3A_53 : i32 to index
      %swap3A_54 = arith.constant 0 : index
      %swap3A_55 = tpu.vector_load %arg8[%swap3A, %swap3A_54] {strides = array<i32>} : memref<128x128xf32, #tpu.memory_space<vmem>>, vector<1x16xf32>,
      %swap3A_56 = vector.shape_cast %swap3A_55 : vector<1x16xf32> to vector<16xf32>
      %swap3A_57 = vector.shape_cast %broadcast_in_dim3A_1 : vector<16xf32> to vector<1x16xf32>
      tpu.vector_store %arg8[%swap3A, %swap3A_54], %swap3A_57 {strides = array<i32>} : memref<128x128xf32, #tpu.memory_space<vmem>>, vector<1x16xf32>,
      %swap3A_58 = arith.index_cast %add3A_53 : i32 to index
      %swap3A_59 = arith.constant 16 : index
      %swap3A_60 = tpu.vector_load %arg8[%swap3A_58, %swap3A_59] {strides = array<i32>} : memref<128x128xf32, #tpu.memory_space<vmem>>, vector<1x16xf32>,
      %swap3A_61 = vector.shape_cast %swap3A_60 : vector<1x16xf32> to vector<16xf32>
      %swap3A_62 = vector.shape_cast %broadcast_in_dim3A_1 : vector<16xf32> to vector<1x16xf32>
      tpu.vector_store %arg8[%swap3A_58, %swap3A_59], %swap3A_62 {strides = array<i32>} : memref<128x128xf32, #tpu.memory_space<vmem>>, vector<1x16xf32>,
      %swap3A_63 = arith.index_cast %add3A_53 : i32 to index
      %swap3A_64 = arith.constant 32 : index
      %swap3A_65 = tpu.vector_load %arg8[%swap3A_63, %swap3A_64] {strides = array<i32>} : memref<128x128xf32, #tpu.memory_space<vmem>>, vector<1x16xf32>,
      %swap3A_66 = vector.shape_cast %swap3A_65 : vector<1x16xf32> to vector<16xf32>
      %swap3A_67 = vector.shape_cast %broadcast_in_dim3A_1 : vector<16xf32> to vector<1x16xf32>
      tpu.vector_store %arg8[%swap3A_63, %swap3A_64], %swap3A_67 {strides = array<i32>} : memref<128x128xf32, #tpu.memory_space<vmem>>, vector<1x16xf32>,
      %swap3A_68 = arith.index_cast %add3A_53 : i32 to index
      %swap3A_69 = arith.constant 48 : index
      %swap3A_70 = tpu.vector_load %arg8[%swap3A_68, %swap3A_69] {strides = array<i32>} : memref<128x128xf32, #tpu.memory_space<vmem>>, vector<1x16xf32>,
      %swap3A_71 = vector.shape_cast %swap3A_70 : vector<1x16xf32> to vector<16xf32>
      %swap3A_72 = vector.shape_cast %broadcast_in_dim3A_1 : vector<16xf32> to vector<1x16xf32>
      tpu.vector_store %arg8[%swap3A_68, %swap3A_69], %swap3A_72 {strides = array<i32>} : memref<128x128xf32, #tpu.memory_space<vmem>>, vector<1x16xf32>,
      %swap3A_73 = arith.index_cast %add3A_53 : i32 to index
      %swap3A_74 = arith.constant 64 : index
      %swap3A_75 = tpu.vector_load %arg8[%swap3A_73, %swap3A_74] {strides = array<i32>} : memref<128x128xf32, #tpu.memory_space<vmem>>, vector<1x16xf32>,
      %swap3A_76 = vector.shape_cast %swap3A_75 : vector<1x16xf32> to vector<16xf32>
      %swap3A_77 = vector.shape_cast %broadcast_in_dim3A_1 : vector<16xf32> to vector<1x16xf32>
      tpu.vector_store %arg8[%swap3A_73, %swap3A_74], %swap3A_77 {strides = array<i32>} : memref<128x128xf32, #tpu.memory_space<vmem>>, vector<1x16xf32>,
      %swap3A_78 = arith.index_cast %add3A_53 : i32 to index
      %swap3A_79 = arith.constant 80 : index
      %swap3A_80 = tpu.vector_load %arg8[%swap3A_78, %swap3A_79] {strides = array<i32>} : memref<128x128xf32, #tpu.memory_space<vmem>>, vector<1x16xf32>,
      %swap3A_81 = vector.shape_cast %swap3A_80 : vector<1x16xf32> to vector<16xf32>
      %swap3A_82 = vector.shape_cast %broadcast_in_dim3A_1 : vector<16xf32> to vector<1x16xf32>
      tpu.vector_store %arg8[%swap3A_78, %swap3A_79], %swap3A_82 {strides = array<i32>} : memref<128x128xf32, #tpu.memory_space<vmem>>, vector<1x16xf32>,
      %swap3A_83 = arith.index_cast %add3A_53 : i32 to index
      %swap3A_84 = arith.constant 96 : index
      %swap3A_85 = tpu.vector_load %arg8[%swap3A_83, %swap3A_84] {strides = array<i32>} : memref<128x128xf32, #tpu.memory_space<vmem>>, vector<1x16xf32>,
      %swap3A_86 = vector.shape_cast %swap3A_85 : vector<1x16xf32> to vector<16xf32>
      %swap3A_87 = vector.shape_cast %broadcast_in_dim3A_1 : vector<16xf32> to vector<1x16xf32>
      tpu.vector_store %arg8[%swap3A_83, %swap3A_84], %swap3A_87 {strides = array<i32>} : memref<128x128xf32, #tpu.memory_space<vmem>>, vector<1x16xf32>,
      %swap3A_88 = arith.index_cast %add3A_53 : i32 to index
      %swap3A_89 = arith.constant 112 : index
      %swap3A_90 = tpu.vector_load %arg8[%swap3A_88, %swap3A_89] {strides = array<i32>} : memref<128x128xf32, #tpu.memory_space<vmem>>, vector<1x16xf32>,
      %swap3A_91 = vector.shape_cast %swap3A_90 : vector<1x16xf32> to vector<16xf32>
      %swap3A_92 = vector.shape_cast %broadcast_in_dim3A_1 : vector<16xf32> to vector<1x16xf32>
      tpu.vector_store %arg8[%swap3A_88, %swap3A_89], %swap3A_92 {strides = array<i32>} : memref<128x128xf32, #tpu.memory_space<vmem>>, vector<1x16xf32>,
    }
    %scan3A_5 = arith.constant 128 : i32
    %mul3A_6 = arith.constant 640 : i32
    %mul3A_7 = arith.muli %arg1, %mul3A_6 : i32
    %add3A_8 = arith.constant 0 : i32
    %add3A_9 = arith.addi %mul3A_7, %add3A_8 : i32
    "tpu.region"() ({
      %run_scoped3A = tpu.sem_alloc : memref<!tpu.dma_semaphore, #tpu.memory_space<semaphore_mem>>
      %dma_start3A = arith.constant 0 : i32
      %dma_start3A_49 = tpu.memref_slice %arg10[%add3A_9, %dma_start3A] : memref<10240x128xf32, #tpu.memory_space<vmem_shared>> -> memref<128x128xf32, #tpu.memory_space<vmem_shared>>
      %dma_start3A_50 = arith.constant 0 : i32
      %dma_start3A_51 = tpu.memref_slice %arg10[%add3A_9, %dma_start3A_50] : memref<10240x128xf32, #tpu.memory_space<vmem_shared>> -> memref<128x128xf32, #tpu.memory_space<vmem_shared>>
      tpu.enqueue_dma source(%arg8 : memref<128x128xf32, #tpu.memory_space<vmem>>) target(%dma_start3A_51 : memref<128x128xf32, #tpu.memory_space<vmem_shared>>) target_semaphore(%run_scoped3A : memref<!tpu.dma_semaphore, #tpu.memory_space<semaphore_mem>>)
      %dma_wait3A = arith.constant 0 : i32
      %dma_wait3A_52 = tpu.memref_slice %arg10[%add3A_9, %dma_wait3A] : memref<10240x128xf32, #tpu.memory_space<vmem_shared>> -> memref<128x128xf32, #tpu.memory_space<vmem_shared>>
      %dma_wait3A_53 = arith.constant 0 : i32
      %dma_wait3A_54 = tpu.memref_slice %arg10[%add3A_9, %dma_wait3A_53] : memref<10240x128xf32, #tpu.memory_space<vmem_shared>> -> memref<128x128xf32, #tpu.memory_space<vmem_shared>>
      tpu.wait_dma2 semaphore(%run_scoped3A : memref<!tpu.dma_semaphore, #tpu.memory_space<semaphore_mem>>) src(%arg8 : memref<128x128xf32, #tpu.memory_space<vmem>>) dst(%dma_wait3A_54 : memref<128x128xf32, #tpu.memory_space<vmem_shared>>)
      tpu.yield
    }) : () -> ()
    %mul3A_10 = arith.constant 640 : i32
    %mul3A_11 = arith.muli %arg1, %mul3A_10 : i32
    %add3A_12 = arith.constant 128 : i32
    %add3A_13 = arith.addi %mul3A_11, %add3A_12 : i32
    "tpu.region"() ({
      %run_scoped3A = tpu.sem_alloc : memref<!tpu.dma_semaphore, #tpu.memory_space<semaphore_mem>>
      %dma_start3A = arith.constant 0 : i32
      %dma_start3A_49 = tpu.memref_slice %arg10[%add3A_13, %dma_start3A] : memref<10240x128xf32, #tpu.memory_space<vmem_shared>> -> memref<128x128xf32, #tpu.memory_space<vmem_shared>>
      %dma_start3A_50 = arith.constant 0 : i32
      %dma_start3A_51 = tpu.memref_slice %arg10[%add3A_13, %dma_start3A_50] : memref<10240x128xf32, #tpu.memory_space<vmem_shared>> -> memref<128x128xf32, #tpu.memory_space<vmem_shared>>
      tpu.enqueue_dma source(%arg8 : memref<128x128xf32, #tpu.memory_space<vmem>>) target(%dma_start3A_51 : memref<128x128xf32, #tpu.memory_space<vmem_shared>>) target_semaphore(%run_scoped3A : memref<!tpu.dma_semaphore, #tpu.memory_space<semaphore_mem>>)
      %dma_wait3A = arith.constant 0 : i32
      %dma_wait3A_52 = tpu.memref_slice %arg10[%add3A_13, %dma_wait3A] : memref<10240x128xf32, #tpu.memory_space<vmem_shared>> -> memref<128x128xf32, #tpu.memory_space<vmem_shared>>
      %dma_wait3A_53 = arith.constant 0 : i32
      %dma_wait3A_54 = tpu.memref_slice %arg10[%add3A_13, %dma_wait3A_53] : memref<10240x128xf32, #tpu.memory_space<vmem_shared>> -> memref<128x128xf32, #tpu.memory_space<vmem_shared>>
      tpu.wait_dma2 semaphore(%run_scoped3A : memref<!tpu.dma_semaphore, #tpu.memory_space<semaphore_mem>>) src(%arg8 : memref<128x128xf32, #tpu.memory_space<vmem>>) dst(%dma_wait3A_54 : memref<128x128xf32, #tpu.memory_space<vmem_shared>>)
      tpu.yield
    }) : () -> ()
    %mul3A_14 = arith.constant 640 : i32
    %mul3A_15 = arith.muli %arg1, %mul3A_14 : i32
    %add3A_16 = arith.constant 256 : i32
    %add3A_17 = arith.addi %mul3A_15, %add3A_16 : i32
    "tpu.region"() ({
      %run_scoped3A = tpu.sem_alloc : memref<!tpu.dma_semaphore, #tpu.memory_space<semaphore_mem>>
      %dma_start3A = arith.constant 0 : i32
      %dma_start3A_49 = tpu.memref_slice %arg10[%add3A_17, %dma_start3A] : memref<10240x128xf32, #tpu.memory_space<vmem_shared>> -> memref<128x128xf32, #tpu.memory_space<vmem_shared>>
      %dma_start3A_50 = arith.constant 0 : i32
      %dma_start3A_51 = tpu.memref_slice %arg10[%add3A_17, %dma_start3A_50] : memref<10240x128xf32, #tpu.memory_space<vmem_shared>> -> memref<128x128xf32, #tpu.memory_space<vmem_shared>>
      tpu.enqueue_dma source(%arg8 : memref<128x128xf32, #tpu.memory_space<vmem>>) target(%dma_start3A_51 : memref<128x128xf32, #tpu.memory_space<vmem_shared>>) target_semaphore(%run_scoped3A : memref<!tpu.dma_semaphore, #tpu.memory_space<semaphore_mem>>)
      %dma_wait3A = arith.constant 0 : i32
      %dma_wait3A_52 = tpu.memref_slice %arg10[%add3A_17, %dma_wait3A] : memref<10240x128xf32, #tpu.memory_space<vmem_shared>> -> memref<128x128xf32, #tpu.memory_space<vmem_shared>>
      %dma_wait3A_53 = arith.constant 0 : i32
      %dma_wait3A_54 = tpu.memref_slice %arg10[%add3A_17, %dma_wait3A_53] : memref<10240x128xf32, #tpu.memory_space<vmem_shared>> -> memref<128x128xf32, #tpu.memory_space<vmem_shared>>
      tpu.wait_dma2 semaphore(%run_scoped3A : memref<!tpu.dma_semaphore, #tpu.memory_space<semaphore_mem>>) src(%arg8 : memref<128x128xf32, #tpu.memory_space<vmem>>) dst(%dma_wait3A_54 : memref<128x128xf32, #tpu.memory_space<vmem_shared>>)
      tpu.yield
    }) : () -> ()
    %mul3A_18 = arith.constant 640 : i32
    %mul3A_19 = arith.muli %arg1, %mul3A_18 : i32
    %add3A_20 = arith.constant 384 : i32
    %add3A_21 = arith.addi %mul3A_19, %add3A_20 : i32
    "tpu.region"() ({
      %run_scoped3A = tpu.sem_alloc : memref<!tpu.dma_semaphore, #tpu.memory_space<semaphore_mem>>
      %dma_start3A = arith.constant 0 : i32
      %dma_start3A_49 = tpu.memref_slice %arg10[%add3A_21, %dma_start3A] : memref<10240x128xf32, #tpu.memory_space<vmem_shared>> -> memref<128x128xf32, #tpu.memory_space<vmem_shared>>
      %dma_start3A_50 = arith.constant 0 : i32
      %dma_start3A_51 = tpu.memref_slice %arg10[%add3A_21, %dma_start3A_50] : memref<10240x128xf32, #tpu.memory_space<vmem_shared>> -> memref<128x128xf32, #tpu.memory_space<vmem_shared>>
      tpu.enqueue_dma source(%arg8 : memref<128x128xf32, #tpu.memory_space<vmem>>) target(%dma_start3A_51 : memref<128x128xf32, #tpu.memory_space<vmem_shared>>) target_semaphore(%run_scoped3A : memref<!tpu.dma_semaphore, #tpu.memory_space<semaphore_mem>>)
      %dma_wait3A = arith.constant 0 : i32
      %dma_wait3A_52 = tpu.memref_slice %arg10[%add3A_21, %dma_wait3A] : memref<10240x128xf32, #tpu.memory_space<vmem_shared>> -> memref<128x128xf32, #tpu.memory_space<vmem_shared>>
      %dma_wait3A_53 = arith.constant 0 : i32
      %dma_wait3A_54 = tpu.memref_slice %arg10[%add3A_21, %dma_wait3A_53] : memref<10240x128xf32, #tpu.memory_space<vmem_shared>> -> memref<128x128xf32, #tpu.memory_space<vmem_shared>>
      tpu.wait_dma2 semaphore(%run_scoped3A : memref<!tpu.dma_semaphore, #tpu.memory_space<semaphore_mem>>) src(%arg8 : memref<128x128xf32, #tpu.memory_space<vmem>>) dst(%dma_wait3A_54 : memref<128x128xf32, #tpu.memory_space<vmem_shared>>)
      tpu.yield
    }) : () -> ()
    %mul3A_22 = arith.constant 640 : i32
    %mul3A_23 = arith.muli %arg1, %mul3A_22 : i32
    %add3A_24 = arith.constant 512 : i32
    %add3A_25 = arith.addi %mul3A_23, %add3A_24 : i32
    "tpu.region"() ({
      %run_scoped3A = tpu.sem_alloc : memref<!tpu.dma_semaphore, #tpu.memory_space<semaphore_mem>>
      %dma_start3A = arith.constant 0 : i32
      %dma_start3A_49 = tpu.memref_slice %arg10[%add3A_25, %dma_start3A] : memref<10240x128xf32, #tpu.memory_space<vmem_shared>> -> memref<128x128xf32, #tpu.memory_space<vmem_shared>>
      %dma_start3A_50 = arith.constant 0 : i32
      %dma_start3A_51 = tpu.memref_slice %arg10[%add3A_25, %dma_start3A_50] : memref<10240x128xf32, #tpu.memory_space<vmem_shared>> -> memref<128x128xf32, #tpu.memory_space<vmem_shared>>
      tpu.enqueue_dma source(%arg8 : memref<128x128xf32, #tpu.memory_space<vmem>>) target(%dma_start3A_51 : memref<128x128xf32, #tpu.memory_space<vmem_shared>>) target_semaphore(%run_scoped3A : memref<!tpu.dma_semaphore, #tpu.memory_space<semaphore_mem>>)
      %dma_wait3A = arith.constant 0 : i32
      %dma_wait3A_52 = tpu.memref_slice %arg10[%add3A_25, %dma_wait3A] : memref<10240x128xf32, #tpu.memory_space<vmem_shared>> -> memref<128x128xf32, #tpu.memory_space<vmem_shared>>
      %dma_wait3A_53 = arith.constant 0 : i32
      %dma_wait3A_54 = tpu.memref_slice %arg10[%add3A_25, %dma_wait3A_53] : memref<10240x128xf32, #tpu.memory_space<vmem_shared>> -> memref<128x128xf32, #tpu.memory_space<vmem_shared>>
      tpu.wait_dma2 semaphore(%run_scoped3A : memref<!tpu.dma_semaphore, #tpu.memory_space<semaphore_mem>>) src(%arg8 : memref<128x128xf32, #tpu.memory_space<vmem>>) dst(%dma_wait3A_54 : memref<128x128xf32, #tpu.memory_space<vmem_shared>>)
      tpu.yield
    }) : () -> ()
    %barrier3A = arith.constant 0 : index
    tpu.barrier barrier_id(%barrier3A)
    %eq3A = arith.constant 0 : i32
    %eq3A_26 = arith.cmpi eq, %arg0, %eq3A : i32
    %jit3A = arith.constant 3 : i32
    %jit3A_27 = arith.constant 1 : i32
    %select_n3A = arith.select %eq3A_26, %jit3A, %jit3A_27 : i32
    %sub3A = arith.constant 0 : i32
    %sub3A_28 = arith.subi %select_n3A, %sub3A : i32
    %sub3A_29 = arith.constant 1 : i32
    %sub3A_30 = arith.constant 1 : i32
    %sub3A_31 = arith.subi %sub3A_29, %sub3A_30 : i32
    %add3A_32 = arith.addi %sub3A_28, %sub3A_31 : i32
    %div3A = arith.constant 1 : i32
    %div3A_33 = arith.divsi %add3A_32, %div3A : i32
    %while3A = arith.constant 1 : i32
    %while3A_34 = arith.constant 0 : i32
    %while3A_35 = arith.constant 0 : i32
    %while3A_36 = arith.subi %div3A_33, %while3A_35 : i32
    %while3A_37 = arith.addi %while3A_35, %while3A_36 : i32
    %while3A_38 = arith.constant 1 : i32
    %while3A_39 = arith.divsi %while3A_36, %while3A_38 : i32
    %while3A_40 = arith.muli %while3A_39, %while3A_38 : i32
    %while3A_41 = arith.addi %while3A_35, %while3A_40 : i32
    %while3A_42 = arith.constant 1 : i32
    scf.for %while3A_49 = %while3A_35 to %while3A_41 step %while3A_42  : i32 {
      %mul3A_50 = arith.muli %while3A_49, %while3A : i32
      %add3A_51 = arith.addi %while3A_34, %mul3A_50 : i32
      %mul3A_52 = arith.constant 40 : i32
      %mul3A_53 = arith.muli %add3A_51, %mul3A_52 : i32
      "tpu.region"() ({
        %run_scoped3A = tpu.sem_alloc : memref<!tpu.dma_semaphore, #tpu.memory_space<semaphore_mem>>
        %dma_start3A_74 = arith.constant 0 : i32
        %dma_start3A_75 = tpu.memref_slice %arg3[%add3A, %mul3A_53, %dma_start3A_74] : memref<32x120x128xi32, #tpu.memory_space<hbm>> -> memref<1x40x128xi32, #tpu.memory_space<hbm>>
        %dma_start3A_76 = tpu.memref_squeeze %dma_start3A_75 : memref<1x40x128xi32, #tpu.memory_space<hbm>> -> memref<40x128xi32, #tpu.memory_space<hbm>>
        %dma_start3A_77 = arith.constant 0 : i32
        %dma_start3A_78 = tpu.memref_slice %arg3[%add3A, %mul3A_53, %dma_start3A_77] : memref<32x120x128xi32, #tpu.memory_space<hbm>> -> memref<1x40x128xi32, #tpu.memory_space<hbm>>
        %dma_start3A_79 = tpu.memref_squeeze %dma_start3A_78 : memref<1x40x128xi32, #tpu.memory_space<hbm>> -> memref<40x128xi32, #tpu.memory_space<hbm>>
        tpu.enqueue_dma source(%dma_start3A_79 : memref<40x128xi32, #tpu.memory_space<hbm>>) target(%arg6 : memref<40x128xi32, #tpu.memory_space<vmem>>) target_semaphore(%run_scoped3A : memref<!tpu.dma_semaphore, #tpu.memory_space<semaphore_mem>>)
        %dma_wait3A = arith.constant 0 : i32
        %dma_wait3A_80 = tpu.memref_slice %arg3[%add3A, %mul3A_53, %dma_wait3A] : memref<32x120x128xi32, #tpu.memory_space<hbm>> -> memref<1x40x128xi32, #tpu.memory_space<hbm>>
        %dma_wait3A_81 = tpu.memref_squeeze %dma_wait3A_80 : memref<1x40x128xi32, #tpu.memory_space<hbm>> -> memref<40x128xi32, #tpu.memory_space<hbm>>
        %dma_wait3A_82 = arith.constant 0 : i32
        %dma_wait3A_83 = tpu.memref_slice %arg3[%add3A, %mul3A_53, %dma_wait3A_82] : memref<32x120x128xi32, #tpu.memory_space<hbm>> -> memref<1x40x128xi32, #tpu.memory_space<hbm>>
        %dma_wait3A_84 = tpu.memref_squeeze %dma_wait3A_83 : memref<1x40x128xi32, #tpu.memory_space<hbm>> -> memref<40x128xi32, #tpu.memory_space<hbm>>
        tpu.wait_dma2 semaphore(%run_scoped3A : memref<!tpu.dma_semaphore, #tpu.memory_space<semaphore_mem>>) src(%dma_wait3A_84 : memref<40x128xi32, #tpu.memory_space<hbm>>) dst(%arg6 : memref<40x128xi32, #tpu.memory_space<vmem>>)
        tpu.yield
      }) : () -> ()
      %mul3A_54 = arith.constant 40 : i32
      %mul3A_55 = arith.muli %add3A_51, %mul3A_54 : i32
      "tpu.region"() ({
        %run_scoped3A = tpu.sem_alloc : memref<!tpu.dma_semaphore, #tpu.memory_space<semaphore_mem>>
        %dma_start3A_74 = arith.constant 0 : i32
        %dma_start3A_75 = tpu.memref_slice %arg4[%add3A, %mul3A_55, %dma_start3A_74] : memref<32x120x128xi32, #tpu.memory_space<hbm>> -> memref<1x40x128xi32, #tpu.memory_space<hbm>>
        %dma_start3A_76 = tpu.memref_squeeze %dma_start3A_75 : memref<1x40x128xi32, #tpu.memory_space<hbm>> -> memref<40x128xi32, #tpu.memory_space<hbm>>
        %dma_start3A_77 = arith.constant 0 : i32
        %dma_start3A_78 = tpu.memref_slice %arg4[%add3A, %mul3A_55, %dma_start3A_77] : memref<32x120x128xi32, #tpu.memory_space<hbm>> -> memref<1x40x128xi32, #tpu.memory_space<hbm>>
        %dma_start3A_79 = tpu.memref_squeeze %dma_start3A_78 : memref<1x40x128xi32, #tpu.memory_space<hbm>> -> memref<40x128xi32, #tpu.memory_space<hbm>>
        tpu.enqueue_dma source(%dma_start3A_79 : memref<40x128xi32, #tpu.memory_space<hbm>>) target(%arg7 : memref<40x128xi32, #tpu.memory_space<vmem>>) target_semaphore(%run_scoped3A : memref<!tpu.dma_semaphore, #tpu.memory_space<semaphore_mem>>)
        %dma_wait3A = arith.constant 0 : i32
        %dma_wait3A_80 = tpu.memref_slice %arg4[%add3A, %mul3A_55, %dma_wait3A] : memref<32x120x128xi32, #tpu.memory_space<hbm>> -> memref<1x40x128xi32, #tpu.memory_space<hbm>>
        %dma_wait3A_81 = tpu.memref_squeeze %dma_wait3A_80 : memref<1x40x128xi32, #tpu.memory_space<hbm>> -> memref<40x128xi32, #tpu.memory_space<hbm>>
        %dma_wait3A_82 = arith.constant 0 : i32
        %dma_wait3A_83 = tpu.memref_slice %arg4[%add3A, %mul3A_55, %dma_wait3A_82] : memref<32x120x128xi32, #tpu.memory_space<hbm>> -> memref<1x40x128xi32, #tpu.memory_space<hbm>>
        %dma_wait3A_84 = tpu.memref_squeeze %dma_wait3A_83 : memref<1x40x128xi32, #tpu.memory_space<hbm>> -> memref<40x128xi32, #tpu.memory_space<hbm>>
        tpu.wait_dma2 semaphore(%run_scoped3A : memref<!tpu.dma_semaphore, #tpu.memory_space<semaphore_mem>>) src(%dma_wait3A_84 : memref<40x128xi32, #tpu.memory_space<hbm>>) dst(%arg7 : memref<40x128xi32, #tpu.memory_space<vmem>>)
        tpu.yield
      }) : () -> ()
      %dma_start3A = arith.constant 0 : i32
      %dma_start3A_56 = arith.constant 0 : i32
      %dma_start3A_57 = tpu.memref_slice %arg6[%dma_start3A, %dma_start3A_56] : memref<40x128xi32, #tpu.memory_space<vmem>> -> memref<1x128xi32, #tpu.memory_space<vmem>>
      %dma_start3A_58 = tpu.memref_squeeze %dma_start3A_57 : memref<1x128xi32, #tpu.memory_space<vmem>> -> memref<128xi32, #tpu.memory_space<vmem>>
      %dma_start3A_59 = arith.constant 0 : i32
      %dma_start3A_60 = arith.constant 0 : i32
      %dma_start3A_61 = tpu.memref_slice %arg2[%dma_start3A_59, %dma_start3A_60] : memref<10240x128xf32, #tpu.memory_space<hbm>> -> memref<10240x128xf32, #tpu.memory_space<hbm>>
      tpu.enqueue_indirect_dma source(%dma_start3A_61 : memref<10240x128xf32, #tpu.memory_space<hbm>>) target(%arg8 : memref<128x128xf32, #tpu.memory_space<vmem>>) offsets(%dma_start3A_58 : memref<128xi32, #tpu.memory_space<vmem>>) semaphore(%arg11 : memref<!tpu.dma_semaphore, #tpu.memory_space<semaphore_mem>>)
      %dma_start3A_62 = arith.constant 1 : i32
      %dma_start3A_63 = arith.constant 0 : i32
      %dma_start3A_64 = tpu.memref_slice %arg6[%dma_start3A_62, %dma_start3A_63] : memref<40x128xi32, #tpu.memory_space<vmem>> -> memref<1x128xi32, #tpu.memory_space<vmem>>
      %dma_start3A_65 = tpu.memref_squeeze %dma_start3A_64 : memref<1x128xi32, #tpu.memory_space<vmem>> -> memref<128xi32, #tpu.memory_space<vmem>>
      %dma_start3A_66 = arith.constant 0 : i32
      %dma_start3A_67 = arith.constant 0 : i32
      %dma_start3A_68 = tpu.memref_slice %arg2[%dma_start3A_66, %dma_start3A_67] : memref<10240x128xf32, #tpu.memory_space<hbm>> -> memref<10240x128xf32, #tpu.memory_space<hbm>>
      tpu.enqueue_indirect_dma source(%dma_start3A_68 : memref<10240x128xf32, #tpu.memory_space<hbm>>) target(%arg9 : memref<128x128xf32, #tpu.memory_space<vmem>>) offsets(%dma_start3A_65 : memref<128xi32, #tpu.memory_space<vmem>>) semaphore(%arg12 : memref<!tpu.dma_semaphore, #tpu.memory_space<semaphore_mem>>)
      %scan3A_69 = arith.constant 0 : i32
      %scan3A_70 = arith.constant 20 : i32
      %scan3A_71 = arith.addi %scan3A_69, %scan3A_70 : i32
      %scan3A_72 = arith.constant 1 : i32
      scf.for %scan3A_74 = %scan3A_69 to %scan3A_71 step %scan3A_72  : i32 {
        %mul3A_75 = arith.constant 2 : i32
        %mul3A_76 = arith.muli %scan3A_74, %mul3A_75 : i32
        %add3A_77 = arith.constant 0 : i32
        %add3A_78 = arith.addi %add3A_77, %mul3A_76 : i32
        %dma_wait3A = arith.constant 0 : i32
        %dma_wait3A_79 = tpu.memref_slice %arg6[%add3A_78, %dma_wait3A] : memref<40x128xi32, #tpu.memory_space<vmem>> -> memref<1x128xi32, #tpu.memory_space<vmem>>
        %dma_wait3A_80 = tpu.memref_squeeze %dma_wait3A_79 : memref<1x128xi32, #tpu.memory_space<vmem>> -> memref<128xi32, #tpu.memory_space<vmem>>
        %dma_wait3A_81 = arith.constant 0 : i32
        %dma_wait3A_82 = arith.constant 0 : i32
        %dma_wait3A_83 = tpu.memref_slice %arg2[%dma_wait3A_81, %dma_wait3A_82] : memref<10240x128xf32, #tpu.memory_space<hbm>> -> memref<10240x128xf32, #tpu.memory_space<hbm>>
        tpu.wait_indirect_dma semaphore(%arg11 : memref<!tpu.dma_semaphore, #tpu.memory_space<semaphore_mem>>) src(%dma_wait3A_83 : memref<10240x128xf32, #tpu.memory_space<hbm>>) dst(%arg8 : memref<128x128xf32, #tpu.memory_space<vmem>>)
        "tpu.region"() ({
          %run_scoped3A = tpu.sem_alloc : memref<!tpu.dma_semaphore, #tpu.memory_space<semaphore_mem>>
          %dma_start3A_105 = arith.constant 0 : i32
          %dma_start3A_106 = tpu.memref_slice %arg7[%add3A_78, %dma_start3A_105] : memref<40x128xi32, #tpu.memory_space<vmem>> -> memref<1x128xi32, #tpu.memory_space<vmem>>
          %dma_start3A_107 = tpu.memref_squeeze %dma_start3A_106 : memref<1x128xi32, #tpu.memory_space<vmem>> -> memref<128xi32, #tpu.memory_space<vmem>>
          %dma_start3A_108 = arith.constant 0 : i32
          %dma_start3A_109 = arith.constant 0 : i32
          %dma_start3A_110 = tpu.memref_slice %arg10[%dma_start3A_108, %dma_start3A_109] : memref<10240x128xf32, #tpu.memory_space<vmem_shared>> -> memref<10240x128xf32, #tpu.memory_space<vmem_shared>>
          tpu.enqueue_indirect_dma source(%arg8 : memref<128x128xf32, #tpu.memory_space<vmem>>) target(%dma_start3A_110 : memref<10240x128xf32, #tpu.memory_space<vmem_shared>>) offsets(%dma_start3A_107 : memref<128xi32, #tpu.memory_space<vmem>>) semaphore(%run_scoped3A : memref<!tpu.dma_semaphore, #tpu.memory_space<semaphore_mem>>) {add = true}
          %dma_wait3A_111 = arith.constant 0 : i32
          %dma_wait3A_112 = tpu.memref_slice %arg7[%add3A_78, %dma_wait3A_111] : memref<40x128xi32, #tpu.memory_space<vmem>> -> memref<1x128xi32, #tpu.memory_space<vmem>>
          %dma_wait3A_113 = tpu.memref_squeeze %dma_wait3A_112 : memref<1x128xi32, #tpu.memory_space<vmem>> -> memref<128xi32, #tpu.memory_space<vmem>>
          %dma_wait3A_114 = arith.constant 0 : i32
          %dma_wait3A_115 = arith.constant 0 : i32
          %dma_wait3A_116 = tpu.memref_slice %arg10[%dma_wait3A_114, %dma_wait3A_115] : memref<10240x128xf32, #tpu.memory_space<vmem_shared>> -> memref<10240x128xf32, #tpu.memory_space<vmem_shared>>
          tpu.wait_indirect_dma semaphore(%run_scoped3A : memref<!tpu.dma_semaphore, #tpu.memory_space<semaphore_mem>>) src(%arg8 : memref<128x128xf32, #tpu.memory_space<vmem>>) dst(%dma_wait3A_116 : memref<10240x128xf32, #tpu.memory_space<vmem_shared>>)
          tpu.yield
        }) : () -> ()
        %add3A_84 = arith.constant 2 : i32
        %add3A_85 = arith.addi %add3A_78, %add3A_84 : i32
        %lt3A = arith.constant 40 : i32
        %lt3A_86 = arith.cmpi slt, %add3A_85, %lt3A : i32
        %convert_element_type3A = arith.extui %lt3A_86 : i1 to i32
        %cond3A = arith.constant 0 : i32
        %cond3A_87 = arith.cmpi ne, %convert_element_type3A, %cond3A : i32
        scf.if %cond3A_87 {
          %add3A_105 = arith.constant 2 : i32
          %add3A_106 = arith.addi %add3A_78, %add3A_105 : i32
          %dma_start3A_107 = arith.constant 0 : i32
          %dma_start3A_108 = tpu.memref_slice %arg6[%add3A_106, %dma_start3A_107] : memref<40x128xi32, #tpu.memory_space<vmem>> -> memref<1x128xi32, #tpu.memory_space<vmem>>
          %dma_start3A_109 = tpu.memref_squeeze %dma_start3A_108 : memref<1x128xi32, #tpu.memory_space<vmem>> -> memref<128xi32, #tpu.memory_space<vmem>>
          %dma_start3A_110 = arith.constant 0 : i32
          %dma_start3A_111 = arith.constant 0 : i32
          %dma_start3A_112 = tpu.memref_slice %arg2[%dma_start3A_110, %dma_start3A_111] : memref<10240x128xf32, #tpu.memory_space<hbm>> -> memref<10240x128xf32, #tpu.memory_space<hbm>>
          tpu.enqueue_indirect_dma source(%dma_start3A_112 : memref<10240x128xf32, #tpu.memory_space<hbm>>) target(%arg8 : memref<128x128xf32, #tpu.memory_space<vmem>>) offsets(%dma_start3A_109 : memref<128xi32, #tpu.memory_space<vmem>>) semaphore(%arg11 : memref<!tpu.dma_semaphore, #tpu.memory_space<semaphore_mem>>)
        } else {
        }
        %add3A_88 = arith.constant 1 : i32
        %add3A_89 = arith.addi %add3A_78, %add3A_88 : i32
        %dma_wait3A_90 = arith.constant 0 : i32
        %dma_wait3A_91 = tpu.memref_slice %arg6[%add3A_89, %dma_wait3A_90] : memref<40x128xi32, #tpu.memory_space<vmem>> -> memref<1x128xi32, #tpu.memory_space<vmem>>
        %dma_wait3A_92 = tpu.memref_squeeze %dma_wait3A_91 : memref<1x128xi32, #tpu.memory_space<vmem>> -> memref<128xi32, #tpu.memory_space<vmem>>
        %dma_wait3A_93 = arith.constant 0 : i32
        %dma_wait3A_94 = arith.constant 0 : i32
        %dma_wait3A_95 = tpu.memref_slice %arg2[%dma_wait3A_93, %dma_wait3A_94] : memref<10240x128xf32, #tpu.memory_space<hbm>> -> memref<10240x128xf32, #tpu.memory_space<hbm>>
        tpu.wait_indirect_dma semaphore(%arg12 : memref<!tpu.dma_semaphore, #tpu.memory_space<semaphore_mem>>) src(%dma_wait3A_95 : memref<10240x128xf32, #tpu.memory_space<hbm>>) dst(%arg9 : memref<128x128xf32, #tpu.memory_space<vmem>>)
        %add3A_96 = arith.constant 1 : i32
        %add3A_97 = arith.addi %add3A_78, %add3A_96 : i32
        "tpu.region"() ({
          %run_scoped3A = tpu.sem_alloc : memref<!tpu.dma_semaphore, #tpu.memory_space<semaphore_mem>>
          %dma_start3A_105 = arith.constant 0 : i32
          %dma_start3A_106 = tpu.memref_slice %arg7[%add3A_97, %dma_start3A_105] : memref<40x128xi32, #tpu.memory_space<vmem>> -> memref<1x128xi32, #tpu.memory_space<vmem>>
          %dma_start3A_107 = tpu.memref_squeeze %dma_start3A_106 : memref<1x128xi32, #tpu.memory_space<vmem>> -> memref<128xi32, #tpu.memory_space<vmem>>
          %dma_start3A_108 = arith.constant 0 : i32
          %dma_start3A_109 = arith.constant 0 : i32
          %dma_start3A_110 = tpu.memref_slice %arg10[%dma_start3A_108, %dma_start3A_109] : memref<10240x128xf32, #tpu.memory_space<vmem_shared>> -> memref<10240x128xf32, #tpu.memory_space<vmem_shared>>
          tpu.enqueue_indirect_dma source(%arg9 : memref<128x128xf32, #tpu.memory_space<vmem>>) target(%dma_start3A_110 : memref<10240x128xf32, #tpu.memory_space<vmem_shared>>) offsets(%dma_start3A_107 : memref<128xi32, #tpu.memory_space<vmem>>) semaphore(%run_scoped3A : memref<!tpu.dma_semaphore, #tpu.memory_space<semaphore_mem>>) {add = true}
          %dma_wait3A_111 = arith.constant 0 : i32
          %dma_wait3A_112 = tpu.memref_slice %arg7[%add3A_97, %dma_wait3A_111] : memref<40x128xi32, #tpu.memory_space<vmem>> -> memref<1x128xi32, #tpu.memory_space<vmem>>
          %dma_wait3A_113 = tpu.memref_squeeze %dma_wait3A_112 : memref<1x128xi32, #tpu.memory_space<vmem>> -> memref<128xi32, #tpu.memory_space<vmem>>
          %dma_wait3A_114 = arith.constant 0 : i32
          %dma_wait3A_115 = arith.constant 0 : i32
          %dma_wait3A_116 = tpu.memref_slice %arg10[%dma_wait3A_114, %dma_wait3A_115] : memref<10240x128xf32, #tpu.memory_space<vmem_shared>> -> memref<10240x128xf32, #tpu.memory_space<vmem_shared>>
          tpu.wait_indirect_dma semaphore(%run_scoped3A : memref<!tpu.dma_semaphore, #tpu.memory_space<semaphore_mem>>) src(%arg9 : memref<128x128xf32, #tpu.memory_space<vmem>>) dst(%dma_wait3A_116 : memref<10240x128xf32, #tpu.memory_space<vmem_shared>>)
          tpu.yield
        }) : () -> ()
        %add3A_98 = arith.constant 3 : i32
        %add3A_99 = arith.addi %add3A_78, %add3A_98 : i32
        %lt3A_100 = arith.constant 40 : i32
        %lt3A_101 = arith.cmpi slt, %add3A_99, %lt3A_100 : i32
        %convert_element_type3A_102 = arith.extui %lt3A_101 : i1 to i32
        %cond3A_103 = arith.constant 0 : i32
        %cond3A_104 = arith.cmpi ne, %convert_element_type3A_102, %cond3A_103 : i32
        scf.if %cond3A_104 {
          %add3A_105 = arith.constant 3 : i32
          %add3A_106 = arith.addi %add3A_78, %add3A_105 : i32
          %dma_start3A_107 = arith.constant 0 : i32
          %dma_start3A_108 = tpu.memref_slice %arg6[%add3A_106, %dma_start3A_107] : memref<40x128xi32, #tpu.memory_space<vmem>> -> memref<1x128xi32, #tpu.memory_space<vmem>>
          %dma_start3A_109 = tpu.memref_squeeze %dma_start3A_108 : memref<1x128xi32, #tpu.memory_space<vmem>> -> memref<128xi32, #tpu.memory_space<vmem>>
          %dma_start3A_110 = arith.constant 0 : i32
          %dma_start3A_111 = arith.constant 0 : i32
          %dma_start3A_112 = tpu.memref_slice %arg2[%dma_start3A_110, %dma_start3A_111] : memref<10240x128xf32, #tpu.memory_space<hbm>> -> memref<10240x128xf32, #tpu.memory_space<hbm>>
          tpu.enqueue_indirect_dma source(%dma_start3A_112 : memref<10240x128xf32, #tpu.memory_space<hbm>>) target(%arg9 : memref<128x128xf32, #tpu.memory_space<vmem>>) offsets(%dma_start3A_109 : memref<128xi32, #tpu.memory_space<vmem>>) semaphore(%arg12 : memref<!tpu.dma_semaphore, #tpu.memory_space<semaphore_mem>>)
        } else {
        }
      }
      %scan3A_73 = arith.constant 20 : i32
    }
    %while3A_43 = arith.constant 1 : i32
    scf.for %while3A_49 = %while3A_41 to %while3A_37 step %while3A_43  : i32 {
      %mul3A_50 = arith.muli %while3A_49, %while3A : i32
      %add3A_51 = arith.addi %while3A_34, %mul3A_50 : i32
      %mul3A_52 = arith.constant 40 : i32
      %mul3A_53 = arith.muli %add3A_51, %mul3A_52 : i32
      "tpu.region"() ({
        %run_scoped3A = tpu.sem_alloc : memref<!tpu.dma_semaphore, #tpu.memory_space<semaphore_mem>>
        %dma_start3A_74 = arith.constant 0 : i32
        %dma_start3A_75 = tpu.memref_slice %arg3[%add3A, %mul3A_53, %dma_start3A_74] : memref<32x120x128xi32, #tpu.memory_space<hbm>> -> memref<1x40x128xi32, #tpu.memory_space<hbm>>
        %dma_start3A_76 = tpu.memref_squeeze %dma_start3A_75 : memref<1x40x128xi32, #tpu.memory_space<hbm>> -> memref<40x128xi32, #tpu.memory_space<hbm>>
        %dma_start3A_77 = arith.constant 0 : i32
        %dma_start3A_78 = tpu.memref_slice %arg3[%add3A, %mul3A_53, %dma_start3A_77] : memref<32x120x128xi32, #tpu.memory_space<hbm>> -> memref<1x40x128xi32, #tpu.memory_space<hbm>>
        %dma_start3A_79 = tpu.memref_squeeze %dma_start3A_78 : memref<1x40x128xi32, #tpu.memory_space<hbm>> -> memref<40x128xi32, #tpu.memory_space<hbm>>
        tpu.enqueue_dma source(%dma_start3A_79 : memref<40x128xi32, #tpu.memory_space<hbm>>) target(%arg6 : memref<40x128xi32, #tpu.memory_space<vmem>>) target_semaphore(%run_scoped3A : memref<!tpu.dma_semaphore, #tpu.memory_space<semaphore_mem>>)
        %dma_wait3A = arith.constant 0 : i32
        %dma_wait3A_80 = tpu.memref_slice %arg3[%add3A, %mul3A_53, %dma_wait3A] : memref<32x120x128xi32, #tpu.memory_space<hbm>> -> memref<1x40x128xi32, #tpu.memory_space<hbm>>
        %dma_wait3A_81 = tpu.memref_squeeze %dma_wait3A_80 : memref<1x40x128xi32, #tpu.memory_space<hbm>> -> memref<40x128xi32, #tpu.memory_space<hbm>>
        %dma_wait3A_82 = arith.constant 0 : i32
        %dma_wait3A_83 = tpu.memref_slice %arg3[%add3A, %mul3A_53, %dma_wait3A_82] : memref<32x120x128xi32, #tpu.memory_space<hbm>> -> memref<1x40x128xi32, #tpu.memory_space<hbm>>
        %dma_wait3A_84 = tpu.memref_squeeze %dma_wait3A_83 : memref<1x40x128xi32, #tpu.memory_space<hbm>> -> memref<40x128xi32, #tpu.memory_space<hbm>>
        tpu.wait_dma2 semaphore(%run_scoped3A : memref<!tpu.dma_semaphore, #tpu.memory_space<semaphore_mem>>) src(%dma_wait3A_84 : memref<40x128xi32, #tpu.memory_space<hbm>>) dst(%arg6 : memref<40x128xi32, #tpu.memory_space<vmem>>)
        tpu.yield
      }) : () -> ()
      %mul3A_54 = arith.constant 40 : i32
      %mul3A_55 = arith.muli %add3A_51, %mul3A_54 : i32
      "tpu.region"() ({
        %run_scoped3A = tpu.sem_alloc : memref<!tpu.dma_semaphore, #tpu.memory_space<semaphore_mem>>
        %dma_start3A_74 = arith.constant 0 : i32
        %dma_start3A_75 = tpu.memref_slice %arg4[%add3A, %mul3A_55, %dma_start3A_74] : memref<32x120x128xi32, #tpu.memory_space<hbm>> -> memref<1x40x128xi32, #tpu.memory_space<hbm>>
        %dma_start3A_76 = tpu.memref_squeeze %dma_start3A_75 : memref<1x40x128xi32, #tpu.memory_space<hbm>> -> memref<40x128xi32, #tpu.memory_space<hbm>>
        %dma_start3A_77 = arith.constant 0 : i32
        %dma_start3A_78 = tpu.memref_slice %arg4[%add3A, %mul3A_55, %dma_start3A_77] : memref<32x120x128xi32, #tpu.memory_space<hbm>> -> memref<1x40x128xi32, #tpu.memory_space<hbm>>
        %dma_start3A_79 = tpu.memref_squeeze %dma_start3A_78 : memref<1x40x128xi32, #tpu.memory_space<hbm>> -> memref<40x128xi32, #tpu.memory_space<hbm>>
        tpu.enqueue_dma source(%dma_start3A_79 : memref<40x128xi32, #tpu.memory_space<hbm>>) target(%arg7 : memref<40x128xi32, #tpu.memory_space<vmem>>) target_semaphore(%run_scoped3A : memref<!tpu.dma_semaphore, #tpu.memory_space<semaphore_mem>>)
        %dma_wait3A = arith.constant 0 : i32
        %dma_wait3A_80 = tpu.memref_slice %arg4[%add3A, %mul3A_55, %dma_wait3A] : memref<32x120x128xi32, #tpu.memory_space<hbm>> -> memref<1x40x128xi32, #tpu.memory_space<hbm>>
        %dma_wait3A_81 = tpu.memref_squeeze %dma_wait3A_80 : memref<1x40x128xi32, #tpu.memory_space<hbm>> -> memref<40x128xi32, #tpu.memory_space<hbm>>
        %dma_wait3A_82 = arith.constant 0 : i32
        %dma_wait3A_83 = tpu.memref_slice %arg4[%add3A, %mul3A_55, %dma_wait3A_82] : memref<32x120x128xi32, #tpu.memory_space<hbm>> -> memref<1x40x128xi32, #tpu.memory_space<hbm>>
        %dma_wait3A_84 = tpu.memref_squeeze %dma_wait3A_83 : memref<1x40x128xi32, #tpu.memory_space<hbm>> -> memref<40x128xi32, #tpu.memory_space<hbm>>
        tpu.wait_dma2 semaphore(%run_scoped3A : memref<!tpu.dma_semaphore, #tpu.memory_space<semaphore_mem>>) src(%dma_wait3A_84 : memref<40x128xi32, #tpu.memory_space<hbm>>) dst(%arg7 : memref<40x128xi32, #tpu.memory_space<vmem>>)
        tpu.yield
      }) : () -> ()
      %dma_start3A = arith.constant 0 : i32
      %dma_start3A_56 = arith.constant 0 : i32
      %dma_start3A_57 = tpu.memref_slice %arg6[%dma_start3A, %dma_start3A_56] : memref<40x128xi32, #tpu.memory_space<vmem>> -> memref<1x128xi32, #tpu.memory_space<vmem>>
      %dma_start3A_58 = tpu.memref_squeeze %dma_start3A_57 : memref<1x128xi32, #tpu.memory_space<vmem>> -> memref<128xi32, #tpu.memory_space<vmem>>
      %dma_start3A_59 = arith.constant 0 : i32
      %dma_start3A_60 = arith.constant 0 : i32
      %dma_start3A_61 = tpu.memref_slice %arg2[%dma_start3A_59, %dma_start3A_60] : memref<10240x128xf32, #tpu.memory_space<hbm>> -> memref<10240x128xf32, #tpu.memory_space<hbm>>
      tpu.enqueue_indirect_dma source(%dma_start3A_61 : memref<10240x128xf32, #tpu.memory_space<hbm>>) target(%arg8 : memref<128x128xf32, #tpu.memory_space<vmem>>) offsets(%dma_start3A_58 : memref<128xi32, #tpu.memory_space<vmem>>) semaphore(%arg11 : memref<!tpu.dma_semaphore, #tpu.memory_space<semaphore_mem>>)
      %dma_start3A_62 = arith.constant 1 : i32
      %dma_start3A_63 = arith.constant 0 : i32
      %dma_start3A_64 = tpu.memref_slice %arg6[%dma_start3A_62, %dma_start3A_63] : memref<40x128xi32, #tpu.memory_space<vmem>> -> memref<1x128xi32, #tpu.memory_space<vmem>>
      %dma_start3A_65 = tpu.memref_squeeze %dma_start3A_64 : memref<1x128xi32, #tpu.memory_space<vmem>> -> memref<128xi32, #tpu.memory_space<vmem>>
      %dma_start3A_66 = arith.constant 0 : i32
      %dma_start3A_67 = arith.constant 0 : i32
      %dma_start3A_68 = tpu.memref_slice %arg2[%dma_start3A_66, %dma_start3A_67] : memref<10240x128xf32, #tpu.memory_space<hbm>> -> memref<10240x128xf32, #tpu.memory_space<hbm>>
      tpu.enqueue_indirect_dma source(%dma_start3A_68 : memref<10240x128xf32, #tpu.memory_space<hbm>>) target(%arg9 : memref<128x128xf32, #tpu.memory_space<vmem>>) offsets(%dma_start3A_65 : memref<128xi32, #tpu.memory_space<vmem>>) semaphore(%arg12 : memref<!tpu.dma_semaphore, #tpu.memory_space<semaphore_mem>>)
      %scan3A_69 = arith.constant 0 : i32
      %scan3A_70 = arith.constant 20 : i32
      %scan3A_71 = arith.addi %scan3A_69, %scan3A_70 : i32
      %scan3A_72 = arith.constant 1 : i32
      scf.for %scan3A_74 = %scan3A_69 to %scan3A_71 step %scan3A_72  : i32 {
        %mul3A_75 = arith.constant 2 : i32
        %mul3A_76 = arith.muli %scan3A_74, %mul3A_75 : i32
        %add3A_77 = arith.constant 0 : i32
        %add3A_78 = arith.addi %add3A_77, %mul3A_76 : i32
        %dma_wait3A = arith.constant 0 : i32
        %dma_wait3A_79 = tpu.memref_slice %arg6[%add3A_78, %dma_wait3A] : memref<40x128xi32, #tpu.memory_space<vmem>> -> memref<1x128xi32, #tpu.memory_space<vmem>>
        %dma_wait3A_80 = tpu.memref_squeeze %dma_wait3A_79 : memref<1x128xi32, #tpu.memory_space<vmem>> -> memref<128xi32, #tpu.memory_space<vmem>>
        %dma_wait3A_81 = arith.constant 0 : i32
        %dma_wait3A_82 = arith.constant 0 : i32
        %dma_wait3A_83 = tpu.memref_slice %arg2[%dma_wait3A_81, %dma_wait3A_82] : memref<10240x128xf32, #tpu.memory_space<hbm>> -> memref<10240x128xf32, #tpu.memory_space<hbm>>
        tpu.wait_indirect_dma semaphore(%arg11 : memref<!tpu.dma_semaphore, #tpu.memory_space<semaphore_mem>>) src(%dma_wait3A_83 : memref<10240x128xf32, #tpu.memory_space<hbm>>) dst(%arg8 : memref<128x128xf32, #tpu.memory_space<vmem>>)
        "tpu.region"() ({
          %run_scoped3A = tpu.sem_alloc : memref<!tpu.dma_semaphore, #tpu.memory_space<semaphore_mem>>
          %dma_start3A_105 = arith.constant 0 : i32
          %dma_start3A_106 = tpu.memref_slice %arg7[%add3A_78, %dma_start3A_105] : memref<40x128xi32, #tpu.memory_space<vmem>> -> memref<1x128xi32, #tpu.memory_space<vmem>>
          %dma_start3A_107 = tpu.memref_squeeze %dma_start3A_106 : memref<1x128xi32, #tpu.memory_space<vmem>> -> memref<128xi32, #tpu.memory_space<vmem>>
          %dma_start3A_108 = arith.constant 0 : i32
          %dma_start3A_109 = arith.constant 0 : i32
          %dma_start3A_110 = tpu.memref_slice %arg10[%dma_start3A_108, %dma_start3A_109] : memref<10240x128xf32, #tpu.memory_space<vmem_shared>> -> memref<10240x128xf32, #tpu.memory_space<vmem_shared>>
          tpu.enqueue_indirect_dma source(%arg8 : memref<128x128xf32, #tpu.memory_space<vmem>>) target(%dma_start3A_110 : memref<10240x128xf32, #tpu.memory_space<vmem_shared>>) offsets(%dma_start3A_107 : memref<128xi32, #tpu.memory_space<vmem>>) semaphore(%run_scoped3A : memref<!tpu.dma_semaphore, #tpu.memory_space<semaphore_mem>>) {add = true}
          %dma_wait3A_111 = arith.constant 0 : i32
          %dma_wait3A_112 = tpu.memref_slice %arg7[%add3A_78, %dma_wait3A_111] : memref<40x128xi32, #tpu.memory_space<vmem>> -> memref<1x128xi32, #tpu.memory_space<vmem>>
          %dma_wait3A_113 = tpu.memref_squeeze %dma_wait3A_112 : memref<1x128xi32, #tpu.memory_space<vmem>> -> memref<128xi32, #tpu.memory_space<vmem>>
          %dma_wait3A_114 = arith.constant 0 : i32
          %dma_wait3A_115 = arith.constant 0 : i32
          %dma_wait3A_116 = tpu.memref_slice %arg10[%dma_wait3A_114, %dma_wait3A_115] : memref<10240x128xf32, #tpu.memory_space<vmem_shared>> -> memref<10240x128xf32, #tpu.memory_space<vmem_shared>>
          tpu.wait_indirect_dma semaphore(%run_scoped3A : memref<!tpu.dma_semaphore, #tpu.memory_space<semaphore_mem>>) src(%arg8 : memref<128x128xf32, #tpu.memory_space<vmem>>) dst(%dma_wait3A_116 : memref<10240x128xf32, #tpu.memory_space<vmem_shared>>)
          tpu.yield
        }) : () -> ()
        %add3A_84 = arith.constant 2 : i32
        %add3A_85 = arith.addi %add3A_78, %add3A_84 : i32
        %lt3A = arith.constant 40 : i32
        %lt3A_86 = arith.cmpi slt, %add3A_85, %lt3A : i32
        %convert_element_type3A = arith.extui %lt3A_86 : i1 to i32
        %cond3A = arith.constant 0 : i32
        %cond3A_87 = arith.cmpi ne, %convert_element_type3A, %cond3A : i32
        scf.if %cond3A_87 {
          %add3A_105 = arith.constant 2 : i32
          %add3A_106 = arith.addi %add3A_78, %add3A_105 : i32
          %dma_start3A_107 = arith.constant 0 : i32
          %dma_start3A_108 = tpu.memref_slice %arg6[%add3A_106, %dma_start3A_107] : memref<40x128xi32, #tpu.memory_space<vmem>> -> memref<1x128xi32, #tpu.memory_space<vmem>>
          %dma_start3A_109 = tpu.memref_squeeze %dma_start3A_108 : memref<1x128xi32, #tpu.memory_space<vmem>> -> memref<128xi32, #tpu.memory_space<vmem>>
          %dma_start3A_110 = arith.constant 0 : i32
          %dma_start3A_111 = arith.constant 0 : i32
          %dma_start3A_112 = tpu.memref_slice %arg2[%dma_start3A_110, %dma_start3A_111] : memref<10240x128xf32, #tpu.memory_space<hbm>> -> memref<10240x128xf32, #tpu.memory_space<hbm>>
          tpu.enqueue_indirect_dma source(%dma_start3A_112 : memref<10240x128xf32, #tpu.memory_space<hbm>>) target(%arg8 : memref<128x128xf32, #tpu.memory_space<vmem>>) offsets(%dma_start3A_109 : memref<128xi32, #tpu.memory_space<vmem>>) semaphore(%arg11 : memref<!tpu.dma_semaphore, #tpu.memory_space<semaphore_mem>>)
        } else {
        }
        %add3A_88 = arith.constant 1 : i32
        %add3A_89 = arith.addi %add3A_78, %add3A_88 : i32
        %dma_wait3A_90 = arith.constant 0 : i32
        %dma_wait3A_91 = tpu.memref_slice %arg6[%add3A_89, %dma_wait3A_90] : memref<40x128xi32, #tpu.memory_space<vmem>> -> memref<1x128xi32, #tpu.memory_space<vmem>>
        %dma_wait3A_92 = tpu.memref_squeeze %dma_wait3A_91 : memref<1x128xi32, #tpu.memory_space<vmem>> -> memref<128xi32, #tpu.memory_space<vmem>>
        %dma_wait3A_93 = arith.constant 0 : i32
        %dma_wait3A_94 = arith.constant 0 : i32
        %dma_wait3A_95 = tpu.memref_slice %arg2[%dma_wait3A_93, %dma_wait3A_94] : memref<10240x128xf32, #tpu.memory_space<hbm>> -> memref<10240x128xf32, #tpu.memory_space<hbm>>
        tpu.wait_indirect_dma semaphore(%arg12 : memref<!tpu.dma_semaphore, #tpu.memory_space<semaphore_mem>>) src(%dma_wait3A_95 : memref<10240x128xf32, #tpu.memory_space<hbm>>) dst(%arg9 : memref<128x128xf32, #tpu.memory_space<vmem>>)
        %add3A_96 = arith.constant 1 : i32
        %add3A_97 = arith.addi %add3A_78, %add3A_96 : i32
        "tpu.region"() ({
          %run_scoped3A = tpu.sem_alloc : memref<!tpu.dma_semaphore, #tpu.memory_space<semaphore_mem>>
          %dma_start3A_105 = arith.constant 0 : i32
          %dma_start3A_106 = tpu.memref_slice %arg7[%add3A_97, %dma_start3A_105] : memref<40x128xi32, #tpu.memory_space<vmem>> -> memref<1x128xi32, #tpu.memory_space<vmem>>
          %dma_start3A_107 = tpu.memref_squeeze %dma_start3A_106 : memref<1x128xi32, #tpu.memory_space<vmem>> -> memref<128xi32, #tpu.memory_space<vmem>>
          %dma_start3A_108 = arith.constant 0 : i32
          %dma_start3A_109 = arith.constant 0 : i32
          %dma_start3A_110 = tpu.memref_slice %arg10[%dma_start3A_108, %dma_start3A_109] : memref<10240x128xf32, #tpu.memory_space<vmem_shared>> -> memref<10240x128xf32, #tpu.memory_space<vmem_shared>>
          tpu.enqueue_indirect_dma source(%arg9 : memref<128x128xf32, #tpu.memory_space<vmem>>) target(%dma_start3A_110 : memref<10240x128xf32, #tpu.memory_space<vmem_shared>>) offsets(%dma_start3A_107 : memref<128xi32, #tpu.memory_space<vmem>>) semaphore(%run_scoped3A : memref<!tpu.dma_semaphore, #tpu.memory_space<semaphore_mem>>) {add = true}
          %dma_wait3A_111 = arith.constant 0 : i32
          %dma_wait3A_112 = tpu.memref_slice %arg7[%add3A_97, %dma_wait3A_111] : memref<40x128xi32, #tpu.memory_space<vmem>> -> memref<1x128xi32, #tpu.memory_space<vmem>>
          %dma_wait3A_113 = tpu.memref_squeeze %dma_wait3A_112 : memref<1x128xi32, #tpu.memory_space<vmem>> -> memref<128xi32, #tpu.memory_space<vmem>>
          %dma_wait3A_114 = arith.constant 0 : i32
          %dma_wait3A_115 = arith.constant 0 : i32
          %dma_wait3A_116 = tpu.memref_slice %arg10[%dma_wait3A_114, %dma_wait3A_115] : memref<10240x128xf32, #tpu.memory_space<vmem_shared>> -> memref<10240x128xf32, #tpu.memory_space<vmem_shared>>
          tpu.wait_indirect_dma semaphore(%run_scoped3A : memref<!tpu.dma_semaphore, #tpu.memory_space<semaphore_mem>>) src(%arg9 : memref<128x128xf32, #tpu.memory_space<vmem>>) dst(%dma_wait3A_116 : memref<10240x128xf32, #tpu.memory_space<vmem_shared>>)
          tpu.yield
        }) : () -> ()
        %add3A_98 = arith.constant 3 : i32
        %add3A_99 = arith.addi %add3A_78, %add3A_98 : i32
        %lt3A_100 = arith.constant 40 : i32
        %lt3A_101 = arith.cmpi slt, %add3A_99, %lt3A_100 : i32
        %convert_element_type3A_102 = arith.extui %lt3A_101 : i1 to i32
        %cond3A_103 = arith.constant 0 : i32
        %cond3A_104 = arith.cmpi ne, %convert_element_type3A_102, %cond3A_103 : i32
        scf.if %cond3A_104 {
          %add3A_105 = arith.constant 3 : i32
          %add3A_106 = arith.addi %add3A_78, %add3A_105 : i32
          %dma_start3A_107 = arith.constant 0 : i32
          %dma_start3A_108 = tpu.memref_slice %arg6[%add3A_106, %dma_start3A_107] : memref<40x128xi32, #tpu.memory_space<vmem>> -> memref<1x128xi32, #tpu.memory_space<vmem>>
          %dma_start3A_109 = tpu.memref_squeeze %dma_start3A_108 : memref<1x128xi32, #tpu.memory_space<vmem>> -> memref<128xi32, #tpu.memory_space<vmem>>
          %dma_start3A_110 = arith.constant 0 : i32
          %dma_start3A_111 = arith.constant 0 : i32
          %dma_start3A_112 = tpu.memref_slice %arg2[%dma_start3A_110, %dma_start3A_111] : memref<10240x128xf32, #tpu.memory_space<hbm>> -> memref<10240x128xf32, #tpu.memory_space<hbm>>
          tpu.enqueue_indirect_dma source(%dma_start3A_112 : memref<10240x128xf32, #tpu.memory_space<hbm>>) target(%arg9 : memref<128x128xf32, #tpu.memory_space<vmem>>) offsets(%dma_start3A_109 : memref<128xi32, #tpu.memory_space<vmem>>) semaphore(%arg12 : memref<!tpu.dma_semaphore, #tpu.memory_space<semaphore_mem>>)
        } else {
        }
      }
      %scan3A_73 = arith.constant 20 : i32
    }
    %barrier3A_44 = arith.constant 0 : index
    tpu.barrier barrier_id(%barrier3A_44)
    %mul3A_45 = arith.constant 640 : i32
    %mul3A_46 = arith.muli %arg1, %mul3A_45 : i32
    %mul3A_47 = arith.constant 640 : i32
    %mul3A_48 = arith.muli %arg1, %mul3A_47 : i32
    "tpu.region"() ({
      %run_scoped3A = tpu.sem_alloc : memref<!tpu.dma_semaphore, #tpu.memory_space<semaphore_mem>>
      %dma_start3A = arith.constant 0 : i32
      %dma_start3A_49 = tpu.memref_slice %arg5[%arg0, %mul3A_48, %dma_start3A] : memref<2x10240x128xf32, #tpu.memory_space<hbm>> -> memref<1x640x128xf32, #tpu.memory_space<hbm>>
      %dma_start3A_50 = tpu.memref_squeeze %dma_start3A_49 : memref<1x640x128xf32, #tpu.memory_space<hbm>> -> memref<640x128xf32, #tpu.memory_space<hbm>>
      %dma_start3A_51 = arith.constant 0 : i32
      %dma_start3A_52 = tpu.memref_slice %arg10[%mul3A_46, %dma_start3A_51] : memref<10240x128xf32, #tpu.memory_space<vmem_shared>> -> memref<640x128xf32, #tpu.memory_space<vmem_shared>>
      tpu.enqueue_dma source(%dma_start3A_52 : memref<640x128xf32, #tpu.memory_space<vmem_shared>>) target(%dma_start3A_50 : memref<640x128xf32, #tpu.memory_space<hbm>>) target_semaphore(%run_scoped3A : memref<!tpu.dma_semaphore, #tpu.memory_space<semaphore_mem>>)
      %dma_wait3A = arith.constant 0 : i32
      %dma_wait3A_53 = tpu.memref_slice %arg5[%arg0, %mul3A_48, %dma_wait3A] : memref<2x10240x128xf32, #tpu.memory_space<hbm>> -> memref<1x640x128xf32, #tpu.memory_space<hbm>>
      %dma_wait3A_54 = tpu.memref_squeeze %dma_wait3A_53 : memref<1x640x128xf32, #tpu.memory_space<hbm>> -> memref<640x128xf32, #tpu.memory_space<hbm>>
      %dma_wait3A_55 = arith.constant 0 : i32
      %dma_wait3A_56 = tpu.memref_slice %arg10[%mul3A_46, %dma_wait3A_55] : memref<10240x128xf32, #tpu.memory_space<vmem_shared>> -> memref<640x128xf32, #tpu.memory_space<vmem_shared>>
      tpu.wait_dma2 semaphore(%run_scoped3A : memref<!tpu.dma_semaphore, #tpu.memory_space<semaphore_mem>>) src(%dma_wait3A_56 : memref<640x128xf32, #tpu.memory_space<vmem_shared>>) dst(%dma_wait3A_54 : memref<640x128xf32, #tpu.memory_space<hbm>>)
      tpu.yield
    }) : () -> ()
    return
  }
}

module attributes {stable_mosaic.version = 14 : i64} {
  func.func @_prep_body(%arg0: i32, %arg1: memref<2x1280x128xf32, #tpu.memory_space<vmem>>, %arg2: memref<2x1280x128xf32, #tpu.memory_space<vmem>>, %arg3: memref<1280x128xf32, #tpu.memory_space<vmem>>, %arg4: memref<1280x16xf32, #tpu.memory_space<vmem>>, %arg5: memref<1280x16xf32, #tpu.memory_space<vmem>>, %arg6: memref<1280x128xf32, #tpu.memory_space<vmem>>, %arg7: memref<1280x128xf32, #tpu.memory_space<vmem>>) attributes {dimension_semantics = [#tpu.dimension_semantics<arbitrary>], iteration_bounds = array<i64: 8>, scalar_prefetch = 0 : i64, scratch_operands = 0 : i64, tpu.core_type = #tpu.core_type<tc>, window_params = [{transform_indices = @transform_0, window_bounds = array<i64: 2, 1280, 128>}, {transform_indices = @transform_1, window_bounds = array<i64: 2, 1280, 128>}, {transform_indices = @transform_2, window_bounds = array<i64: 1280, 128>}, {transform_indices = @transform_3, window_bounds = array<i64: 1280, 16>}, {transform_indices = @transform_4, window_bounds = array<i64: 1280, 16>}, {transform_indices = @transform_5, window_bounds = array<i64: 1280, 128>}, {transform_indices = @transform_6, window_bounds = array<i64: 1280, 128>}]} {
    %get3A = arith.constant 0 : index
    %get3A_0 = arith.constant 0 : index
    %get3A_1 = arith.constant 0 : index
    %get3A_2 = vector.load %arg1[%get3A, %get3A_0, %get3A_1] : memref<2x1280x128xf32, #tpu.memory_space<vmem>>, vector<1x1280x128xf32>
    %get3A_3 = vector.shape_cast %get3A_2 : vector<1x1280x128xf32> to vector<1280x128xf32>
    %get3A_4 = arith.constant 1 : index
    %get3A_5 = arith.constant 0 : index
    %get3A_6 = arith.constant 0 : index
    %get3A_7 = vector.load %arg1[%get3A_4, %get3A_5, %get3A_6] : memref<2x1280x128xf32, #tpu.memory_space<vmem>>, vector<1x1280x128xf32>
    %get3A_8 = vector.shape_cast %get3A_7 : vector<1x1280x128xf32> to vector<1280x128xf32>
    %add3A = arith.addf %get3A_3, %get3A_8 : vector<1280x128xf32>
    %get3A_9 = arith.constant 0 : index
    %get3A_10 = arith.constant 0 : index
    %get3A_11 = arith.constant 0 : index
    %get3A_12 = vector.load %arg2[%get3A_9, %get3A_10, %get3A_11] : memref<2x1280x128xf32, #tpu.memory_space<vmem>>, vector<1x1280x128xf32>
    %get3A_13 = vector.shape_cast %get3A_12 : vector<1x1280x128xf32> to vector<1280x128xf32>
    %get3A_14 = arith.constant 1 : index
    %get3A_15 = arith.constant 0 : index
    %get3A_16 = arith.constant 0 : index
    %get3A_17 = vector.load %arg2[%get3A_14, %get3A_15, %get3A_16] : memref<2x1280x128xf32, #tpu.memory_space<vmem>>, vector<1x1280x128xf32>
    %get3A_18 = vector.shape_cast %get3A_17 : vector<1x1280x128xf32> to vector<1280x128xf32>
    %add3A_19 = arith.addf %get3A_13, %get3A_18 : vector<1280x128xf32>
    %gt3A = arith.constant 0.000000e+00 : f32
    %gt3A_20 = vector.broadcast %gt3A : f32 to vector<1280x128xf32>
    %gt3A_21 = arith.cmpf ogt, %add3A, %gt3A_20 : vector<1280x128xf32>
    %rsqrt3A = math.rsqrt %add3A : vector<1280x128xf32>
    %jit3A = arith.constant 0.000000e+00 : f32
    %broadcast_in_dim3A = vector.broadcast %jit3A : f32 to vector<1280x128xf32>
    %select_n3A = arith.select %gt3A_21, %rsqrt3A, %broadcast_in_dim3A : vector<1280x128xi1>, vector<1280x128xf32>
    %gt3A_22 = arith.constant 0.000000e+00 : f32
    %gt3A_23 = vector.broadcast %gt3A_22 : f32 to vector<1280x128xf32>
    %gt3A_24 = arith.cmpf ogt, %add3A_19, %gt3A_23 : vector<1280x128xf32>
    %rsqrt3A_25 = math.rsqrt %add3A_19 : vector<1280x128xf32>
    %jit3A_26 = arith.constant 0.000000e+00 : f32
    %broadcast_in_dim3A_27 = vector.broadcast %jit3A_26 : f32 to vector<1280x128xf32>
    %select_n3A_28 = arith.select %gt3A_24, %rsqrt3A_25, %broadcast_in_dim3A_27 : vector<1280x128xi1>, vector<1280x128xf32>
    %slice3A = vector.extract_strided_slice %select_n3A {offsets = [0, 0], sizes = [1280, 16], strides = [1, 1]} : vector<1280x128xf32> to vector<1280x16xf32>
    %swap3A = arith.constant 0 : index
    %swap3A_29 = arith.constant 0 : index
    %swap3A_30 = vector.load %arg4[%swap3A, %swap3A_29] : memref<1280x16xf32, #tpu.memory_space<vmem>>, vector<1280x16xf32>
    tpu.vector_store %arg4[%swap3A, %swap3A_29], %slice3A {strides = array<i32>} : memref<1280x16xf32, #tpu.memory_space<vmem>>, vector<1280x16xf32>,
    %slice3A_31 = vector.extract_strided_slice %select_n3A_28 {offsets = [0, 0], sizes = [1280, 16], strides = [1, 1]} : vector<1280x128xf32> to vector<1280x16xf32>
    %swap3A_32 = arith.constant 0 : index
    %swap3A_33 = arith.constant 0 : index
    %swap3A_34 = vector.load %arg5[%swap3A_32, %swap3A_33] : memref<1280x16xf32, #tpu.memory_space<vmem>>, vector<1280x16xf32>
    tpu.vector_store %arg5[%swap3A_32, %swap3A_33], %slice3A_31 {strides = array<i32>} : memref<1280x16xf32, #tpu.memory_space<vmem>>, vector<1280x16xf32>,
    %get3A_35 = arith.constant 0 : index
    %get3A_36 = arith.constant 0 : index
    %get3A_37 = vector.load %arg3[%get3A_35, %get3A_36] : memref<1280x128xf32, #tpu.memory_space<vmem>>, vector<1280x128xf32>
    %slice3A_38 = vector.extract_strided_slice %select_n3A_28 {offsets = [0, 0], sizes = [1280, 1], strides = [1, 1]} : vector<1280x128xf32> to vector<1280x1xf32>
    %mul3A = vector.broadcast %slice3A_38 : vector<1280x1xf32> to vector<1280x128xf32>
    %mul3A_39 = arith.mulf %get3A_37, %mul3A : vector<1280x128xf32>
    %swap3A_40 = arith.constant 0 : index
    %swap3A_41 = arith.constant 0 : index
    %swap3A_42 = vector.load %arg6[%swap3A_40, %swap3A_41] : memref<1280x128xf32, #tpu.memory_space<vmem>>, vector<1280x128xf32>
    tpu.vector_store %arg6[%swap3A_40, %swap3A_41], %mul3A_39 {strides = array<i32>} : memref<1280x128xf32, #tpu.memory_space<vmem>>, vector<1280x128xf32>,
    %get3A_43 = arith.constant 0 : index
    %get3A_44 = arith.constant 0 : index
    %get3A_45 = vector.load %arg3[%get3A_43, %get3A_44] : memref<1280x128xf32, #tpu.memory_space<vmem>>, vector<1280x128xf32>
    %slice3A_46 = vector.extract_strided_slice %select_n3A {offsets = [0, 0], sizes = [1280, 1], strides = [1, 1]} : vector<1280x128xf32> to vector<1280x1xf32>
    %mul3A_47 = vector.broadcast %slice3A_46 : vector<1280x1xf32> to vector<1280x128xf32>
    %mul3A_48 = arith.mulf %get3A_45, %mul3A_47 : vector<1280x128xf32>
    %swap3A_49 = arith.constant 0 : index
    %swap3A_50 = arith.constant 0 : index
    %swap3A_51 = vector.load %arg7[%swap3A_49, %swap3A_50] : memref<1280x128xf32, #tpu.memory_space<vmem>>, vector<1280x128xf32>
    tpu.vector_store %arg7[%swap3A_49, %swap3A_50], %mul3A_48 {strides = array<i32>} : memref<1280x128xf32, #tpu.memory_space<vmem>>, vector<1280x128xf32>,
    return
  }
  func.func @transform_0(%arg0: i32) -> (i32, i32, i32) {
    %c0_i32 = arith.constant 0 : i32
    %c0_i32_0 = arith.constant 0 : i32
    %c0_i32_1 = arith.constant 0 : i32
    return %c0_i32, %arg0, %c0_i32_0 : i32, i32, i32
  }
  func.func @transform_1(%arg0: i32) -> (i32, i32, i32) {
    %c0_i32 = arith.constant 0 : i32
    %c0_i32_0 = arith.constant 0 : i32
    %c0_i32_1 = arith.constant 0 : i32
    return %c0_i32, %arg0, %c0_i32_0 : i32, i32, i32
  }
  func.func @transform_2(%arg0: i32) -> (i32, i32) {
    %c0_i32 = arith.constant 0 : i32
    %c0_i32_0 = arith.constant 0 : i32
    return %arg0, %c0_i32 : i32, i32
  }
  func.func @transform_3(%arg0: i32) -> (i32, i32) {
    %c0_i32 = arith.constant 0 : i32
    %c0_i32_0 = arith.constant 0 : i32
    return %arg0, %c0_i32 : i32, i32
  }
  func.func @transform_4(%arg0: i32) -> (i32, i32) {
    %c0_i32 = arith.constant 0 : i32
    %c0_i32_0 = arith.constant 0 : i32
    return %arg0, %c0_i32 : i32, i32
  }
  func.func @transform_5(%arg0: i32) -> (i32, i32) {
    %c0_i32 = arith.constant 0 : i32
    %c0_i32_0 = arith.constant 0 : i32
    return %arg0, %c0_i32 : i32, i32
  }
  func.func @transform_6(%arg0: i32) -> (i32, i32) {
    %c0_i32 = arith.constant 0 : i32
    %c0_i32_0 = arith.constant 0 : i32
    return %arg0, %c0_i32 : i32, i32
  }
}

module attributes {stable_mosaic.version = 14 : i64} {
  func.func @_mid_body(%arg0: i32, %arg1: memref<2x1280x128xf32, #tpu.memory_space<vmem>>, %arg2: memref<1280x16xf32, #tpu.memory_space<vmem>>, %arg3: memref<1280x16xf32, #tpu.memory_space<vmem>>, %arg4: memref<1280x128xf32, #tpu.memory_space<vmem>>, %arg5: memref<1280x128xf32, #tpu.memory_space<vmem>>) attributes {dimension_semantics = [#tpu.dimension_semantics<arbitrary>], iteration_bounds = array<i64: 8>, scalar_prefetch = 0 : i64, scratch_operands = 0 : i64, tpu.core_type = #tpu.core_type<tc>, window_params = [{transform_indices = @transform_0, window_bounds = array<i64: 2, 1280, 128>}, {transform_indices = @transform_1, window_bounds = array<i64: 1280, 16>}, {transform_indices = @transform_2, window_bounds = array<i64: 1280, 16>}, {transform_indices = @transform_3, window_bounds = array<i64: 1280, 128>}, {transform_indices = @transform_4, window_bounds = array<i64: 1280, 128>}]} {
    %get3A = arith.constant 0 : index
    %get3A_0 = arith.constant 0 : index
    %get3A_1 = arith.constant 0 : index
    %get3A_2 = vector.load %arg1[%get3A, %get3A_0, %get3A_1] : memref<2x1280x128xf32, #tpu.memory_space<vmem>>, vector<1x1280x128xf32>
    %get3A_3 = vector.shape_cast %get3A_2 : vector<1x1280x128xf32> to vector<1280x128xf32>
    %get3A_4 = arith.constant 1 : index
    %get3A_5 = arith.constant 0 : index
    %get3A_6 = arith.constant 0 : index
    %get3A_7 = vector.load %arg1[%get3A_4, %get3A_5, %get3A_6] : memref<2x1280x128xf32, #tpu.memory_space<vmem>>, vector<1x1280x128xf32>
    %get3A_8 = vector.shape_cast %get3A_7 : vector<1x1280x128xf32> to vector<1280x128xf32>
    %add3A = arith.addf %get3A_3, %get3A_8 : vector<1280x128xf32>
    %get3A_9 = arith.constant 0 : index
    %get3A_10 = arith.constant 0 : index
    %get3A_11 = vector.load %arg2[%get3A_9, %get3A_10] : memref<1280x16xf32, #tpu.memory_space<vmem>>, vector<1280x1xf32>
    %mul3A = vector.broadcast %get3A_11 : vector<1280x1xf32> to vector<1280x128xf32>
    %mul3A_12 = arith.mulf %add3A, %mul3A : vector<1280x128xf32>
    %swap3A = arith.constant 0 : index
    %swap3A_13 = arith.constant 0 : index
    %swap3A_14 = vector.load %arg4[%swap3A, %swap3A_13] : memref<1280x128xf32, #tpu.memory_space<vmem>>, vector<1280x128xf32>
    tpu.vector_store %arg4[%swap3A, %swap3A_13], %mul3A_12 {strides = array<i32>} : memref<1280x128xf32, #tpu.memory_space<vmem>>, vector<1280x128xf32>,
    %get3A_15 = arith.constant 0 : index
    %get3A_16 = arith.constant 0 : index
    %get3A_17 = vector.load %arg3[%get3A_15, %get3A_16] : memref<1280x16xf32, #tpu.memory_space<vmem>>, vector<1280x1xf32>
    %mul3A_18 = vector.broadcast %get3A_17 : vector<1280x1xf32> to vector<1280x128xf32>
    %mul3A_19 = arith.mulf %mul3A_12, %mul3A_18 : vector<1280x128xf32>
    %swap3A_20 = arith.constant 0 : index
    %swap3A_21 = arith.constant 0 : index
    %swap3A_22 = vector.load %arg5[%swap3A_20, %swap3A_21] : memref<1280x128xf32, #tpu.memory_space<vmem>>, vector<1280x128xf32>
    tpu.vector_store %arg5[%swap3A_20, %swap3A_21], %mul3A_19 {strides = array<i32>} : memref<1280x128xf32, #tpu.memory_space<vmem>>, vector<1280x128xf32>,
    return
  }
  func.func @transform_0(%arg0: i32) -> (i32, i32, i32) {
    %c0_i32 = arith.constant 0 : i32
    %c0_i32_0 = arith.constant 0 : i32
    %c0_i32_1 = arith.constant 0 : i32
    return %c0_i32, %arg0, %c0_i32_0 : i32, i32, i32
  }
  func.func @transform_1(%arg0: i32) -> (i32, i32) {
    %c0_i32 = arith.constant 0 : i32
    %c0_i32_0 = arith.constant 0 : i32
    return %arg0, %c0_i32 : i32, i32
  }
  func.func @transform_2(%arg0: i32) -> (i32, i32) {
    %c0_i32 = arith.constant 0 : i32
    %c0_i32_0 = arith.constant 0 : i32
    return %arg0, %c0_i32 : i32, i32
  }
  func.func @transform_3(%arg0: i32) -> (i32, i32) {
    %c0_i32 = arith.constant 0 : i32
    %c0_i32_0 = arith.constant 0 : i32
    return %arg0, %c0_i32 : i32, i32
  }
  func.func @transform_4(%arg0: i32) -> (i32, i32) {
    %c0_i32 = arith.constant 0 : i32
    %c0_i32_0 = arith.constant 0 : i32
    return %arg0, %c0_i32 : i32, i32
  }
}

module attributes {stable_mosaic.version = 14 : i64} {
  func.func @_final_body(%arg0: i32, %arg1: memref<1280x128xf32, #tpu.memory_space<vmem>>, %arg2: memref<1280x128xf32, #tpu.memory_space<vmem>>, %arg3: memref<1280x128xf32, #tpu.memory_space<vmem>>, %arg4: memref<2x1280x128xf32, #tpu.memory_space<vmem>>, %arg5: memref<2x1280x128xf32, #tpu.memory_space<vmem>>, %arg6: memref<1280x16xf32, #tpu.memory_space<vmem>>, %arg7: memref<2x128x128xf32, #tpu.memory_space<vmem>>, %arg8: memref<2x128xf32, #tpu.memory_space<vmem>>, %arg9: memref<2x128x128xf32, #tpu.memory_space<vmem>>, %arg10: memref<2x128xf32, #tpu.memory_space<vmem>>, %arg11: memref<128x128xf32, #tpu.memory_space<vmem>>, %arg12: memref<1x128xf32, #tpu.memory_space<vmem>>, %arg13: memref<128x128xf32, #tpu.memory_space<vmem>>, %arg14: memref<1x128xf32, #tpu.memory_space<vmem>>, %arg15: memref<1280x128xf32, #tpu.memory_space<vmem>>) attributes {dimension_semantics = [#tpu.dimension_semantics<arbitrary>], iteration_bounds = array<i64: 8>, scalar_prefetch = 0 : i64, scratch_operands = 0 : i64, tpu.core_type = #tpu.core_type<tc>, window_params = [{transform_indices = @transform_0, window_bounds = array<i64: 1280, 128>}, {transform_indices = @transform_1, window_bounds = array<i64: 1280, 128>}, {transform_indices = @transform_2, window_bounds = array<i64: 1280, 128>}, {transform_indices = @transform_3, window_bounds = array<i64: 2, 1280, 128>}, {transform_indices = @transform_4, window_bounds = array<i64: 2, 1280, 128>}, {transform_indices = @transform_5, window_bounds = array<i64: 1280, 16>}, {pipeline_mode = #tpu.pipeline_mode<synchronous>, transform_indices = @transform_6, window_bounds = array<i64: 2, 128, 128>}, {pipeline_mode = #tpu.pipeline_mode<synchronous>, transform_indices = @transform_7, window_bounds = array<i64: 2, 128>}, {pipeline_mode = #tpu.pipeline_mode<synchronous>, transform_indices = @transform_8, window_bounds = array<i64: 2, 128, 128>}, {pipeline_mode = #tpu.pipeline_mode<synchronous>, transform_indices = @transform_9, window_bounds = array<i64: 2, 128>}, {pipeline_mode = #tpu.pipeline_mode<synchronous>, transform_indices = @transform_10, window_bounds = array<i64: 128, 128>}, {pipeline_mode = #tpu.pipeline_mode<synchronous>, transform_indices = @transform_11, window_bounds = array<i64: 1, 128>}, {pipeline_mode = #tpu.pipeline_mode<synchronous>, transform_indices = @transform_12, window_bounds = array<i64: 128, 128>}, {pipeline_mode = #tpu.pipeline_mode<synchronous>, transform_indices = @transform_13, window_bounds = array<i64: 1, 128>}, {transform_indices = @transform_14, window_bounds = array<i64: 1280, 128>}]} {
    %get3A = arith.constant 0 : index
    %get3A_0 = arith.constant 0 : index
    %get3A_1 = vector.load %arg6[%get3A, %get3A_0] : memref<1280x16xf32, #tpu.memory_space<vmem>>, vector<1280x1xf32>
    %get3A_2 = arith.constant 0 : index
    %get3A_3 = arith.constant 0 : index
    %get3A_4 = arith.constant 0 : index
    %get3A_5 = vector.load %arg4[%get3A_2, %get3A_3, %get3A_4] : memref<2x1280x128xf32, #tpu.memory_space<vmem>>, vector<1x1280x128xf32>
    %get3A_6 = vector.shape_cast %get3A_5 : vector<1x1280x128xf32> to vector<1280x128xf32>
    %get3A_7 = arith.constant 1 : index
    %get3A_8 = arith.constant 0 : index
    %get3A_9 = arith.constant 0 : index
    %get3A_10 = vector.load %arg4[%get3A_7, %get3A_8, %get3A_9] : memref<2x1280x128xf32, #tpu.memory_space<vmem>>, vector<1x1280x128xf32>
    %get3A_11 = vector.shape_cast %get3A_10 : vector<1x1280x128xf32> to vector<1280x128xf32>
    %add3A = arith.addf %get3A_6, %get3A_11 : vector<1280x128xf32>
    %mul3A = vector.broadcast %get3A_1 : vector<1280x1xf32> to vector<1280x128xf32>
    %mul3A_12 = arith.mulf %add3A, %mul3A : vector<1280x128xf32>
    %get3A_13 = arith.constant 0 : index
    %get3A_14 = arith.constant 0 : index
    %get3A_15 = arith.constant 0 : index
    %get3A_16 = vector.load %arg5[%get3A_13, %get3A_14, %get3A_15] : memref<2x1280x128xf32, #tpu.memory_space<vmem>>, vector<1x1280x128xf32>
    %get3A_17 = vector.shape_cast %get3A_16 : vector<1x1280x128xf32> to vector<1280x128xf32>
    %get3A_18 = arith.constant 1 : index
    %get3A_19 = arith.constant 0 : index
    %get3A_20 = arith.constant 0 : index
    %get3A_21 = vector.load %arg5[%get3A_18, %get3A_19, %get3A_20] : memref<2x1280x128xf32, #tpu.memory_space<vmem>>, vector<1x1280x128xf32>
    %get3A_22 = vector.shape_cast %get3A_21 : vector<1x1280x128xf32> to vector<1280x128xf32>
    %add3A_23 = arith.addf %get3A_17, %get3A_22 : vector<1280x128xf32>
    %mul3A_24 = vector.broadcast %get3A_1 : vector<1280x1xf32> to vector<1280x128xf32>
    %mul3A_25 = arith.mulf %add3A_23, %mul3A_24 : vector<1280x128xf32>
    %get3A_26 = arith.constant 0 : index
    %get3A_27 = arith.constant 0 : index
    %get3A_28 = vector.load %arg11[%get3A_26, %get3A_27] : memref<128x128xf32, #tpu.memory_space<vmem>>, vector<128x128xf32>
    %get3A_29 = arith.constant 0 : index
    %get3A_30 = arith.constant 0 : index
    %get3A_31 = vector.load %arg13[%get3A_29, %get3A_30] : memref<128x128xf32, #tpu.memory_space<vmem>>, vector<128x128xf32>
    %add3A_32 = arith.addf %get3A_28, %get3A_31 : vector<128x128xf32>
    %mul3A_33 = arith.constant 5.000000e-01 : f32
    %mul3A_34 = vector.broadcast %mul3A_33 : f32 to vector<128x128xf32>
    %mul3A_35 = arith.mulf %mul3A_34, %add3A_32 : vector<128x128xf32>
    %get3A_36 = arith.constant 0 : index
    %get3A_37 = arith.constant 0 : index
    %get3A_38 = arith.constant 0 : index
    %get3A_39 = vector.load %arg7[%get3A_36, %get3A_37, %get3A_38] : memref<2x128x128xf32, #tpu.memory_space<vmem>>, vector<1x128x128xf32>
    %get3A_40 = vector.shape_cast %get3A_39 : vector<1x128x128xf32> to vector<128x128xf32>
    %mul3A_41 = arith.constant 5.000000e-01 : f32
    %mul3A_42 = vector.broadcast %mul3A_41 : f32 to vector<128x128xf32>
    %mul3A_43 = arith.mulf %mul3A_42, %get3A_40 : vector<128x128xf32>
    %get3A_44 = arith.constant 0 : index
    %get3A_45 = arith.constant 0 : index
    %get3A_46 = arith.constant 0 : index
    %get3A_47 = vector.load %arg9[%get3A_44, %get3A_45, %get3A_46] : memref<2x128x128xf32, #tpu.memory_space<vmem>>, vector<1x128x128xf32>
    %get3A_48 = vector.shape_cast %get3A_47 : vector<1x128x128xf32> to vector<128x128xf32>
    %mul3A_49 = arith.constant 5.000000e-01 : f32
    %mul3A_50 = vector.broadcast %mul3A_49 : f32 to vector<128x128xf32>
    %mul3A_51 = arith.mulf %mul3A_50, %get3A_48 : vector<128x128xf32>
    %get3A_52 = arith.constant 1 : index
    %get3A_53 = arith.constant 0 : index
    %get3A_54 = arith.constant 0 : index
    %get3A_55 = vector.load %arg7[%get3A_52, %get3A_53, %get3A_54] : memref<2x128x128xf32, #tpu.memory_space<vmem>>, vector<1x128x128xf32>
    %get3A_56 = vector.shape_cast %get3A_55 : vector<1x128x128xf32> to vector<128x128xf32>
    %mul3A_57 = arith.constant 2.500000e-01 : f32
    %mul3A_58 = vector.broadcast %mul3A_57 : f32 to vector<128x128xf32>
    %mul3A_59 = arith.mulf %mul3A_58, %get3A_56 : vector<128x128xf32>
    %get3A_60 = arith.constant 1 : index
    %get3A_61 = arith.constant 0 : index
    %get3A_62 = arith.constant 0 : index
    %get3A_63 = vector.load %arg9[%get3A_60, %get3A_61, %get3A_62] : memref<2x128x128xf32, #tpu.memory_space<vmem>>, vector<1x128x128xf32>
    %get3A_64 = vector.shape_cast %get3A_63 : vector<1x128x128xf32> to vector<128x128xf32>
    %mul3A_65 = arith.constant 2.500000e-01 : f32
    %mul3A_66 = vector.broadcast %mul3A_65 : f32 to vector<128x128xf32>
    %mul3A_67 = arith.mulf %mul3A_66, %get3A_64 : vector<128x128xf32>
    %get3A_68 = arith.constant 0 : index
    %get3A_69 = arith.constant 0 : index
    %get3A_70 = vector.load %arg8[%get3A_68, %get3A_69] : memref<2x128xf32, #tpu.memory_space<vmem>>, vector<1x128xf32>
    %get3A_71 = arith.constant 0 : index
    %get3A_72 = arith.constant 0 : index
    %get3A_73 = vector.load %arg10[%get3A_71, %get3A_72] : memref<2x128xf32, #tpu.memory_space<vmem>>, vector<1x128xf32>
    %add3A_74 = arith.addf %get3A_70, %get3A_73 : vector<1x128xf32>
    %get3A_75 = arith.constant 0 : index
    %get3A_76 = arith.constant 0 : index
    %get3A_77 = vector.load %arg12[%get3A_75, %get3A_76] : memref<1x128xf32, #tpu.memory_space<vmem>>, vector<1x128xf32>
    %add3A_78 = arith.addf %add3A_74, %get3A_77 : vector<1x128xf32>
    %get3A_79 = arith.constant 0 : index
    %get3A_80 = arith.constant 0 : index
    %get3A_81 = vector.load %arg14[%get3A_79, %get3A_80] : memref<1x128xf32, #tpu.memory_space<vmem>>, vector<1x128xf32>
    %add3A_82 = arith.addf %add3A_78, %get3A_81 : vector<1x128xf32>
    %mul3A_83 = arith.constant 5.000000e-01 : f32
    %mul3A_84 = vector.broadcast %mul3A_83 : f32 to vector<1x128xf32>
    %mul3A_85 = arith.mulf %mul3A_84, %add3A_82 : vector<1x128xf32>
    %get3A_86 = arith.constant 1 : index
    %get3A_87 = arith.constant 0 : index
    %get3A_88 = vector.load %arg8[%get3A_86, %get3A_87] : memref<2x128xf32, #tpu.memory_space<vmem>>, vector<1x128xf32>
    %get3A_89 = arith.constant 1 : index
    %get3A_90 = arith.constant 0 : index
    %get3A_91 = vector.load %arg10[%get3A_89, %get3A_90] : memref<2x128xf32, #tpu.memory_space<vmem>>, vector<1x128xf32>
    %add3A_92 = arith.addf %get3A_88, %get3A_91 : vector<1x128xf32>
    %mul3A_93 = arith.constant 2.500000e-01 : f32
    %mul3A_94 = vector.broadcast %mul3A_93 : f32 to vector<1x128xf32>
    %mul3A_95 = arith.mulf %mul3A_94, %add3A_92 : vector<1x128xf32>
    %add3A_96 = arith.addf %mul3A_85, %mul3A_95 : vector<1x128xf32>
    %get3A_97 = arith.constant 0 : index
    %get3A_98 = arith.constant 0 : index
    %get3A_99 = vector.load %arg1[%get3A_97, %get3A_98] : memref<1280x128xf32, #tpu.memory_space<vmem>>, vector<1280x128xf32>
    %dot_general3A = arith.constant dense<0.000000e+00> : vector<1280x128xf32>
    %dot_general3A_100 = tpu.matmul %get3A_99, %mul3A_35, %dot_general3A {dimension_numbers = #tpu.dot_dimension_numbers<[1], [0], [0], [1], [0, 0, 1, 1], [], []>, transpose_lhs_hint = false} : vector<1280x128xf32>, vector<128x128xf32>, vector<1280x128xf32> -> vector<1280x128xf32>
    %get3A_101 = arith.constant 0 : index
    %get3A_102 = arith.constant 0 : index
    %get3A_103 = vector.load %arg2[%get3A_101, %get3A_102] : memref<1280x128xf32, #tpu.memory_space<vmem>>, vector<1280x128xf32>
    %dot_general3A_104 = arith.constant dense<0.000000e+00> : vector<1280x128xf32>
    %dot_general3A_105 = tpu.matmul %get3A_103, %mul3A_43, %dot_general3A_104 {dimension_numbers = #tpu.dot_dimension_numbers<[1], [0], [0], [1], [0, 0, 1, 1], [], []>, transpose_lhs_hint = false} : vector<1280x128xf32>, vector<128x128xf32>, vector<1280x128xf32> -> vector<1280x128xf32>
    %add3A_106 = arith.addf %dot_general3A_100, %dot_general3A_105 : vector<1280x128xf32>
    %dot_general3A_107 = arith.constant dense<0.000000e+00> : vector<1280x128xf32>
    %dot_general3A_108 = tpu.matmul %mul3A_12, %mul3A_51, %dot_general3A_107 {dimension_numbers = #tpu.dot_dimension_numbers<[1], [0], [0], [1], [0, 0, 1, 1], [], []>, transpose_lhs_hint = false} : vector<1280x128xf32>, vector<128x128xf32>, vector<1280x128xf32> -> vector<1280x128xf32>
    %add3A_109 = arith.addf %add3A_106, %dot_general3A_108 : vector<1280x128xf32>
    %get3A_110 = arith.constant 0 : index
    %get3A_111 = arith.constant 0 : index
    %get3A_112 = vector.load %arg3[%get3A_110, %get3A_111] : memref<1280x128xf32, #tpu.memory_space<vmem>>, vector<1280x128xf32>
    %dot_general3A_113 = arith.constant dense<0.000000e+00> : vector<1280x128xf32>
    %dot_general3A_114 = tpu.matmul %get3A_112, %mul3A_59, %dot_general3A_113 {dimension_numbers = #tpu.dot_dimension_numbers<[1], [0], [0], [1], [0, 0, 1, 1], [], []>, transpose_lhs_hint = false} : vector<1280x128xf32>, vector<128x128xf32>, vector<1280x128xf32> -> vector<1280x128xf32>
    %add3A_115 = arith.addf %add3A_109, %dot_general3A_114 : vector<1280x128xf32>
    %dot_general3A_116 = arith.constant dense<0.000000e+00> : vector<1280x128xf32>
    %dot_general3A_117 = tpu.matmul %mul3A_25, %mul3A_67, %dot_general3A_116 {dimension_numbers = #tpu.dot_dimension_numbers<[1], [0], [0], [1], [0, 0, 1, 1], [], []>, transpose_lhs_hint = false} : vector<1280x128xf32>, vector<128x128xf32>, vector<1280x128xf32> -> vector<1280x128xf32>
    %add3A_118 = arith.addf %add3A_115, %dot_general3A_117 : vector<1280x128xf32>
    %add3A_119 = vector.broadcast %add3A_96 : vector<1x128xf32> to vector<1280x128xf32>
    %add3A_120 = arith.addf %add3A_118, %add3A_119 : vector<1280x128xf32>
    %swap3A = arith.constant 0 : index
    %swap3A_121 = arith.constant 0 : index
    %swap3A_122 = vector.load %arg15[%swap3A, %swap3A_121] : memref<1280x128xf32, #tpu.memory_space<vmem>>, vector<1280x128xf32>
    tpu.vector_store %arg15[%swap3A, %swap3A_121], %add3A_120 {strides = array<i32>} : memref<1280x128xf32, #tpu.memory_space<vmem>>, vector<1280x128xf32>,
    return
  }
  func.func @transform_0(%arg0: i32) -> (i32, i32) {
    %c0_i32 = arith.constant 0 : i32
    %c0_i32_0 = arith.constant 0 : i32
    return %arg0, %c0_i32 : i32, i32
  }
  func.func @transform_1(%arg0: i32) -> (i32, i32) {
    %c0_i32 = arith.constant 0 : i32
    %c0_i32_0 = arith.constant 0 : i32
    return %arg0, %c0_i32 : i32, i32
  }
  func.func @transform_2(%arg0: i32) -> (i32, i32) {
    %c0_i32 = arith.constant 0 : i32
    %c0_i32_0 = arith.constant 0 : i32
    return %arg0, %c0_i32 : i32, i32
  }
  func.func @transform_3(%arg0: i32) -> (i32, i32, i32) {
    %c0_i32 = arith.constant 0 : i32
    %c0_i32_0 = arith.constant 0 : i32
    %c0_i32_1 = arith.constant 0 : i32
    return %c0_i32, %arg0, %c0_i32_0 : i32, i32, i32
  }
  func.func @transform_4(%arg0: i32) -> (i32, i32, i32) {
    %c0_i32 = arith.constant 0 : i32
    %c0_i32_0 = arith.constant 0 : i32
    %c0_i32_1 = arith.constant 0 : i32
    return %c0_i32, %arg0, %c0_i32_0 : i32, i32, i32
  }
  func.func @transform_5(%arg0: i32) -> (i32, i32) {
    %c0_i32 = arith.constant 0 : i32
    %c0_i32_0 = arith.constant 0 : i32
    return %arg0, %c0_i32 : i32, i32
  }
  func.func @transform_6(%arg0: i32) -> (i32, i32, i32) {
    %c0_i32 = arith.constant 0 : i32
    %c0_i32_0 = arith.constant 0 : i32
    %c0_i32_1 = arith.constant 0 : i32
    %c0_i32_2 = arith.constant 0 : i32
    return %c0_i32, %c0_i32_0, %c0_i32_1 : i32, i32, i32
  }
  func.func @transform_7(%arg0: i32) -> (i32, i32) {
    %c0_i32 = arith.constant 0 : i32
    %c0_i32_0 = arith.constant 0 : i32
    %c0_i32_1 = arith.constant 0 : i32
    return %c0_i32, %c0_i32_0 : i32, i32
  }
  func.func @transform_8(%arg0: i32) -> (i32, i32, i32) {
    %c0_i32 = arith.constant 0 : i32
    %c0_i32_0 = arith.constant 0 : i32
    %c0_i32_1 = arith.constant 0 : i32
    %c0_i32_2 = arith.constant 0 : i32
    return %c0_i32, %c0_i32_0, %c0_i32_1 : i32, i32, i32
  }
  func.func @transform_9(%arg0: i32) -> (i32, i32) {
    %c0_i32 = arith.constant 0 : i32
    %c0_i32_0 = arith.constant 0 : i32
    %c0_i32_1 = arith.constant 0 : i32
    return %c0_i32, %c0_i32_0 : i32, i32
  }
  func.func @transform_10(%arg0: i32) -> (i32, i32) {
    %c0_i32 = arith.constant 0 : i32
    %c0_i32_0 = arith.constant 0 : i32
    %c0_i32_1 = arith.constant 0 : i32
    return %c0_i32, %c0_i32_0 : i32, i32
  }
  func.func @transform_11(%arg0: i32) -> (i32, i32) {
    %c0_i32 = arith.constant 0 : i32
    %c0_i32_0 = arith.constant 0 : i32
    %c0_i32_1 = arith.constant 0 : i32
    return %c0_i32, %c0_i32_0 : i32, i32
  }
  func.func @transform_12(%arg0: i32) -> (i32, i32) {
    %c0_i32 = arith.constant 0 : i32
    %c0_i32_0 = arith.constant 0 : i32
    %c0_i32_1 = arith.constant 0 : i32
    return %c0_i32, %c0_i32_0 : i32, i32
  }
  func.func @transform_13(%arg0: i32) -> (i32, i32) {
    %c0_i32 = arith.constant 0 : i32
    %c0_i32_0 = arith.constant 0 : i32
    %c0_i32_1 = arith.constant 0 : i32
    return %c0_i32, %c0_i32_0 : i32, i32
  }
  func.func @transform_14(%arg0: i32) -> (i32, i32) {
    %c0_i32 = arith.constant 0 : i32
    %c0_i32_0 = arith.constant 0 : i32
    return %arg0, %c0_i32 : i32, i32
  }
}

</mosaic_0001>

<sc_bundles>
// kernel: kernel.12.cloned.1.call-start
scs
__scs_entry_jumppad:
0x0: {  	(pc) =	sbr.rel $0x88, $3  }
0x1: {  	(tag) =	ssettag $0x0;
	lr =	simm.s32 $0x1  }
0x2: {  	[smem:$0x3F97] =	sst lr;
	_ =	strace $0xD0000000  }
0x3: {  	_ = 	snop  }
0x4: {  	_ = 	snop  }
0x5: {  	_ = 	snop  }
0x6: {  	_ = 	snop  }
0x7: {  	_ = 	snop  }
__scs_overlays_trampoline_lowered:
0x8: {  	[smem:$0x3FA6] =	sst s0  }
0x9: {  	[smem:$0x3FA7] =	sst s1  }
0xa: {  	[smem:$0x3FA8] =	sst s2  }
0xb: {  	[smem:$0x3FA9] =	sst s3  }
0xc: {  	[smem:$0x3FAA] =	sst s4  }
0xd: {  	[smem:$0x3FAB] =	sst s5  }
0xe: {  	[smem:$0x3FAC] =	sst s6  }
0xf: {  	[smem:$0x3FAD] =	sst s7  }
0x10: {  	[smem:$0x3FAE] =	sst s8  }
0x11: {  	[smem:$0x3FAF] =	sst s9;
	s0 =	simm.s32 @!p0 $0x0  }
0x12: {  	s1 =	sld [smem:$0x3F95];
	s0 =	simm.s32 @p0 $0x1  }
0x13: {  	[smem:$0x3FB0] =	sst s0;
	s0 =	simm.s32 @!p1 $0x0  }
0x14: {  	s2 =	sld [smem:$0x3F94];
	s0 =	simm.s32 @p1 $0x1  }
0x15: {  	[smem:$0x3FB1] =	sst s0;
	s0 =	simm.s32 @!p2 $0x0  }
0x16: {  	s3 =	sld [smem:$0x3FDB];
	s0 =	simm.s32 @p2 $0x1  }
0x17: {  	s4 =	simm.s32 $0x1BF5;
	[smem:$0x3FB3] =	sst s0  }
0x18: {  	s0 =	sld [smem:$0x3F96];
	_ =	swait.ge [sflag:s4], $0x0  }
0x19: {  	s7 =	sld [smem:$0x3F97]  }
0x1a: {  	s8 =	sadd.s32 $0xFFFFE003, lr  }
0x1b: {  	s9 =	sadd.s32 $0xFFFFFEF7, lr;
	s5 =	simm.s32 $0xFFFFFFFF;
	p2 =	slt.u32 s8, $0xFFFFF086  }
0x1c: {  	p1 =	slt.u32 s9, $0xF7A;
	s5 =	simm.s32 @!p2 $0x0  }
0x1d: {  	s5 =	simm.s32 @p1 $0x1;
	p0 =	seq.s32 s7, s2  }
0x1e: {  	s7 =	smul.u32 @!p0 $0xF7A, s2;
	p2 =	seq.s32 @!p0 s5, $0x0  }
0x1f: {  	s9 =	smul.u32 $0xF7A, s1;
	s8 =	simm.s32 @!p0 $0x1BF5;
	p2 =	por !p2, p0  }
0x20: {  	[sflag:s8] =	ssyncset.s32 @!p0 $0xFFFFF086;
	s6 =	sadd.s32 @!p0 s3, s7;
	s7 =	simm.s32 @!p0 $0x108  }
0x21: {  	s3 =	sadd.s32 s3, s9;
	s6 =	sadd.s32 @!p0 $0x88, s6;
	s7 =	simm.s32 @p2 $0x1082  }
0x22: {  	[simem:s7], [sflag:s8] =	dma.local @!p0 [hbm:s6], $0xF7A  }
0x23: {  	s9 =	sor.u32 $0xD0000000, s2;
	s6 =	simm.s32 $0x108;
	_ =	swait.ge @!p0 [sflag:s8], $0x0  }
0x24: {  	s3 =	sadd.s32 $0x88, s3;
	s6 =	simm.s32 @!p1 $0x1082;
	[sflag:s4] =	ssyncset.s32 $0xFFFFF086  }
0x25: {  	[simem:s6], [sflag:s4] =	dma.local [hbm:s3], $0xF7A  }
0x26: {  	[smem:$0x3F97] =	sst s1;
	(tag) =	ssettag s2;
	_ =	strace s9  }
0x27: {  	s1 =	sld [smem:$0x3FA7]  }
0x28: {  	s2 =	sld [smem:$0x3FA8]  }
0x29: {  	s4 =	sld [smem:$0x3FAA]  }
0x2a: {  	p0 =	seq.s32 s5, $0x0;
	s5 =	sld [smem:$0x3FAB]  }
0x2b: {  	s6 =	sld [smem:$0x3FAC]  }
0x2c: {  	s7 =	sld [smem:$0x3FAD]  }
0x2d: {  	s3 =	simm.s32 $0x108;
	s8 =	sld [smem:$0x3FAE]  }
0x2e: {  	s3 =	simm.s32 @!p0 $0x1082;
	s9 =	sld [smem:$0x3FAF]  }
0x2f: {  	lr =	sadd.s32 s0, s3;
	s0 =	sld [smem:$0x3FA6]  }
0x30: {  	s3 =	sld [smem:$0x3FA9]  }
0x31: {  	[smem:$0x3FB2] =	sst s10  }
0x32: {  	s10 =	sld [smem:$0x3FB0];
	_ =	sdelay $0x3  }
0x33: {  	p0 =	seq.s32 s10, $0x1;
	s10 =	sld [smem:$0x3FB2];
	_ =	sdelay $0x3  }
0x34: {  	[smem:$0x3FB2] =	sst s10  }
0x35: {  	s10 =	sld [smem:$0x3FB1];
	_ =	sdelay $0x3  }
0x36: {  	p1 =	seq.s32 s10, $0x1;
	s10 =	sld [smem:$0x3FB2];
	_ =	sdelay $0x3  }
0x37: {  	[smem:$0x3FB2] =	sst s10  }
0x38: {  	s10 =	sld [smem:$0x3FB3]  }
0x39: {  	_ = 	snop;
	(pc) =	sbr.ind lr, $3  }
0x3a: {  	_ = 	snop  }
0x3b: {  	_ = 	snop  }
0x3c: {  	p2 =	seq.s32 s10, $0x1;
	s10 =	sld [smem:$0x3FB2]  }
0x3d: {  	_ =	shalt  }
0x3e: {  	_ =	shalt  }
0x3f: {  	_ =	shalt  }
0x40: {  	_ =	shalt  }
0x41: {  	_ =	shalt  }
0x42: {  	_ =	shalt  }
0x43: {  	_ =	shalt  }
0x44: {  	_ =	shalt  }
0x45: {  	_ =	shalt  }
0x46: {  	_ =	shalt  }
0x47: {  	_ =	shalt  }
0x48: {  	_ =	shalt  }
0x49: {  	_ =	shalt  }
0x4a: {  	_ =	shalt  }
0x4b: {  	_ =	shalt  }
0x4c: {  	_ =	shalt  }
0x4d: {  	_ =	shalt  }
0x4e: {  	_ =	shalt  }
0x4f: {  	_ =	shalt  }
0x50: {  	_ =	shalt  }
0x51: {  	_ =	shalt  }
0x52: {  	_ =	shalt  }
0x53: {  	_ =	shalt  }
0x54: {  	_ =	shalt  }
0x55: {  	_ =	shalt  }
0x56: {  	_ =	shalt  }
0x57: {  	_ =	shalt  }
0x58: {  	_ =	shalt  }
0x59: {  	_ =	shalt  }
0x5a: {  	_ =	shalt  }
0x5b: {  	_ =	shalt  }
0x5c: {  	_ =	shalt  }
0x5d: {  	_ =	shalt  }
0x5e: {  	_ =	shalt  }
0x5f: {  	_ =	shalt  }
0x60: {  	_ =	shalt  }
0x61: {  	_ =	shalt  }
0x62: {  	_ =	shalt  }
0x63: {  	_ =	shalt  }
0x64: {  	_ =	shalt  }
0x65: {  	_ =	shalt  }
0x66: {  	_ =	shalt  }
0x67: {  	_ =	shalt  }
0x68: {  	_ =	shalt  }
0x69: {  	_ =	shalt  }
0x6a: {  	_ =	shalt  }
0x6b: {  	_ =	shalt  }
0x6c: {  	_ =	shalt  }
0x6d: {  	_ =	shalt  }
0x6e: {  	_ =	shalt  }
0x6f: {  	_ =	shalt  }
0x70: {  	_ =	shalt  }
0x71: {  	_ =	shalt  }
0x72: {  	_ =	shalt  }
0x73: {  	_ =	shalt  }
0x74: {  	_ =	shalt  }
0x75: {  	_ =	shalt  }
0x76: {  	_ =	shalt  }
0x77: {  	_ =	shalt  }
0x78: {  	_ =	shalt  }
0x79: {  	_ =	shalt  }
0x7a: {  	_ =	shalt  }
0x7b: {  	_ =	shalt  }
0x7c: {  	_ =	shalt  }
0x7d: {  	_ =	shalt  }
0x7e: {  	_ =	shalt  }
0x7f: {  	_ =	shalt  }
0x80: {  	_ =	shalt  }
0x81: {  	_ =	shalt  }
0x82: {  	_ =	shalt  }
0x83: {  	_ =	shalt  }
0x84: {  	_ =	shalt  }
0x85: {  	_ =	shalt  }
0x86: {  	_ =	shalt  }
0x87: {  	_ =	shalt  }
.Lfunc_end0:
.L_simem_size_0:
called_computation_lowered:
.L_overlay_start_0:
0x88: {  	s2 =	sld [smem:$0x3FD9]  }
0x89: {  	s3 =	sld [smem:$0x3FFE];
	_ =	sdelay $0x1  }
0x8a: {  	s1 =	srdreg.scid  }
0x8b: {  	s0 =	sand.u32 $0x1, s1  }
0x8c: {  	s17 =	sshll.u32 s0, $0xA;
	s2 =	sadd.s32 s3, s2  }
0x8d: {  	s2 =	sadd.s32 s2, s17  }
0x8e: {  	[smem:$0x3FBE] =	sst s2  }
0x8f: {  	_ = 	snop  }
0x90: {  	(tm) =	ssettm $0x1  }
0x91: {  	s18 =	sld [smem:$0x3FFB];
	_ =	sdelay $0x3  }
0x92: {  	_ =	strace s18  }
0x93: {  	s2 =	sld [smem:$0x3FFC];
	_ =	sdelay $0x3  }
0x94: {  	_ =	strace s2  }
0x95: {  	s2 =	sld [smem:$0x3FFD];
	_ =	sdelay $0x3  }
0x96: {  	_ =	strace s2  }
0x97: {  	_ =	strace $0x8FFFFFFF  }
0x98: {  	s19 =	sld [smem:$0x3FDB];
	_ =	sdelay $0x1  }
0x99: {  	s20 =	simm.s32 $_scs_section_size  }
0x9a: {  	s4 =	simm.s32 $_size__tile_overlayer_lowered;
	s5 =	simm.s32 $_tile_overlayer_lowered  }
0x9b: {  	s6 =	simm.s32 $0x1BFF;
	s21 =	sshll.u32 s5, $0x1;
	s3 =	sadd.s32 s20, s19  }
0x9c: {  	s22 =	simm.s32 $0x0;
	s4 =	sshll.u32 s4, $0x1;
	s5 =	sadd.s32 s21, s3  }
0x9d: {  	[timem:s22], [sflag:s6] =	dma.local [hbm:s5], s4  }
0x9e: {  	_ =	swait.ge [sflag:s6], s4  }
0x9f: {  	s4 =	ssub.s32 $0x0, s4;
	[sflag:s6] =	ssyncset.done $0x0  }
0xa0: {  	[sflag:s6] =	ssyncadd.s32 s4;
	_ =	sdelay $0x1  }
0xa1: {  	s23 =	simm.s32 $0x1B8B  }
0xa2: {  	_ =	swait.ge [sflag:s23], $0x1  }
0xa3: {  	[sflag:s23] =	ssyncset.done $0x0  }
0xa4: {  	[sflag:s23] =	ssyncadd.s32 $0xFFFFFFFF  }
0xa5: {  	s4 =	sld [smem:$0x0]  }
0xa6: {  	s5 =	sand.u32 $0xFFFFFFFE, s1  }
0xa7: {  	p0 =	sne.s32 s1, s5  }
0xa8: {  	s5 =	sshll.u32 @p0 s5, $0xE  }
0xa9: {  	s5 =	sadd.s32 @p0 $0x11B8D, s5;
	s6 =	sshll.u32 @p0 s4, $0x11  }
0xaa: {  	s5 =	sor.u32 @p0 s6, s5  }
0xab: {  	[sflag:s5] =	ssyncadd.remote.s32 @p0 $0x1;
	_ =	sdelay $0x1  }
0xac: {  	s5 =	simm.s32 @p0 $0x1B8D  }
0xad: {  	_ =	swait.eq @p0 [sflag:s5], $0x1  }
0xae: {  	[sflag:s5] =	ssyncadd.s32 @p0 $0xFFFFFFFF  }
0xaf: {  	s6 =	sshll.u32 @!p0 s1, $0xE  }
0xb0: {  	s6 =	sor.u32 @!p0 $0x4000, s6;
	s5 =	simm.s32 @!p0 $0x1B8D  }
0xb1: {  	s4 =	sshll.u32 @!p0 s4, $0x11;
	s6 =	sadd.s32 @!p0 $0x11B8D, s6;
	_ =	swait.eq @!p0 [sflag:s5], $0x1  }
0xb2: {  	s4 =	sor.u32 @!p0 s4, s6;
	[sflag:s5] =	ssyncadd.s32 @!p0 $0xFFFFFFFF  }
0xb3: {  	s25 =	simm.s32 $0x1B8E;
	s24 =	sld [smem:$0x3FFE];
	[sflag:s4] =	ssyncadd.remote.s32 @!p0 $0x1  }
0xb4: {  	s26 =	simm.s32 $execute0_lowered;
	[smem:$0x3FD2] =	sst s25  }
0xb5: {  	s5 =	sshll.u32 s26, $0x1;
	_ =	strace $0x80000049;
	[dreg:$0x1] =	wrdreg $0xFFFFFFFF  }
0xb6: {  	s28 =	simm.s32 $_size_execute0_lowered;
	s3 =	sadd.s32 s3, s5;
	[dreg:$0x0] =	wrdreg $0x0  }
0xb7: {  	s5 =	sshll.u32 s28, $0x1;
	[dreg:$0x2] =	wrdreg s3  }
0xb8: {  	[dreg:$0x3] =	wrdreg s5  }
0xb9: {  	[dreg:$0x4] =	wrdreg $0xC0  }
0xba: {  	_ =	task [dreg:s22], $0x5FFFF  }
0xbb: {  	[dreg:$0x1] =	wrdreg $0xFFFFFFFF  }
0xbc: {  	[dreg:$0x0] =	wrdreg $0x60  }
0xbd: {  	[dreg:$0x2] =	wrdreg s24  }
0xbe: {  	[dreg:$0x3] =	wrdreg $0x68000  }
0xbf: {  	[dreg:$0x4] =	wrdreg $0x9  }
0xc0: {  	_ =	task.clear_ibuf [dreg:s22], $0x5FFFF;
	_ =	strace $0x90000049  }
0xc1: {  	s29 =	simm.s32 $0x9;
	_ =	strace $0x8000004B  }
0xc2: {  	_ =	swait.ge [sflag:s29], $0x1  }
0xc3: {  	[sflag:s29] =	ssyncadd.s32 $0xFFFFFFFF  }
0xc4: {  	_ =	strace $0x9000004B  }
0xc5: {  	_ =	sfence  }
0xc6: {  	s30 =	sld [smem:$0x0];
	_ =	sdelay $0x2  }
0xc7: {  	s31 =	sshll.u32 s1, $0xD;
	s1 =	sshrl.u32 s1, $0x2  }
0xc8: {  	s4 =	sand.u32 $0x4000, s31;
	s1 =	sadd.s32 s1, s30  }
0xc9: {  	s0 =	sor.u32 s4, s0;
	s1 =	sshll.u32 s1, $0x11  }
0xca: {  	s0 =	sor.u32 s1, s0  }
0xcb: {  	s0 =	sadd.s32 $0x8F2B, s0  }
0xcc: {  	[sflag:s0] =	ssyncadd.remote.s32 $0x1  }
0xcd: {  	_ =	sfence.sel $0xFFFF  }
0xce: {  	[dreg:$0x0] =	wrdreg $0xFFFFFFFF;
	(pc) =	sbr.abs _section_cstart, $3  }
0xcf: {  	[dreg:$0x1] =	wrdreg $0xFFFFFFFF  }
0xd0: {  	_ =	task.clear_ibuf [dreg:s22], $0x2FFFF;
	_ =	strace $0x9FFFFFFF  }
0xd1: {  	(tm) =	ssettm $0x7FFFFFFF  }
tec
execute0_lowered:
.L_overlay_start_1:
0x0: {  	(tag) =	ssettag $0x1  }
0x1: {  	s0 =	srdreg.scid;
	s5 =	rddreg [dreg:$0x0]  }
0x2: {  	s2 =	rddreg [dreg:$0x1];
	s3 =	simm.s32 $0x0;
	s12 =	simm.s32 $0x1  }
0x3: {  	s13 =	simm.s32 $0x2800;
	s14 =	simm.s32 $0x80;
	s4 =	sand.u32 $0x1, s0  }
0x4: {  	s17 =	simm.s32 $0x0;
	s0 =	stileid.u32;
	s7 =	smul.u32 $0x140000, s4  }
0x5: {  	[smem:$0x7FF] =	sst s3;
	s1 =	sshll.u32 s4, $0x4;
	s8 =	smul.u32 $0x14000, s0  }
0x6: {  	s9 =	smul.u32 $0x50000, s0;
	s29 =	ssub.s32 $0x2, s4;
	s15 =	sshll.u32 s0, $0x6  }
0x7: {  	s1 =	sor.u32 s0, s1;
	s31 =	sshrl.u32 s29, $0x1;
	s15 =	sor.u32 $0x1C01, s15  }
0x8: {  	s6 =	smul.u32 $0x500, s1;
	s1 =	rddreg [dreg:$0x2];
	_ =	strace $0x8000004A  }
0x9: {  	s7 =	sadd.s32 s8, s7;
	s30 =	sshrl.u32 s9, $0x2;
	s11 =	ssub.s32 s29, s31  }
0xa: {  	s7 =	sshrl.u32 s7, $0x3;
	s4 =	sadd.s32 s30, s2;
	s11 =	smax.u32 s11, $0x1  }
0xb: {  	s6 =	sadd.s32 s6, s5;
	s10 =	sadd.s32 s7, s5;
	s7 =	sadd.s32 $0x8000, s4  }
0xc: {  	s8 =	sadd.s32 $0xC000, s4;
	s9 =	sadd.s32 $0x10000, s4;
	s16 =	sshrl.u32 s4, $0x3  }
0xd: {  	v0 =	vimm.f32 $0.0e+00;
	v1 =	vimm.f32 $1.000000000e+00;
	s5 =	sadd.s32 $0xE600, s6;
	s6 =	sadd.s32 $0x4000, s4;
	s10 =	sadd.s32 $0x68600, s10  }
.LBB2_1:
0xe: {  	[tilespmem:s3], [sflag:$0x1] =	stream.linear.gather [hbm4b:s5+s3], $0x2800, $0x38;
	[tilespmem:$0x1A800] =	vst v63  }
0xf: {  	_ =	swait.ge [sflag:s12], $0x2800  }
0x10: {  	[sflag:s12] =	ssyncset.done $0x0  }
0x11: {  	s18 =	simm.s32 $0x0;
	s19 =	simm.s32 $0x200;
	[sflag:s12] =	ssyncadd.s32 $0xFFFFD800  }
.LBB2_2:
0x12: {  	p0 =	sne.s32 s19, $0xFE00;
	[tilespmem:s18+$0x2870] =	vst v0  }
0x13: {  	[tilespmem:s18+$0x2800] =	vst v0  }
0x14: {  	[tilespmem:s18+$0x2810] =	vst v0  }
.Ltmp0:
0x15: {  	[tilespmem:s18+$0x2820] =	vst v0;
	(pc) =	sbr.rel @p0 .LBB2_2-.Ltmp0, $4  }
0x16: {  	[tilespmem:s18+$0x2830] =	vst v0  }
0x17: {  	[tilespmem:s18+$0x2840] =	vst v0  }
0x18: {  	[tilespmem:s18+$0x2850] =	vst v0  }
0x19: {  	[tilespmem:s18+$0x2860] =	vst v0;
	s18 =	sshra.s32 s19, $0x2;
	s19 =	sadd.s32 $0x200, s19  }
0x1a: {  	[tilespmem:s18+$0x2870] =	vst v0  }
0x1b: {  	[tilespmem:s18+$0x2800] =	vst v0  }
0x1c: {  	[tilespmem:s18+$0x2810] =	vst v0  }
0x1d: {  	[tilespmem:s18+$0x2820] =	vst v0  }
0x1e: {  	[tilespmem:s18+$0x2830] =	vst v0  }
0x1f: {  	[tilespmem:s18+$0x2840] =	vst v0  }
0x20: {  	[tilespmem:s18+$0x2850] =	vst v0  }
0x21: {  	[tilespmem:s18+$0x2860] =	vst v0  }
0x22: {  	[spmem:s4] =	stream.linear.scatter [tilespmem:s13], [sflag:$0x1], $0x4000, $0x38;
	[tilespmem:$0x1A800] =	vst v63  }
0x23: {  	_ =	swait.ge [sflag:s12], $0x4000  }
0x24: {  	[sflag:s12] =	ssyncset.done $0x0  }
0x25: {  	[sflag:s12] =	ssyncadd.s32 $0xFFFFC000  }
0x26: {  	[spmem:s6] =	stream.linear.scatter [tilespmem:s13], [sflag:$0x1], $0x4000, $0x38;
	[tilespmem:$0x1A800] =	vst v63  }
0x27: {  	_ =	swait.ge [sflag:s12], $0x4000  }
0x28: {  	[sflag:s12] =	ssyncset.done $0x0  }
0x29: {  	[sflag:s12] =	ssyncadd.s32 $0xFFFFC000  }
0x2a: {  	[spmem:s7] =	stream.linear.scatter [tilespmem:s13], [sflag:$0x1], $0x4000, $0x38;
	[tilespmem:$0x1A800] =	vst v63  }
0x2b: {  	_ =	swait.ge [sflag:s12], $0x4000  }
0x2c: {  	[sflag:s12] =	ssyncset.done $0x0  }
0x2d: {  	[sflag:s12] =	ssyncadd.s32 $0xFFFFC000  }
0x2e: {  	[spmem:s8] =	stream.linear.scatter [tilespmem:s13], [sflag:$0x1], $0x4000, $0x38;
	[tilespmem:$0x1A800] =	vst v63  }
0x2f: {  	_ =	swait.ge [sflag:s12], $0x4000  }
0x30: {  	[sflag:s12] =	ssyncset.done $0x0  }
0x31: {  	[sflag:s12] =	ssyncadd.s32 $0xFFFFC000  }
0x32: {  	[spmem:s9] =	stream.linear.scatter [tilespmem:s13], [sflag:$0x1], $0x4000, $0x38;
	[tilespmem:$0x1A800] =	vst v63  }
0x33: {  	_ =	swait.ge [sflag:s12], $0x4000  }
0x34: {  	[sflag:s12] =	ssyncset.done $0x0  }
0x35: {  	s18 =	simm.s32 $0x0;
	s19 =	simm.s32 $0x200;
	[sflag:s12] =	ssyncadd.s32 $0xFFFFC000  }
.LBB2_4:
0x36: {  	p0 =	sne.s32 s19, $0xFE00;
	[tilespmem:s18+$0x2870] =	vst v1  }
0x37: {  	[tilespmem:s18+$0x2800] =	vst v1  }
0x38: {  	[tilespmem:s18+$0x2810] =	vst v1  }
.Ltmp1:
0x39: {  	[tilespmem:s18+$0x2820] =	vst v1;
	(pc) =	sbr.rel @p0 .LBB2_4-.Ltmp1, $4  }
0x3a: {  	[tilespmem:s18+$0x2830] =	vst v1  }
0x3b: {  	[tilespmem:s18+$0x2840] =	vst v1  }
0x3c: {  	[tilespmem:s18+$0x2850] =	vst v1  }
0x3d: {  	[tilespmem:s18+$0x2860] =	vst v1;
	s18 =	sshra.s32 s19, $0x2;
	s19 =	sadd.s32 $0x200, s19  }
0x3e: {  	[tilespmem:s18+$0x2870] =	vst v1  }
0x3f: {  	[tilespmem:s18+$0x2800] =	vst v1  }
0x40: {  	[tilespmem:s18+$0x2810] =	vst v1  }
0x41: {  	[tilespmem:s18+$0x2820] =	vst v1  }
0x42: {  	[tilespmem:s18+$0x2830] =	vst v1  }
0x43: {  	[tilespmem:s18+$0x2840] =	vst v1  }
0x44: {  	[tilespmem:s18+$0x2850] =	vst v1  }
0x45: {  	[tilespmem:s18+$0x2860] =	vst v1  }
0x46: {  	s31 =	simm.s32 $0x0;
	[bflag:$0x0] =	sbarrier.arrive $0xFFFF  }
0x47: {  	[spmem:s2] =	stream.indirect.scatter.add.f32 [tilespmem:s13], [sflag:$0x1], $0x80, s31, s14, $0xb8;
	[tilespmem:$0x1A800] =	vst v63  }
0x48: {  	_ =	swait.ge [sflag:s12], $0x4000  }
0x49: {  	s18 =	simm.s32 $0x200;
	[sflag:s12] =	ssyncset.done $0x0  }
.LBB2_6:
0x4a: {  	s19 =	sshra.s32 s18, $0x2;
	[sflag:s12] =	ssyncadd.s32 $0xFFFFC000;
	p0 =	sne.s32 s18, $0x9E00  }
0x4b: {  	[spmem:s2] =	stream.indirect.scatter.add.f32 [tilespmem:s13], [sflag:$0x1], $0x80, s19, s14, $0xb8;
	[tilespmem:$0x1A800] =	vst v63  }
.Ltmp2:
0x4c: {  	_ = 	snop;
	(pc) =	sbr.rel @p0 .LBB2_6-.Ltmp2, $4  }
0x4d: {  	_ = 	snop  }
0x4e: {  	s18 =	sadd.s32 $0x200, s18  }
0x4f: {  	_ =	swait.ge [sflag:s12], $0x4000  }
0x50: {  	[sflag:s12] =	ssyncset.done $0x0  }
0x51: {  	s17 =	sadd.s32 $0x1, s17  }
0x52: {  	[sflag:s12] =	ssyncadd.s32 $0xFFFFC000;
	p0 =	sne.s32 s17, s11  }
.Ltmp3:
0x53: {  	[bflag:$0x0] =	sbarrier.arrive $0xFFFF;
	(pc) =	sbr.rel @p0 .LBB2_1-.Ltmp3, $4  }
0x54: {  	[hbm:s10], [sflag:s15] =	dma.local [spmem:s16], $0x2800  }
0x55: {  	_ =	swait.ge [sflag:s12], $0x2800  }
0x56: {  	[sflag:s12] =	ssyncset.done $0x0  }
0x57: {  	[sflag:s12] =	ssyncadd.s32 $0xFFFFD800  }
0x58: {  	_ =	sfence.sel $0x180000  }
0x59: {  	[bflag:$0x0] =	sbarrier.arrive $0xFFFF  }
0x5a: {  	p0 =	sne.s32 s0, $0x0;
	_ =	strace $0x9000004A  }
0x5b: {  	s0 =	sadd.s32 @!p0 $0x100000, s1;
	[bflag:$0x2] =	sbarrier.arrive $0xFFFF  }
0x5c: {  	[sflag:s0] =	ssyncadd.tile.s32 @!p0 $0x1;
	_ =	shalt  }
.Lfunc_end2:
_tile_overlayer_lowered:
.L_overlay_start_2:
0x5d: {  	(tag) =	ssettag $0x2  }
0x5e: {  	s0 =	rddreg [dreg:$0x0];
	s2 =	stileid.u32  }
0x5f: {  	s1 =	rddreg [dreg:$0x1];
	p0 =	sne.s32 s2, $0x0  }
0x60: {  	s3 =	rddreg [dreg:$0x2];
	[bflag:$0x3] =	sbarrier.arrive $0xFFFF;
	s2 =	simm.s32 @!p0 $0x1C01  }
0x61: {  	[timem:s3], [sflag:s2] =	dma.local @!p0 [hbm:s0], s1  }
0x62: {  	s0 =	simm.s32 @!p0 $0x1  }
0x63: {  	_ =	swait.ge @!p0 [sflag:s0], s1  }
0x64: {  	s1 =	ssub.s32 @!p0 $0x0, s1;
	[sflag:s0] =	ssyncset.done @!p0 $0x0  }
0x65: {  	[sflag:s0] =	ssyncadd.s32 @!p0 s1  }
0x66: {  	[bflag:$0x3] =	sbarrier.arrive $0xFFFF  }
0x67: {  	_ =	shalt  }

// kernel: kernel.15.cloned.1.call-start
scs
__scs_entry_jumppad:
0x0: {  	(pc) =	sbr.rel $0x88, $3  }
0x1: {  	(tag) =	ssettag $0x0;
	lr =	simm.s32 $0x1  }
0x2: {  	[smem:$0x3F97] =	sst lr;
	_ =	strace $0xD0000000  }
0x3: {  	_ = 	snop  }
0x4: {  	_ = 	snop  }
0x5: {  	_ = 	snop  }
0x6: {  	_ = 	snop  }
0x7: {  	_ = 	snop  }
__scs_overlays_trampoline_lowered:
0x8: {  	[smem:$0x3FA6] =	sst s0  }
0x9: {  	[smem:$0x3FA7] =	sst s1  }
0xa: {  	[smem:$0x3FA8] =	sst s2  }
0xb: {  	[smem:$0x3FA9] =	sst s3  }
0xc: {  	[smem:$0x3FAA] =	sst s4  }
0xd: {  	[smem:$0x3FAB] =	sst s5  }
0xe: {  	[smem:$0x3FAC] =	sst s6  }
0xf: {  	[smem:$0x3FAD] =	sst s7  }
0x10: {  	[smem:$0x3FAE] =	sst s8  }
0x11: {  	[smem:$0x3FAF] =	sst s9;
	s0 =	simm.s32 @!p0 $0x0  }
0x12: {  	s1 =	sld [smem:$0x3F95];
	s0 =	simm.s32 @p0 $0x1  }
0x13: {  	[smem:$0x3FB0] =	sst s0;
	s0 =	simm.s32 @!p1 $0x0  }
0x14: {  	s2 =	sld [smem:$0x3F94];
	s0 =	simm.s32 @p1 $0x1  }
0x15: {  	[smem:$0x3FB1] =	sst s0;
	s0 =	simm.s32 @!p2 $0x0  }
0x16: {  	s3 =	sld [smem:$0x3FDB];
	s0 =	simm.s32 @p2 $0x1  }
0x17: {  	s4 =	simm.s32 $0x1BF5;
	[smem:$0x3FB3] =	sst s0  }
0x18: {  	s0 =	sld [smem:$0x3F96];
	_ =	swait.ge [sflag:s4], $0x0  }
0x19: {  	s7 =	sld [smem:$0x3F97]  }
0x1a: {  	s8 =	sadd.s32 $0xFFFFE003, lr  }
0x1b: {  	s9 =	sadd.s32 $0xFFFFFEF7, lr;
	s5 =	simm.s32 $0xFFFFFFFF;
	p2 =	slt.u32 s8, $0xFFFFF086  }
0x1c: {  	p1 =	slt.u32 s9, $0xF7A;
	s5 =	simm.s32 @!p2 $0x0  }
0x1d: {  	s5 =	simm.s32 @p1 $0x1;
	p0 =	seq.s32 s7, s2  }
0x1e: {  	s7 =	smul.u32 @!p0 $0xF7A, s2;
	p2 =	seq.s32 @!p0 s5, $0x0  }
0x1f: {  	s9 =	smul.u32 $0xF7A, s1;
	s8 =	simm.s32 @!p0 $0x1BF5;
	p2 =	por !p2, p0  }
0x20: {  	[sflag:s8] =	ssyncset.s32 @!p0 $0xFFFFF086;
	s6 =	sadd.s32 @!p0 s3, s7;
	s7 =	simm.s32 @!p0 $0x108  }
0x21: {  	s3 =	sadd.s32 s3, s9;
	s6 =	sadd.s32 @!p0 $0x88, s6;
	s7 =	simm.s32 @p2 $0x1082  }
0x22: {  	[simem:s7], [sflag:s8] =	dma.local @!p0 [hbm:s6], $0xF7A  }
0x23: {  	s9 =	sor.u32 $0xD0000000, s2;
	s6 =	simm.s32 $0x108;
	_ =	swait.ge @!p0 [sflag:s8], $0x0  }
0x24: {  	s3 =	sadd.s32 $0x88, s3;
	s6 =	simm.s32 @!p1 $0x1082;
	[sflag:s4] =	ssyncset.s32 $0xFFFFF086  }
0x25: {  	[simem:s6], [sflag:s4] =	dma.local [hbm:s3], $0xF7A  }
0x26: {  	[smem:$0x3F97] =	sst s1;
	(tag) =	ssettag s2;
	_ =	strace s9  }
0x27: {  	s1 =	sld [smem:$0x3FA7]  }
0x28: {  	s2 =	sld [smem:$0x3FA8]  }
0x29: {  	s4 =	sld [smem:$0x3FAA]  }
0x2a: {  	p0 =	seq.s32 s5, $0x0;
	s5 =	sld [smem:$0x3FAB]  }
0x2b: {  	s6 =	sld [smem:$0x3FAC]  }
0x2c: {  	s7 =	sld [smem:$0x3FAD]  }
0x2d: {  	s3 =	simm.s32 $0x108;
	s8 =	sld [smem:$0x3FAE]  }
0x2e: {  	s3 =	simm.s32 @!p0 $0x1082;
	s9 =	sld [smem:$0x3FAF]  }
0x2f: {  	lr =	sadd.s32 s0, s3;
	s0 =	sld [smem:$0x3FA6]  }
0x30: {  	s3 =	sld [smem:$0x3FA9]  }
0x31: {  	[smem:$0x3FB2] =	sst s10  }
0x32: {  	s10 =	sld [smem:$0x3FB0];
	_ =	sdelay $0x3  }
0x33: {  	p0 =	seq.s32 s10, $0x1;
	s10 =	sld [smem:$0x3FB2];
	_ =	sdelay $0x3  }
0x34: {  	[smem:$0x3FB2] =	sst s10  }
0x35: {  	s10 =	sld [smem:$0x3FB1];
	_ =	sdelay $0x3  }
0x36: {  	p1 =	seq.s32 s10, $0x1;
	s10 =	sld [smem:$0x3FB2];
	_ =	sdelay $0x3  }
0x37: {  	[smem:$0x3FB2] =	sst s10  }
0x38: {  	s10 =	sld [smem:$0x3FB3]  }
0x39: {  	_ = 	snop;
	(pc) =	sbr.ind lr, $3  }
0x3a: {  	_ = 	snop  }
0x3b: {  	_ = 	snop  }
0x3c: {  	p2 =	seq.s32 s10, $0x1;
	s10 =	sld [smem:$0x3FB2]  }
0x3d: {  	_ =	shalt  }
0x3e: {  	_ =	shalt  }
0x3f: {  	_ =	shalt  }
0x40: {  	_ =	shalt  }
0x41: {  	_ =	shalt  }
0x42: {  	_ =	shalt  }
0x43: {  	_ =	shalt  }
0x44: {  	_ =	shalt  }
0x45: {  	_ =	shalt  }
0x46: {  	_ =	shalt  }
0x47: {  	_ =	shalt  }
0x48: {  	_ =	shalt  }
0x49: {  	_ =	shalt  }
0x4a: {  	_ =	shalt  }
0x4b: {  	_ =	shalt  }
0x4c: {  	_ =	shalt  }
0x4d: {  	_ =	shalt  }
0x4e: {  	_ =	shalt  }
0x4f: {  	_ =	shalt  }
0x50: {  	_ =	shalt  }
0x51: {  	_ =	shalt  }
0x52: {  	_ =	shalt  }
0x53: {  	_ =	shalt  }
0x54: {  	_ =	shalt  }
0x55: {  	_ =	shalt  }
0x56: {  	_ =	shalt  }
0x57: {  	_ =	shalt  }
0x58: {  	_ =	shalt  }
0x59: {  	_ =	shalt  }
0x5a: {  	_ =	shalt  }
0x5b: {  	_ =	shalt  }
0x5c: {  	_ =	shalt  }
0x5d: {  	_ =	shalt  }
0x5e: {  	_ =	shalt  }
0x5f: {  	_ =	shalt  }
0x60: {  	_ =	shalt  }
0x61: {  	_ =	shalt  }
0x62: {  	_ =	shalt  }
0x63: {  	_ =	shalt  }
0x64: {  	_ =	shalt  }
0x65: {  	_ =	shalt  }
0x66: {  	_ =	shalt  }
0x67: {  	_ =	shalt  }
0x68: {  	_ =	shalt  }
0x69: {  	_ =	shalt  }
0x6a: {  	_ =	shalt  }
0x6b: {  	_ =	shalt  }
0x6c: {  	_ =	shalt  }
0x6d: {  	_ =	shalt  }
0x6e: {  	_ =	shalt  }
0x6f: {  	_ =	shalt  }
0x70: {  	_ =	shalt  }
0x71: {  	_ =	shalt  }
0x72: {  	_ =	shalt  }
0x73: {  	_ =	shalt  }
0x74: {  	_ =	shalt  }
0x75: {  	_ =	shalt  }
0x76: {  	_ =	shalt  }
0x77: {  	_ =	shalt  }
0x78: {  	_ =	shalt  }
0x79: {  	_ =	shalt  }
0x7a: {  	_ =	shalt  }
0x7b: {  	_ =	shalt  }
0x7c: {  	_ =	shalt  }
0x7d: {  	_ =	shalt  }
0x7e: {  	_ =	shalt  }
0x7f: {  	_ =	shalt  }
0x80: {  	_ =	shalt  }
0x81: {  	_ =	shalt  }
0x82: {  	_ =	shalt  }
0x83: {  	_ =	shalt  }
0x84: {  	_ =	shalt  }
0x85: {  	_ =	shalt  }
0x86: {  	_ =	shalt  }
0x87: {  	_ =	shalt  }
.Lfunc_end0:
.L_simem_size_0:
called_computation.1_lowered:
.L_overlay_start_0:
0x88: {  	s2 =	sld [smem:$0x3FD9]  }
0x89: {  	s3 =	sld [smem:$0x3FFE];
	_ =	sdelay $0x1  }
0x8a: {  	s1 =	srdreg.scid  }
0x8b: {  	s0 =	sand.u32 $0x1, s1  }
0x8c: {  	s16 =	sshll.u32 s0, $0xA;
	s2 =	sadd.s32 s3, s2  }
0x8d: {  	s2 =	sadd.s32 s2, s16  }
0x8e: {  	[smem:$0x3FBE] =	sst s2  }
0x8f: {  	_ = 	snop  }
0x90: {  	(tm) =	ssettm $0x1  }
0x91: {  	s17 =	sld [smem:$0x3FFB];
	_ =	sdelay $0x3  }
0x92: {  	_ =	strace s17  }
0x93: {  	s2 =	sld [smem:$0x3FFC];
	_ =	sdelay $0x3  }
0x94: {  	_ =	strace s2  }
0x95: {  	s2 =	sld [smem:$0x3FFD];
	_ =	sdelay $0x3  }
0x96: {  	_ =	strace s2  }
0x97: {  	_ =	strace $0x8FFFFFFF  }
0x98: {  	s18 =	sld [smem:$0x3FDB];
	_ =	sdelay $0x1  }
0x99: {  	s19 =	simm.s32 $_scs_section_size  }
0x9a: {  	s4 =	simm.s32 $_size__tile_overlayer_lowered;
	s5 =	simm.s32 $_tile_overlayer_lowered  }
0x9b: {  	s22 =	simm.s32 $0x1BFF;
	s21 =	sshll.u32 s5, $0x1;
	s2 =	sadd.s32 s19, s18  }
0x9c: {  	s6 =	simm.s32 $0x0;
	s20 =	sshll.u32 s4, $0x1;
	s4 =	sadd.s32 s21, s2  }
0x9d: {  	[timem:s6], [sflag:s22] =	dma.local [hbm:s4], s20  }
0x9e: {  	_ =	swait.ge [sflag:s22], s20  }
0x9f: {  	s3 =	ssub.s32 $0x0, s20;
	[sflag:s22] =	ssyncset.done $0x0  }
0xa0: {  	[sflag:s22] =	ssyncadd.s32 s3;
	_ =	sdelay $0x1  }
0xa1: {  	s23 =	simm.s32 $0x1B8B  }
0xa2: {  	_ =	swait.ge [sflag:s23], $0x1  }
0xa3: {  	[sflag:s23] =	ssyncset.done $0x0  }
0xa4: {  	s25 =	simm.s32 $0x1B8E;
	s24 =	sld [smem:$0x3FFE];
	[sflag:s23] =	ssyncadd.s32 $0xFFFFFFFF  }
0xa5: {  	s26 =	simm.s32 $execute0_lowered;
	[smem:$0x3FD2] =	sst s25  }
0xa6: {  	s4 =	sshll.u32 s26, $0x1;
	_ =	strace $0x80000046;
	[dreg:$0x1] =	wrdreg $0xFFFFFFFF  }
0xa7: {  	s28 =	simm.s32 $_size_execute0_lowered;
	s2 =	sadd.s32 s2, s4;
	[dreg:$0x0] =	wrdreg $0x0  }
0xa8: {  	s4 =	sshll.u32 s28, $0x1;
	[dreg:$0x2] =	wrdreg s2  }
0xa9: {  	[dreg:$0x3] =	wrdreg s4  }
0xaa: {  	[dreg:$0x4] =	wrdreg $0xC0  }
0xab: {  	_ =	task [dreg:s6], $0x5FFFF  }
0xac: {  	[dreg:$0x1] =	wrdreg $0xFFFFFFFF  }
0xad: {  	[dreg:$0x0] =	wrdreg $0x60  }
0xae: {  	[dreg:$0x2] =	wrdreg s24  }
0xaf: {  	[dreg:$0x3] =	wrdreg $0x68000  }
0xb0: {  	[dreg:$0x4] =	wrdreg $0xA  }
0xb1: {  	_ =	task.clear_ibuf [dreg:s6], $0x5FFFF;
	_ =	strace $0x90000046  }
0xb2: {  	s29 =	simm.s32 $0xA;
	_ =	strace $0x80000048  }
0xb3: {  	_ =	swait.ge [sflag:s29], $0x1  }
0xb4: {  	[sflag:s29] =	ssyncadd.s32 $0xFFFFFFFF  }
0xb5: {  	_ =	strace $0x90000048  }
0xb6: {  	_ =	sfence  }
0xb7: {  	s30 =	sld [smem:$0x0];
	_ =	sdelay $0x2  }
0xb8: {  	s31 =	sshll.u32 s1, $0xD;
	s1 =	sshrl.u32 s1, $0x2  }
0xb9: {  	s3 =	sand.u32 $0x4000, s31;
	s1 =	sadd.s32 s1, s30  }
0xba: {  	s0 =	sor.u32 s3, s0;
	s1 =	sshll.u32 s1, $0x11  }
0xbb: {  	s0 =	sor.u32 s1, s0  }
0xbc: {  	s0 =	sadd.s32 $0x8F2B, s0  }
0xbd: {  	[sflag:s0] =	ssyncadd.remote.s32 $0x1  }
0xbe: {  	_ =	sfence.sel $0xFFFF  }
0xbf: {  	[dreg:$0x0] =	wrdreg $0xFFFFFFFF;
	(pc) =	sbr.abs _section_cstart, $3  }
0xc0: {  	[dreg:$0x1] =	wrdreg $0xFFFFFFFF  }
0xc1: {  	_ =	task.clear_ibuf [dreg:s6], $0x2FFFF;
	_ =	strace $0x9FFFFFFF  }
0xc2: {  	(tm) =	ssettm $0x7FFFFFFF  }
0xc3: {  	_ =	shalt  }
tec
execute0_lowered:
.L_overlay_start_1:
0x0: {  	(tag) =	ssettag $0x1  }
0x1: {  	s0 =	srdreg.scid;
	s5 =	rddreg [dreg:$0x0]  }
0x2: {  	s2 =	rddreg [dreg:$0x1];
	s3 =	simm.s32 $0x0;
	s12 =	simm.s32 $0x1  }
0x3: {  	s13 =	simm.s32 $0x2800;
	s14 =	simm.s32 $0x80;
	s4 =	sand.u32 $0x1, s0  }
0x4: {  	s17 =	simm.s32 $0x0;
	s0 =	stileid.u32;
	s7 =	smul.u32 $0x140000, s4  }
0x5: {  	[smem:$0x7FF] =	sst s3;
	s1 =	sshll.u32 s4, $0x4;
	s8 =	smul.u32 $0x14000, s0  }
0x6: {  	s9 =	smul.u32 $0x50000, s0;
	s29 =	ssub.s32 $0x2, s4;
	s15 =	sshll.u32 s0, $0x6  }
0x7: {  	s1 =	sor.u32 s0, s1;
	s31 =	sshrl.u32 s29, $0x1;
	s15 =	sor.u32 $0x1C01, s15  }
0x8: {  	s6 =	smul.u32 $0x500, s1;
	s1 =	rddreg [dreg:$0x2];
	_ =	strace $0x80000047  }
0x9: {  	s7 =	sadd.s32 s8, s7;
	s30 =	sshrl.u32 s9, $0x2;
	s11 =	ssub.s32 s29, s31  }
0xa: {  	s7 =	sshrl.u32 s7, $0x3;
	s4 =	sadd.s32 s30, s2;
	s11 =	smax.u32 s11, $0x1  }
0xb: {  	s6 =	sadd.s32 s6, s5;
	s10 =	sadd.s32 s7, s5;
	s7 =	sadd.s32 $0x8000, s4  }
0xc: {  	s8 =	sadd.s32 $0xC000, s4;
	s9 =	sadd.s32 $0x10000, s4;
	s16 =	sshrl.u32 s4, $0x3  }
0xd: {  	v0 =	vimm.f32 $0.0e+00;
	v1 =	vimm.f32 $1.000000000e+00;
	s5 =	sadd.s32 $0x4600, s6;
	s6 =	sadd.s32 $0x4000, s4;
	s10 =	sadd.s32 $0x18600, s10  }
.LBB2_1:
0xe: {  	[tilespmem:s3], [sflag:$0x1] =	stream.linear.gather [hbm4b:s5+s3], $0x2800, $0x38;
	[tilespmem:$0x1A800] =	vst v63  }
0xf: {  	_ =	swait.ge [sflag:s12], $0x2800  }
0x10: {  	[sflag:s12] =	ssyncset.done $0x0  }
0x11: {  	s18 =	simm.s32 $0x0;
	s19 =	simm.s32 $0x200;
	[sflag:s12] =	ssyncadd.s32 $0xFFFFD800  }
.LBB2_2:
0x12: {  	p0 =	sne.s32 s19, $0xFE00;
	[tilespmem:s18+$0x2870] =	vst v0  }
0x13: {  	[tilespmem:s18+$0x2800] =	vst v0  }
0x14: {  	[tilespmem:s18+$0x2810] =	vst v0  }
.Ltmp0:
0x15: {  	[tilespmem:s18+$0x2820] =	vst v0;
	(pc) =	sbr.rel @p0 .LBB2_2-.Ltmp0, $4  }
0x16: {  	[tilespmem:s18+$0x2830] =	vst v0  }
0x17: {  	[tilespmem:s18+$0x2840] =	vst v0  }
0x18: {  	[tilespmem:s18+$0x2850] =	vst v0  }
0x19: {  	[tilespmem:s18+$0x2860] =	vst v0;
	s18 =	sshra.s32 s19, $0x2;
	s19 =	sadd.s32 $0x200, s19  }
0x1a: {  	[tilespmem:s18+$0x2870] =	vst v0  }
0x1b: {  	[tilespmem:s18+$0x2800] =	vst v0  }
0x1c: {  	[tilespmem:s18+$0x2810] =	vst v0  }
0x1d: {  	[tilespmem:s18+$0x2820] =	vst v0  }
0x1e: {  	[tilespmem:s18+$0x2830] =	vst v0  }
0x1f: {  	[tilespmem:s18+$0x2840] =	vst v0  }
0x20: {  	[tilespmem:s18+$0x2850] =	vst v0  }
0x21: {  	[tilespmem:s18+$0x2860] =	vst v0  }
0x22: {  	[spmem:s4] =	stream.linear.scatter [tilespmem:s13], [sflag:$0x1], $0x4000, $0x38;
	[tilespmem:$0x1A800] =	vst v63  }
0x23: {  	_ =	swait.ge [sflag:s12], $0x4000  }
0x24: {  	[sflag:s12] =	ssyncset.done $0x0  }
0x25: {  	[sflag:s12] =	ssyncadd.s32 $0xFFFFC000  }
0x26: {  	[spmem:s6] =	stream.linear.scatter [tilespmem:s13], [sflag:$0x1], $0x4000, $0x38;
	[tilespmem:$0x1A800] =	vst v63  }
0x27: {  	_ =	swait.ge [sflag:s12], $0x4000  }
0x28: {  	[sflag:s12] =	ssyncset.done $0x0  }
0x29: {  	[sflag:s12] =	ssyncadd.s32 $0xFFFFC000  }
0x2a: {  	[spmem:s7] =	stream.linear.scatter [tilespmem:s13], [sflag:$0x1], $0x4000, $0x38;
	[tilespmem:$0x1A800] =	vst v63  }
0x2b: {  	_ =	swait.ge [sflag:s12], $0x4000  }
0x2c: {  	[sflag:s12] =	ssyncset.done $0x0  }
0x2d: {  	[sflag:s12] =	ssyncadd.s32 $0xFFFFC000  }
0x2e: {  	[spmem:s8] =	stream.linear.scatter [tilespmem:s13], [sflag:$0x1], $0x4000, $0x38;
	[tilespmem:$0x1A800] =	vst v63  }
0x2f: {  	_ =	swait.ge [sflag:s12], $0x4000  }
0x30: {  	[sflag:s12] =	ssyncset.done $0x0  }
0x31: {  	[sflag:s12] =	ssyncadd.s32 $0xFFFFC000  }
0x32: {  	[spmem:s9] =	stream.linear.scatter [tilespmem:s13], [sflag:$0x1], $0x4000, $0x38;
	[tilespmem:$0x1A800] =	vst v63  }
0x33: {  	_ =	swait.ge [sflag:s12], $0x4000  }
0x34: {  	[sflag:s12] =	ssyncset.done $0x0  }
0x35: {  	s18 =	simm.s32 $0x0;
	s19 =	simm.s32 $0x200;
	[sflag:s12] =	ssyncadd.s32 $0xFFFFC000  }
.LBB2_4:
0x36: {  	p0 =	sne.s32 s19, $0xFE00;
	[tilespmem:s18+$0x2870] =	vst v1  }
0x37: {  	[tilespmem:s18+$0x2800] =	vst v1  }
0x38: {  	[tilespmem:s18+$0x2810] =	vst v1  }
.Ltmp1:
0x39: {  	[tilespmem:s18+$0x2820] =	vst v1;
	(pc) =	sbr.rel @p0 .LBB2_4-.Ltmp1, $4  }
0x3a: {  	[tilespmem:s18+$0x2830] =	vst v1  }
0x3b: {  	[tilespmem:s18+$0x2840] =	vst v1  }
0x3c: {  	[tilespmem:s18+$0x2850] =	vst v1  }
0x3d: {  	[tilespmem:s18+$0x2860] =	vst v1;
	s18 =	sshra.s32 s19, $0x2;
	s19 =	sadd.s32 $0x200, s19  }
0x3e: {  	[tilespmem:s18+$0x2870] =	vst v1  }
0x3f: {  	[tilespmem:s18+$0x2800] =	vst v1  }
0x40: {  	[tilespmem:s18+$0x2810] =	vst v1  }
0x41: {  	[tilespmem:s18+$0x2820] =	vst v1  }
0x42: {  	[tilespmem:s18+$0x2830] =	vst v1  }
0x43: {  	[tilespmem:s18+$0x2840] =	vst v1  }
0x44: {  	[tilespmem:s18+$0x2850] =	vst v1  }
0x45: {  	[tilespmem:s18+$0x2860] =	vst v1  }
0x46: {  	s31 =	simm.s32 $0x0;
	[bflag:$0x0] =	sbarrier.arrive $0xFFFF  }
0x47: {  	[spmem:s2] =	stream.indirect.scatter.add.f32 [tilespmem:s13], [sflag:$0x1], $0x80, s31, s14, $0xb8;
	[tilespmem:$0x1A800] =	vst v63  }
0x48: {  	_ =	swait.ge [sflag:s12], $0x4000  }
0x49: {  	s18 =	simm.s32 $0x200;
	[sflag:s12] =	ssyncset.done $0x0  }
.LBB2_6:
0x4a: {  	s19 =	sshra.s32 s18, $0x2;
	[sflag:s12] =	ssyncadd.s32 $0xFFFFC000;
	p0 =	sne.s32 s18, $0x9E00  }
0x4b: {  	[spmem:s2] =	stream.indirect.scatter.add.f32 [tilespmem:s13], [sflag:$0x1], $0x80, s19, s14, $0xb8;
	[tilespmem:$0x1A800] =	vst v63  }
.Ltmp2:
0x4c: {  	_ = 	snop;
	(pc) =	sbr.rel @p0 .LBB2_6-.Ltmp2, $4  }
0x4d: {  	_ = 	snop  }
0x4e: {  	s18 =	sadd.s32 $0x200, s18  }
0x4f: {  	_ =	swait.ge [sflag:s12], $0x4000  }
0x50: {  	[sflag:s12] =	ssyncset.done $0x0  }
0x51: {  	s17 =	sadd.s32 $0x1, s17  }
0x52: {  	[sflag:s12] =	ssyncadd.s32 $0xFFFFC000;
	p0 =	sne.s32 s17, s11  }
.Ltmp3:
0x53: {  	[bflag:$0x0] =	sbarrier.arrive $0xFFFF;
	(pc) =	sbr.rel @p0 .LBB2_1-.Ltmp3, $4  }
0x54: {  	[hbm:s10], [sflag:s15] =	dma.local [spmem:s16], $0x2800  }
0x55: {  	_ =	swait.ge [sflag:s12], $0x2800  }
0x56: {  	[sflag:s12] =	ssyncset.done $0x0  }
0x57: {  	[sflag:s12] =	ssyncadd.s32 $0xFFFFD800  }
0x58: {  	_ =	sfence.sel $0x180000  }
0x59: {  	[bflag:$0x0] =	sbarrier.arrive $0xFFFF  }
0x5a: {  	p0 =	sne.s32 s0, $0x0;
	_ =	strace $0x90000047  }
0x5b: {  	s0 =	sadd.s32 @!p0 $0x100000, s1;
	[bflag:$0x2] =	sbarrier.arrive $0xFFFF  }
0x5c: {  	[sflag:s0] =	ssyncadd.tile.s32 @!p0 $0x1;
	_ =	shalt  }
.Lfunc_end2:
_tile_overlayer_lowered:
.L_overlay_start_2:
0x5d: {  	(tag) =	ssettag $0x2  }
0x5e: {  	s0 =	rddreg [dreg:$0x0];
	s2 =	stileid.u32  }
0x5f: {  	s1 =	rddreg [dreg:$0x1];
	p0 =	sne.s32 s2, $0x0  }
0x60: {  	s3 =	rddreg [dreg:$0x2];
	[bflag:$0x3] =	sbarrier.arrive $0xFFFF;
	s2 =	simm.s32 @!p0 $0x1C01  }
0x61: {  	[timem:s3], [sflag:s2] =	dma.local @!p0 [hbm:s0], s1  }
0x62: {  	s0 =	simm.s32 @!p0 $0x1  }
0x63: {  	_ =	swait.ge @!p0 [sflag:s0], s1  }
0x64: {  	s1 =	ssub.s32 @!p0 $0x0, s1;
	[sflag:s0] =	ssyncset.done @!p0 $0x0  }
0x65: {  	[sflag:s0] =	ssyncadd.s32 @!p0 s1  }
0x66: {  	[bflag:$0x3] =	sbarrier.arrive $0xFFFF  }
0x67: {  	_ =	shalt  }

// kernel: kernel.18.cloned.1.call-start
scs
__scs_entry_jumppad:
0x0: {  	(pc) =	sbr.rel $0x88, $3  }
0x1: {  	(tag) =	ssettag $0x0;
	lr =	simm.s32 $0x1  }
0x2: {  	[smem:$0x3F97] =	sst lr;
	_ =	strace $0xD0000000  }
0x3: {  	_ = 	snop  }
0x4: {  	_ = 	snop  }
0x5: {  	_ = 	snop  }
0x6: {  	_ = 	snop  }
0x7: {  	_ = 	snop  }
__scs_overlays_trampoline_lowered:
0x8: {  	[smem:$0x3FA6] =	sst s0  }
0x9: {  	[smem:$0x3FA7] =	sst s1  }
0xa: {  	[smem:$0x3FA8] =	sst s2  }
0xb: {  	[smem:$0x3FA9] =	sst s3  }
0xc: {  	[smem:$0x3FAA] =	sst s4  }
0xd: {  	[smem:$0x3FAB] =	sst s5  }
0xe: {  	[smem:$0x3FAC] =	sst s6  }
0xf: {  	[smem:$0x3FAD] =	sst s7  }
0x10: {  	[smem:$0x3FAE] =	sst s8  }
0x11: {  	[smem:$0x3FAF] =	sst s9;
	s0 =	simm.s32 @!p0 $0x0  }
0x12: {  	s1 =	sld [smem:$0x3F95];
	s0 =	simm.s32 @p0 $0x1  }
0x13: {  	[smem:$0x3FB0] =	sst s0;
	s0 =	simm.s32 @!p1 $0x0  }
0x14: {  	s2 =	sld [smem:$0x3F94];
	s0 =	simm.s32 @p1 $0x1  }
0x15: {  	[smem:$0x3FB1] =	sst s0;
	s0 =	simm.s32 @!p2 $0x0  }
0x16: {  	s3 =	sld [smem:$0x3FDB];
	s0 =	simm.s32 @p2 $0x1  }
0x17: {  	s4 =	simm.s32 $0x1BF5;
	[smem:$0x3FB3] =	sst s0  }
0x18: {  	s0 =	sld [smem:$0x3F96];
	_ =	swait.ge [sflag:s4], $0x0  }
0x19: {  	s7 =	sld [smem:$0x3F97]  }
0x1a: {  	s8 =	sadd.s32 $0xFFFFE003, lr  }
0x1b: {  	s9 =	sadd.s32 $0xFFFFFEF7, lr;
	s5 =	simm.s32 $0xFFFFFFFF;
	p2 =	slt.u32 s8, $0xFFFFF086  }
0x1c: {  	p1 =	slt.u32 s9, $0xF7A;
	s5 =	simm.s32 @!p2 $0x0  }
0x1d: {  	s5 =	simm.s32 @p1 $0x1;
	p0 =	seq.s32 s7, s2  }
0x1e: {  	s7 =	smul.u32 @!p0 $0xF7A, s2;
	p2 =	seq.s32 @!p0 s5, $0x0  }
0x1f: {  	s9 =	smul.u32 $0xF7A, s1;
	s8 =	simm.s32 @!p0 $0x1BF5;
	p2 =	por !p2, p0  }
0x20: {  	[sflag:s8] =	ssyncset.s32 @!p0 $0xFFFFF086;
	s6 =	sadd.s32 @!p0 s3, s7;
	s7 =	simm.s32 @!p0 $0x108  }
0x21: {  	s3 =	sadd.s32 s3, s9;
	s6 =	sadd.s32 @!p0 $0x88, s6;
	s7 =	simm.s32 @p2 $0x1082  }
0x22: {  	[simem:s7], [sflag:s8] =	dma.local @!p0 [hbm:s6], $0xF7A  }
0x23: {  	s9 =	sor.u32 $0xD0000000, s2;
	s6 =	simm.s32 $0x108;
	_ =	swait.ge @!p0 [sflag:s8], $0x0  }
0x24: {  	s3 =	sadd.s32 $0x88, s3;
	s6 =	simm.s32 @!p1 $0x1082;
	[sflag:s4] =	ssyncset.s32 $0xFFFFF086  }
0x25: {  	[simem:s6], [sflag:s4] =	dma.local [hbm:s3], $0xF7A  }
0x26: {  	[smem:$0x3F97] =	sst s1;
	(tag) =	ssettag s2;
	_ =	strace s9  }
0x27: {  	s1 =	sld [smem:$0x3FA7]  }
0x28: {  	s2 =	sld [smem:$0x3FA8]  }
0x29: {  	s4 =	sld [smem:$0x3FAA]  }
0x2a: {  	p0 =	seq.s32 s5, $0x0;
	s5 =	sld [smem:$0x3FAB]  }
0x2b: {  	s6 =	sld [smem:$0x3FAC]  }
0x2c: {  	s7 =	sld [smem:$0x3FAD]  }
0x2d: {  	s3 =	simm.s32 $0x108;
	s8 =	sld [smem:$0x3FAE]  }
0x2e: {  	s3 =	simm.s32 @!p0 $0x1082;
	s9 =	sld [smem:$0x3FAF]  }
0x2f: {  	lr =	sadd.s32 s0, s3;
	s0 =	sld [smem:$0x3FA6]  }
0x30: {  	s3 =	sld [smem:$0x3FA9]  }
0x31: {  	[smem:$0x3FB2] =	sst s10  }
0x32: {  	s10 =	sld [smem:$0x3FB0];
	_ =	sdelay $0x3  }
0x33: {  	p0 =	seq.s32 s10, $0x1;
	s10 =	sld [smem:$0x3FB2];
	_ =	sdelay $0x3  }
0x34: {  	[smem:$0x3FB2] =	sst s10  }
0x35: {  	s10 =	sld [smem:$0x3FB1];
	_ =	sdelay $0x3  }
0x36: {  	p1 =	seq.s32 s10, $0x1;
	s10 =	sld [smem:$0x3FB2];
	_ =	sdelay $0x3  }
0x37: {  	[smem:$0x3FB2] =	sst s10  }
0x38: {  	s10 =	sld [smem:$0x3FB3]  }
0x39: {  	_ = 	snop;
	(pc) =	sbr.ind lr, $3  }
0x3a: {  	_ = 	snop  }
0x3b: {  	_ = 	snop  }
0x3c: {  	p2 =	seq.s32 s10, $0x1;
	s10 =	sld [smem:$0x3FB2]  }
0x3d: {  	_ =	shalt  }
0x3e: {  	_ =	shalt  }
0x3f: {  	_ =	shalt  }
0x40: {  	_ =	shalt  }
0x41: {  	_ =	shalt  }
0x42: {  	_ =	shalt  }
0x43: {  	_ =	shalt  }
0x44: {  	_ =	shalt  }
0x45: {  	_ =	shalt  }
0x46: {  	_ =	shalt  }
0x47: {  	_ =	shalt  }
0x48: {  	_ =	shalt  }
0x49: {  	_ =	shalt  }
0x4a: {  	_ =	shalt  }
0x4b: {  	_ =	shalt  }
0x4c: {  	_ =	shalt  }
0x4d: {  	_ =	shalt  }
0x4e: {  	_ =	shalt  }
0x4f: {  	_ =	shalt  }
0x50: {  	_ =	shalt  }
0x51: {  	_ =	shalt  }
0x52: {  	_ =	shalt  }
0x53: {  	_ =	shalt  }
0x54: {  	_ =	shalt  }
0x55: {  	_ =	shalt  }
0x56: {  	_ =	shalt  }
0x57: {  	_ =	shalt  }
0x58: {  	_ =	shalt  }
0x59: {  	_ =	shalt  }
0x5a: {  	_ =	shalt  }
0x5b: {  	_ =	shalt  }
0x5c: {  	_ =	shalt  }
0x5d: {  	_ =	shalt  }
0x5e: {  	_ =	shalt  }
0x5f: {  	_ =	shalt  }
0x60: {  	_ =	shalt  }
0x61: {  	_ =	shalt  }
0x62: {  	_ =	shalt  }
0x63: {  	_ =	shalt  }
0x64: {  	_ =	shalt  }
0x65: {  	_ =	shalt  }
0x66: {  	_ =	shalt  }
0x67: {  	_ =	shalt  }
0x68: {  	_ =	shalt  }
0x69: {  	_ =	shalt  }
0x6a: {  	_ =	shalt  }
0x6b: {  	_ =	shalt  }
0x6c: {  	_ =	shalt  }
0x6d: {  	_ =	shalt  }
0x6e: {  	_ =	shalt  }
0x6f: {  	_ =	shalt  }
0x70: {  	_ =	shalt  }
0x71: {  	_ =	shalt  }
0x72: {  	_ =	shalt  }
0x73: {  	_ =	shalt  }
0x74: {  	_ =	shalt  }
0x75: {  	_ =	shalt  }
0x76: {  	_ =	shalt  }
0x77: {  	_ =	shalt  }
0x78: {  	_ =	shalt  }
0x79: {  	_ =	shalt  }
0x7a: {  	_ =	shalt  }
0x7b: {  	_ =	shalt  }
0x7c: {  	_ =	shalt  }
0x7d: {  	_ =	shalt  }
0x7e: {  	_ =	shalt  }
0x7f: {  	_ =	shalt  }
0x80: {  	_ =	shalt  }
0x81: {  	_ =	shalt  }
0x82: {  	_ =	shalt  }
0x83: {  	_ =	shalt  }
0x84: {  	_ =	shalt  }
0x85: {  	_ =	shalt  }
0x86: {  	_ =	shalt  }
0x87: {  	_ =	shalt  }
.Lfunc_end0:
.L_simem_size_0:
called_computation.2_lowered:
.L_overlay_start_0:
0x88: {  	s2 =	sld [smem:$0x3FD9]  }
0x89: {  	s3 =	sld [smem:$0x3FFE];
	_ =	sdelay $0x1  }
0x8a: {  	s1 =	srdreg.scid  }
0x8b: {  	s0 =	sand.u32 $0x1, s1  }
0x8c: {  	s17 =	sshll.u32 s0, $0xA;
	s2 =	sadd.s32 s3, s2  }
0x8d: {  	s2 =	sadd.s32 s2, s17  }
0x8e: {  	[smem:$0x3FBE] =	sst s2  }
0x8f: {  	_ = 	snop  }
0x90: {  	s2 =	sld [smem:$0x3FD0];
	(tm) =	ssettm $0x1  }
0x91: {  	s18 =	sld [smem:$0x3FFB];
	_ =	sdelay $0x3  }
0x92: {  	_ =	strace s18  }
0x93: {  	s3 =	sld [smem:$0x3FFC];
	_ =	sdelay $0x3  }
0x94: {  	_ =	strace s3  }
0x95: {  	s3 =	sld [smem:$0x3FFD];
	_ =	sdelay $0x3  }
0x96: {  	_ =	strace s3  }
0x97: {  	_ =	strace $0x8FFFFFFF  }
0x98: {  	s19 =	sld [smem:$0x3FDB];
	_ =	sdelay $0x1  }
0x99: {  	s4 =	simm.s32 $_scs_section_size  }
0x9a: {  	s5 =	simm.s32 $_size__tile_overlayer_lowered;
	s6 =	simm.s32 $_tile_overlayer_lowered  }
0x9b: {  	s22 =	simm.s32 $0x1BFF;
	s21 =	sshll.u32 s6, $0x1;
	s3 =	sadd.s32 s4, s19  }
0x9c: {  	s7 =	simm.s32 $0x0;
	s20 =	sshll.u32 s5, $0x1;
	s5 =	sadd.s32 s21, s3  }
0x9d: {  	[timem:s7], [sflag:s22] =	dma.local [hbm:s5], s20  }
0x9e: {  	_ =	swait.ge [sflag:s22], s20  }
0x9f: {  	s4 =	ssub.s32 $0x0, s20;
	[sflag:s22] =	ssyncset.done $0x0  }
0xa0: {  	[sflag:s22] =	ssyncadd.s32 s4;
	_ =	sdelay $0x1  }
0xa1: {  	s23 =	simm.s32 $0x1B8B  }
0xa2: {  	_ =	swait.ge [sflag:s23], $0x1  }
0xa3: {  	[sflag:s23] =	ssyncset.done $0x0  }
0xa4: {  	s25 =	simm.s32 $0x1B8E;
	s24 =	sld [smem:$0x3FFE];
	[sflag:s23] =	ssyncadd.s32 $0xFFFFFFFF  }
0xa5: {  	s26 =	simm.s32 $execute0_lowered;
	[smem:$0x3FD2] =	sst s25  }
0xa6: {  	s5 =	sshll.u32 s26, $0x1;
	_ =	strace $0x8000004C;
	[dreg:$0x1] =	wrdreg $0xFFFFFFFF  }
0xa7: {  	s28 =	simm.s32 $_size_execute0_lowered;
	s3 =	sadd.s32 s3, s5;
	[dreg:$0x0] =	wrdreg $0x0  }
0xa8: {  	s5 =	sshll.u32 s28, $0x1;
	[dreg:$0x2] =	wrdreg s3  }
0xa9: {  	[dreg:$0x3] =	wrdreg s5  }
0xaa: {  	[dreg:$0x4] =	wrdreg $0xC0  }
0xab: {  	_ =	task [dreg:s7], $0x5FFFF  }
0xac: {  	[dreg:$0x1] =	wrdreg $0xFFFFFFFF  }
0xad: {  	[dreg:$0x0] =	wrdreg $0x60  }
0xae: {  	[dreg:$0x2] =	wrdreg s24  }
0xaf: {  	[dreg:$0x3] =	wrdreg s2  }
0xb0: {  	[dreg:$0x4] =	wrdreg $0xA8000  }
0xb1: {  	[dreg:$0x5] =	wrdreg $0x9  }
0xb2: {  	_ =	task.clear_ibuf [dreg:s7], $0x6FFFF;
	_ =	strace $0x9000004C  }
0xb3: {  	s29 =	simm.s32 $0x9;
	_ =	strace $0x8000004E  }
0xb4: {  	_ =	swait.ge [sflag:s29], $0x1  }
0xb5: {  	[sflag:s29] =	ssyncadd.s32 $0xFFFFFFFF  }
0xb6: {  	_ =	strace $0x9000004E  }
0xb7: {  	_ =	sfence  }
0xb8: {  	s30 =	sld [smem:$0x0];
	_ =	sdelay $0x2  }
0xb9: {  	s31 =	sshll.u32 s1, $0xD;
	s1 =	sshrl.u32 s1, $0x2  }
0xba: {  	s3 =	sand.u32 $0x4000, s31;
	s1 =	sadd.s32 s1, s30  }
0xbb: {  	s0 =	sor.u32 s3, s0;
	s1 =	sshll.u32 s1, $0x11  }
0xbc: {  	s0 =	sor.u32 s1, s0  }
0xbd: {  	s0 =	sadd.s32 $0x8F2B, s0  }
0xbe: {  	[sflag:s0] =	ssyncadd.remote.s32 $0x1  }
0xbf: {  	_ =	sfence.sel $0xFFFF  }
0xc0: {  	[dreg:$0x0] =	wrdreg $0xFFFFFFFF;
	(pc) =	sbr.abs _section_cstart, $3  }
0xc1: {  	[dreg:$0x1] =	wrdreg $0xFFFFFFFF  }
0xc2: {  	_ =	task.clear_ibuf [dreg:s7], $0x2FFFF;
	_ =	strace $0x9FFFFFFF  }
0xc3: {  	(tm) =	ssettm $0x7FFFFFFF  }
tec
execute0_lowered:
.L_overlay_start_1:
0x0: {  	(tag) =	ssettag $0x1  }
0x1: {  	s7 =	rddreg [dreg:$0x0]  }
0x2: {  	s1 =	rddreg [dreg:$0x1]  }
0x3: {  	s2 =	rddreg [dreg:$0x2]  }
0x4: {  	s3 =	srdreg.scid;
	s0 =	rddreg [dreg:$0x3];
	s4 =	simm.s32 $0x0  }
0x5: {  	s15 =	simm.s32 $0x2800;
	s16 =	simm.s32 $0x3;
	s17 =	simm.s32 $0x1400  }
0x6: {  	s18 =	simm.s32 $0x80;
	s19 =	simm.s32 $0x6800;
	s20 =	simm.s32 $0x1  }
0x7: {  	s21 =	simm.s32 $0x2;
	s22 =	sand.u32 $0x1, s3;
	s3 =	stileid.u32  }
0x8: {  	s23 =	simm.s32 $0x2780;
	[smem:$0x7FF] =	sst s4;
	s6 =	smul.u32 $0x140000, s22  }
0x9: {  	s5 =	sadd.s32 $0x4600, s7;
	s8 =	smul.u32 $0x14000, s3;
	_ =	strace $0x8000004D  }
0xa: {  	s9 =	smul.u32 $0x50000, s3;
	s10 =	ssub.s32 $0x2, s22;
	s31 =	sshll.u32 s22, $0x4  }
0xb: {  	p0 =	sne.s32 s22, $0x0;
	s22 =	simm.s32 $0x2700;
	s29 =	sshrl.u32 s10, $0x1  }
0xc: {  	s12 =	sor.u32 s3, s31;
	s8 =	sadd.s32 s8, s6;
	s6 =	sadd.s32 $0xE0600, s7  }
0xd: {  	s30 =	sshrl.u32 s9, $0x2;
	s14 =	ssub.s32 s10, s29;
	s8 =	sshrl.u32 s8, $0x3  }
0xe: {  	s12 =	smul.u32 $0x3C00, s12;
	s13 =	sadd.s32 s8, s7;
	s7 =	sadd.s32 s30, s2  }
0xf: {  	s14 =	smax.u32 s14, $0x1;
	s8 =	sadd.s32 $0x4000, s7;
	s9 =	sadd.s32 $0x8000, s7  }
0x10: {  	v0 =	vimm.f32 $0.0e+00;
	s10 =	sadd.s32 $0xC000, s7;
	s11 =	sadd.s32 $0x10000, s7;
	s13 =	sadd.s32 $0xEF600, s13  }
.LBB2_1:
0x11: {  	s24 =	simm.s32 $0x0;
	s25 =	simm.s32 $0x200  }
.LBB2_2:
0x12: {  	p1 =	sne.s32 s25, $0xFE00;
	[tilespmem:s24+$0x2870] =	vst v0  }
0x13: {  	[tilespmem:s24+$0x2800] =	vst v0  }
0x14: {  	[tilespmem:s24+$0x2810] =	vst v0  }
.Ltmp0:
0x15: {  	[tilespmem:s24+$0x2820] =	vst v0;
	(pc) =	sbr.rel @p1 .LBB2_2-.Ltmp0, $4  }
0x16: {  	[tilespmem:s24+$0x2830] =	vst v0  }
0x17: {  	[tilespmem:s24+$0x2840] =	vst v0  }
0x18: {  	[tilespmem:s24+$0x2850] =	vst v0  }
0x19: {  	[tilespmem:s24+$0x2860] =	vst v0;
	s24 =	sshra.s32 s25, $0x2;
	s25 =	sadd.s32 $0x200, s25  }
0x1a: {  	[tilespmem:s24+$0x2870] =	vst v0  }
0x1b: {  	[tilespmem:s24+$0x2800] =	vst v0  }
0x1c: {  	[tilespmem:s24+$0x2810] =	vst v0  }
0x1d: {  	[tilespmem:s24+$0x2820] =	vst v0  }
0x1e: {  	[tilespmem:s24+$0x2830] =	vst v0  }
0x1f: {  	[tilespmem:s24+$0x2840] =	vst v0  }
0x20: {  	[tilespmem:s24+$0x2850] =	vst v0  }
0x21: {  	[tilespmem:s24+$0x2860] =	vst v0  }
0x22: {  	[spmem:s7] =	stream.linear.scatter [tilespmem:s15], [sflag:$0x3], $0x4000, $0x38;
	[tilespmem:$0x1E800] =	vst v63  }
0x23: {  	_ =	swait.ge [sflag:s16], $0x4000  }
0x24: {  	[sflag:s16] =	ssyncset.done $0x0  }
0x25: {  	[sflag:s16] =	ssyncadd.s32 $0xFFFFC000  }
0x26: {  	[spmem:s8] =	stream.linear.scatter [tilespmem:s15], [sflag:$0x3], $0x4000, $0x38;
	[tilespmem:$0x1E800] =	vst v63  }
0x27: {  	_ =	swait.ge [sflag:s16], $0x4000  }
0x28: {  	[sflag:s16] =	ssyncset.done $0x0  }
0x29: {  	[sflag:s16] =	ssyncadd.s32 $0xFFFFC000  }
0x2a: {  	[spmem:s9] =	stream.linear.scatter [tilespmem:s15], [sflag:$0x3], $0x4000, $0x38;
	[tilespmem:$0x1E800] =	vst v63  }
0x2b: {  	_ =	swait.ge [sflag:s16], $0x4000  }
0x2c: {  	[sflag:s16] =	ssyncset.done $0x0  }
0x2d: {  	[sflag:s16] =	ssyncadd.s32 $0xFFFFC000  }
0x2e: {  	[spmem:s10] =	stream.linear.scatter [tilespmem:s15], [sflag:$0x3], $0x4000, $0x38;
	[tilespmem:$0x1E800] =	vst v63  }
0x2f: {  	_ =	swait.ge [sflag:s16], $0x4000  }
0x30: {  	[sflag:s16] =	ssyncset.done $0x0  }
0x31: {  	[sflag:s16] =	ssyncadd.s32 $0xFFFFC000  }
0x32: {  	[spmem:s11] =	stream.linear.scatter [tilespmem:s15], [sflag:$0x3], $0x4000, $0x38;
	[tilespmem:$0x1E800] =	vst v63  }
0x33: {  	_ =	swait.ge [sflag:s16], $0x4000  }
0x34: {  	[sflag:s16] =	ssyncset.done $0x0  }
0x35: {  	[sflag:s16] =	ssyncadd.s32 $0xFFFFC000  }
0x36: {  	s24 =	simm.s32 $0x0;
	s25 =	simm.s32 $0x0;
	[bflag:$0x0] =	sbarrier.arrive $0xFFFF  }
.LBB2_4:
0x37: {  	s26 =	smul.u32 $0x1400, s25;
	_ =	sdelay $0x1  }
0x38: {  	s26 =	sadd.s32 s12, s26  }
0x39: {  	s26 =	sshrl.u32 s26, $0x3  }
0x3a: {  	s28 =	sadd.s32 s1, s26  }
0x3b: {  	[tilespmem:s24], [sflag:$0x3] =	stream.linear.gather [hbm4b:s28+s24], $0x1400, $0x38;
	[tilespmem:$0x1E800] =	vst v63  }
0x3c: {  	_ =	swait.ge [sflag:s16], $0x1400  }
0x3d: {  	[sflag:s16] =	ssyncset.done $0x0  }
0x3e: {  	s26 =	sadd.s32 s6, s26;
	[sflag:s16] =	ssyncadd.s32 $0xFFFFEC00  }
0x3f: {  	[tilespmem:s17], [sflag:$0x3] =	stream.linear.gather [hbm4b:s26+s24], $0x1400, $0x38;
	[tilespmem:$0x1E800] =	vst v63  }
0x40: {  	_ =	swait.ge [sflag:s16], $0x1400  }
0x41: {  	[sflag:s16] =	ssyncset.done $0x0  }
0x42: {  	[sflag:s16] =	ssyncadd.s32 $0xFFFFEC00  }
0x43: {  	[tilespmem:s15], [sflag:$0x1] =	stream.indirect.gather [hbm4b:s5+s18], $0x80, s24, s18, $0xb8;
	[tilespmem:$0x1E800] =	vst v63  }
0x44: {  	_ = 	snop  }
0x45: {  	[tilespmem:s19], [sflag:$0x2] =	stream.indirect.gather [hbm4b:s5+s18], $0x80, s18, s18, $0xb8;
	[tilespmem:$0x1E800] =	vst v63  }
0x46: {  	_ =	swait.ge [sflag:s20], $0x4000  }
0x47: {  	[sflag:s20] =	ssyncset.done $0x0  }
0x48: {  	s29 =	simm.s32 $0x1400;
	[sflag:s20] =	ssyncadd.s32 $0xFFFFC000  }
0x49: {  	[spmem:s2] =	stream.indirect.scatter.add.f32 [tilespmem:s15], [sflag:$0x3], $0x80, s29, s18, $0xb8;
	[tilespmem:$0x1E800] =	vst v63  }
0x4a: {  	_ =	swait.ge [sflag:s16], $0x4000  }
0x4b: {  	[sflag:s16] =	ssyncset.done $0x0  }
0x4c: {  	s30 =	simm.s32 $0x100;
	[sflag:s16] =	ssyncadd.s32 $0xFFFFC000  }
0x4d: {  	[tilespmem:s15], [sflag:$0x1] =	stream.indirect.gather [hbm4b:s5+s18], $0x80, s30, s18, $0xb8;
	[tilespmem:$0x1E800] =	vst v63  }
0x4e: {  	_ =	swait.ge [sflag:s21], $0x4000  }
0x4f: {  	[sflag:s21] =	ssyncset.done $0x0  }
0x50: {  	s31 =	simm.s32 $0x1480;
	[sflag:s21] =	ssyncadd.s32 $0xFFFFC000  }
0x51: {  	[spmem:s2] =	stream.indirect.scatter.add.f32 [tilespmem:s19], [sflag:$0x3], $0x80, s31, s18, $0xb8;
	[tilespmem:$0x1E800] =	vst v63  }
0x52: {  	_ =	swait.ge [sflag:s16], $0x4000  }
0x53: {  	[sflag:s16] =	ssyncset.done $0x0  }
0x54: {  	s28 =	simm.s32 $0x180;
	s26 =	simm.s32 $0x400;
	[sflag:s16] =	ssyncadd.s32 $0xFFFFC000  }
.LBB2_5:
0x55: {  	[tilespmem:s19], [sflag:$0x2] =	stream.indirect.gather [hbm4b:s5+s18], $0x80, s28, s18, $0xb8;
	[tilespmem:$0x1E800] =	vst v63  }
0x56: {  	s28 =	smov.u32 s26  }
0x57: {  	p1 =	sne.s32 s26, $0x4800;
	s26 =	sadd.s32 $0x400, s26;
	_ =	swait.ge [sflag:s20], $0x4000  }
0x58: {  	s28 =	sshra.s32 s28, $0x2;
	[sflag:s20] =	ssyncset.done $0x0  }
0x59: {  	s29 =	sadd.s32 $0x1400, s28;
	[sflag:s20] =	ssyncadd.s32 $0xFFFFC000  }
0x5a: {  	[spmem:s2] =	stream.indirect.scatter.add.f32 [tilespmem:s15], [sflag:$0x3], $0x80, s29, s18, $0xb8;
	[tilespmem:$0x1E800] =	vst v63  }
0x5b: {  	_ =	swait.ge [sflag:s16], $0x4000  }
0x5c: {  	[sflag:s16] =	ssyncset.done $0x0  }
0x5d: {  	s29 =	sadd.s32 $0x100, s28;
	[sflag:s16] =	ssyncadd.s32 $0xFFFFC000  }
0x5e: {  	[tilespmem:s15], [sflag:$0x1] =	stream.indirect.gather [hbm4b:s5+s18], $0x80, s29, s18, $0xb8;
	[tilespmem:$0x1E800] =	vst v63  }
0x5f: {  	_ =	swait.ge [sflag:s21], $0x4000  }
0x60: {  	[sflag:s21] =	ssyncset.done $0x0  }
.Ltmp1:
0x61: {  	s29 =	sadd.s32 $0x1480, s28;
	[sflag:s21] =	ssyncadd.s32 $0xFFFFC000;
	(pc) =	sbr.rel @p1 .LBB2_5-.Ltmp1, $4  }
0x62: {  	[spmem:s2] =	stream.indirect.scatter.add.f32 [tilespmem:s19], [sflag:$0x3], $0x80, s29, s18, $0xb8;
	[tilespmem:$0x1E800] =	vst v63  }
0x63: {  	_ =	swait.ge [sflag:s16], $0x4000  }
0x64: {  	[sflag:s16] =	ssyncset.done $0x0  }
0x65: {  	s28 =	sadd.s32 $0x180, s28;
	[sflag:s16] =	ssyncadd.s32 $0xFFFFC000  }
0x66: {  	[tilespmem:s19], [sflag:$0x2] =	stream.indirect.gather [hbm4b:s5+s18], $0x80, s28, s18, $0xb8;
	[tilespmem:$0x1E800] =	vst v63  }
0x67: {  	_ =	swait.ge [sflag:s20], $0x4000  }
0x68: {  	[sflag:s20] =	ssyncset.done $0x0  }
0x69: {  	[sflag:s20] =	ssyncadd.s32 $0xFFFFC000  }
0x6a: {  	[spmem:s2] =	stream.indirect.scatter.add.f32 [tilespmem:s15], [sflag:$0x3], $0x80, s22, s18, $0xb8;
	[tilespmem:$0x1E800] =	vst v63  }
0x6b: {  	_ =	swait.ge [sflag:s16], $0x4000  }
0x6c: {  	[sflag:s16] =	ssyncset.done $0x0  }
0x6d: {  	[sflag:s16] =	ssyncadd.s32 $0xFFFFC000  }
0x6e: {  	p1 =	slt.u32 @!p0 s25, $0x2;
	_ =	swait.ge [sflag:s21], $0x4000  }
0x6f: {  	p1 =	por p0, !p1;
	[sflag:s21] =	ssyncset.done $0x0  }
.Ltmp2:
0x70: {  	[sflag:s21] =	ssyncadd.s32 $0xFFFFC000;
	(pc) =	sbr.rel @!p1 .LBB2_4-.Ltmp2, $4  }
0x71: {  	[spmem:s2] =	stream.indirect.scatter.add.f32 [tilespmem:s19], [sflag:$0x3], $0x80, s23, s18, $0xb8;
	[tilespmem:$0x1E800] =	vst v63  }
0x72: {  	_ =	swait.ge [sflag:s16], $0x4000  }
0x73: {  	[sflag:s16] =	ssyncset.done $0x0  }
0x74: {  	s25 =	sadd.s32 $0x1, s25;
	[sflag:s16] =	ssyncadd.s32 $0xFFFFC000  }
0x75: {  	s4 =	sadd.s32 $0x1, s4  }
0x76: {  	s24 =	sshll.u32 s3, $0x6;
	[bflag:$0x0] =	sbarrier.arrive $0xFFFF;
	p1 =	sne.s32 s4, s14  }
.Ltmp3:
0x77: {  	s25 =	sshrl.u32 s7, $0x3;
	s24 =	sor.u32 $0x1C03, s24;
	(pc) =	sbr.rel @p1 .LBB2_1-.Ltmp3, $4  }
0x78: {  	[hbm:s13], [sflag:s24] =	dma.local [spmem:s25], $0x2800  }
0x79: {  	_ =	swait.ge [sflag:s16], $0x2800  }
0x7a: {  	[sflag:s16] =	ssyncset.done $0x0  }
0x7b: {  	[sflag:s16] =	ssyncadd.s32 $0xFFFFD800  }
0x7c: {  	_ =	sfence.sel $0x180000  }
0x7d: {  	[bflag:$0x0] =	sbarrier.arrive $0xFFFF  }
0x7e: {  	p0 =	sne.s32 s3, $0x0;
	_ =	strace $0x9000004D  }
0x7f: {  	s0 =	sadd.s32 @!p0 $0x100000, s0;
	[bflag:$0x2] =	sbarrier.arrive $0xFFFF  }
0x80: {  	[sflag:s0] =	ssyncadd.tile.s32 @!p0 $0x1;
	_ =	shalt  }
.Lfunc_end2:
_tile_overlayer_lowered:
.L_overlay_start_2:
0x81: {  	(tag) =	ssettag $0x2  }
0x82: {  	s0 =	rddreg [dreg:$0x0];
	s2 =	stileid.u32  }
0x83: {  	s1 =	rddreg [dreg:$0x1];
	p0 =	sne.s32 s2, $0x0  }
0x84: {  	s3 =	rddreg [dreg:$0x2];
	[bflag:$0x3] =	sbarrier.arrive $0xFFFF;
	s2 =	simm.s32 @!p0 $0x1C03  }
0x85: {  	[timem:s3], [sflag:s2] =	dma.local @!p0 [hbm:s0], s1  }
0x86: {  	s0 =	simm.s32 @!p0 $0x3  }
0x87: {  	_ =	swait.ge @!p0 [sflag:s0], s1  }
0x88: {  	s1 =	ssub.s32 @!p0 $0x0, s1;
	[sflag:s0] =	ssyncset.done @!p0 $0x0  }
0x89: {  	[sflag:s0] =	ssyncadd.s32 @!p0 s1  }
0x8a: {  	[bflag:$0x3] =	sbarrier.arrive $0xFFFF  }
0x8b: {  	_ =	shalt  }

// kernel: kernel.21.cloned.1.call-start
scs
__scs_entry_jumppad:
0x0: {  	(pc) =	sbr.rel $0x88, $3  }
0x1: {  	(tag) =	ssettag $0x0;
	lr =	simm.s32 $0x1  }
0x2: {  	[smem:$0x3F97] =	sst lr;
	_ =	strace $0xD0000000  }
0x3: {  	_ = 	snop  }
0x4: {  	_ = 	snop  }
0x5: {  	_ = 	snop  }
0x6: {  	_ = 	snop  }
0x7: {  	_ = 	snop  }
__scs_overlays_trampoline_lowered:
0x8: {  	[smem:$0x3FA6] =	sst s0  }
0x9: {  	[smem:$0x3FA7] =	sst s1  }
0xa: {  	[smem:$0x3FA8] =	sst s2  }
0xb: {  	[smem:$0x3FA9] =	sst s3  }
0xc: {  	[smem:$0x3FAA] =	sst s4  }
0xd: {  	[smem:$0x3FAB] =	sst s5  }
0xe: {  	[smem:$0x3FAC] =	sst s6  }
0xf: {  	[smem:$0x3FAD] =	sst s7  }
0x10: {  	[smem:$0x3FAE] =	sst s8  }
0x11: {  	[smem:$0x3FAF] =	sst s9;
	s0 =	simm.s32 @!p0 $0x0  }
0x12: {  	s1 =	sld [smem:$0x3F95];
	s0 =	simm.s32 @p0 $0x1  }
0x13: {  	[smem:$0x3FB0] =	sst s0;
	s0 =	simm.s32 @!p1 $0x0  }
0x14: {  	s2 =	sld [smem:$0x3F94];
	s0 =	simm.s32 @p1 $0x1  }
0x15: {  	[smem:$0x3FB1] =	sst s0;
	s0 =	simm.s32 @!p2 $0x0  }
0x16: {  	s3 =	sld [smem:$0x3FDB];
	s0 =	simm.s32 @p2 $0x1  }
0x17: {  	s4 =	simm.s32 $0x1BF5;
	[smem:$0x3FB3] =	sst s0  }
0x18: {  	s0 =	sld [smem:$0x3F96];
	_ =	swait.ge [sflag:s4], $0x0  }
0x19: {  	s7 =	sld [smem:$0x3F97]  }
0x1a: {  	s8 =	sadd.s32 $0xFFFFE003, lr  }
0x1b: {  	s9 =	sadd.s32 $0xFFFFFEF7, lr;
	s5 =	simm.s32 $0xFFFFFFFF;
	p2 =	slt.u32 s8, $0xFFFFF086  }
0x1c: {  	p1 =	slt.u32 s9, $0xF7A;
	s5 =	simm.s32 @!p2 $0x0  }
0x1d: {  	s5 =	simm.s32 @p1 $0x1;
	p0 =	seq.s32 s7, s2  }
0x1e: {  	s7 =	smul.u32 @!p0 $0xF7A, s2;
	p2 =	seq.s32 @!p0 s5, $0x0  }
0x1f: {  	s9 =	smul.u32 $0xF7A, s1;
	s8 =	simm.s32 @!p0 $0x1BF5;
	p2 =	por !p2, p0  }
0x20: {  	[sflag:s8] =	ssyncset.s32 @!p0 $0xFFFFF086;
	s6 =	sadd.s32 @!p0 s3, s7;
	s7 =	simm.s32 @!p0 $0x108  }
0x21: {  	s3 =	sadd.s32 s3, s9;
	s6 =	sadd.s32 @!p0 $0x88, s6;
	s7 =	simm.s32 @p2 $0x1082  }
0x22: {  	[simem:s7], [sflag:s8] =	dma.local @!p0 [hbm:s6], $0xF7A  }
0x23: {  	s9 =	sor.u32 $0xD0000000, s2;
	s6 =	simm.s32 $0x108;
	_ =	swait.ge @!p0 [sflag:s8], $0x0  }
0x24: {  	s3 =	sadd.s32 $0x88, s3;
	s6 =	simm.s32 @!p1 $0x1082;
	[sflag:s4] =	ssyncset.s32 $0xFFFFF086  }
0x25: {  	[simem:s6], [sflag:s4] =	dma.local [hbm:s3], $0xF7A  }
0x26: {  	[smem:$0x3F97] =	sst s1;
	(tag) =	ssettag s2;
	_ =	strace s9  }
0x27: {  	s1 =	sld [smem:$0x3FA7]  }
0x28: {  	s2 =	sld [smem:$0x3FA8]  }
0x29: {  	s4 =	sld [smem:$0x3FAA]  }
0x2a: {  	p0 =	seq.s32 s5, $0x0;
	s5 =	sld [smem:$0x3FAB]  }
0x2b: {  	s6 =	sld [smem:$0x3FAC]  }
0x2c: {  	s7 =	sld [smem:$0x3FAD]  }
0x2d: {  	s3 =	simm.s32 $0x108;
	s8 =	sld [smem:$0x3FAE]  }
0x2e: {  	s3 =	simm.s32 @!p0 $0x1082;
	s9 =	sld [smem:$0x3FAF]  }
0x2f: {  	lr =	sadd.s32 s0, s3;
	s0 =	sld [smem:$0x3FA6]  }
0x30: {  	s3 =	sld [smem:$0x3FA9]  }
0x31: {  	[smem:$0x3FB2] =	sst s10  }
0x32: {  	s10 =	sld [smem:$0x3FB0];
	_ =	sdelay $0x3  }
0x33: {  	p0 =	seq.s32 s10, $0x1;
	s10 =	sld [smem:$0x3FB2];
	_ =	sdelay $0x3  }
0x34: {  	[smem:$0x3FB2] =	sst s10  }
0x35: {  	s10 =	sld [smem:$0x3FB1];
	_ =	sdelay $0x3  }
0x36: {  	p1 =	seq.s32 s10, $0x1;
	s10 =	sld [smem:$0x3FB2];
	_ =	sdelay $0x3  }
0x37: {  	[smem:$0x3FB2] =	sst s10  }
0x38: {  	s10 =	sld [smem:$0x3FB3]  }
0x39: {  	_ = 	snop;
	(pc) =	sbr.ind lr, $3  }
0x3a: {  	_ = 	snop  }
0x3b: {  	_ = 	snop  }
0x3c: {  	p2 =	seq.s32 s10, $0x1;
	s10 =	sld [smem:$0x3FB2]  }
0x3d: {  	_ =	shalt  }
0x3e: {  	_ =	shalt  }
0x3f: {  	_ =	shalt  }
0x40: {  	_ =	shalt  }
0x41: {  	_ =	shalt  }
0x42: {  	_ =	shalt  }
0x43: {  	_ =	shalt  }
0x44: {  	_ =	shalt  }
0x45: {  	_ =	shalt  }
0x46: {  	_ =	shalt  }
0x47: {  	_ =	shalt  }
0x48: {  	_ =	shalt  }
0x49: {  	_ =	shalt  }
0x4a: {  	_ =	shalt  }
0x4b: {  	_ =	shalt  }
0x4c: {  	_ =	shalt  }
0x4d: {  	_ =	shalt  }
0x4e: {  	_ =	shalt  }
0x4f: {  	_ =	shalt  }
0x50: {  	_ =	shalt  }
0x51: {  	_ =	shalt  }
0x52: {  	_ =	shalt  }
0x53: {  	_ =	shalt  }
0x54: {  	_ =	shalt  }
0x55: {  	_ =	shalt  }
0x56: {  	_ =	shalt  }
0x57: {  	_ =	shalt  }
0x58: {  	_ =	shalt  }
0x59: {  	_ =	shalt  }
0x5a: {  	_ =	shalt  }
0x5b: {  	_ =	shalt  }
0x5c: {  	_ =	shalt  }
0x5d: {  	_ =	shalt  }
0x5e: {  	_ =	shalt  }
0x5f: {  	_ =	shalt  }
0x60: {  	_ =	shalt  }
0x61: {  	_ =	shalt  }
0x62: {  	_ =	shalt  }
0x63: {  	_ =	shalt  }
0x64: {  	_ =	shalt  }
0x65: {  	_ =	shalt  }
0x66: {  	_ =	shalt  }
0x67: {  	_ =	shalt  }
0x68: {  	_ =	shalt  }
0x69: {  	_ =	shalt  }
0x6a: {  	_ =	shalt  }
0x6b: {  	_ =	shalt  }
0x6c: {  	_ =	shalt  }
0x6d: {  	_ =	shalt  }
0x6e: {  	_ =	shalt  }
0x6f: {  	_ =	shalt  }
0x70: {  	_ =	shalt  }
0x71: {  	_ =	shalt  }
0x72: {  	_ =	shalt  }
0x73: {  	_ =	shalt  }
0x74: {  	_ =	shalt  }
0x75: {  	_ =	shalt  }
0x76: {  	_ =	shalt  }
0x77: {  	_ =	shalt  }
0x78: {  	_ =	shalt  }
0x79: {  	_ =	shalt  }
0x7a: {  	_ =	shalt  }
0x7b: {  	_ =	shalt  }
0x7c: {  	_ =	shalt  }
0x7d: {  	_ =	shalt  }
0x7e: {  	_ =	shalt  }
0x7f: {  	_ =	shalt  }
0x80: {  	_ =	shalt  }
0x81: {  	_ =	shalt  }
0x82: {  	_ =	shalt  }
0x83: {  	_ =	shalt  }
0x84: {  	_ =	shalt  }
0x85: {  	_ =	shalt  }
0x86: {  	_ =	shalt  }
0x87: {  	_ =	shalt  }
.Lfunc_end0:
.L_simem_size_0:
called_computation.3_lowered:
.L_overlay_start_0:
0x88: {  	s2 =	sld [smem:$0x3FD9]  }
0x89: {  	s3 =	sld [smem:$0x3FFE];
	_ =	sdelay $0x1  }
0x8a: {  	s1 =	srdreg.scid  }
0x8b: {  	s0 =	sand.u32 $0x1, s1  }
0x8c: {  	s17 =	sshll.u32 s0, $0xA;
	s2 =	sadd.s32 s3, s2  }
0x8d: {  	s2 =	sadd.s32 s2, s17  }
0x8e: {  	[smem:$0x3FBE] =	sst s2  }
0x8f: {  	_ = 	snop  }
0x90: {  	s18 =	sld [smem:$0x3FD0];
	(tm) =	ssettm $0x1  }
0x91: {  	s19 =	sld [smem:$0x3FFB];
	_ =	sdelay $0x3  }
0x92: {  	_ =	strace s19  }
0x93: {  	s2 =	sld [smem:$0x3FFC];
	_ =	sdelay $0x3  }
0x94: {  	_ =	strace s2  }
0x95: {  	s2 =	sld [smem:$0x3FFD];
	_ =	sdelay $0x3  }
0x96: {  	_ =	strace s2  }
0x97: {  	_ =	strace $0x8FFFFFFF  }
0x98: {  	s20 =	sld [smem:$0x3FDB];
	_ =	sdelay $0x1  }
0x99: {  	s4 =	simm.s32 $_scs_section_size  }
0x9a: {  	s5 =	simm.s32 $_size__tile_overlayer_lowered;
	s6 =	simm.s32 $_tile_overlayer_lowered  }
0x9b: {  	s7 =	simm.s32 $0x1BFF;
	s21 =	sshll.u32 s6, $0x1;
	s4 =	sadd.s32 s4, s20  }
0x9c: {  	s22 =	simm.s32 $0x0;
	s5 =	sshll.u32 s5, $0x1;
	s6 =	sadd.s32 s21, s4  }
0x9d: {  	[timem:s22], [sflag:s7] =	dma.local [hbm:s6], s5  }
0x9e: {  	_ =	swait.ge [sflag:s7], s5  }
0x9f: {  	s5 =	ssub.s32 $0x0, s5;
	[sflag:s7] =	ssyncset.done $0x0  }
0xa0: {  	[sflag:s7] =	ssyncadd.s32 s5;
	_ =	sdelay $0x1  }
0xa1: {  	s23 =	simm.s32 $0x1B8B  }
0xa2: {  	_ =	swait.ge [sflag:s23], $0x1  }
0xa3: {  	[sflag:s23] =	ssyncset.done $0x0  }
0xa4: {  	[sflag:s23] =	ssyncadd.s32 $0xFFFFFFFF  }
0xa5: {  	s5 =	sld [smem:$0x0]  }
0xa6: {  	s6 =	sand.u32 $0xFFFFFFFE, s1  }
0xa7: {  	p0 =	sne.s32 s1, s6  }
0xa8: {  	s6 =	sshll.u32 @p0 s6, $0xE  }
0xa9: {  	s6 =	sadd.s32 @p0 $0x11B8D, s6;
	s7 =	sshll.u32 @p0 s5, $0x11  }
0xaa: {  	s6 =	sor.u32 @p0 s7, s6  }
0xab: {  	[sflag:s6] =	ssyncadd.remote.s32 @p0 $0x1;
	_ =	sdelay $0x1  }
0xac: {  	s6 =	simm.s32 @p0 $0x1B8D  }
0xad: {  	_ =	swait.eq @p0 [sflag:s6], $0x1  }
0xae: {  	[sflag:s6] =	ssyncadd.s32 @p0 $0xFFFFFFFF  }
0xaf: {  	s7 =	sshll.u32 @!p0 s1, $0xE  }
0xb0: {  	s7 =	sor.u32 @!p0 $0x4000, s7;
	s6 =	simm.s32 @!p0 $0x1B8D  }
0xb1: {  	s5 =	sshll.u32 @!p0 s5, $0x11;
	s7 =	sadd.s32 @!p0 $0x11B8D, s7;
	_ =	swait.eq @!p0 [sflag:s6], $0x1  }
0xb2: {  	s5 =	sor.u32 @!p0 s5, s7;
	[sflag:s6] =	ssyncadd.s32 @!p0 $0xFFFFFFFF  }
0xb3: {  	s25 =	simm.s32 $0x1B8E;
	s24 =	sld [smem:$0x3FFE];
	[sflag:s5] =	ssyncadd.remote.s32 @!p0 $0x1  }
0xb4: {  	s26 =	simm.s32 $execute0_lowered;
	[smem:$0x3FD2] =	sst s25  }
0xb5: {  	s6 =	sshll.u32 s26, $0x1;
	_ =	strace $0x80000052;
	[dreg:$0x1] =	wrdreg $0xFFFFFFFF  }
0xb6: {  	s28 =	simm.s32 $_size_execute0_lowered;
	s4 =	sadd.s32 s4, s6;
	[dreg:$0x0] =	wrdreg $0x0  }
0xb7: {  	s6 =	sshll.u32 s28, $0x1;
	[dreg:$0x2] =	wrdreg s4  }
0xb8: {  	[dreg:$0x3] =	wrdreg s6  }
0xb9: {  	[dreg:$0x4] =	wrdreg $0xC0  }
0xba: {  	_ =	task [dreg:s22], $0x5FFFF  }
0xbb: {  	[dreg:$0x1] =	wrdreg $0xFFFFFFFF  }
0xbc: {  	[dreg:$0x0] =	wrdreg $0x60  }
0xbd: {  	[dreg:$0x2] =	wrdreg s24  }
0xbe: {  	[dreg:$0x3] =	wrdreg s18  }
0xbf: {  	[dreg:$0x4] =	wrdreg $0xA8000  }
0xc0: {  	[dreg:$0x5] =	wrdreg $0x9  }
0xc1: {  	_ =	task.clear_ibuf [dreg:s22], $0x6FFFF;
	_ =	strace $0x90000052  }
0xc2: {  	s29 =	simm.s32 $0x9;
	_ =	strace $0x80000054  }
0xc3: {  	_ =	swait.ge [sflag:s29], $0x1  }
0xc4: {  	[sflag:s29] =	ssyncadd.s32 $0xFFFFFFFF  }
0xc5: {  	_ =	strace $0x90000054  }
0xc6: {  	_ =	sfence  }
0xc7: {  	s30 =	sld [smem:$0x0];
	_ =	sdelay $0x2  }
0xc8: {  	s31 =	sshll.u32 s1, $0xD;
	s1 =	sshrl.u32 s1, $0x2  }
0xc9: {  	s4 =	sand.u32 $0x4000, s31;
	s1 =	sadd.s32 s1, s30  }
0xca: {  	s0 =	sor.u32 s4, s0;
	s1 =	sshll.u32 s1, $0x11  }
0xcb: {  	s0 =	sor.u32 s1, s0  }
0xcc: {  	s0 =	sadd.s32 $0x8F2B, s0  }
0xcd: {  	[sflag:s0] =	ssyncadd.remote.s32 $0x1  }
0xce: {  	_ =	sfence.sel $0xFFFF  }
0xcf: {  	[dreg:$0x0] =	wrdreg $0xFFFFFFFF;
	(pc) =	sbr.abs _section_cstart, $3  }
0xd0: {  	[dreg:$0x1] =	wrdreg $0xFFFFFFFF  }
0xd1: {  	_ =	task.clear_ibuf [dreg:s22], $0x2FFFF;
	_ =	strace $0x9FFFFFFF  }
0xd2: {  	(tm) =	ssettm $0x7FFFFFFF  }
0xd3: {  	_ =	shalt  }
tec
execute0_lowered:
.L_overlay_start_1:
0x0: {  	(tag) =	ssettag $0x1  }
0x1: {  	s7 =	rddreg [dreg:$0x0]  }
0x2: {  	s1 =	rddreg [dreg:$0x1]  }
0x3: {  	s2 =	rddreg [dreg:$0x2]  }
0x4: {  	s3 =	srdreg.scid;
	s0 =	rddreg [dreg:$0x3];
	s4 =	simm.s32 $0x0  }
0x5: {  	s15 =	simm.s32 $0x2800;
	s16 =	simm.s32 $0x3;
	s17 =	simm.s32 $0x1400  }
0x6: {  	s18 =	simm.s32 $0x80;
	s19 =	simm.s32 $0x6800;
	s20 =	simm.s32 $0x1  }
0x7: {  	s21 =	simm.s32 $0x2;
	s22 =	sand.u32 $0x1, s3;
	s3 =	stileid.u32  }
0x8: {  	s23 =	simm.s32 $0x2780;
	[smem:$0x7FF] =	sst s4;
	s6 =	smul.u32 $0x140000, s22  }
0x9: {  	s5 =	sadd.s32 $0x2C600, s7;
	s8 =	smul.u32 $0x14000, s3;
	_ =	strace $0x80000053  }
0xa: {  	s9 =	smul.u32 $0x50000, s3;
	s10 =	ssub.s32 $0x2, s22;
	s31 =	sshll.u32 s22, $0x4  }
0xb: {  	p0 =	sne.s32 s22, $0x0;
	s22 =	simm.s32 $0x2700;
	s29 =	sshrl.u32 s10, $0x1  }
0xc: {  	s12 =	sor.u32 s3, s31;
	s8 =	sadd.s32 s8, s6;
	s6 =	sadd.s32 $0xE0600, s7  }
0xd: {  	s30 =	sshrl.u32 s9, $0x2;
	s14 =	ssub.s32 s10, s29;
	s8 =	sshrl.u32 s8, $0x3  }
0xe: {  	s12 =	smul.u32 $0x3C00, s12;
	s13 =	sadd.s32 s8, s7;
	s7 =	sadd.s32 s30, s2  }
0xf: {  	s14 =	smax.u32 s14, $0x1;
	s8 =	sadd.s32 $0x4000, s7;
	s9 =	sadd.s32 $0x8000, s7  }
0x10: {  	v0 =	vimm.f32 $0.0e+00;
	s10 =	sadd.s32 $0xC000, s7;
	s11 =	sadd.s32 $0x10000, s7;
	s13 =	sadd.s32 $0x13F600, s13  }
.LBB2_1:
0x11: {  	s24 =	simm.s32 $0x0;
	s25 =	simm.s32 $0x200  }
.LBB2_2:
0x12: {  	p1 =	sne.s32 s25, $0xFE00;
	[tilespmem:s24+$0x2870] =	vst v0  }
0x13: {  	[tilespmem:s24+$0x2800] =	vst v0  }
0x14: {  	[tilespmem:s24+$0x2810] =	vst v0  }
.Ltmp0:
0x15: {  	[tilespmem:s24+$0x2820] =	vst v0;
	(pc) =	sbr.rel @p1 .LBB2_2-.Ltmp0, $4  }
0x16: {  	[tilespmem:s24+$0x2830] =	vst v0  }
0x17: {  	[tilespmem:s24+$0x2840] =	vst v0  }
0x18: {  	[tilespmem:s24+$0x2850] =	vst v0  }
0x19: {  	[tilespmem:s24+$0x2860] =	vst v0;
	s24 =	sshra.s32 s25, $0x2;
	s25 =	sadd.s32 $0x200, s25  }
0x1a: {  	[tilespmem:s24+$0x2870] =	vst v0  }
0x1b: {  	[tilespmem:s24+$0x2800] =	vst v0  }
0x1c: {  	[tilespmem:s24+$0x2810] =	vst v0  }
0x1d: {  	[tilespmem:s24+$0x2820] =	vst v0  }
0x1e: {  	[tilespmem:s24+$0x2830] =	vst v0  }
0x1f: {  	[tilespmem:s24+$0x2840] =	vst v0  }
0x20: {  	[tilespmem:s24+$0x2850] =	vst v0  }
0x21: {  	[tilespmem:s24+$0x2860] =	vst v0  }
0x22: {  	[spmem:s7] =	stream.linear.scatter [tilespmem:s15], [sflag:$0x3], $0x4000, $0x38;
	[tilespmem:$0x1E800] =	vst v63  }
0x23: {  	_ =	swait.ge [sflag:s16], $0x4000  }
0x24: {  	[sflag:s16] =	ssyncset.done $0x0  }
0x25: {  	[sflag:s16] =	ssyncadd.s32 $0xFFFFC000  }
0x26: {  	[spmem:s8] =	stream.linear.scatter [tilespmem:s15], [sflag:$0x3], $0x4000, $0x38;
	[tilespmem:$0x1E800] =	vst v63  }
0x27: {  	_ =	swait.ge [sflag:s16], $0x4000  }
0x28: {  	[sflag:s16] =	ssyncset.done $0x0  }
0x29: {  	[sflag:s16] =	ssyncadd.s32 $0xFFFFC000  }
0x2a: {  	[spmem:s9] =	stream.linear.scatter [tilespmem:s15], [sflag:$0x3], $0x4000, $0x38;
	[tilespmem:$0x1E800] =	vst v63  }
0x2b: {  	_ =	swait.ge [sflag:s16], $0x4000  }
0x2c: {  	[sflag:s16] =	ssyncset.done $0x0  }
0x2d: {  	[sflag:s16] =	ssyncadd.s32 $0xFFFFC000  }
0x2e: {  	[spmem:s10] =	stream.linear.scatter [tilespmem:s15], [sflag:$0x3], $0x4000, $0x38;
	[tilespmem:$0x1E800] =	vst v63  }
0x2f: {  	_ =	swait.ge [sflag:s16], $0x4000  }
0x30: {  	[sflag:s16] =	ssyncset.done $0x0  }
0x31: {  	[sflag:s16] =	ssyncadd.s32 $0xFFFFC000  }
0x32: {  	[spmem:s11] =	stream.linear.scatter [tilespmem:s15], [sflag:$0x3], $0x4000, $0x38;
	[tilespmem:$0x1E800] =	vst v63  }
0x33: {  	_ =	swait.ge [sflag:s16], $0x4000  }
0x34: {  	[sflag:s16] =	ssyncset.done $0x0  }
0x35: {  	[sflag:s16] =	ssyncadd.s32 $0xFFFFC000  }
0x36: {  	s24 =	simm.s32 $0x0;
	s25 =	simm.s32 $0x0;
	[bflag:$0x0] =	sbarrier.arrive $0xFFFF  }
.LBB2_4:
0x37: {  	s26 =	smul.u32 $0x1400, s25;
	_ =	sdelay $0x1  }
0x38: {  	s26 =	sadd.s32 s12, s26  }
0x39: {  	s26 =	sshrl.u32 s26, $0x3  }
0x3a: {  	s28 =	sadd.s32 s6, s26  }
0x3b: {  	[tilespmem:s24], [sflag:$0x3] =	stream.linear.gather [hbm4b:s28+s24], $0x1400, $0x38;
	[tilespmem:$0x1E800] =	vst v63  }
0x3c: {  	_ =	swait.ge [sflag:s16], $0x1400  }
0x3d: {  	[sflag:s16] =	ssyncset.done $0x0  }
0x3e: {  	s26 =	sadd.s32 s1, s26;
	[sflag:s16] =	ssyncadd.s32 $0xFFFFEC00  }
0x3f: {  	[tilespmem:s17], [sflag:$0x3] =	stream.linear.gather [hbm4b:s26+s24], $0x1400, $0x38;
	[tilespmem:$0x1E800] =	vst v63  }
0x40: {  	_ =	swait.ge [sflag:s16], $0x1400  }
0x41: {  	[sflag:s16] =	ssyncset.done $0x0  }
0x42: {  	[sflag:s16] =	ssyncadd.s32 $0xFFFFEC00  }
0x43: {  	[tilespmem:s15], [sflag:$0x1] =	stream.indirect.gather [hbm4b:s5+s18], $0x80, s24, s18, $0xb8;
	[tilespmem:$0x1E800] =	vst v63  }
0x44: {  	_ = 	snop  }
0x45: {  	[tilespmem:s19], [sflag:$0x2] =	stream.indirect.gather [hbm4b:s5+s18], $0x80, s18, s18, $0xb8;
	[tilespmem:$0x1E800] =	vst v63  }
0x46: {  	_ =	swait.ge [sflag:s20], $0x4000  }
0x47: {  	[sflag:s20] =	ssyncset.done $0x0  }
0x48: {  	s29 =	simm.s32 $0x1400;
	[sflag:s20] =	ssyncadd.s32 $0xFFFFC000  }
0x49: {  	[spmem:s2] =	stream.indirect.scatter.add.f32 [tilespmem:s15], [sflag:$0x3], $0x80, s29, s18, $0xb8;
	[tilespmem:$0x1E800] =	vst v63  }
0x4a: {  	_ =	swait.ge [sflag:s16], $0x4000  }
0x4b: {  	[sflag:s16] =	ssyncset.done $0x0  }
0x4c: {  	s30 =	simm.s32 $0x100;
	[sflag:s16] =	ssyncadd.s32 $0xFFFFC000  }
0x4d: {  	[tilespmem:s15], [sflag:$0x1] =	stream.indirect.gather [hbm4b:s5+s18], $0x80, s30, s18, $0xb8;
	[tilespmem:$0x1E800] =	vst v63  }
0x4e: {  	_ =	swait.ge [sflag:s21], $0x4000  }
0x4f: {  	[sflag:s21] =	ssyncset.done $0x0  }
0x50: {  	s31 =	simm.s32 $0x1480;
	[sflag:s21] =	ssyncadd.s32 $0xFFFFC000  }
0x51: {  	[spmem:s2] =	stream.indirect.scatter.add.f32 [tilespmem:s19], [sflag:$0x3], $0x80, s31, s18, $0xb8;
	[tilespmem:$0x1E800] =	vst v63  }
0x52: {  	_ =	swait.ge [sflag:s16], $0x4000  }
0x53: {  	[sflag:s16] =	ssyncset.done $0x0  }
0x54: {  	s28 =	simm.s32 $0x180;
	s26 =	simm.s32 $0x400;
	[sflag:s16] =	ssyncadd.s32 $0xFFFFC000  }
.LBB2_5:
0x55: {  	[tilespmem:s19], [sflag:$0x2] =	stream.indirect.gather [hbm4b:s5+s18], $0x80, s28, s18, $0xb8;
	[tilespmem:$0x1E800] =	vst v63  }
0x56: {  	s28 =	smov.u32 s26  }
0x57: {  	p1 =	sne.s32 s26, $0x4800;
	s26 =	sadd.s32 $0x400, s26;
	_ =	swait.ge [sflag:s20], $0x4000  }
0x58: {  	s28 =	sshra.s32 s28, $0x2;
	[sflag:s20] =	ssyncset.done $0x0  }
0x59: {  	s29 =	sadd.s32 $0x1400, s28;
	[sflag:s20] =	ssyncadd.s32 $0xFFFFC000  }
0x5a: {  	[spmem:s2] =	stream.indirect.scatter.add.f32 [tilespmem:s15], [sflag:$0x3], $0x80, s29, s18, $0xb8;
	[tilespmem:$0x1E800] =	vst v63  }
0x5b: {  	_ =	swait.ge [sflag:s16], $0x4000  }
0x5c: {  	[sflag:s16] =	ssyncset.done $0x0  }
0x5d: {  	s29 =	sadd.s32 $0x100, s28;
	[sflag:s16] =	ssyncadd.s32 $0xFFFFC000  }
0x5e: {  	[tilespmem:s15], [sflag:$0x1] =	stream.indirect.gather [hbm4b:s5+s18], $0x80, s29, s18, $0xb8;
	[tilespmem:$0x1E800] =	vst v63  }
0x5f: {  	_ =	swait.ge [sflag:s21], $0x4000  }
0x60: {  	[sflag:s21] =	ssyncset.done $0x0  }
.Ltmp1:
0x61: {  	s29 =	sadd.s32 $0x1480, s28;
	[sflag:s21] =	ssyncadd.s32 $0xFFFFC000;
	(pc) =	sbr.rel @p1 .LBB2_5-.Ltmp1, $4  }
0x62: {  	[spmem:s2] =	stream.indirect.scatter.add.f32 [tilespmem:s19], [sflag:$0x3], $0x80, s29, s18, $0xb8;
	[tilespmem:$0x1E800] =	vst v63  }
0x63: {  	_ =	swait.ge [sflag:s16], $0x4000  }
0x64: {  	[sflag:s16] =	ssyncset.done $0x0  }
0x65: {  	s28 =	sadd.s32 $0x180, s28;
	[sflag:s16] =	ssyncadd.s32 $0xFFFFC000  }
0x66: {  	[tilespmem:s19], [sflag:$0x2] =	stream.indirect.gather [hbm4b:s5+s18], $0x80, s28, s18, $0xb8;
	[tilespmem:$0x1E800] =	vst v63  }
0x67: {  	_ =	swait.ge [sflag:s20], $0x4000  }
0x68: {  	[sflag:s20] =	ssyncset.done $0x0  }
0x69: {  	[sflag:s20] =	ssyncadd.s32 $0xFFFFC000  }
0x6a: {  	[spmem:s2] =	stream.indirect.scatter.add.f32 [tilespmem:s15], [sflag:$0x3], $0x80, s22, s18, $0xb8;
	[tilespmem:$0x1E800] =	vst v63  }
0x6b: {  	_ =	swait.ge [sflag:s16], $0x4000  }
0x6c: {  	[sflag:s16] =	ssyncset.done $0x0  }
0x6d: {  	[sflag:s16] =	ssyncadd.s32 $0xFFFFC000  }
0x6e: {  	p1 =	slt.u32 @!p0 s25, $0x2;
	_ =	swait.ge [sflag:s21], $0x4000  }
0x6f: {  	p1 =	por p0, !p1;
	[sflag:s21] =	ssyncset.done $0x0  }
.Ltmp2:
0x70: {  	[sflag:s21] =	ssyncadd.s32 $0xFFFFC000;
	(pc) =	sbr.rel @!p1 .LBB2_4-.Ltmp2, $4  }
0x71: {  	[spmem:s2] =	stream.indirect.scatter.add.f32 [tilespmem:s19], [sflag:$0x3], $0x80, s23, s18, $0xb8;
	[tilespmem:$0x1E800] =	vst v63  }
0x72: {  	_ =	swait.ge [sflag:s16], $0x4000  }
0x73: {  	[sflag:s16] =	ssyncset.done $0x0  }
0x74: {  	s25 =	sadd.s32 $0x1, s25;
	[sflag:s16] =	ssyncadd.s32 $0xFFFFC000  }
0x75: {  	s4 =	sadd.s32 $0x1, s4  }
0x76: {  	s24 =	sshll.u32 s3, $0x6;
	[bflag:$0x0] =	sbarrier.arrive $0xFFFF;
	p1 =	sne.s32 s4, s14  }
.Ltmp3:
0x77: {  	s25 =	sshrl.u32 s7, $0x3;
	s24 =	sor.u32 $0x1C03, s24;
	(pc) =	sbr.rel @p1 .LBB2_1-.Ltmp3, $4  }
0x78: {  	[hbm:s13], [sflag:s24] =	dma.local [spmem:s25], $0x2800  }
0x79: {  	_ =	swait.ge [sflag:s16], $0x2800  }
0x7a: {  	[sflag:s16] =	ssyncset.done $0x0  }
0x7b: {  	[sflag:s16] =	ssyncadd.s32 $0xFFFFD800  }
0x7c: {  	_ =	sfence.sel $0x180000  }
0x7d: {  	[bflag:$0x0] =	sbarrier.arrive $0xFFFF  }
0x7e: {  	p0 =	sne.s32 s3, $0x0;
	_ =	strace $0x90000053  }
0x7f: {  	s0 =	sadd.s32 @!p0 $0x100000, s0;
	[bflag:$0x2] =	sbarrier.arrive $0xFFFF  }
0x80: {  	[sflag:s0] =	ssyncadd.tile.s32 @!p0 $0x1;
	_ =	shalt  }
.Lfunc_end2:
_tile_overlayer_lowered:
.L_overlay_start_2:
0x81: {  	(tag) =	ssettag $0x2  }
0x82: {  	s0 =	rddreg [dreg:$0x0];
	s2 =	stileid.u32  }
0x83: {  	s1 =	rddreg [dreg:$0x1];
	p0 =	sne.s32 s2, $0x0  }
0x84: {  	s3 =	rddreg [dreg:$0x2];
	[bflag:$0x3] =	sbarrier.arrive $0xFFFF;
	s2 =	simm.s32 @!p0 $0x1C03  }
0x85: {  	[timem:s3], [sflag:s2] =	dma.local @!p0 [hbm:s0], s1  }
0x86: {  	s0 =	simm.s32 @!p0 $0x3  }
0x87: {  	_ =	swait.ge @!p0 [sflag:s0], s1  }
0x88: {  	s1 =	ssub.s32 @!p0 $0x0, s1;
	[sflag:s0] =	ssyncset.done @!p0 $0x0  }
0x89: {  	[sflag:s0] =	ssyncadd.s32 @!p0 s1  }
0x8a: {  	[bflag:$0x3] =	sbarrier.arrive $0xFFFF  }
0x8b: {  	_ =	shalt  }

// kernel: kernel.24.cloned.1.call-start
scs
__scs_entry_jumppad:
0x0: {  	(pc) =	sbr.rel $0x88, $3  }
0x1: {  	(tag) =	ssettag $0x0;
	lr =	simm.s32 $0x1  }
0x2: {  	[smem:$0x3F97] =	sst lr;
	_ =	strace $0xD0000000  }
0x3: {  	_ = 	snop  }
0x4: {  	_ = 	snop  }
0x5: {  	_ = 	snop  }
0x6: {  	_ = 	snop  }
0x7: {  	_ = 	snop  }
__scs_overlays_trampoline_lowered:
0x8: {  	[smem:$0x3FA6] =	sst s0  }
0x9: {  	[smem:$0x3FA7] =	sst s1  }
0xa: {  	[smem:$0x3FA8] =	sst s2  }
0xb: {  	[smem:$0x3FA9] =	sst s3  }
0xc: {  	[smem:$0x3FAA] =	sst s4  }
0xd: {  	[smem:$0x3FAB] =	sst s5  }
0xe: {  	[smem:$0x3FAC] =	sst s6  }
0xf: {  	[smem:$0x3FAD] =	sst s7  }
0x10: {  	[smem:$0x3FAE] =	sst s8  }
0x11: {  	[smem:$0x3FAF] =	sst s9;
	s0 =	simm.s32 @!p0 $0x0  }
0x12: {  	s1 =	sld [smem:$0x3F95];
	s0 =	simm.s32 @p0 $0x1  }
0x13: {  	[smem:$0x3FB0] =	sst s0;
	s0 =	simm.s32 @!p1 $0x0  }
0x14: {  	s2 =	sld [smem:$0x3F94];
	s0 =	simm.s32 @p1 $0x1  }
0x15: {  	[smem:$0x3FB1] =	sst s0;
	s0 =	simm.s32 @!p2 $0x0  }
0x16: {  	s3 =	sld [smem:$0x3FDB];
	s0 =	simm.s32 @p2 $0x1  }
0x17: {  	s4 =	simm.s32 $0x1BF5;
	[smem:$0x3FB3] =	sst s0  }
0x18: {  	s0 =	sld [smem:$0x3F96];
	_ =	swait.ge [sflag:s4], $0x0  }
0x19: {  	s7 =	sld [smem:$0x3F97]  }
0x1a: {  	s8 =	sadd.s32 $0xFFFFE003, lr  }
0x1b: {  	s9 =	sadd.s32 $0xFFFFFEF7, lr;
	s5 =	simm.s32 $0xFFFFFFFF;
	p2 =	slt.u32 s8, $0xFFFFF086  }
0x1c: {  	p1 =	slt.u32 s9, $0xF7A;
	s5 =	simm.s32 @!p2 $0x0  }
0x1d: {  	s5 =	simm.s32 @p1 $0x1;
	p0 =	seq.s32 s7, s2  }
0x1e: {  	s7 =	smul.u32 @!p0 $0xF7A, s2;
	p2 =	seq.s32 @!p0 s5, $0x0  }
0x1f: {  	s9 =	smul.u32 $0xF7A, s1;
	s8 =	simm.s32 @!p0 $0x1BF5;
	p2 =	por !p2, p0  }
0x20: {  	[sflag:s8] =	ssyncset.s32 @!p0 $0xFFFFF086;
	s6 =	sadd.s32 @!p0 s3, s7;
	s7 =	simm.s32 @!p0 $0x108  }
0x21: {  	s3 =	sadd.s32 s3, s9;
	s6 =	sadd.s32 @!p0 $0x88, s6;
	s7 =	simm.s32 @p2 $0x1082  }
0x22: {  	[simem:s7], [sflag:s8] =	dma.local @!p0 [hbm:s6], $0xF7A  }
0x23: {  	s9 =	sor.u32 $0xD0000000, s2;
	s6 =	simm.s32 $0x108;
	_ =	swait.ge @!p0 [sflag:s8], $0x0  }
0x24: {  	s3 =	sadd.s32 $0x88, s3;
	s6 =	simm.s32 @!p1 $0x1082;
	[sflag:s4] =	ssyncset.s32 $0xFFFFF086  }
0x25: {  	[simem:s6], [sflag:s4] =	dma.local [hbm:s3], $0xF7A  }
0x26: {  	[smem:$0x3F97] =	sst s1;
	(tag) =	ssettag s2;
	_ =	strace s9  }
0x27: {  	s1 =	sld [smem:$0x3FA7]  }
0x28: {  	s2 =	sld [smem:$0x3FA8]  }
0x29: {  	s4 =	sld [smem:$0x3FAA]  }
0x2a: {  	p0 =	seq.s32 s5, $0x0;
	s5 =	sld [smem:$0x3FAB]  }
0x2b: {  	s6 =	sld [smem:$0x3FAC]  }
0x2c: {  	s7 =	sld [smem:$0x3FAD]  }
0x2d: {  	s3 =	simm.s32 $0x108;
	s8 =	sld [smem:$0x3FAE]  }
0x2e: {  	s3 =	simm.s32 @!p0 $0x1082;
	s9 =	sld [smem:$0x3FAF]  }
0x2f: {  	lr =	sadd.s32 s0, s3;
	s0 =	sld [smem:$0x3FA6]  }
0x30: {  	s3 =	sld [smem:$0x3FA9]  }
0x31: {  	[smem:$0x3FB2] =	sst s10  }
0x32: {  	s10 =	sld [smem:$0x3FB0];
	_ =	sdelay $0x3  }
0x33: {  	p0 =	seq.s32 s10, $0x1;
	s10 =	sld [smem:$0x3FB2];
	_ =	sdelay $0x3  }
0x34: {  	[smem:$0x3FB2] =	sst s10  }
0x35: {  	s10 =	sld [smem:$0x3FB1];
	_ =	sdelay $0x3  }
0x36: {  	p1 =	seq.s32 s10, $0x1;
	s10 =	sld [smem:$0x3FB2];
	_ =	sdelay $0x3  }
0x37: {  	[smem:$0x3FB2] =	sst s10  }
0x38: {  	s10 =	sld [smem:$0x3FB3]  }
0x39: {  	_ = 	snop;
	(pc) =	sbr.ind lr, $3  }
0x3a: {  	_ = 	snop  }
0x3b: {  	_ = 	snop  }
0x3c: {  	p2 =	seq.s32 s10, $0x1;
	s10 =	sld [smem:$0x3FB2]  }
0x3d: {  	_ =	shalt  }
0x3e: {  	_ =	shalt  }
0x3f: {  	_ =	shalt  }
0x40: {  	_ =	shalt  }
0x41: {  	_ =	shalt  }
0x42: {  	_ =	shalt  }
0x43: {  	_ =	shalt  }
0x44: {  	_ =	shalt  }
0x45: {  	_ =	shalt  }
0x46: {  	_ =	shalt  }
0x47: {  	_ =	shalt  }
0x48: {  	_ =	shalt  }
0x49: {  	_ =	shalt  }
0x4a: {  	_ =	shalt  }
0x4b: {  	_ =	shalt  }
0x4c: {  	_ =	shalt  }
0x4d: {  	_ =	shalt  }
0x4e: {  	_ =	shalt  }
0x4f: {  	_ =	shalt  }
0x50: {  	_ =	shalt  }
0x51: {  	_ =	shalt  }
0x52: {  	_ =	shalt  }
0x53: {  	_ =	shalt  }
0x54: {  	_ =	shalt  }
0x55: {  	_ =	shalt  }
0x56: {  	_ =	shalt  }
0x57: {  	_ =	shalt  }
0x58: {  	_ =	shalt  }
0x59: {  	_ =	shalt  }
0x5a: {  	_ =	shalt  }
0x5b: {  	_ =	shalt  }
0x5c: {  	_ =	shalt  }
0x5d: {  	_ =	shalt  }
0x5e: {  	_ =	shalt  }
0x5f: {  	_ =	shalt  }
0x60: {  	_ =	shalt  }
0x61: {  	_ =	shalt  }
0x62: {  	_ =	shalt  }
0x63: {  	_ =	shalt  }
0x64: {  	_ =	shalt  }
0x65: {  	_ =	shalt  }
0x66: {  	_ =	shalt  }
0x67: {  	_ =	shalt  }
0x68: {  	_ =	shalt  }
0x69: {  	_ =	shalt  }
0x6a: {  	_ =	shalt  }
0x6b: {  	_ =	shalt  }
0x6c: {  	_ =	shalt  }
0x6d: {  	_ =	shalt  }
0x6e: {  	_ =	shalt  }
0x6f: {  	_ =	shalt  }
0x70: {  	_ =	shalt  }
0x71: {  	_ =	shalt  }
0x72: {  	_ =	shalt  }
0x73: {  	_ =	shalt  }
0x74: {  	_ =	shalt  }
0x75: {  	_ =	shalt  }
0x76: {  	_ =	shalt  }
0x77: {  	_ =	shalt  }
0x78: {  	_ =	shalt  }
0x79: {  	_ =	shalt  }
0x7a: {  	_ =	shalt  }
0x7b: {  	_ =	shalt  }
0x7c: {  	_ =	shalt  }
0x7d: {  	_ =	shalt  }
0x7e: {  	_ =	shalt  }
0x7f: {  	_ =	shalt  }
0x80: {  	_ =	shalt  }
0x81: {  	_ =	shalt  }
0x82: {  	_ =	shalt  }
0x83: {  	_ =	shalt  }
0x84: {  	_ =	shalt  }
0x85: {  	_ =	shalt  }
0x86: {  	_ =	shalt  }
0x87: {  	_ =	shalt  }
.Lfunc_end0:
.L_simem_size_0:
called_computation.4_lowered:
.L_overlay_start_0:
0x88: {  	s2 =	sld [smem:$0x3FD9]  }
0x89: {  	s3 =	sld [smem:$0x3FFE];
	_ =	sdelay $0x1  }
0x8a: {  	s1 =	srdreg.scid  }
0x8b: {  	s0 =	sand.u32 $0x1, s1  }
0x8c: {  	s17 =	sshll.u32 s0, $0xA;
	s2 =	sadd.s32 s3, s2  }
0x8d: {  	s2 =	sadd.s32 s2, s17  }
0x8e: {  	[smem:$0x3FBE] =	sst s2  }
0x8f: {  	_ = 	snop  }
0x90: {  	s2 =	sld [smem:$0x3FD0];
	(tm) =	ssettm $0x1  }
0x91: {  	s18 =	sld [smem:$0x3FFB];
	_ =	sdelay $0x3  }
0x92: {  	_ =	strace s18  }
0x93: {  	s3 =	sld [smem:$0x3FFC];
	_ =	sdelay $0x3  }
0x94: {  	_ =	strace s3  }
0x95: {  	s3 =	sld [smem:$0x3FFD];
	_ =	sdelay $0x3  }
0x96: {  	_ =	strace s3  }
0x97: {  	_ =	strace $0x8FFFFFFF  }
0x98: {  	s19 =	sld [smem:$0x3FDB];
	_ =	sdelay $0x1  }
0x99: {  	s4 =	simm.s32 $_scs_section_size  }
0x9a: {  	s5 =	simm.s32 $_size__tile_overlayer_lowered;
	s6 =	simm.s32 $_tile_overlayer_lowered  }
0x9b: {  	s22 =	simm.s32 $0x1BFF;
	s21 =	sshll.u32 s6, $0x1;
	s3 =	sadd.s32 s4, s19  }
0x9c: {  	s7 =	simm.s32 $0x0;
	s20 =	sshll.u32 s5, $0x1;
	s5 =	sadd.s32 s21, s3  }
0x9d: {  	[timem:s7], [sflag:s22] =	dma.local [hbm:s5], s20  }
0x9e: {  	_ =	swait.ge [sflag:s22], s20  }
0x9f: {  	s4 =	ssub.s32 $0x0, s20;
	[sflag:s22] =	ssyncset.done $0x0  }
0xa0: {  	[sflag:s22] =	ssyncadd.s32 s4;
	_ =	sdelay $0x1  }
0xa1: {  	s23 =	simm.s32 $0x1B8B  }
0xa2: {  	_ =	swait.ge [sflag:s23], $0x1  }
0xa3: {  	[sflag:s23] =	ssyncset.done $0x0  }
0xa4: {  	s25 =	simm.s32 $0x1B8E;
	s24 =	sld [smem:$0x3FFE];
	[sflag:s23] =	ssyncadd.s32 $0xFFFFFFFF  }
0xa5: {  	s26 =	simm.s32 $execute0_lowered;
	[smem:$0x3FD2] =	sst s25  }
0xa6: {  	s5 =	sshll.u32 s26, $0x1;
	_ =	strace $0x8000004F;
	[dreg:$0x1] =	wrdreg $0xFFFFFFFF  }
0xa7: {  	s28 =	simm.s32 $_size_execute0_lowered;
	s3 =	sadd.s32 s3, s5;
	[dreg:$0x0] =	wrdreg $0x0  }
0xa8: {  	s5 =	sshll.u32 s28, $0x1;
	[dreg:$0x2] =	wrdreg s3  }
0xa9: {  	[dreg:$0x3] =	wrdreg s5  }
0xaa: {  	[dreg:$0x4] =	wrdreg $0xC0  }
0xab: {  	_ =	task [dreg:s7], $0x5FFFF  }
0xac: {  	[dreg:$0x1] =	wrdreg $0xFFFFFFFF  }
0xad: {  	[dreg:$0x0] =	wrdreg $0x60  }
0xae: {  	[dreg:$0x2] =	wrdreg s24  }
0xaf: {  	[dreg:$0x3] =	wrdreg s2  }
0xb0: {  	[dreg:$0x4] =	wrdreg $0xA8000  }
0xb1: {  	[dreg:$0x5] =	wrdreg $0xA  }
0xb2: {  	_ =	task.clear_ibuf [dreg:s7], $0x6FFFF;
	_ =	strace $0x9000004F  }
0xb3: {  	s29 =	simm.s32 $0xA;
	_ =	strace $0x80000051  }
0xb4: {  	_ =	swait.ge [sflag:s29], $0x1  }
0xb5: {  	[sflag:s29] =	ssyncadd.s32 $0xFFFFFFFF  }
0xb6: {  	_ =	strace $0x90000051  }
0xb7: {  	_ =	sfence  }
0xb8: {  	s30 =	sld [smem:$0x0];
	_ =	sdelay $0x2  }
0xb9: {  	s31 =	sshll.u32 s1, $0xD;
	s1 =	sshrl.u32 s1, $0x2  }
0xba: {  	s3 =	sand.u32 $0x4000, s31;
	s1 =	sadd.s32 s1, s30  }
0xbb: {  	s0 =	sor.u32 s3, s0;
	s1 =	sshll.u32 s1, $0x11  }
0xbc: {  	s0 =	sor.u32 s1, s0  }
0xbd: {  	s0 =	sadd.s32 $0x8F2B, s0  }
0xbe: {  	[sflag:s0] =	ssyncadd.remote.s32 $0x1  }
0xbf: {  	_ =	sfence.sel $0xFFFF  }
0xc0: {  	[dreg:$0x0] =	wrdreg $0xFFFFFFFF;
	(pc) =	sbr.abs _section_cstart, $3  }
0xc1: {  	[dreg:$0x1] =	wrdreg $0xFFFFFFFF  }
0xc2: {  	_ =	task.clear_ibuf [dreg:s7], $0x2FFFF;
	_ =	strace $0x9FFFFFFF  }
0xc3: {  	(tm) =	ssettm $0x7FFFFFFF  }
tec
execute0_lowered:
.L_overlay_start_1:
0x0: {  	(tag) =	ssettag $0x1  }
0x1: {  	s7 =	rddreg [dreg:$0x0]  }
0x2: {  	s1 =	rddreg [dreg:$0x1]  }
0x3: {  	s2 =	rddreg [dreg:$0x2]  }
0x4: {  	s3 =	srdreg.scid;
	s0 =	rddreg [dreg:$0x3];
	s4 =	simm.s32 $0x0  }
0x5: {  	s15 =	simm.s32 $0x2800;
	s16 =	simm.s32 $0x3;
	s17 =	simm.s32 $0x1400  }
0x6: {  	s18 =	simm.s32 $0x80;
	s19 =	simm.s32 $0x6800;
	s20 =	simm.s32 $0x1  }
0x7: {  	s21 =	simm.s32 $0x2;
	s22 =	sand.u32 $0x1, s3;
	s3 =	stileid.u32  }
0x8: {  	s23 =	simm.s32 $0x2780;
	[smem:$0x7FF] =	sst s4;
	s6 =	smul.u32 $0x140000, s22  }
0x9: {  	s5 =	sadd.s32 $0x4600, s7;
	s8 =	smul.u32 $0x14000, s3;
	_ =	strace $0x80000050  }
0xa: {  	s9 =	smul.u32 $0x50000, s3;
	s10 =	ssub.s32 $0x2, s22;
	s31 =	sshll.u32 s22, $0x4  }
0xb: {  	p0 =	sne.s32 s22, $0x0;
	s22 =	simm.s32 $0x2700;
	s29 =	sshrl.u32 s10, $0x1  }
0xc: {  	s12 =	sor.u32 s3, s31;
	s8 =	sadd.s32 s8, s6;
	s6 =	sadd.s32 $0xE0600, s7  }
0xd: {  	s30 =	sshrl.u32 s9, $0x2;
	s14 =	ssub.s32 s10, s29;
	s8 =	sshrl.u32 s8, $0x3  }
0xe: {  	s12 =	smul.u32 $0x3C00, s12;
	s13 =	sadd.s32 s8, s7;
	s7 =	sadd.s32 s30, s2  }
0xf: {  	s14 =	smax.u32 s14, $0x1;
	s8 =	sadd.s32 $0x4000, s7;
	s9 =	sadd.s32 $0x8000, s7  }
0x10: {  	v0 =	vimm.f32 $0.0e+00;
	s10 =	sadd.s32 $0xC000, s7;
	s11 =	sadd.s32 $0x10000, s7;
	s13 =	sadd.s32 $0xEF600, s13  }
.LBB2_1:
0x11: {  	s24 =	simm.s32 $0x0;
	s25 =	simm.s32 $0x200  }
.LBB2_2:
0x12: {  	p1 =	sne.s32 s25, $0xFE00;
	[tilespmem:s24+$0x2870] =	vst v0  }
0x13: {  	[tilespmem:s24+$0x2800] =	vst v0  }
0x14: {  	[tilespmem:s24+$0x2810] =	vst v0  }
.Ltmp0:
0x15: {  	[tilespmem:s24+$0x2820] =	vst v0;
	(pc) =	sbr.rel @p1 .LBB2_2-.Ltmp0, $4  }
0x16: {  	[tilespmem:s24+$0x2830] =	vst v0  }
0x17: {  	[tilespmem:s24+$0x2840] =	vst v0  }
0x18: {  	[tilespmem:s24+$0x2850] =	vst v0  }
0x19: {  	[tilespmem:s24+$0x2860] =	vst v0;
	s24 =	sshra.s32 s25, $0x2;
	s25 =	sadd.s32 $0x200, s25  }
0x1a: {  	[tilespmem:s24+$0x2870] =	vst v0  }
0x1b: {  	[tilespmem:s24+$0x2800] =	vst v0  }
0x1c: {  	[tilespmem:s24+$0x2810] =	vst v0  }
0x1d: {  	[tilespmem:s24+$0x2820] =	vst v0  }
0x1e: {  	[tilespmem:s24+$0x2830] =	vst v0  }
0x1f: {  	[tilespmem:s24+$0x2840] =	vst v0  }
0x20: {  	[tilespmem:s24+$0x2850] =	vst v0  }
0x21: {  	[tilespmem:s24+$0x2860] =	vst v0  }
0x22: {  	[spmem:s7] =	stream.linear.scatter [tilespmem:s15], [sflag:$0x3], $0x4000, $0x38;
	[tilespmem:$0x1E800] =	vst v63  }
0x23: {  	_ =	swait.ge [sflag:s16], $0x4000  }
0x24: {  	[sflag:s16] =	ssyncset.done $0x0  }
0x25: {  	[sflag:s16] =	ssyncadd.s32 $0xFFFFC000  }
0x26: {  	[spmem:s8] =	stream.linear.scatter [tilespmem:s15], [sflag:$0x3], $0x4000, $0x38;
	[tilespmem:$0x1E800] =	vst v63  }
0x27: {  	_ =	swait.ge [sflag:s16], $0x4000  }
0x28: {  	[sflag:s16] =	ssyncset.done $0x0  }
0x29: {  	[sflag:s16] =	ssyncadd.s32 $0xFFFFC000  }
0x2a: {  	[spmem:s9] =	stream.linear.scatter [tilespmem:s15], [sflag:$0x3], $0x4000, $0x38;
	[tilespmem:$0x1E800] =	vst v63  }
0x2b: {  	_ =	swait.ge [sflag:s16], $0x4000  }
0x2c: {  	[sflag:s16] =	ssyncset.done $0x0  }
0x2d: {  	[sflag:s16] =	ssyncadd.s32 $0xFFFFC000  }
0x2e: {  	[spmem:s10] =	stream.linear.scatter [tilespmem:s15], [sflag:$0x3], $0x4000, $0x38;
	[tilespmem:$0x1E800] =	vst v63  }
0x2f: {  	_ =	swait.ge [sflag:s16], $0x4000  }
0x30: {  	[sflag:s16] =	ssyncset.done $0x0  }
0x31: {  	[sflag:s16] =	ssyncadd.s32 $0xFFFFC000  }
0x32: {  	[spmem:s11] =	stream.linear.scatter [tilespmem:s15], [sflag:$0x3], $0x4000, $0x38;
	[tilespmem:$0x1E800] =	vst v63  }
0x33: {  	_ =	swait.ge [sflag:s16], $0x4000  }
0x34: {  	[sflag:s16] =	ssyncset.done $0x0  }
0x35: {  	[sflag:s16] =	ssyncadd.s32 $0xFFFFC000  }
0x36: {  	s24 =	simm.s32 $0x0;
	s25 =	simm.s32 $0x0;
	[bflag:$0x0] =	sbarrier.arrive $0xFFFF  }
.LBB2_4:
0x37: {  	s26 =	smul.u32 $0x1400, s25;
	_ =	sdelay $0x1  }
0x38: {  	s26 =	sadd.s32 s12, s26  }
0x39: {  	s26 =	sshrl.u32 s26, $0x3  }
0x3a: {  	s28 =	sadd.s32 s1, s26  }
0x3b: {  	[tilespmem:s24], [sflag:$0x3] =	stream.linear.gather [hbm4b:s28+s24], $0x1400, $0x38;
	[tilespmem:$0x1E800] =	vst v63  }
0x3c: {  	_ =	swait.ge [sflag:s16], $0x1400  }
0x3d: {  	[sflag:s16] =	ssyncset.done $0x0  }
0x3e: {  	s26 =	sadd.s32 s6, s26;
	[sflag:s16] =	ssyncadd.s32 $0xFFFFEC00  }
0x3f: {  	[tilespmem:s17], [sflag:$0x3] =	stream.linear.gather [hbm4b:s26+s24], $0x1400, $0x38;
	[tilespmem:$0x1E800] =	vst v63  }
0x40: {  	_ =	swait.ge [sflag:s16], $0x1400  }
0x41: {  	[sflag:s16] =	ssyncset.done $0x0  }
0x42: {  	[sflag:s16] =	ssyncadd.s32 $0xFFFFEC00  }
0x43: {  	[tilespmem:s15], [sflag:$0x1] =	stream.indirect.gather [hbm4b:s5+s18], $0x80, s24, s18, $0xb8;
	[tilespmem:$0x1E800] =	vst v63  }
0x44: {  	_ = 	snop  }
0x45: {  	[tilespmem:s19], [sflag:$0x2] =	stream.indirect.gather [hbm4b:s5+s18], $0x80, s18, s18, $0xb8;
	[tilespmem:$0x1E800] =	vst v63  }
0x46: {  	_ =	swait.ge [sflag:s20], $0x4000  }
0x47: {  	[sflag:s20] =	ssyncset.done $0x0  }
0x48: {  	s29 =	simm.s32 $0x1400;
	[sflag:s20] =	ssyncadd.s32 $0xFFFFC000  }
0x49: {  	[spmem:s2] =	stream.indirect.scatter.add.f32 [tilespmem:s15], [sflag:$0x3], $0x80, s29, s18, $0xb8;
	[tilespmem:$0x1E800] =	vst v63  }
0x4a: {  	_ =	swait.ge [sflag:s16], $0x4000  }
0x4b: {  	[sflag:s16] =	ssyncset.done $0x0  }
0x4c: {  	s30 =	simm.s32 $0x100;
	[sflag:s16] =	ssyncadd.s32 $0xFFFFC000  }
0x4d: {  	[tilespmem:s15], [sflag:$0x1] =	stream.indirect.gather [hbm4b:s5+s18], $0x80, s30, s18, $0xb8;
	[tilespmem:$0x1E800] =	vst v63  }
0x4e: {  	_ =	swait.ge [sflag:s21], $0x4000  }
0x4f: {  	[sflag:s21] =	ssyncset.done $0x0  }
0x50: {  	s31 =	simm.s32 $0x1480;
	[sflag:s21] =	ssyncadd.s32 $0xFFFFC000  }
0x51: {  	[spmem:s2] =	stream.indirect.scatter.add.f32 [tilespmem:s19], [sflag:$0x3], $0x80, s31, s18, $0xb8;
	[tilespmem:$0x1E800] =	vst v63  }
0x52: {  	_ =	swait.ge [sflag:s16], $0x4000  }
0x53: {  	[sflag:s16] =	ssyncset.done $0x0  }
0x54: {  	s28 =	simm.s32 $0x180;
	s26 =	simm.s32 $0x400;
	[sflag:s16] =	ssyncadd.s32 $0xFFFFC000  }
.LBB2_5:
0x55: {  	[tilespmem:s19], [sflag:$0x2] =	stream.indirect.gather [hbm4b:s5+s18], $0x80, s28, s18, $0xb8;
	[tilespmem:$0x1E800] =	vst v63  }
0x56: {  	s28 =	smov.u32 s26  }
0x57: {  	p1 =	sne.s32 s26, $0x4800;
	s26 =	sadd.s32 $0x400, s26;
	_ =	swait.ge [sflag:s20], $0x4000  }
0x58: {  	s28 =	sshra.s32 s28, $0x2;
	[sflag:s20] =	ssyncset.done $0x0  }
0x59: {  	s29 =	sadd.s32 $0x1400, s28;
	[sflag:s20] =	ssyncadd.s32 $0xFFFFC000  }
0x5a: {  	[spmem:s2] =	stream.indirect.scatter.add.f32 [tilespmem:s15], [sflag:$0x3], $0x80, s29, s18, $0xb8;
	[tilespmem:$0x1E800] =	vst v63  }
0x5b: {  	_ =	swait.ge [sflag:s16], $0x4000  }
0x5c: {  	[sflag:s16] =	ssyncset.done $0x0  }
0x5d: {  	s29 =	sadd.s32 $0x100, s28;
	[sflag:s16] =	ssyncadd.s32 $0xFFFFC000  }
0x5e: {  	[tilespmem:s15], [sflag:$0x1] =	stream.indirect.gather [hbm4b:s5+s18], $0x80, s29, s18, $0xb8;
	[tilespmem:$0x1E800] =	vst v63  }
0x5f: {  	_ =	swait.ge [sflag:s21], $0x4000  }
0x60: {  	[sflag:s21] =	ssyncset.done $0x0  }
.Ltmp1:
0x61: {  	s29 =	sadd.s32 $0x1480, s28;
	[sflag:s21] =	ssyncadd.s32 $0xFFFFC000;
	(pc) =	sbr.rel @p1 .LBB2_5-.Ltmp1, $4  }
0x62: {  	[spmem:s2] =	stream.indirect.scatter.add.f32 [tilespmem:s19], [sflag:$0x3], $0x80, s29, s18, $0xb8;
	[tilespmem:$0x1E800] =	vst v63  }
0x63: {  	_ =	swait.ge [sflag:s16], $0x4000  }
0x64: {  	[sflag:s16] =	ssyncset.done $0x0  }
0x65: {  	s28 =	sadd.s32 $0x180, s28;
	[sflag:s16] =	ssyncadd.s32 $0xFFFFC000  }
0x66: {  	[tilespmem:s19], [sflag:$0x2] =	stream.indirect.gather [hbm4b:s5+s18], $0x80, s28, s18, $0xb8;
	[tilespmem:$0x1E800] =	vst v63  }
0x67: {  	_ =	swait.ge [sflag:s20], $0x4000  }
0x68: {  	[sflag:s20] =	ssyncset.done $0x0  }
0x69: {  	[sflag:s20] =	ssyncadd.s32 $0xFFFFC000  }
0x6a: {  	[spmem:s2] =	stream.indirect.scatter.add.f32 [tilespmem:s15], [sflag:$0x3], $0x80, s22, s18, $0xb8;
	[tilespmem:$0x1E800] =	vst v63  }
0x6b: {  	_ =	swait.ge [sflag:s16], $0x4000  }
0x6c: {  	[sflag:s16] =	ssyncset.done $0x0  }
0x6d: {  	[sflag:s16] =	ssyncadd.s32 $0xFFFFC000  }
0x6e: {  	p1 =	slt.u32 @!p0 s25, $0x2;
	_ =	swait.ge [sflag:s21], $0x4000  }
0x6f: {  	p1 =	por p0, !p1;
	[sflag:s21] =	ssyncset.done $0x0  }
.Ltmp2:
0x70: {  	[sflag:s21] =	ssyncadd.s32 $0xFFFFC000;
	(pc) =	sbr.rel @!p1 .LBB2_4-.Ltmp2, $4  }
0x71: {  	[spmem:s2] =	stream.indirect.scatter.add.f32 [tilespmem:s19], [sflag:$0x3], $0x80, s23, s18, $0xb8;
	[tilespmem:$0x1E800] =	vst v63  }
0x72: {  	_ =	swait.ge [sflag:s16], $0x4000  }
0x73: {  	[sflag:s16] =	ssyncset.done $0x0  }
0x74: {  	s25 =	sadd.s32 $0x1, s25;
	[sflag:s16] =	ssyncadd.s32 $0xFFFFC000  }
0x75: {  	s4 =	sadd.s32 $0x1, s4  }
0x76: {  	s24 =	sshll.u32 s3, $0x6;
	[bflag:$0x0] =	sbarrier.arrive $0xFFFF;
	p1 =	sne.s32 s4, s14  }
.Ltmp3:
0x77: {  	s25 =	sshrl.u32 s7, $0x3;
	s24 =	sor.u32 $0x1C03, s24;
	(pc) =	sbr.rel @p1 .LBB2_1-.Ltmp3, $4  }
0x78: {  	[hbm:s13], [sflag:s24] =	dma.local [spmem:s25], $0x2800  }
0x79: {  	_ =	swait.ge [sflag:s16], $0x2800  }
0x7a: {  	[sflag:s16] =	ssyncset.done $0x0  }
0x7b: {  	[sflag:s16] =	ssyncadd.s32 $0xFFFFD800  }
0x7c: {  	_ =	sfence.sel $0x180000  }
0x7d: {  	[bflag:$0x0] =	sbarrier.arrive $0xFFFF  }
0x7e: {  	p0 =	sne.s32 s3, $0x0;
	_ =	strace $0x90000050  }
0x7f: {  	s0 =	sadd.s32 @!p0 $0x100000, s0;
	[bflag:$0x2] =	sbarrier.arrive $0xFFFF  }
0x80: {  	[sflag:s0] =	ssyncadd.tile.s32 @!p0 $0x1;
	_ =	shalt  }
.Lfunc_end2:
_tile_overlayer_lowered:
.L_overlay_start_2:
0x81: {  	(tag) =	ssettag $0x2  }
0x82: {  	s0 =	rddreg [dreg:$0x0];
	s2 =	stileid.u32  }
0x83: {  	s1 =	rddreg [dreg:$0x1];
	p0 =	sne.s32 s2, $0x0  }
0x84: {  	s3 =	rddreg [dreg:$0x2];
	[bflag:$0x3] =	sbarrier.arrive $0xFFFF;
	s2 =	simm.s32 @!p0 $0x1C03  }
0x85: {  	[timem:s3], [sflag:s2] =	dma.local @!p0 [hbm:s0], s1  }
0x86: {  	s0 =	simm.s32 @!p0 $0x3  }
0x87: {  	_ =	swait.ge @!p0 [sflag:s0], s1  }
0x88: {  	s1 =	ssub.s32 @!p0 $0x0, s1;
	[sflag:s0] =	ssyncset.done @!p0 $0x0  }
0x89: {  	[sflag:s0] =	ssyncadd.s32 @!p0 s1  }
0x8a: {  	[bflag:$0x3] =	sbarrier.arrive $0xFFFF  }
0x8b: {  	_ =	shalt  }

// kernel: kernel.27.cloned.1.call-start
scs
__scs_entry_jumppad:
0x0: {  	(pc) =	sbr.rel $0x88, $3  }
0x1: {  	(tag) =	ssettag $0x0;
	lr =	simm.s32 $0x1  }
0x2: {  	[smem:$0x3F97] =	sst lr;
	_ =	strace $0xD0000000  }
0x3: {  	_ = 	snop  }
0x4: {  	_ = 	snop  }
0x5: {  	_ = 	snop  }
0x6: {  	_ = 	snop  }
0x7: {  	_ = 	snop  }
__scs_overlays_trampoline_lowered:
0x8: {  	[smem:$0x3FA6] =	sst s0  }
0x9: {  	[smem:$0x3FA7] =	sst s1  }
0xa: {  	[smem:$0x3FA8] =	sst s2  }
0xb: {  	[smem:$0x3FA9] =	sst s3  }
0xc: {  	[smem:$0x3FAA] =	sst s4  }
0xd: {  	[smem:$0x3FAB] =	sst s5  }
0xe: {  	[smem:$0x3FAC] =	sst s6  }
0xf: {  	[smem:$0x3FAD] =	sst s7  }
0x10: {  	[smem:$0x3FAE] =	sst s8  }
0x11: {  	[smem:$0x3FAF] =	sst s9;
	s0 =	simm.s32 @!p0 $0x0  }
0x12: {  	s1 =	sld [smem:$0x3F95];
	s0 =	simm.s32 @p0 $0x1  }
0x13: {  	[smem:$0x3FB0] =	sst s0;
	s0 =	simm.s32 @!p1 $0x0  }
0x14: {  	s2 =	sld [smem:$0x3F94];
	s0 =	simm.s32 @p1 $0x1  }
0x15: {  	[smem:$0x3FB1] =	sst s0;
	s0 =	simm.s32 @!p2 $0x0  }
0x16: {  	s3 =	sld [smem:$0x3FDB];
	s0 =	simm.s32 @p2 $0x1  }
0x17: {  	s4 =	simm.s32 $0x1BF5;
	[smem:$0x3FB3] =	sst s0  }
0x18: {  	s0 =	sld [smem:$0x3F96];
	_ =	swait.ge [sflag:s4], $0x0  }
0x19: {  	s7 =	sld [smem:$0x3F97]  }
0x1a: {  	s8 =	sadd.s32 $0xFFFFE003, lr  }
0x1b: {  	s9 =	sadd.s32 $0xFFFFFEF7, lr;
	s5 =	simm.s32 $0xFFFFFFFF;
	p2 =	slt.u32 s8, $0xFFFFF086  }
0x1c: {  	p1 =	slt.u32 s9, $0xF7A;
	s5 =	simm.s32 @!p2 $0x0  }
0x1d: {  	s5 =	simm.s32 @p1 $0x1;
	p0 =	seq.s32 s7, s2  }
0x1e: {  	s7 =	smul.u32 @!p0 $0xF7A, s2;
	p2 =	seq.s32 @!p0 s5, $0x0  }
0x1f: {  	s9 =	smul.u32 $0xF7A, s1;
	s8 =	simm.s32 @!p0 $0x1BF5;
	p2 =	por !p2, p0  }
0x20: {  	[sflag:s8] =	ssyncset.s32 @!p0 $0xFFFFF086;
	s6 =	sadd.s32 @!p0 s3, s7;
	s7 =	simm.s32 @!p0 $0x108  }
0x21: {  	s3 =	sadd.s32 s3, s9;
	s6 =	sadd.s32 @!p0 $0x88, s6;
	s7 =	simm.s32 @p2 $0x1082  }
0x22: {  	[simem:s7], [sflag:s8] =	dma.local @!p0 [hbm:s6], $0xF7A  }
0x23: {  	s9 =	sor.u32 $0xD0000000, s2;
	s6 =	simm.s32 $0x108;
	_ =	swait.ge @!p0 [sflag:s8], $0x0  }
0x24: {  	s3 =	sadd.s32 $0x88, s3;
	s6 =	simm.s32 @!p1 $0x1082;
	[sflag:s4] =	ssyncset.s32 $0xFFFFF086  }
0x25: {  	[simem:s6], [sflag:s4] =	dma.local [hbm:s3], $0xF7A  }
0x26: {  	[smem:$0x3F97] =	sst s1;
	(tag) =	ssettag s2;
	_ =	strace s9  }
0x27: {  	s1 =	sld [smem:$0x3FA7]  }
0x28: {  	s2 =	sld [smem:$0x3FA8]  }
0x29: {  	s4 =	sld [smem:$0x3FAA]  }
0x2a: {  	p0 =	seq.s32 s5, $0x0;
	s5 =	sld [smem:$0x3FAB]  }
0x2b: {  	s6 =	sld [smem:$0x3FAC]  }
0x2c: {  	s7 =	sld [smem:$0x3FAD]  }
0x2d: {  	s3 =	simm.s32 $0x108;
	s8 =	sld [smem:$0x3FAE]  }
0x2e: {  	s3 =	simm.s32 @!p0 $0x1082;
	s9 =	sld [smem:$0x3FAF]  }
0x2f: {  	lr =	sadd.s32 s0, s3;
	s0 =	sld [smem:$0x3FA6]  }
0x30: {  	s3 =	sld [smem:$0x3FA9]  }
0x31: {  	[smem:$0x3FB2] =	sst s10  }
0x32: {  	s10 =	sld [smem:$0x3FB0];
	_ =	sdelay $0x3  }
0x33: {  	p0 =	seq.s32 s10, $0x1;
	s10 =	sld [smem:$0x3FB2];
	_ =	sdelay $0x3  }
0x34: {  	[smem:$0x3FB2] =	sst s10  }
0x35: {  	s10 =	sld [smem:$0x3FB1];
	_ =	sdelay $0x3  }
0x36: {  	p1 =	seq.s32 s10, $0x1;
	s10 =	sld [smem:$0x3FB2];
	_ =	sdelay $0x3  }
0x37: {  	[smem:$0x3FB2] =	sst s10  }
0x38: {  	s10 =	sld [smem:$0x3FB3]  }
0x39: {  	_ = 	snop;
	(pc) =	sbr.ind lr, $3  }
0x3a: {  	_ = 	snop  }
0x3b: {  	_ = 	snop  }
0x3c: {  	p2 =	seq.s32 s10, $0x1;
	s10 =	sld [smem:$0x3FB2]  }
0x3d: {  	_ =	shalt  }
0x3e: {  	_ =	shalt  }
0x3f: {  	_ =	shalt  }
0x40: {  	_ =	shalt  }
0x41: {  	_ =	shalt  }
0x42: {  	_ =	shalt  }
0x43: {  	_ =	shalt  }
0x44: {  	_ =	shalt  }
0x45: {  	_ =	shalt  }
0x46: {  	_ =	shalt  }
0x47: {  	_ =	shalt  }
0x48: {  	_ =	shalt  }
0x49: {  	_ =	shalt  }
0x4a: {  	_ =	shalt  }
0x4b: {  	_ =	shalt  }
0x4c: {  	_ =	shalt  }
0x4d: {  	_ =	shalt  }
0x4e: {  	_ =	shalt  }
0x4f: {  	_ =	shalt  }
0x50: {  	_ =	shalt  }
0x51: {  	_ =	shalt  }
0x52: {  	_ =	shalt  }
0x53: {  	_ =	shalt  }
0x54: {  	_ =	shalt  }
0x55: {  	_ =	shalt  }
0x56: {  	_ =	shalt  }
0x57: {  	_ =	shalt  }
0x58: {  	_ =	shalt  }
0x59: {  	_ =	shalt  }
0x5a: {  	_ =	shalt  }
0x5b: {  	_ =	shalt  }
0x5c: {  	_ =	shalt  }
0x5d: {  	_ =	shalt  }
0x5e: {  	_ =	shalt  }
0x5f: {  	_ =	shalt  }
0x60: {  	_ =	shalt  }
0x61: {  	_ =	shalt  }
0x62: {  	_ =	shalt  }
0x63: {  	_ =	shalt  }
0x64: {  	_ =	shalt  }
0x65: {  	_ =	shalt  }
0x66: {  	_ =	shalt  }
0x67: {  	_ =	shalt  }
0x68: {  	_ =	shalt  }
0x69: {  	_ =	shalt  }
0x6a: {  	_ =	shalt  }
0x6b: {  	_ =	shalt  }
0x6c: {  	_ =	shalt  }
0x6d: {  	_ =	shalt  }
0x6e: {  	_ =	shalt  }
0x6f: {  	_ =	shalt  }
0x70: {  	_ =	shalt  }
0x71: {  	_ =	shalt  }
0x72: {  	_ =	shalt  }
0x73: {  	_ =	shalt  }
0x74: {  	_ =	shalt  }
0x75: {  	_ =	shalt  }
0x76: {  	_ =	shalt  }
0x77: {  	_ =	shalt  }
0x78: {  	_ =	shalt  }
0x79: {  	_ =	shalt  }
0x7a: {  	_ =	shalt  }
0x7b: {  	_ =	shalt  }
0x7c: {  	_ =	shalt  }
0x7d: {  	_ =	shalt  }
0x7e: {  	_ =	shalt  }
0x7f: {  	_ =	shalt  }
0x80: {  	_ =	shalt  }
0x81: {  	_ =	shalt  }
0x82: {  	_ =	shalt  }
0x83: {  	_ =	shalt  }
0x84: {  	_ =	shalt  }
0x85: {  	_ =	shalt  }
0x86: {  	_ =	shalt  }
0x87: {  	_ =	shalt  }
.Lfunc_end0:
.L_simem_size_0:
called_computation.5_lowered:
.L_overlay_start_0:
0x88: {  	s2 =	sld [smem:$0x3FD9]  }
0x89: {  	s3 =	sld [smem:$0x3FFE];
	_ =	sdelay $0x1  }
0x8a: {  	s1 =	srdreg.scid  }
0x8b: {  	s0 =	sand.u32 $0x1, s1  }
0x8c: {  	s17 =	sshll.u32 s0, $0xA;
	s2 =	sadd.s32 s3, s2  }
0x8d: {  	s2 =	sadd.s32 s2, s17  }
0x8e: {  	[smem:$0x3FBE] =	sst s2  }
0x8f: {  	_ = 	snop  }
0x90: {  	s18 =	sld [smem:$0x3FD0];
	(tm) =	ssettm $0x1  }
0x91: {  	s19 =	sld [smem:$0x3FFB];
	_ =	sdelay $0x3  }
0x92: {  	_ =	strace s19  }
0x93: {  	s2 =	sld [smem:$0x3FFC];
	_ =	sdelay $0x3  }
0x94: {  	_ =	strace s2  }
0x95: {  	s2 =	sld [smem:$0x3FFD];
	_ =	sdelay $0x3  }
0x96: {  	_ =	strace s2  }
0x97: {  	_ =	strace $0x8FFFFFFF  }
0x98: {  	s20 =	sld [smem:$0x3FDB];
	_ =	sdelay $0x1  }
0x99: {  	s4 =	simm.s32 $_scs_section_size  }
0x9a: {  	s5 =	simm.s32 $_size__tile_overlayer_lowered;
	s6 =	simm.s32 $_tile_overlayer_lowered  }
0x9b: {  	s7 =	simm.s32 $0x1BFF;
	s21 =	sshll.u32 s6, $0x1;
	s4 =	sadd.s32 s4, s20  }
0x9c: {  	s22 =	simm.s32 $0x0;
	s5 =	sshll.u32 s5, $0x1;
	s6 =	sadd.s32 s21, s4  }
0x9d: {  	[timem:s22], [sflag:s7] =	dma.local [hbm:s6], s5  }
0x9e: {  	_ =	swait.ge [sflag:s7], s5  }
0x9f: {  	s5 =	ssub.s32 $0x0, s5;
	[sflag:s7] =	ssyncset.done $0x0  }
0xa0: {  	[sflag:s7] =	ssyncadd.s32 s5;
	_ =	sdelay $0x1  }
0xa1: {  	s23 =	simm.s32 $0x1B8B  }
0xa2: {  	_ =	swait.ge [sflag:s23], $0x1  }
0xa3: {  	[sflag:s23] =	ssyncset.done $0x0  }
0xa4: {  	[sflag:s23] =	ssyncadd.s32 $0xFFFFFFFF  }
0xa5: {  	s5 =	sld [smem:$0x0]  }
0xa6: {  	s6 =	sand.u32 $0xFFFFFFFE, s1  }
0xa7: {  	p0 =	sne.s32 s1, s6  }
0xa8: {  	s6 =	sshll.u32 @p0 s6, $0xE  }
0xa9: {  	s6 =	sadd.s32 @p0 $0x11B8D, s6;
	s7 =	sshll.u32 @p0 s5, $0x11  }
0xaa: {  	s6 =	sor.u32 @p0 s7, s6  }
0xab: {  	[sflag:s6] =	ssyncadd.remote.s32 @p0 $0x1;
	_ =	sdelay $0x1  }
0xac: {  	s6 =	simm.s32 @p0 $0x1B8D  }
0xad: {  	_ =	swait.eq @p0 [sflag:s6], $0x1  }
0xae: {  	[sflag:s6] =	ssyncadd.s32 @p0 $0xFFFFFFFF  }
0xaf: {  	s7 =	sshll.u32 @!p0 s1, $0xE  }
0xb0: {  	s7 =	sor.u32 @!p0 $0x4000, s7;
	s6 =	simm.s32 @!p0 $0x1B8D  }
0xb1: {  	s5 =	sshll.u32 @!p0 s5, $0x11;
	s7 =	sadd.s32 @!p0 $0x11B8D, s7;
	_ =	swait.eq @!p0 [sflag:s6], $0x1  }
0xb2: {  	s5 =	sor.u32 @!p0 s5, s7;
	[sflag:s6] =	ssyncadd.s32 @!p0 $0xFFFFFFFF  }
0xb3: {  	s25 =	simm.s32 $0x1B8E;
	s24 =	sld [smem:$0x3FFE];
	[sflag:s5] =	ssyncadd.remote.s32 @!p0 $0x1  }
0xb4: {  	s26 =	simm.s32 $execute0_lowered;
	[smem:$0x3FD2] =	sst s25  }
0xb5: {  	s6 =	sshll.u32 s26, $0x1;
	_ =	strace $0x80000055;
	[dreg:$0x1] =	wrdreg $0xFFFFFFFF  }
0xb6: {  	s28 =	simm.s32 $_size_execute0_lowered;
	s4 =	sadd.s32 s4, s6;
	[dreg:$0x0] =	wrdreg $0x0  }
0xb7: {  	s6 =	sshll.u32 s28, $0x1;
	[dreg:$0x2] =	wrdreg s4  }
0xb8: {  	[dreg:$0x3] =	wrdreg s6  }
0xb9: {  	[dreg:$0x4] =	wrdreg $0xC0  }
0xba: {  	_ =	task [dreg:s22], $0x5FFFF  }
0xbb: {  	[dreg:$0x1] =	wrdreg $0xFFFFFFFF  }
0xbc: {  	[dreg:$0x0] =	wrdreg $0x60  }
0xbd: {  	[dreg:$0x2] =	wrdreg s24  }
0xbe: {  	[dreg:$0x3] =	wrdreg s18  }
0xbf: {  	[dreg:$0x4] =	wrdreg $0xA8000  }
0xc0: {  	[dreg:$0x5] =	wrdreg $0xA  }
0xc1: {  	_ =	task.clear_ibuf [dreg:s22], $0x6FFFF;
	_ =	strace $0x90000055  }
0xc2: {  	s29 =	simm.s32 $0xA;
	_ =	strace $0x80000057  }
0xc3: {  	_ =	swait.ge [sflag:s29], $0x1  }
0xc4: {  	[sflag:s29] =	ssyncadd.s32 $0xFFFFFFFF  }
0xc5: {  	_ =	strace $0x90000057  }
0xc6: {  	_ =	sfence  }
0xc7: {  	s30 =	sld [smem:$0x0];
	_ =	sdelay $0x2  }
0xc8: {  	s31 =	sshll.u32 s1, $0xD;
	s1 =	sshrl.u32 s1, $0x2  }
0xc9: {  	s4 =	sand.u32 $0x4000, s31;
	s1 =	sadd.s32 s1, s30  }
0xca: {  	s0 =	sor.u32 s4, s0;
	s1 =	sshll.u32 s1, $0x11  }
0xcb: {  	s0 =	sor.u32 s1, s0  }
0xcc: {  	s0 =	sadd.s32 $0x8F2B, s0  }
0xcd: {  	[sflag:s0] =	ssyncadd.remote.s32 $0x1  }
0xce: {  	_ =	sfence.sel $0xFFFF  }
0xcf: {  	[dreg:$0x0] =	wrdreg $0xFFFFFFFF;
	(pc) =	sbr.abs _section_cstart, $3  }
0xd0: {  	[dreg:$0x1] =	wrdreg $0xFFFFFFFF  }
0xd1: {  	_ =	task.clear_ibuf [dreg:s22], $0x2FFFF;
	_ =	strace $0x9FFFFFFF  }
0xd2: {  	(tm) =	ssettm $0x7FFFFFFF  }
0xd3: {  	_ =	shalt  }
tec
execute0_lowered:
.L_overlay_start_1:
0x0: {  	(tag) =	ssettag $0x1  }
0x1: {  	s7 =	rddreg [dreg:$0x0]  }
0x2: {  	s1 =	rddreg [dreg:$0x1]  }
0x3: {  	s2 =	rddreg [dreg:$0x2]  }
0x4: {  	s3 =	srdreg.scid;
	s0 =	rddreg [dreg:$0x3];
	s4 =	simm.s32 $0x0  }
0x5: {  	s15 =	simm.s32 $0x2800;
	s16 =	simm.s32 $0x3;
	s17 =	simm.s32 $0x1400  }
0x6: {  	s18 =	simm.s32 $0x80;
	s19 =	simm.s32 $0x6800;
	s20 =	simm.s32 $0x1  }
0x7: {  	s21 =	simm.s32 $0x2;
	s22 =	sand.u32 $0x1, s3;
	s3 =	stileid.u32  }
0x8: {  	s23 =	simm.s32 $0x2780;
	[smem:$0x7FF] =	sst s4;
	s6 =	smul.u32 $0x140000, s22  }
0x9: {  	s5 =	sadd.s32 $0x4600, s7;
	s8 =	smul.u32 $0x14000, s3;
	_ =	strace $0x80000056  }
0xa: {  	s9 =	smul.u32 $0x50000, s3;
	s10 =	ssub.s32 $0x2, s22;
	s31 =	sshll.u32 s22, $0x4  }
0xb: {  	p0 =	sne.s32 s22, $0x0;
	s22 =	simm.s32 $0x2700;
	s29 =	sshrl.u32 s10, $0x1  }
0xc: {  	s12 =	sor.u32 s3, s31;
	s8 =	sadd.s32 s8, s6;
	s6 =	sadd.s32 $0xE0600, s7  }
0xd: {  	s30 =	sshrl.u32 s9, $0x2;
	s14 =	ssub.s32 s10, s29;
	s8 =	sshrl.u32 s8, $0x3  }
0xe: {  	s12 =	smul.u32 $0x3C00, s12;
	s13 =	sadd.s32 s8, s7;
	s7 =	sadd.s32 s30, s2  }
0xf: {  	s14 =	smax.u32 s14, $0x1;
	s8 =	sadd.s32 $0x4000, s7;
	s9 =	sadd.s32 $0x8000, s7  }
0x10: {  	v0 =	vimm.f32 $0.0e+00;
	s10 =	sadd.s32 $0xC000, s7;
	s11 =	sadd.s32 $0x10000, s7;
	s13 =	sadd.s32 $0xEF600, s13  }
.LBB2_1:
0x11: {  	s24 =	simm.s32 $0x0;
	s25 =	simm.s32 $0x200  }
.LBB2_2:
0x12: {  	p1 =	sne.s32 s25, $0xFE00;
	[tilespmem:s24+$0x2870] =	vst v0  }
0x13: {  	[tilespmem:s24+$0x2800] =	vst v0  }
0x14: {  	[tilespmem:s24+$0x2810] =	vst v0  }
.Ltmp0:
0x15: {  	[tilespmem:s24+$0x2820] =	vst v0;
	(pc) =	sbr.rel @p1 .LBB2_2-.Ltmp0, $4  }
0x16: {  	[tilespmem:s24+$0x2830] =	vst v0  }
0x17: {  	[tilespmem:s24+$0x2840] =	vst v0  }
0x18: {  	[tilespmem:s24+$0x2850] =	vst v0  }
0x19: {  	[tilespmem:s24+$0x2860] =	vst v0;
	s24 =	sshra.s32 s25, $0x2;
	s25 =	sadd.s32 $0x200, s25  }
0x1a: {  	[tilespmem:s24+$0x2870] =	vst v0  }
0x1b: {  	[tilespmem:s24+$0x2800] =	vst v0  }
0x1c: {  	[tilespmem:s24+$0x2810] =	vst v0  }
0x1d: {  	[tilespmem:s24+$0x2820] =	vst v0  }
0x1e: {  	[tilespmem:s24+$0x2830] =	vst v0  }
0x1f: {  	[tilespmem:s24+$0x2840] =	vst v0  }
0x20: {  	[tilespmem:s24+$0x2850] =	vst v0  }
0x21: {  	[tilespmem:s24+$0x2860] =	vst v0  }
0x22: {  	[spmem:s7] =	stream.linear.scatter [tilespmem:s15], [sflag:$0x3], $0x4000, $0x38;
	[tilespmem:$0x1E800] =	vst v63  }
0x23: {  	_ =	swait.ge [sflag:s16], $0x4000  }
0x24: {  	[sflag:s16] =	ssyncset.done $0x0  }
0x25: {  	[sflag:s16] =	ssyncadd.s32 $0xFFFFC000  }
0x26: {  	[spmem:s8] =	stream.linear.scatter [tilespmem:s15], [sflag:$0x3], $0x4000, $0x38;
	[tilespmem:$0x1E800] =	vst v63  }
0x27: {  	_ =	swait.ge [sflag:s16], $0x4000  }
0x28: {  	[sflag:s16] =	ssyncset.done $0x0  }
0x29: {  	[sflag:s16] =	ssyncadd.s32 $0xFFFFC000  }
0x2a: {  	[spmem:s9] =	stream.linear.scatter [tilespmem:s15], [sflag:$0x3], $0x4000, $0x38;
	[tilespmem:$0x1E800] =	vst v63  }
0x2b: {  	_ =	swait.ge [sflag:s16], $0x4000  }
0x2c: {  	[sflag:s16] =	ssyncset.done $0x0  }
0x2d: {  	[sflag:s16] =	ssyncadd.s32 $0xFFFFC000  }
0x2e: {  	[spmem:s10] =	stream.linear.scatter [tilespmem:s15], [sflag:$0x3], $0x4000, $0x38;
	[tilespmem:$0x1E800] =	vst v63  }
0x2f: {  	_ =	swait.ge [sflag:s16], $0x4000  }
0x30: {  	[sflag:s16] =	ssyncset.done $0x0  }
0x31: {  	[sflag:s16] =	ssyncadd.s32 $0xFFFFC000  }
0x32: {  	[spmem:s11] =	stream.linear.scatter [tilespmem:s15], [sflag:$0x3], $0x4000, $0x38;
	[tilespmem:$0x1E800] =	vst v63  }
0x33: {  	_ =	swait.ge [sflag:s16], $0x4000  }
0x34: {  	[sflag:s16] =	ssyncset.done $0x0  }
0x35: {  	[sflag:s16] =	ssyncadd.s32 $0xFFFFC000  }
0x36: {  	s24 =	simm.s32 $0x0;
	s25 =	simm.s32 $0x0;
	[bflag:$0x0] =	sbarrier.arrive $0xFFFF  }
.LBB2_4:
0x37: {  	s26 =	smul.u32 $0x1400, s25;
	_ =	sdelay $0x1  }
0x38: {  	s26 =	sadd.s32 s12, s26  }
0x39: {  	s26 =	sshrl.u32 s26, $0x3  }
0x3a: {  	s28 =	sadd.s32 s6, s26  }
0x3b: {  	[tilespmem:s24], [sflag:$0x3] =	stream.linear.gather [hbm4b:s28+s24], $0x1400, $0x38;
	[tilespmem:$0x1E800] =	vst v63  }
0x3c: {  	_ =	swait.ge [sflag:s16], $0x1400  }
0x3d: {  	[sflag:s16] =	ssyncset.done $0x0  }
0x3e: {  	s26 =	sadd.s32 s1, s26;
	[sflag:s16] =	ssyncadd.s32 $0xFFFFEC00  }
0x3f: {  	[tilespmem:s17], [sflag:$0x3] =	stream.linear.gather [hbm4b:s26+s24], $0x1400, $0x38;
	[tilespmem:$0x1E800] =	vst v63  }
0x40: {  	_ =	swait.ge [sflag:s16], $0x1400  }
0x41: {  	[sflag:s16] =	ssyncset.done $0x0  }
0x42: {  	[sflag:s16] =	ssyncadd.s32 $0xFFFFEC00  }
0x43: {  	[tilespmem:s15], [sflag:$0x1] =	stream.indirect.gather [hbm4b:s5+s18], $0x80, s24, s18, $0xb8;
	[tilespmem:$0x1E800] =	vst v63  }
0x44: {  	_ = 	snop  }
0x45: {  	[tilespmem:s19], [sflag:$0x2] =	stream.indirect.gather [hbm4b:s5+s18], $0x80, s18, s18, $0xb8;
	[tilespmem:$0x1E800] =	vst v63  }
0x46: {  	_ =	swait.ge [sflag:s20], $0x4000  }
0x47: {  	[sflag:s20] =	ssyncset.done $0x0  }
0x48: {  	s29 =	simm.s32 $0x1400;
	[sflag:s20] =	ssyncadd.s32 $0xFFFFC000  }
0x49: {  	[spmem:s2] =	stream.indirect.scatter.add.f32 [tilespmem:s15], [sflag:$0x3], $0x80, s29, s18, $0xb8;
	[tilespmem:$0x1E800] =	vst v63  }
0x4a: {  	_ =	swait.ge [sflag:s16], $0x4000  }
0x4b: {  	[sflag:s16] =	ssyncset.done $0x0  }
0x4c: {  	s30 =	simm.s32 $0x100;
	[sflag:s16] =	ssyncadd.s32 $0xFFFFC000  }
0x4d: {  	[tilespmem:s15], [sflag:$0x1] =	stream.indirect.gather [hbm4b:s5+s18], $0x80, s30, s18, $0xb8;
	[tilespmem:$0x1E800] =	vst v63  }
0x4e: {  	_ =	swait.ge [sflag:s21], $0x4000  }
0x4f: {  	[sflag:s21] =	ssyncset.done $0x0  }
0x50: {  	s31 =	simm.s32 $0x1480;
	[sflag:s21] =	ssyncadd.s32 $0xFFFFC000  }
0x51: {  	[spmem:s2] =	stream.indirect.scatter.add.f32 [tilespmem:s19], [sflag:$0x3], $0x80, s31, s18, $0xb8;
	[tilespmem:$0x1E800] =	vst v63  }
0x52: {  	_ =	swait.ge [sflag:s16], $0x4000  }
0x53: {  	[sflag:s16] =	ssyncset.done $0x0  }
0x54: {  	s28 =	simm.s32 $0x180;
	s26 =	simm.s32 $0x400;
	[sflag:s16] =	ssyncadd.s32 $0xFFFFC000  }
.LBB2_5:
0x55: {  	[tilespmem:s19], [sflag:$0x2] =	stream.indirect.gather [hbm4b:s5+s18], $0x80, s28, s18, $0xb8;
	[tilespmem:$0x1E800] =	vst v63  }
0x56: {  	s28 =	smov.u32 s26  }
0x57: {  	p1 =	sne.s32 s26, $0x4800;
	s26 =	sadd.s32 $0x400, s26;
	_ =	swait.ge [sflag:s20], $0x4000  }
0x58: {  	s28 =	sshra.s32 s28, $0x2;
	[sflag:s20] =	ssyncset.done $0x0  }
0x59: {  	s29 =	sadd.s32 $0x1400, s28;
	[sflag:s20] =	ssyncadd.s32 $0xFFFFC000  }
0x5a: {  	[spmem:s2] =	stream.indirect.scatter.add.f32 [tilespmem:s15], [sflag:$0x3], $0x80, s29, s18, $0xb8;
	[tilespmem:$0x1E800] =	vst v63  }
0x5b: {  	_ =	swait.ge [sflag:s16], $0x4000  }
0x5c: {  	[sflag:s16] =	ssyncset.done $0x0  }
0x5d: {  	s29 =	sadd.s32 $0x100, s28;
	[sflag:s16] =	ssyncadd.s32 $0xFFFFC000  }
0x5e: {  	[tilespmem:s15], [sflag:$0x1] =	stream.indirect.gather [hbm4b:s5+s18], $0x80, s29, s18, $0xb8;
	[tilespmem:$0x1E800] =	vst v63  }
0x5f: {  	_ =	swait.ge [sflag:s21], $0x4000  }
0x60: {  	[sflag:s21] =	ssyncset.done $0x0  }
.Ltmp1:
0x61: {  	s29 =	sadd.s32 $0x1480, s28;
	[sflag:s21] =	ssyncadd.s32 $0xFFFFC000;
	(pc) =	sbr.rel @p1 .LBB2_5-.Ltmp1, $4  }
0x62: {  	[spmem:s2] =	stream.indirect.scatter.add.f32 [tilespmem:s19], [sflag:$0x3], $0x80, s29, s18, $0xb8;
	[tilespmem:$0x1E800] =	vst v63  }
0x63: {  	_ =	swait.ge [sflag:s16], $0x4000  }
0x64: {  	[sflag:s16] =	ssyncset.done $0x0  }
0x65: {  	s28 =	sadd.s32 $0x180, s28;
	[sflag:s16] =	ssyncadd.s32 $0xFFFFC000  }
0x66: {  	[tilespmem:s19], [sflag:$0x2] =	stream.indirect.gather [hbm4b:s5+s18], $0x80, s28, s18, $0xb8;
	[tilespmem:$0x1E800] =	vst v63  }
0x67: {  	_ =	swait.ge [sflag:s20], $0x4000  }
0x68: {  	[sflag:s20] =	ssyncset.done $0x0  }
0x69: {  	[sflag:s20] =	ssyncadd.s32 $0xFFFFC000  }
0x6a: {  	[spmem:s2] =	stream.indirect.scatter.add.f32 [tilespmem:s15], [sflag:$0x3], $0x80, s22, s18, $0xb8;
	[tilespmem:$0x1E800] =	vst v63  }
0x6b: {  	_ =	swait.ge [sflag:s16], $0x4000  }
0x6c: {  	[sflag:s16] =	ssyncset.done $0x0  }
0x6d: {  	[sflag:s16] =	ssyncadd.s32 $0xFFFFC000  }
0x6e: {  	p1 =	slt.u32 @!p0 s25, $0x2;
	_ =	swait.ge [sflag:s21], $0x4000  }
0x6f: {  	p1 =	por p0, !p1;
	[sflag:s21] =	ssyncset.done $0x0  }
.Ltmp2:
0x70: {  	[sflag:s21] =	ssyncadd.s32 $0xFFFFC000;
	(pc) =	sbr.rel @!p1 .LBB2_4-.Ltmp2, $4  }
0x71: {  	[spmem:s2] =	stream.indirect.scatter.add.f32 [tilespmem:s19], [sflag:$0x3], $0x80, s23, s18, $0xb8;
	[tilespmem:$0x1E800] =	vst v63  }
0x72: {  	_ =	swait.ge [sflag:s16], $0x4000  }
0x73: {  	[sflag:s16] =	ssyncset.done $0x0  }
0x74: {  	s25 =	sadd.s32 $0x1, s25;
	[sflag:s16] =	ssyncadd.s32 $0xFFFFC000  }
0x75: {  	s4 =	sadd.s32 $0x1, s4  }
0x76: {  	s24 =	sshll.u32 s3, $0x6;
	[bflag:$0x0] =	sbarrier.arrive $0xFFFF;
	p1 =	sne.s32 s4, s14  }
.Ltmp3:
0x77: {  	s25 =	sshrl.u32 s7, $0x3;
	s24 =	sor.u32 $0x1C03, s24;
	(pc) =	sbr.rel @p1 .LBB2_1-.Ltmp3, $4  }
0x78: {  	[hbm:s13], [sflag:s24] =	dma.local [spmem:s25], $0x2800  }
0x79: {  	_ =	swait.ge [sflag:s16], $0x2800  }
0x7a: {  	[sflag:s16] =	ssyncset.done $0x0  }
0x7b: {  	[sflag:s16] =	ssyncadd.s32 $0xFFFFD800  }
0x7c: {  	_ =	sfence.sel $0x180000  }
0x7d: {  	[bflag:$0x0] =	sbarrier.arrive $0xFFFF  }
0x7e: {  	p0 =	sne.s32 s3, $0x0;
	_ =	strace $0x90000056  }
0x7f: {  	s0 =	sadd.s32 @!p0 $0x100000, s0;
	[bflag:$0x2] =	sbarrier.arrive $0xFFFF  }
0x80: {  	[sflag:s0] =	ssyncadd.tile.s32 @!p0 $0x1;
	_ =	shalt  }
.Lfunc_end2:
_tile_overlayer_lowered:
.L_overlay_start_2:
0x81: {  	(tag) =	ssettag $0x2  }
0x82: {  	s0 =	rddreg [dreg:$0x0];
	s2 =	stileid.u32  }
0x83: {  	s1 =	rddreg [dreg:$0x1];
	p0 =	sne.s32 s2, $0x0  }
0x84: {  	s3 =	rddreg [dreg:$0x2];
	[bflag:$0x3] =	sbarrier.arrive $0xFFFF;
	s2 =	simm.s32 @!p0 $0x1C03  }
0x85: {  	[timem:s3], [sflag:s2] =	dma.local @!p0 [hbm:s0], s1  }
0x86: {  	s0 =	simm.s32 @!p0 $0x3  }
0x87: {  	_ =	swait.ge @!p0 [sflag:s0], s1  }
0x88: {  	s1 =	ssub.s32 @!p0 $0x0, s1;
	[sflag:s0] =	ssyncset.done @!p0 $0x0  }
0x89: {  	[sflag:s0] =	ssyncadd.s32 @!p0 s1  }
0x8a: {  	[bflag:$0x3] =	sbarrier.arrive $0xFFFF  }
0x8b: {  	_ =	shalt  }

</sc_bundles>
